<compile_context>
chip_gen: v7x
topology: tpu7x:2x2x1
jax: 0.10.2.dev20260603
libtpu: 0.0.44.dev20260713+nightly
codegen_flags: <defaults>
</compile_context>

<pallas_src>
import functools
import math

import jax
import jax.numpy as jnp
from jax import lax
from jax.experimental import pallas as pl
from jax.experimental.pallas import tpu as pltpu
from jax.experimental.pallas import tpu_sc as plsc

N = 10000
NP = 10240
E = 320000
G = 128
NG = 2560
E2 = NG * G
NC = 2
NS = 16
NW = NC * NS
GPW = NG // NW
K = 4
NCHUNK = GPW // K
RPT = NP // NS
BN = 1024
NBLK = NP // BN
EPS = 1e-5
BNS = float(1.0 / math.sqrt(1.0 + EPS))


def _elu(v):
    return jnp.where(v > 0, v, jnp.exp(jnp.minimum(v, 0.0)) - 1.0)



def _mesh():
    return plsc.VectorSubcoreMesh(core_axis_name="c", subcore_axis_name="s")


_SC_PARAMS = pltpu.CompilerParams(use_tc_tiling_on_sc=False)


def _make_agg(F):

    @functools.partial(
        pl.kernel,
        out_type=(jax.ShapeDtypeStruct((NP, F), jnp.float32),
                  jax.ShapeDtypeStruct((NP, F), jnp.float32)),
        mesh=_mesh(),
        compiler_params=_SC_PARAMS,
        scratch_types=[
            pltpu.VMEM((K, G), jnp.int32),
            pltpu.VMEM((K, G), jnp.int32),
            pltpu.VMEM((K, G, F), jnp.float32),
            pltpu.VMEM((G, F), jnp.float32),
            pltpu.VMEM_SHARED((NP, F), jnp.float32),
            pltpu.SemaphoreType.DMA,
        ],
    )
    def agg(hs, src2, dst2, zrows, out0, out1, srcv, dstv, rows, zv, accum,
            sem):
        cid = lax.axis_index("c")
        sid = lax.axis_index("s")
        r0 = sid * RPT
        pltpu.sync_copy(zrows, zv)
        for z in range(RPT // G):
            pltpu.sync_copy(zv, accum.at[pl.ds(r0 + z * G, G)])
        plsc.subcore_barrier()

        w = cid * NS + sid

        def chunk(i, carry):
            base = w * GPW + i * K
            pltpu.sync_copy(src2.at[pl.ds(base, K)], srcv)
            pltpu.sync_copy(dst2.at[pl.ds(base, K)], dstv)
            cps = [pltpu.async_copy(hs.at[srcv.at[j]], rows.at[j], sem)
                   for j in range(K)]
            for cp in cps:
                cp.wait()
            for j in range(K):
                pltpu.sync_copy(rows.at[j], accum.at[dstv.at[j]], add=True)
            return carry

        lax.fori_loop(0, NCHUNK, chunk, 0)
        plsc.subcore_barrier()

        @pl.when(cid == 0)
        def _():
            pltpu.sync_copy(accum.at[pl.ds(r0, RPT)], out0.at[pl.ds(r0, RPT)])

        @pl.when(cid == 1)
        def _():
            pltpu.sync_copy(accum.at[pl.ds(r0, RPT)], out1.at[pl.ds(r0, RPT)])

    return agg


@functools.partial(
    pl.kernel,
    out_type=(jax.ShapeDtypeStruct((NP, 8), jnp.float32),
              jax.ShapeDtypeStruct((NP, 8), jnp.float32)),
    mesh=_mesh(),
    compiler_params=_SC_PARAMS,
    scratch_types=[
        pltpu.VMEM((K, G), jnp.int32),
        pltpu.VMEM((G, 8), jnp.float32),
        pltpu.VMEM((G, 8), jnp.float32),
        pltpu.VMEM_SHARED((NP, 8), jnp.float32),
    ],
)
def _degree(dst2, onesr, zrows, out0, out1, dstv, onev, zv, accum):
    cid = lax.axis_index("c")
    sid = lax.axis_index("s")
    r0 = sid * RPT
    pltpu.sync_copy(zrows, zv)
    for z in range(RPT // G):
        pltpu.sync_copy(zv, accum.at[pl.ds(r0 + z * G, G)])
    pltpu.sync_copy(onesr, onev)
    plsc.subcore_barrier()

    w = cid * NS + sid

    def chunk(i, carry):
        base = w * GPW + i * K
        pltpu.sync_copy(dst2.at[pl.ds(base, K)], dstv)
        for j in range(K):
            pltpu.sync_copy(onev, accum.at[dstv.at[j]], add=True)
        return carry

    lax.fori_loop(0, NCHUNK, chunk, 0)
    plsc.subcore_barrier()

    @pl.when(cid == 0)
    def _():
        pltpu.sync_copy(accum.at[pl.ds(r0, RPT)], out0.at[pl.ds(r0, RPT)])

    @pl.when(cid == 1)
    def _():
        pltpu.sync_copy(accum.at[pl.ds(r0, RPT)], out1.at[pl.ds(r0, RPT)])


_AGG32 = _make_agg(32)
_AGG64 = _make_agg(64)
_AGG8 = _make_agg(8)



def _row_spec(f):
    return pl.BlockSpec((BN, f), lambda i: (i, 0))


def _rep_spec(r, c):
    return pl.BlockSpec((r, c), lambda i: (0, 0))


def _tc_prep(deg0, deg1, xp, w1):
    def body(d0, d1, x, w, dv8, hs1):
        dv = lax.rsqrt(d0[:, :1] + d1[:, :1] + 1.0)
        dv8[...] = jnp.broadcast_to(dv, (BN, 8))
        hs1[...] = dv * jnp.dot(x[...], w[...],
                                preferred_element_type=jnp.float32)

    return pl.pallas_call(
        body,
        grid=(NBLK,),
        in_specs=[_row_spec(8), _row_spec(8), _row_spec(128),
                  _rep_spec(128, 32)],
        out_specs=(_row_spec(8), _row_spec(32)),
        out_shape=(jax.ShapeDtypeStruct((NP, 8), jnp.float32),
                   jax.ShapeDtypeStruct((NP, 32), jnp.float32)),
    )(deg0, deg1, xp, w1)


def _tc_post1(p0, p1, hs1, dv8, b1, g1, be1):
    def body(a0, a1, h, dv, b, g, be, out):
        d = dv[:, :1]
        t = d * (a0[...] + a1[...] + h[...]) + b[...]
        z = t * (g[...] * BNS) + be[...]
        out[...] = d * _elu(z)

    return pl.pallas_call(
        body,
        grid=(NBLK,),
        in_specs=[_row_spec(32), _row_spec(32), _row_spec(32), _row_spec(8),
                  _rep_spec(1, 32), _rep_spec(1, 32), _rep_spec(1, 32)],
        out_specs=_row_spec(32),
        out_shape=jax.ShapeDtypeStruct((NP, 32), jnp.float32),
    )(p0, p1, hs1, dv8, b1, g1, be1)


def _tc_post2(q0, q1, hs2, dv8, w2, b2, g2, be2):
    def body(a0, a1, h, dv, w, b, g, be, out):
        d = dv[:, :1]
        t = d * (a0[...] + a1[...] + h[...])
        u = jnp.dot(t, w[...], preferred_element_type=jnp.float32) + b[...]
        z = u * (g[...] * BNS) + be[...]
        out[...] = d * _elu(z)

    return pl.pallas_call(
        body,
        grid=(NBLK,),
        in_specs=[_row_spec(32), _row_spec(32), _row_spec(32), _row_spec(8),
                  _rep_spec(32, 64), _rep_spec(1, 64), _rep_spec(1, 64),
                  _rep_spec(1, 64)],
        out_specs=_row_spec(64),
        out_shape=jax.ShapeDtypeStruct((NP, 64), jnp.float32),
    )(q0, q1, hs2, dv8, w2, b2, g2, be2)


def _tc_post3(r0, r1, hs3, dv8, w3, b3, g3, be3, w4):
    def body(a0, a1, h, dv, w, b, g, be, w4r, out):
        d = dv[:, :1]
        t = d * (a0[...] + a1[...] + h[...])
        u = jnp.dot(t, w[...], preferred_element_type=jnp.float32) + b[...]
        z = u * (g[...] * BNS) + be[...]
        h3 = _elu(z)
        v = jnp.dot(h3, w4r[...], preferred_element_type=jnp.float32)
        out[...] = jnp.broadcast_to(d * v, (BN, 8))

    return pl.pallas_call(
        body,
        grid=(NBLK,),
        in_specs=[_row_spec(64), _row_spec(64), _row_spec(64), _row_spec(8),
                  _rep_spec(64, 128), _rep_spec(1, 128), _rep_spec(1, 128),
                  _rep_spec(1, 128), _rep_spec(128, 1)],
        out_specs=_row_spec(8),
        out_shape=jax.ShapeDtypeStruct((NP, 8), jnp.float32),
    )(r0, r1, hs3, dv8, w3, b3, g3, be3, w4)


def _tc_final(s0, s1, hs4, dv8, b4):
    def body(a0, a1, h, dv, b, out):
        t = dv[:, :1] * (a0[:, :1] + a1[:, :1] + h[:, :1]) + b[...]
        e = _elu(t)
        out[...] = 1.0 / (1.0 + jnp.exp(-e))

    return pl.pallas_call(
        body,
        grid=(NBLK,),
        in_specs=[_row_spec(8), _row_spec(8), _row_spec(8), _row_spec(8),
                  _rep_spec(1, 1)],
        out_specs=_row_spec(1),
        out_shape=jax.ShapeDtypeStruct((NP, 1), jnp.float32),
    )(s0, s1, hs4, dv8, b4)



def kernel(x, edge_index, W1, b1, W2, b2, W3, b3, W4, b4,
           g1, be1, g2, be2, g3, be3):
    src = edge_index[0]
    dst = edge_index[1]
    pad = jnp.full((E2 - E,), N, jnp.int32)
    src2 = jnp.concatenate([src, pad]).reshape(NG, G)
    dst2 = jnp.concatenate([dst, pad]).reshape(NG, G)
    xp = jnp.pad(x, ((0, NP - N), (0, 0)))

    z8 = jnp.zeros((G, 8), jnp.float32)
    z32 = jnp.zeros((G, 32), jnp.float32)
    z64 = jnp.zeros((G, 64), jnp.float32)
    o8 = jnp.ones((G, 8), jnp.float32)

    deg0, deg1 = _degree(dst2, o8, z8)
    dv8, hs1 = _tc_prep(deg0, deg1, xp, W1)

    p0, p1 = _AGG32(hs1, src2, dst2, z32)
    hs2 = _tc_post1(p0, p1, hs1, dv8, b1.reshape(1, 32), g1.reshape(1, 32),
                    be1.reshape(1, 32))

    q0, q1 = _AGG32(hs2, src2, dst2, z32)
    hs3 = _tc_post2(q0, q1, hs2, dv8, W2, b2.reshape(1, 64),
                    g2.reshape(1, 64), be2.reshape(1, 64))

    r0, r1 = _AGG64(hs3, src2, dst2, z64)
    hs4 = _tc_post3(r0, r1, hs3, dv8, W3, b3.reshape(1, 128),
                    g3.reshape(1, 128), be3.reshape(1, 128), W4)

    s0, s1 = _AGG8(hs4, src2, dst2, z8)
    out = _tc_final(s0, s1, hs4, dv8, b4.reshape(1, 1))
    return out[:N]

# --- scband reference (transcript-rebuilt; emitter-appended) ---
"""Pipeline reference for scband-gcnnet-40535901339683 (READ-ONLY COPY).

The authoritative reference and input builder live on the scoring server;
editing this copy changes nothing except your own understanding.
"""

import jax, jax.numpy as jnp
import numpy as np

N = 10000
E = 320000
D = 128
EPS = 1e-5


def setup_inputs(seed: int = 0) -> dict:
    key = jax.random.key(seed)
    ks = jax.random.split(key, 20)
    inp = {}
    inp['x'] = jax.random.normal(ks[0], (N, D), dtype=jnp.float32)
    inp['edge_index'] = jax.random.randint(ks[1], (2, E), 0, N, dtype=jnp.int32)
    # GCNConv linear weights (Glorot-ish scale) and biases
    inp['W1'] = jax.random.normal(ks[2], (D, 32), dtype=jnp.float32) * (1.0 / np.sqrt(D))
    inp['b1'] = jax.random.normal(ks[3], (32,), dtype=jnp.float32) * 0.01
    inp['W2'] = jax.random.normal(ks[4], (32, 64), dtype=jnp.float32) * (1.0 / np.sqrt(32))
    inp['b2'] = jax.random.normal(ks[5], (64,), dtype=jnp.float32) * 0.01
    inp['W3'] = jax.random.normal(ks[6], (64, 128), dtype=jnp.float32) * (1.0 / np.sqrt(64))
    inp['b3'] = jax.random.normal(ks[7], (128,), dtype=jnp.float32) * 0.01
    inp['W4'] = jax.random.normal(ks[8], (128, 1), dtype=jnp.float32) * (1.0 / np.sqrt(128))
    inp['b4'] = jax.random.normal(ks[9], (1,), dtype=jnp.float32) * 0.01
    # BatchNorm affine params (eval mode: running_mean=0, running_var=1)
    inp['g1'] = jnp.ones((32,), dtype=jnp.float32) + jax.random.normal(ks[10], (32,), dtype=jnp.float32) * 0.01
    inp['be1'] = jax.random.normal(ks[11], (32,), dtype=jnp.float32) * 0.01
    inp['g2'] = jnp.ones((64,), dtype=jnp.float32) + jax.random.normal(ks[12], (64,), dtype=jnp.float32) * 0.01
    inp['be2'] = jax.random.normal(ks[13], (64,), dtype=jnp.float32) * 0.01
    inp['g3'] = jnp.ones((128,), dtype=jnp.float32) + jax.random.normal(ks[14], (128,), dtype=jnp.float32) * 0.01
    inp['be3'] = jax.random.normal(ks[15], (128,), dtype=jnp.float32) * 0.01
    return inp


def _gcn_conv(x, src, dst, W, b):
    # PyG GCNConv (default): add self loops, symmetric normalization
    n = x.shape[0]
    loop = jnp.arange(n, dtype=src.dtype)
    s = jnp.concatenate([src, loop])
    d = jnp.concatenate([dst, loop])
    deg = jnp.zeros((n,), dtype=x.dtype).at[d].add(1.0)
    dinv = jnp.where(deg > 0, 1.0 / jnp.sqrt(deg), 0.0)
    norm = dinv[s] * dinv[d]
    h = x @ W
    msg = h[s] * norm[:, None]
    out = jnp.zeros((n, W.shape[1]), dtype=x.dtype).at[d].add(msg)
    return out + b


def _bn_eval(x, g, b):
    # eval-mode BatchNorm1d with running_mean=0, running_var=1
    return (x / jnp.sqrt(1.0 + EPS)) * g + b


def reference(x, edge_index, W1, b1, W2, b2, W3, b3, W4, b4, g1, be1, g2, be2, g3, be3):
    src = edge_index[0]
    dst = edge_index[1]
    # eval mode: dropout is identity
    h = _gcn_conv(x, src, dst, W1, b1)
    h = _bn_eval(h, g1, be1)
    h = jax.nn.elu(h)
    h = _gcn_conv(h, src, dst, W2, b2)
    h = _bn_eval(h, g2, be2)
    h = jax.nn.elu(h)
    h = _gcn_conv(h, src, dst, W3, b3)
    h = _bn_eval(h, g3, be3)
    h = jax.nn.elu(h)
    h = _gcn_conv(h, src, dst, W4, b4)
    h = jax.nn.elu(h)
    return jax.nn.sigmoid(h)

if __name__ == "__main__":
    import jax
    _d = setup_inputs()
    print(jax.jit(kernel)(*tuple(_d.values())))

</pallas_src>

<mosaic_0001>
#map = affine_map<(d0, d1) -> (0, 0)>
module attributes {stable_mosaic.version = 14 : i64} {
  func.func @_degree(%arg0: i32, %arg1: i32, %arg2: memref<2560x128xi32, #tpu.memory_space<hbm>>, %arg3: memref<128x8xf32, #tpu.memory_space<hbm>>, %arg4: memref<128x8xf32, #tpu.memory_space<hbm>>, %arg5: memref<10240x8xf32, #tpu.memory_space<hbm>>, %arg6: memref<10240x8xf32, #tpu.memory_space<hbm>>, %arg7: memref<4x128xi32, #tpu.memory_space<vmem>>, %arg8: memref<128x8xf32, #tpu.memory_space<vmem>>, %arg9: memref<128x8xf32, #tpu.memory_space<vmem>>, %arg10: memref<10240x8xf32, #tpu.memory_space<vmem_shared>>) attributes {dimension_semantics = [#tpu.dimension_semantics<core_parallel>, #tpu.dimension_semantics<subcore_parallel>], iteration_bounds = array<i64: 2, 16>, scalar_prefetch = 0 : i64, scratch_operands = 4 : i64, tpu.core_type = #tpu.core_type<sc_vector_subcore>, window_params = [{transform_indices = #map}, {transform_indices = #map}, {transform_indices = #map}, {transform_indices = #map}, {transform_indices = #map}]} {
    %mul3A = arith.constant 640 : i32
    %mul3A_0 = arith.muli %arg1, %mul3A : i32
    "tpu.region"() ({
      %run_scoped3A = tpu.sem_alloc : memref<!tpu.dma_semaphore, #tpu.memory_space<semaphore_mem>>
      tpu.enqueue_dma source(%arg4 : memref<128x8xf32, #tpu.memory_space<hbm>>) target(%arg9 : memref<128x8xf32, #tpu.memory_space<vmem>>) target_semaphore(%run_scoped3A : memref<!tpu.dma_semaphore, #tpu.memory_space<semaphore_mem>>)
      tpu.wait_dma2 semaphore(%run_scoped3A : memref<!tpu.dma_semaphore, #tpu.memory_space<semaphore_mem>>) src(%arg4 : memref<128x8xf32, #tpu.memory_space<hbm>>) dst(%arg9 : memref<128x8xf32, #tpu.memory_space<vmem>>)
      tpu.yield
    }) : () -> ()
    %add3A = arith.constant 0 : i32
    %add3A_1 = arith.addi %mul3A_0, %add3A : i32
    "tpu.region"() ({
      %run_scoped3A = tpu.sem_alloc : memref<!tpu.dma_semaphore, #tpu.memory_space<semaphore_mem>>
      %dma_start3A = arith.constant 0 : i32
      %dma_start3A_26 = tpu.memref_slice %arg10[%add3A_1, %dma_start3A] : memref<10240x8xf32, #tpu.memory_space<vmem_shared>> -> memref<128x8xf32, #tpu.memory_space<vmem_shared>>
      %dma_start3A_27 = arith.constant 0 : i32
      %dma_start3A_28 = tpu.memref_slice %arg10[%add3A_1, %dma_start3A_27] : memref<10240x8xf32, #tpu.memory_space<vmem_shared>> -> memref<128x8xf32, #tpu.memory_space<vmem_shared>>
      tpu.enqueue_dma source(%arg9 : memref<128x8xf32, #tpu.memory_space<vmem>>) target(%dma_start3A_28 : memref<128x8xf32, #tpu.memory_space<vmem_shared>>) target_semaphore(%run_scoped3A : memref<!tpu.dma_semaphore, #tpu.memory_space<semaphore_mem>>)
      %dma_wait3A = arith.constant 0 : i32
      %dma_wait3A_29 = tpu.memref_slice %arg10[%add3A_1, %dma_wait3A] : memref<10240x8xf32, #tpu.memory_space<vmem_shared>> -> memref<128x8xf32, #tpu.memory_space<vmem_shared>>
      %dma_wait3A_30 = arith.constant 0 : i32
      %dma_wait3A_31 = tpu.memref_slice %arg10[%add3A_1, %dma_wait3A_30] : memref<10240x8xf32, #tpu.memory_space<vmem_shared>> -> memref<128x8xf32, #tpu.memory_space<vmem_shared>>
      tpu.wait_dma2 semaphore(%run_scoped3A : memref<!tpu.dma_semaphore, #tpu.memory_space<semaphore_mem>>) src(%arg9 : memref<128x8xf32, #tpu.memory_space<vmem>>) dst(%dma_wait3A_31 : memref<128x8xf32, #tpu.memory_space<vmem_shared>>)
      tpu.yield
    }) : () -> ()
    %add3A_2 = arith.constant 128 : i32
    %add3A_3 = arith.addi %mul3A_0, %add3A_2 : i32
    "tpu.region"() ({
      %run_scoped3A = tpu.sem_alloc : memref<!tpu.dma_semaphore, #tpu.memory_space<semaphore_mem>>
      %dma_start3A = arith.constant 0 : i32
      %dma_start3A_26 = tpu.memref_slice %arg10[%add3A_3, %dma_start3A] : memref<10240x8xf32, #tpu.memory_space<vmem_shared>> -> memref<128x8xf32, #tpu.memory_space<vmem_shared>>
      %dma_start3A_27 = arith.constant 0 : i32
      %dma_start3A_28 = tpu.memref_slice %arg10[%add3A_3, %dma_start3A_27] : memref<10240x8xf32, #tpu.memory_space<vmem_shared>> -> memref<128x8xf32, #tpu.memory_space<vmem_shared>>
      tpu.enqueue_dma source(%arg9 : memref<128x8xf32, #tpu.memory_space<vmem>>) target(%dma_start3A_28 : memref<128x8xf32, #tpu.memory_space<vmem_shared>>) target_semaphore(%run_scoped3A : memref<!tpu.dma_semaphore, #tpu.memory_space<semaphore_mem>>)
      %dma_wait3A = arith.constant 0 : i32
      %dma_wait3A_29 = tpu.memref_slice %arg10[%add3A_3, %dma_wait3A] : memref<10240x8xf32, #tpu.memory_space<vmem_shared>> -> memref<128x8xf32, #tpu.memory_space<vmem_shared>>
      %dma_wait3A_30 = arith.constant 0 : i32
      %dma_wait3A_31 = tpu.memref_slice %arg10[%add3A_3, %dma_wait3A_30] : memref<10240x8xf32, #tpu.memory_space<vmem_shared>> -> memref<128x8xf32, #tpu.memory_space<vmem_shared>>
      tpu.wait_dma2 semaphore(%run_scoped3A : memref<!tpu.dma_semaphore, #tpu.memory_space<semaphore_mem>>) src(%arg9 : memref<128x8xf32, #tpu.memory_space<vmem>>) dst(%dma_wait3A_31 : memref<128x8xf32, #tpu.memory_space<vmem_shared>>)
      tpu.yield
    }) : () -> ()
    %add3A_4 = arith.constant 256 : i32
    %add3A_5 = arith.addi %mul3A_0, %add3A_4 : i32
    "tpu.region"() ({
      %run_scoped3A = tpu.sem_alloc : memref<!tpu.dma_semaphore, #tpu.memory_space<semaphore_mem>>
      %dma_start3A = arith.constant 0 : i32
      %dma_start3A_26 = tpu.memref_slice %arg10[%add3A_5, %dma_start3A] : memref<10240x8xf32, #tpu.memory_space<vmem_shared>> -> memref<128x8xf32, #tpu.memory_space<vmem_shared>>
      %dma_start3A_27 = arith.constant 0 : i32
      %dma_start3A_28 = tpu.memref_slice %arg10[%add3A_5, %dma_start3A_27] : memref<10240x8xf32, #tpu.memory_space<vmem_shared>> -> memref<128x8xf32, #tpu.memory_space<vmem_shared>>
      tpu.enqueue_dma source(%arg9 : memref<128x8xf32, #tpu.memory_space<vmem>>) target(%dma_start3A_28 : memref<128x8xf32, #tpu.memory_space<vmem_shared>>) target_semaphore(%run_scoped3A : memref<!tpu.dma_semaphore, #tpu.memory_space<semaphore_mem>>)
      %dma_wait3A = arith.constant 0 : i32
      %dma_wait3A_29 = tpu.memref_slice %arg10[%add3A_5, %dma_wait3A] : memref<10240x8xf32, #tpu.memory_space<vmem_shared>> -> memref<128x8xf32, #tpu.memory_space<vmem_shared>>
      %dma_wait3A_30 = arith.constant 0 : i32
      %dma_wait3A_31 = tpu.memref_slice %arg10[%add3A_5, %dma_wait3A_30] : memref<10240x8xf32, #tpu.memory_space<vmem_shared>> -> memref<128x8xf32, #tpu.memory_space<vmem_shared>>
      tpu.wait_dma2 semaphore(%run_scoped3A : memref<!tpu.dma_semaphore, #tpu.memory_space<semaphore_mem>>) src(%arg9 : memref<128x8xf32, #tpu.memory_space<vmem>>) dst(%dma_wait3A_31 : memref<128x8xf32, #tpu.memory_space<vmem_shared>>)
      tpu.yield
    }) : () -> ()
    %add3A_6 = arith.constant 384 : i32
    %add3A_7 = arith.addi %mul3A_0, %add3A_6 : i32
    "tpu.region"() ({
      %run_scoped3A = tpu.sem_alloc : memref<!tpu.dma_semaphore, #tpu.memory_space<semaphore_mem>>
      %dma_start3A = arith.constant 0 : i32
      %dma_start3A_26 = tpu.memref_slice %arg10[%add3A_7, %dma_start3A] : memref<10240x8xf32, #tpu.memory_space<vmem_shared>> -> memref<128x8xf32, #tpu.memory_space<vmem_shared>>
      %dma_start3A_27 = arith.constant 0 : i32
      %dma_start3A_28 = tpu.memref_slice %arg10[%add3A_7, %dma_start3A_27] : memref<10240x8xf32, #tpu.memory_space<vmem_shared>> -> memref<128x8xf32, #tpu.memory_space<vmem_shared>>
      tpu.enqueue_dma source(%arg9 : memref<128x8xf32, #tpu.memory_space<vmem>>) target(%dma_start3A_28 : memref<128x8xf32, #tpu.memory_space<vmem_shared>>) target_semaphore(%run_scoped3A : memref<!tpu.dma_semaphore, #tpu.memory_space<semaphore_mem>>)
      %dma_wait3A = arith.constant 0 : i32
      %dma_wait3A_29 = tpu.memref_slice %arg10[%add3A_7, %dma_wait3A] : memref<10240x8xf32, #tpu.memory_space<vmem_shared>> -> memref<128x8xf32, #tpu.memory_space<vmem_shared>>
      %dma_wait3A_30 = arith.constant 0 : i32
      %dma_wait3A_31 = tpu.memref_slice %arg10[%add3A_7, %dma_wait3A_30] : memref<10240x8xf32, #tpu.memory_space<vmem_shared>> -> memref<128x8xf32, #tpu.memory_space<vmem_shared>>
      tpu.wait_dma2 semaphore(%run_scoped3A : memref<!tpu.dma_semaphore, #tpu.memory_space<semaphore_mem>>) src(%arg9 : memref<128x8xf32, #tpu.memory_space<vmem>>) dst(%dma_wait3A_31 : memref<128x8xf32, #tpu.memory_space<vmem_shared>>)
      tpu.yield
    }) : () -> ()
    %add3A_8 = arith.constant 512 : i32
    %add3A_9 = arith.addi %mul3A_0, %add3A_8 : i32
    "tpu.region"() ({
      %run_scoped3A = tpu.sem_alloc : memref<!tpu.dma_semaphore, #tpu.memory_space<semaphore_mem>>
      %dma_start3A = arith.constant 0 : i32
      %dma_start3A_26 = tpu.memref_slice %arg10[%add3A_9, %dma_start3A] : memref<10240x8xf32, #tpu.memory_space<vmem_shared>> -> memref<128x8xf32, #tpu.memory_space<vmem_shared>>
      %dma_start3A_27 = arith.constant 0 : i32
      %dma_start3A_28 = tpu.memref_slice %arg10[%add3A_9, %dma_start3A_27] : memref<10240x8xf32, #tpu.memory_space<vmem_shared>> -> memref<128x8xf32, #tpu.memory_space<vmem_shared>>
      tpu.enqueue_dma source(%arg9 : memref<128x8xf32, #tpu.memory_space<vmem>>) target(%dma_start3A_28 : memref<128x8xf32, #tpu.memory_space<vmem_shared>>) target_semaphore(%run_scoped3A : memref<!tpu.dma_semaphore, #tpu.memory_space<semaphore_mem>>)
      %dma_wait3A = arith.constant 0 : i32
      %dma_wait3A_29 = tpu.memref_slice %arg10[%add3A_9, %dma_wait3A] : memref<10240x8xf32, #tpu.memory_space<vmem_shared>> -> memref<128x8xf32, #tpu.memory_space<vmem_shared>>
      %dma_wait3A_30 = arith.constant 0 : i32
      %dma_wait3A_31 = tpu.memref_slice %arg10[%add3A_9, %dma_wait3A_30] : memref<10240x8xf32, #tpu.memory_space<vmem_shared>> -> memref<128x8xf32, #tpu.memory_space<vmem_shared>>
      tpu.wait_dma2 semaphore(%run_scoped3A : memref<!tpu.dma_semaphore, #tpu.memory_space<semaphore_mem>>) src(%arg9 : memref<128x8xf32, #tpu.memory_space<vmem>>) dst(%dma_wait3A_31 : memref<128x8xf32, #tpu.memory_space<vmem_shared>>)
      tpu.yield
    }) : () -> ()
    "tpu.region"() ({
      %run_scoped3A = tpu.sem_alloc : memref<!tpu.dma_semaphore, #tpu.memory_space<semaphore_mem>>
      tpu.enqueue_dma source(%arg3 : memref<128x8xf32, #tpu.memory_space<hbm>>) target(%arg8 : memref<128x8xf32, #tpu.memory_space<vmem>>) target_semaphore(%run_scoped3A : memref<!tpu.dma_semaphore, #tpu.memory_space<semaphore_mem>>)
      tpu.wait_dma2 semaphore(%run_scoped3A : memref<!tpu.dma_semaphore, #tpu.memory_space<semaphore_mem>>) src(%arg3 : memref<128x8xf32, #tpu.memory_space<hbm>>) dst(%arg8 : memref<128x8xf32, #tpu.memory_space<vmem>>)
      tpu.yield
    }) : () -> ()
    %barrier3A = arith.constant 0 : index
    tpu.barrier barrier_id(%barrier3A)
    %mul3A_10 = arith.constant 16 : i32
    %mul3A_11 = arith.muli %arg0, %mul3A_10 : i32
    %add3A_12 = arith.addi %mul3A_11, %arg1 : i32
    %scan3A = arith.constant 0 : i32
    %scan3A_13 = arith.constant 0 : i32
    %scan3A_14 = arith.constant 20 : i32
    %scan3A_15 = arith.addi %scan3A_13, %scan3A_14 : i32
    %scan3A_16 = arith.constant 1 : i32
    scf.for %scan3A_26 = %scan3A_13 to %scan3A_15 step %scan3A_16  : i32 {
      %mul3A_27 = arith.constant 80 : i32
      %mul3A_28 = arith.muli %add3A_12, %mul3A_27 : i32
      %mul3A_29 = arith.constant 4 : i32
      %mul3A_30 = arith.muli %scan3A_26, %mul3A_29 : i32
      %add3A_31 = arith.addi %mul3A_28, %mul3A_30 : i32
      "tpu.region"() ({
        %run_scoped3A_35 = tpu.sem_alloc : memref<!tpu.dma_semaphore, #tpu.memory_space<semaphore_mem>>
        %dma_start3A = arith.constant 0 : i32
        %dma_start3A_36 = tpu.memref_slice %arg2[%add3A_31, %dma_start3A] : memref<2560x128xi32, #tpu.memory_space<hbm>> -> memref<4x128xi32, #tpu.memory_space<hbm>>
        %dma_start3A_37 = arith.constant 0 : i32
        %dma_start3A_38 = tpu.memref_slice %arg2[%add3A_31, %dma_start3A_37] : memref<2560x128xi32, #tpu.memory_space<hbm>> -> memref<4x128xi32, #tpu.memory_space<hbm>>
        tpu.enqueue_dma source(%dma_start3A_38 : memref<4x128xi32, #tpu.memory_space<hbm>>) target(%arg7 : memref<4x128xi32, #tpu.memory_space<vmem>>) target_semaphore(%run_scoped3A_35 : memref<!tpu.dma_semaphore, #tpu.memory_space<semaphore_mem>>)
        %dma_wait3A = arith.constant 0 : i32
        %dma_wait3A_39 = tpu.memref_slice %arg2[%add3A_31, %dma_wait3A] : memref<2560x128xi32, #tpu.memory_space<hbm>> -> memref<4x128xi32, #tpu.memory_space<hbm>>
        %dma_wait3A_40 = arith.constant 0 : i32
        %dma_wait3A_41 = tpu.memref_slice %arg2[%add3A_31, %dma_wait3A_40] : memref<2560x128xi32, #tpu.memory_space<hbm>> -> memref<4x128xi32, #tpu.memory_space<hbm>>
        tpu.wait_dma2 semaphore(%run_scoped3A_35 : memref<!tpu.dma_semaphore, #tpu.memory_space<semaphore_mem>>) src(%dma_wait3A_41 : memref<4x128xi32, #tpu.memory_space<hbm>>) dst(%arg7 : memref<4x128xi32, #tpu.memory_space<vmem>>)
        tpu.yield
      }) : () -> ()
      %run_scoped3A = arith.constant 0 : i32
      "tpu.region"() ({
        %run_scoped3A_35 = tpu.sem_alloc : memref<!tpu.dma_semaphore, #tpu.memory_space<semaphore_mem>>
        %dma_start3A = arith.constant 0 : i32
        %dma_start3A_36 = tpu.memref_slice %arg7[%run_scoped3A, %dma_start3A] : memref<4x128xi32, #tpu.memory_space<vmem>> -> memref<1x128xi32, #tpu.memory_space<vmem>>
        %dma_start3A_37 = tpu.memref_squeeze %dma_start3A_36 : memref<1x128xi32, #tpu.memory_space<vmem>> -> memref<128xi32, #tpu.memory_space<vmem>>
        %dma_start3A_38 = arith.constant 0 : i32
        %dma_start3A_39 = arith.constant 0 : i32
        %dma_start3A_40 = tpu.memref_slice %arg10[%dma_start3A_38, %dma_start3A_39] : memref<10240x8xf32, #tpu.memory_space<vmem_shared>> -> memref<10240x8xf32, #tpu.memory_space<vmem_shared>>
        tpu.enqueue_indirect_dma source(%arg8 : memref<128x8xf32, #tpu.memory_space<vmem>>) target(%dma_start3A_40 : memref<10240x8xf32, #tpu.memory_space<vmem_shared>>) offsets(%dma_start3A_37 : memref<128xi32, #tpu.memory_space<vmem>>) semaphore(%run_scoped3A_35 : memref<!tpu.dma_semaphore, #tpu.memory_space<semaphore_mem>>) {add = true}
        %dma_wait3A = arith.constant 0 : i32
        %dma_wait3A_41 = tpu.memref_slice %arg7[%run_scoped3A, %dma_wait3A] : memref<4x128xi32, #tpu.memory_space<vmem>> -> memref<1x128xi32, #tpu.memory_space<vmem>>
        %dma_wait3A_42 = tpu.memref_squeeze %dma_wait3A_41 : memref<1x128xi32, #tpu.memory_space<vmem>> -> memref<128xi32, #tpu.memory_space<vmem>>
        %dma_wait3A_43 = arith.constant 0 : i32
        %dma_wait3A_44 = arith.constant 0 : i32
        %dma_wait3A_45 = tpu.memref_slice %arg10[%dma_wait3A_43, %dma_wait3A_44] : memref<10240x8xf32, #tpu.memory_space<vmem_shared>> -> memref<10240x8xf32, #tpu.memory_space<vmem_shared>>
        tpu.wait_indirect_dma semaphore(%run_scoped3A_35 : memref<!tpu.dma_semaphore, #tpu.memory_space<semaphore_mem>>) src(%arg8 : memref<128x8xf32, #tpu.memory_space<vmem>>) dst(%dma_wait3A_45 : memref<10240x8xf32, #tpu.memory_space<vmem_shared>>)
        tpu.yield
      }) : () -> ()
      %run_scoped3A_32 = arith.constant 1 : i32
      "tpu.region"() ({
        %run_scoped3A_35 = tpu.sem_alloc : memref<!tpu.dma_semaphore, #tpu.memory_space<semaphore_mem>>
        %dma_start3A = arith.constant 0 : i32
        %dma_start3A_36 = tpu.memref_slice %arg7[%run_scoped3A_32, %dma_start3A] : memref<4x128xi32, #tpu.memory_space<vmem>> -> memref<1x128xi32, #tpu.memory_space<vmem>>
        %dma_start3A_37 = tpu.memref_squeeze %dma_start3A_36 : memref<1x128xi32, #tpu.memory_space<vmem>> -> memref<128xi32, #tpu.memory_space<vmem>>
        %dma_start3A_38 = arith.constant 0 : i32
        %dma_start3A_39 = arith.constant 0 : i32
        %dma_start3A_40 = tpu.memref_slice %arg10[%dma_start3A_38, %dma_start3A_39] : memref<10240x8xf32, #tpu.memory_space<vmem_shared>> -> memref<10240x8xf32, #tpu.memory_space<vmem_shared>>
        tpu.enqueue_indirect_dma source(%arg8 : memref<128x8xf32, #tpu.memory_space<vmem>>) target(%dma_start3A_40 : memref<10240x8xf32, #tpu.memory_space<vmem_shared>>) offsets(%dma_start3A_37 : memref<128xi32, #tpu.memory_space<vmem>>) semaphore(%run_scoped3A_35 : memref<!tpu.dma_semaphore, #tpu.memory_space<semaphore_mem>>) {add = true}
        %dma_wait3A = arith.constant 0 : i32
        %dma_wait3A_41 = tpu.memref_slice %arg7[%run_scoped3A_32, %dma_wait3A] : memref<4x128xi32, #tpu.memory_space<vmem>> -> memref<1x128xi32, #tpu.memory_space<vmem>>
        %dma_wait3A_42 = tpu.memref_squeeze %dma_wait3A_41 : memref<1x128xi32, #tpu.memory_space<vmem>> -> memref<128xi32, #tpu.memory_space<vmem>>
        %dma_wait3A_43 = arith.constant 0 : i32
        %dma_wait3A_44 = arith.constant 0 : i32
        %dma_wait3A_45 = tpu.memref_slice %arg10[%dma_wait3A_43, %dma_wait3A_44] : memref<10240x8xf32, #tpu.memory_space<vmem_shared>> -> memref<10240x8xf32, #tpu.memory_space<vmem_shared>>
        tpu.wait_indirect_dma semaphore(%run_scoped3A_35 : memref<!tpu.dma_semaphore, #tpu.memory_space<semaphore_mem>>) src(%arg8 : memref<128x8xf32, #tpu.memory_space<vmem>>) dst(%dma_wait3A_45 : memref<10240x8xf32, #tpu.memory_space<vmem_shared>>)
        tpu.yield
      }) : () -> ()
      %run_scoped3A_33 = arith.constant 2 : i32
      "tpu.region"() ({
        %run_scoped3A_35 = tpu.sem_alloc : memref<!tpu.dma_semaphore, #tpu.memory_space<semaphore_mem>>
        %dma_start3A = arith.constant 0 : i32
        %dma_start3A_36 = tpu.memref_slice %arg7[%run_scoped3A_33, %dma_start3A] : memref<4x128xi32, #tpu.memory_space<vmem>> -> memref<1x128xi32, #tpu.memory_space<vmem>>
        %dma_start3A_37 = tpu.memref_squeeze %dma_start3A_36 : memref<1x128xi32, #tpu.memory_space<vmem>> -> memref<128xi32, #tpu.memory_space<vmem>>
        %dma_start3A_38 = arith.constant 0 : i32
        %dma_start3A_39 = arith.constant 0 : i32
        %dma_start3A_40 = tpu.memref_slice %arg10[%dma_start3A_38, %dma_start3A_39] : memref<10240x8xf32, #tpu.memory_space<vmem_shared>> -> memref<10240x8xf32, #tpu.memory_space<vmem_shared>>
        tpu.enqueue_indirect_dma source(%arg8 : memref<128x8xf32, #tpu.memory_space<vmem>>) target(%dma_start3A_40 : memref<10240x8xf32, #tpu.memory_space<vmem_shared>>) offsets(%dma_start3A_37 : memref<128xi32, #tpu.memory_space<vmem>>) semaphore(%run_scoped3A_35 : memref<!tpu.dma_semaphore, #tpu.memory_space<semaphore_mem>>) {add = true}
        %dma_wait3A = arith.constant 0 : i32
        %dma_wait3A_41 = tpu.memref_slice %arg7[%run_scoped3A_33, %dma_wait3A] : memref<4x128xi32, #tpu.memory_space<vmem>> -> memref<1x128xi32, #tpu.memory_space<vmem>>
        %dma_wait3A_42 = tpu.memref_squeeze %dma_wait3A_41 : memref<1x128xi32, #tpu.memory_space<vmem>> -> memref<128xi32, #tpu.memory_space<vmem>>
        %dma_wait3A_43 = arith.constant 0 : i32
        %dma_wait3A_44 = arith.constant 0 : i32
        %dma_wait3A_45 = tpu.memref_slice %arg10[%dma_wait3A_43, %dma_wait3A_44] : memref<10240x8xf32, #tpu.memory_space<vmem_shared>> -> memref<10240x8xf32, #tpu.memory_space<vmem_shared>>
        tpu.wait_indirect_dma semaphore(%run_scoped3A_35 : memref<!tpu.dma_semaphore, #tpu.memory_space<semaphore_mem>>) src(%arg8 : memref<128x8xf32, #tpu.memory_space<vmem>>) dst(%dma_wait3A_45 : memref<10240x8xf32, #tpu.memory_space<vmem_shared>>)
        tpu.yield
      }) : () -> ()
      %run_scoped3A_34 = arith.constant 3 : i32
      "tpu.region"() ({
        %run_scoped3A_35 = tpu.sem_alloc : memref<!tpu.dma_semaphore, #tpu.memory_space<semaphore_mem>>
        %dma_start3A = arith.constant 0 : i32
        %dma_start3A_36 = tpu.memref_slice %arg7[%run_scoped3A_34, %dma_start3A] : memref<4x128xi32, #tpu.memory_space<vmem>> -> memref<1x128xi32, #tpu.memory_space<vmem>>
        %dma_start3A_37 = tpu.memref_squeeze %dma_start3A_36 : memref<1x128xi32, #tpu.memory_space<vmem>> -> memref<128xi32, #tpu.memory_space<vmem>>
        %dma_start3A_38 = arith.constant 0 : i32
        %dma_start3A_39 = arith.constant 0 : i32
        %dma_start3A_40 = tpu.memref_slice %arg10[%dma_start3A_38, %dma_start3A_39] : memref<10240x8xf32, #tpu.memory_space<vmem_shared>> -> memref<10240x8xf32, #tpu.memory_space<vmem_shared>>
        tpu.enqueue_indirect_dma source(%arg8 : memref<128x8xf32, #tpu.memory_space<vmem>>) target(%dma_start3A_40 : memref<10240x8xf32, #tpu.memory_space<vmem_shared>>) offsets(%dma_start3A_37 : memref<128xi32, #tpu.memory_space<vmem>>) semaphore(%run_scoped3A_35 : memref<!tpu.dma_semaphore, #tpu.memory_space<semaphore_mem>>) {add = true}
        %dma_wait3A = arith.constant 0 : i32
        %dma_wait3A_41 = tpu.memref_slice %arg7[%run_scoped3A_34, %dma_wait3A] : memref<4x128xi32, #tpu.memory_space<vmem>> -> memref<1x128xi32, #tpu.memory_space<vmem>>
        %dma_wait3A_42 = tpu.memref_squeeze %dma_wait3A_41 : memref<1x128xi32, #tpu.memory_space<vmem>> -> memref<128xi32, #tpu.memory_space<vmem>>
        %dma_wait3A_43 = arith.constant 0 : i32
        %dma_wait3A_44 = arith.constant 0 : i32
        %dma_wait3A_45 = tpu.memref_slice %arg10[%dma_wait3A_43, %dma_wait3A_44] : memref<10240x8xf32, #tpu.memory_space<vmem_shared>> -> memref<10240x8xf32, #tpu.memory_space<vmem_shared>>
        tpu.wait_indirect_dma semaphore(%run_scoped3A_35 : memref<!tpu.dma_semaphore, #tpu.memory_space<semaphore_mem>>) src(%arg8 : memref<128x8xf32, #tpu.memory_space<vmem>>) dst(%dma_wait3A_45 : memref<10240x8xf32, #tpu.memory_space<vmem_shared>>)
        tpu.yield
      }) : () -> ()
    }
    %scan3A_17 = arith.constant 20 : i32
    %barrier3A_18 = arith.constant 0 : index
    tpu.barrier barrier_id(%barrier3A_18)
    %eq3A = arith.constant 0 : i32
    %eq3A_19 = arith.cmpi eq, %arg0, %eq3A : i32
    %convert_element_type3A = arith.extui %eq3A_19 : i1 to i32
    %cond3A = arith.constant 0 : i32
    %cond3A_20 = arith.cmpi ne, %convert_element_type3A, %cond3A : i32
    scf.if %cond3A_20 {
      "tpu.region"() ({
        %run_scoped3A = tpu.sem_alloc : memref<!tpu.dma_semaphore, #tpu.memory_space<semaphore_mem>>
        %dma_start3A = arith.constant 0 : i32
        %dma_start3A_26 = tpu.memref_slice %arg5[%mul3A_0, %dma_start3A] : memref<10240x8xf32, #tpu.memory_space<hbm>> -> memref<640x8xf32, #tpu.memory_space<hbm>>
        %dma_start3A_27 = arith.constant 0 : i32
        %dma_start3A_28 = tpu.memref_slice %arg10[%mul3A_0, %dma_start3A_27] : memref<10240x8xf32, #tpu.memory_space<vmem_shared>> -> memref<640x8xf32, #tpu.memory_space<vmem_shared>>
        tpu.enqueue_dma source(%dma_start3A_28 : memref<640x8xf32, #tpu.memory_space<vmem_shared>>) target(%dma_start3A_26 : memref<640x8xf32, #tpu.memory_space<hbm>>) target_semaphore(%run_scoped3A : memref<!tpu.dma_semaphore, #tpu.memory_space<semaphore_mem>>)
        %dma_wait3A = arith.constant 0 : i32
        %dma_wait3A_29 = tpu.memref_slice %arg5[%mul3A_0, %dma_wait3A] : memref<10240x8xf32, #tpu.memory_space<hbm>> -> memref<640x8xf32, #tpu.memory_space<hbm>>
        %dma_wait3A_30 = arith.constant 0 : i32
        %dma_wait3A_31 = tpu.memref_slice %arg10[%mul3A_0, %dma_wait3A_30] : memref<10240x8xf32, #tpu.memory_space<vmem_shared>> -> memref<640x8xf32, #tpu.memory_space<vmem_shared>>
        tpu.wait_dma2 semaphore(%run_scoped3A : memref<!tpu.dma_semaphore, #tpu.memory_space<semaphore_mem>>) src(%dma_wait3A_31 : memref<640x8xf32, #tpu.memory_space<vmem_shared>>) dst(%dma_wait3A_29 : memref<640x8xf32, #tpu.memory_space<hbm>>)
        tpu.yield
      }) : () -> ()
    } else {
    }
    %eq3A_21 = arith.constant 1 : i32
    %eq3A_22 = arith.cmpi eq, %arg0, %eq3A_21 : i32
    %convert_element_type3A_23 = arith.extui %eq3A_22 : i1 to i32
    %cond3A_24 = arith.constant 0 : i32
    %cond3A_25 = arith.cmpi ne, %convert_element_type3A_23, %cond3A_24 : i32
    scf.if %cond3A_25 {
      "tpu.region"() ({
        %run_scoped3A = tpu.sem_alloc : memref<!tpu.dma_semaphore, #tpu.memory_space<semaphore_mem>>
        %dma_start3A = arith.constant 0 : i32
        %dma_start3A_26 = tpu.memref_slice %arg6[%mul3A_0, %dma_start3A] : memref<10240x8xf32, #tpu.memory_space<hbm>> -> memref<640x8xf32, #tpu.memory_space<hbm>>
        %dma_start3A_27 = arith.constant 0 : i32
        %dma_start3A_28 = tpu.memref_slice %arg10[%mul3A_0, %dma_start3A_27] : memref<10240x8xf32, #tpu.memory_space<vmem_shared>> -> memref<640x8xf32, #tpu.memory_space<vmem_shared>>
        tpu.enqueue_dma source(%dma_start3A_28 : memref<640x8xf32, #tpu.memory_space<vmem_shared>>) target(%dma_start3A_26 : memref<640x8xf32, #tpu.memory_space<hbm>>) target_semaphore(%run_scoped3A : memref<!tpu.dma_semaphore, #tpu.memory_space<semaphore_mem>>)
        %dma_wait3A = arith.constant 0 : i32
        %dma_wait3A_29 = tpu.memref_slice %arg6[%mul3A_0, %dma_wait3A] : memref<10240x8xf32, #tpu.memory_space<hbm>> -> memref<640x8xf32, #tpu.memory_space<hbm>>
        %dma_wait3A_30 = arith.constant 0 : i32
        %dma_wait3A_31 = tpu.memref_slice %arg10[%mul3A_0, %dma_wait3A_30] : memref<10240x8xf32, #tpu.memory_space<vmem_shared>> -> memref<640x8xf32, #tpu.memory_space<vmem_shared>>
        tpu.wait_dma2 semaphore(%run_scoped3A : memref<!tpu.dma_semaphore, #tpu.memory_space<semaphore_mem>>) src(%dma_wait3A_31 : memref<640x8xf32, #tpu.memory_space<vmem_shared>>) dst(%dma_wait3A_29 : memref<640x8xf32, #tpu.memory_space<hbm>>)
        tpu.yield
      }) : () -> ()
    } else {
    }
    return
  }
}

#map = affine_map<(d0, d1) -> (0, 0)>
module attributes {stable_mosaic.version = 14 : i64} {
  func.func @agg(%arg0: i32, %arg1: i32, %arg2: memref<10240x32xf32, #tpu.memory_space<hbm>>, %arg3: memref<2560x128xi32, #tpu.memory_space<hbm>>, %arg4: memref<2560x128xi32, #tpu.memory_space<hbm>>, %arg5: memref<128x32xf32, #tpu.memory_space<hbm>>, %arg6: memref<10240x32xf32, #tpu.memory_space<hbm>>, %arg7: memref<10240x32xf32, #tpu.memory_space<hbm>>, %arg8: memref<4x128xi32, #tpu.memory_space<vmem>>, %arg9: memref<4x128xi32, #tpu.memory_space<vmem>>, %arg10: memref<4x128x32xf32, #tpu.memory_space<vmem>>, %arg11: memref<128x32xf32, #tpu.memory_space<vmem>>, %arg12: memref<10240x32xf32, #tpu.memory_space<vmem_shared>>, %arg13: memref<!tpu.dma_semaphore, #tpu.memory_space<semaphore_mem>>) attributes {dimension_semantics = [#tpu.dimension_semantics<core_parallel>, #tpu.dimension_semantics<subcore_parallel>], iteration_bounds = array<i64: 2, 16>, scalar_prefetch = 0 : i64, scratch_operands = 6 : i64, tpu.core_type = #tpu.core_type<sc_vector_subcore>, window_params = [{transform_indices = #map}, {transform_indices = #map}, {transform_indices = #map}, {transform_indices = #map}, {transform_indices = #map}, {transform_indices = #map}]} {
    %mul3A = arith.constant 640 : i32
    %mul3A_0 = arith.muli %arg1, %mul3A : i32
    "tpu.region"() ({
      %run_scoped3A = tpu.sem_alloc : memref<!tpu.dma_semaphore, #tpu.memory_space<semaphore_mem>>
      tpu.enqueue_dma source(%arg5 : memref<128x32xf32, #tpu.memory_space<hbm>>) target(%arg11 : memref<128x32xf32, #tpu.memory_space<vmem>>) target_semaphore(%run_scoped3A : memref<!tpu.dma_semaphore, #tpu.memory_space<semaphore_mem>>)
      tpu.wait_dma2 semaphore(%run_scoped3A : memref<!tpu.dma_semaphore, #tpu.memory_space<semaphore_mem>>) src(%arg5 : memref<128x32xf32, #tpu.memory_space<hbm>>) dst(%arg11 : memref<128x32xf32, #tpu.memory_space<vmem>>)
      tpu.yield
    }) : () -> ()
    %add3A = arith.constant 0 : i32
    %add3A_1 = arith.addi %mul3A_0, %add3A : i32
    "tpu.region"() ({
      %run_scoped3A = tpu.sem_alloc : memref<!tpu.dma_semaphore, #tpu.memory_space<semaphore_mem>>
      %dma_start3A = arith.constant 0 : i32
      %dma_start3A_26 = tpu.memref_slice %arg12[%add3A_1, %dma_start3A] : memref<10240x32xf32, #tpu.memory_space<vmem_shared>> -> memref<128x32xf32, #tpu.memory_space<vmem_shared>>
      %dma_start3A_27 = arith.constant 0 : i32
      %dma_start3A_28 = tpu.memref_slice %arg12[%add3A_1, %dma_start3A_27] : memref<10240x32xf32, #tpu.memory_space<vmem_shared>> -> memref<128x32xf32, #tpu.memory_space<vmem_shared>>
      tpu.enqueue_dma source(%arg11 : memref<128x32xf32, #tpu.memory_space<vmem>>) target(%dma_start3A_28 : memref<128x32xf32, #tpu.memory_space<vmem_shared>>) target_semaphore(%run_scoped3A : memref<!tpu.dma_semaphore, #tpu.memory_space<semaphore_mem>>)
      %dma_wait3A = arith.constant 0 : i32
      %dma_wait3A_29 = tpu.memref_slice %arg12[%add3A_1, %dma_wait3A] : memref<10240x32xf32, #tpu.memory_space<vmem_shared>> -> memref<128x32xf32, #tpu.memory_space<vmem_shared>>
      %dma_wait3A_30 = arith.constant 0 : i32
      %dma_wait3A_31 = tpu.memref_slice %arg12[%add3A_1, %dma_wait3A_30] : memref<10240x32xf32, #tpu.memory_space<vmem_shared>> -> memref<128x32xf32, #tpu.memory_space<vmem_shared>>
      tpu.wait_dma2 semaphore(%run_scoped3A : memref<!tpu.dma_semaphore, #tpu.memory_space<semaphore_mem>>) src(%arg11 : memref<128x32xf32, #tpu.memory_space<vmem>>) dst(%dma_wait3A_31 : memref<128x32xf32, #tpu.memory_space<vmem_shared>>)
      tpu.yield
    }) : () -> ()
    %add3A_2 = arith.constant 128 : i32
    %add3A_3 = arith.addi %mul3A_0, %add3A_2 : i32
    "tpu.region"() ({
      %run_scoped3A = tpu.sem_alloc : memref<!tpu.dma_semaphore, #tpu.memory_space<semaphore_mem>>
      %dma_start3A = arith.constant 0 : i32
      %dma_start3A_26 = tpu.memref_slice %arg12[%add3A_3, %dma_start3A] : memref<10240x32xf32, #tpu.memory_space<vmem_shared>> -> memref<128x32xf32, #tpu.memory_space<vmem_shared>>
      %dma_start3A_27 = arith.constant 0 : i32
      %dma_start3A_28 = tpu.memref_slice %arg12[%add3A_3, %dma_start3A_27] : memref<10240x32xf32, #tpu.memory_space<vmem_shared>> -> memref<128x32xf32, #tpu.memory_space<vmem_shared>>
      tpu.enqueue_dma source(%arg11 : memref<128x32xf32, #tpu.memory_space<vmem>>) target(%dma_start3A_28 : memref<128x32xf32, #tpu.memory_space<vmem_shared>>) target_semaphore(%run_scoped3A : memref<!tpu.dma_semaphore, #tpu.memory_space<semaphore_mem>>)
      %dma_wait3A = arith.constant 0 : i32
      %dma_wait3A_29 = tpu.memref_slice %arg12[%add3A_3, %dma_wait3A] : memref<10240x32xf32, #tpu.memory_space<vmem_shared>> -> memref<128x32xf32, #tpu.memory_space<vmem_shared>>
      %dma_wait3A_30 = arith.constant 0 : i32
      %dma_wait3A_31 = tpu.memref_slice %arg12[%add3A_3, %dma_wait3A_30] : memref<10240x32xf32, #tpu.memory_space<vmem_shared>> -> memref<128x32xf32, #tpu.memory_space<vmem_shared>>
      tpu.wait_dma2 semaphore(%run_scoped3A : memref<!tpu.dma_semaphore, #tpu.memory_space<semaphore_mem>>) src(%arg11 : memref<128x32xf32, #tpu.memory_space<vmem>>) dst(%dma_wait3A_31 : memref<128x32xf32, #tpu.memory_space<vmem_shared>>)
      tpu.yield
    }) : () -> ()
    %add3A_4 = arith.constant 256 : i32
    %add3A_5 = arith.addi %mul3A_0, %add3A_4 : i32
    "tpu.region"() ({
      %run_scoped3A = tpu.sem_alloc : memref<!tpu.dma_semaphore, #tpu.memory_space<semaphore_mem>>
      %dma_start3A = arith.constant 0 : i32
      %dma_start3A_26 = tpu.memref_slice %arg12[%add3A_5, %dma_start3A] : memref<10240x32xf32, #tpu.memory_space<vmem_shared>> -> memref<128x32xf32, #tpu.memory_space<vmem_shared>>
      %dma_start3A_27 = arith.constant 0 : i32
      %dma_start3A_28 = tpu.memref_slice %arg12[%add3A_5, %dma_start3A_27] : memref<10240x32xf32, #tpu.memory_space<vmem_shared>> -> memref<128x32xf32, #tpu.memory_space<vmem_shared>>
      tpu.enqueue_dma source(%arg11 : memref<128x32xf32, #tpu.memory_space<vmem>>) target(%dma_start3A_28 : memref<128x32xf32, #tpu.memory_space<vmem_shared>>) target_semaphore(%run_scoped3A : memref<!tpu.dma_semaphore, #tpu.memory_space<semaphore_mem>>)
      %dma_wait3A = arith.constant 0 : i32
      %dma_wait3A_29 = tpu.memref_slice %arg12[%add3A_5, %dma_wait3A] : memref<10240x32xf32, #tpu.memory_space<vmem_shared>> -> memref<128x32xf32, #tpu.memory_space<vmem_shared>>
      %dma_wait3A_30 = arith.constant 0 : i32
      %dma_wait3A_31 = tpu.memref_slice %arg12[%add3A_5, %dma_wait3A_30] : memref<10240x32xf32, #tpu.memory_space<vmem_shared>> -> memref<128x32xf32, #tpu.memory_space<vmem_shared>>
      tpu.wait_dma2 semaphore(%run_scoped3A : memref<!tpu.dma_semaphore, #tpu.memory_space<semaphore_mem>>) src(%arg11 : memref<128x32xf32, #tpu.memory_space<vmem>>) dst(%dma_wait3A_31 : memref<128x32xf32, #tpu.memory_space<vmem_shared>>)
      tpu.yield
    }) : () -> ()
    %add3A_6 = arith.constant 384 : i32
    %add3A_7 = arith.addi %mul3A_0, %add3A_6 : i32
    "tpu.region"() ({
      %run_scoped3A = tpu.sem_alloc : memref<!tpu.dma_semaphore, #tpu.memory_space<semaphore_mem>>
      %dma_start3A = arith.constant 0 : i32
      %dma_start3A_26 = tpu.memref_slice %arg12[%add3A_7, %dma_start3A] : memref<10240x32xf32, #tpu.memory_space<vmem_shared>> -> memref<128x32xf32, #tpu.memory_space<vmem_shared>>
      %dma_start3A_27 = arith.constant 0 : i32
      %dma_start3A_28 = tpu.memref_slice %arg12[%add3A_7, %dma_start3A_27] : memref<10240x32xf32, #tpu.memory_space<vmem_shared>> -> memref<128x32xf32, #tpu.memory_space<vmem_shared>>
      tpu.enqueue_dma source(%arg11 : memref<128x32xf32, #tpu.memory_space<vmem>>) target(%dma_start3A_28 : memref<128x32xf32, #tpu.memory_space<vmem_shared>>) target_semaphore(%run_scoped3A : memref<!tpu.dma_semaphore, #tpu.memory_space<semaphore_mem>>)
      %dma_wait3A = arith.constant 0 : i32
      %dma_wait3A_29 = tpu.memref_slice %arg12[%add3A_7, %dma_wait3A] : memref<10240x32xf32, #tpu.memory_space<vmem_shared>> -> memref<128x32xf32, #tpu.memory_space<vmem_shared>>
      %dma_wait3A_30 = arith.constant 0 : i32
      %dma_wait3A_31 = tpu.memref_slice %arg12[%add3A_7, %dma_wait3A_30] : memref<10240x32xf32, #tpu.memory_space<vmem_shared>> -> memref<128x32xf32, #tpu.memory_space<vmem_shared>>
      tpu.wait_dma2 semaphore(%run_scoped3A : memref<!tpu.dma_semaphore, #tpu.memory_space<semaphore_mem>>) src(%arg11 : memref<128x32xf32, #tpu.memory_space<vmem>>) dst(%dma_wait3A_31 : memref<128x32xf32, #tpu.memory_space<vmem_shared>>)
      tpu.yield
    }) : () -> ()
    %add3A_8 = arith.constant 512 : i32
    %add3A_9 = arith.addi %mul3A_0, %add3A_8 : i32
    "tpu.region"() ({
      %run_scoped3A = tpu.sem_alloc : memref<!tpu.dma_semaphore, #tpu.memory_space<semaphore_mem>>
      %dma_start3A = arith.constant 0 : i32
      %dma_start3A_26 = tpu.memref_slice %arg12[%add3A_9, %dma_start3A] : memref<10240x32xf32, #tpu.memory_space<vmem_shared>> -> memref<128x32xf32, #tpu.memory_space<vmem_shared>>
      %dma_start3A_27 = arith.constant 0 : i32
      %dma_start3A_28 = tpu.memref_slice %arg12[%add3A_9, %dma_start3A_27] : memref<10240x32xf32, #tpu.memory_space<vmem_shared>> -> memref<128x32xf32, #tpu.memory_space<vmem_shared>>
      tpu.enqueue_dma source(%arg11 : memref<128x32xf32, #tpu.memory_space<vmem>>) target(%dma_start3A_28 : memref<128x32xf32, #tpu.memory_space<vmem_shared>>) target_semaphore(%run_scoped3A : memref<!tpu.dma_semaphore, #tpu.memory_space<semaphore_mem>>)
      %dma_wait3A = arith.constant 0 : i32
      %dma_wait3A_29 = tpu.memref_slice %arg12[%add3A_9, %dma_wait3A] : memref<10240x32xf32, #tpu.memory_space<vmem_shared>> -> memref<128x32xf32, #tpu.memory_space<vmem_shared>>
      %dma_wait3A_30 = arith.constant 0 : i32
      %dma_wait3A_31 = tpu.memref_slice %arg12[%add3A_9, %dma_wait3A_30] : memref<10240x32xf32, #tpu.memory_space<vmem_shared>> -> memref<128x32xf32, #tpu.memory_space<vmem_shared>>
      tpu.wait_dma2 semaphore(%run_scoped3A : memref<!tpu.dma_semaphore, #tpu.memory_space<semaphore_mem>>) src(%arg11 : memref<128x32xf32, #tpu.memory_space<vmem>>) dst(%dma_wait3A_31 : memref<128x32xf32, #tpu.memory_space<vmem_shared>>)
      tpu.yield
    }) : () -> ()
    %barrier3A = arith.constant 0 : index
    tpu.barrier barrier_id(%barrier3A)
    %mul3A_10 = arith.constant 16 : i32
    %mul3A_11 = arith.muli %arg0, %mul3A_10 : i32
    %add3A_12 = arith.addi %mul3A_11, %arg1 : i32
    %scan3A = arith.constant 0 : i32
    %scan3A_13 = arith.constant 0 : i32
    %scan3A_14 = arith.constant 20 : i32
    %scan3A_15 = arith.addi %scan3A_13, %scan3A_14 : i32
    %scan3A_16 = arith.constant 1 : i32
    scf.for %scan3A_26 = %scan3A_13 to %scan3A_15 step %scan3A_16  : i32 {
      %mul3A_27 = arith.constant 80 : i32
      %mul3A_28 = arith.muli %add3A_12, %mul3A_27 : i32
      %mul3A_29 = arith.constant 4 : i32
      %mul3A_30 = arith.muli %scan3A_26, %mul3A_29 : i32
      %add3A_31 = arith.addi %mul3A_28, %mul3A_30 : i32
      "tpu.region"() ({
        %run_scoped3A_133 = tpu.sem_alloc : memref<!tpu.dma_semaphore, #tpu.memory_space<semaphore_mem>>
        %dma_start3A_134 = arith.constant 0 : i32
        %dma_start3A_135 = tpu.memref_slice %arg3[%add3A_31, %dma_start3A_134] : memref<2560x128xi32, #tpu.memory_space<hbm>> -> memref<4x128xi32, #tpu.memory_space<hbm>>
        %dma_start3A_136 = arith.constant 0 : i32
        %dma_start3A_137 = tpu.memref_slice %arg3[%add3A_31, %dma_start3A_136] : memref<2560x128xi32, #tpu.memory_space<hbm>> -> memref<4x128xi32, #tpu.memory_space<hbm>>
        tpu.enqueue_dma source(%dma_start3A_137 : memref<4x128xi32, #tpu.memory_space<hbm>>) target(%arg8 : memref<4x128xi32, #tpu.memory_space<vmem>>) target_semaphore(%run_scoped3A_133 : memref<!tpu.dma_semaphore, #tpu.memory_space<semaphore_mem>>)
        %dma_wait3A_138 = arith.constant 0 : i32
        %dma_wait3A_139 = tpu.memref_slice %arg3[%add3A_31, %dma_wait3A_138] : memref<2560x128xi32, #tpu.memory_space<hbm>> -> memref<4x128xi32, #tpu.memory_space<hbm>>
        %dma_wait3A_140 = arith.constant 0 : i32
        %dma_wait3A_141 = tpu.memref_slice %arg3[%add3A_31, %dma_wait3A_140] : memref<2560x128xi32, #tpu.memory_space<hbm>> -> memref<4x128xi32, #tpu.memory_space<hbm>>
        tpu.wait_dma2 semaphore(%run_scoped3A_133 : memref<!tpu.dma_semaphore, #tpu.memory_space<semaphore_mem>>) src(%dma_wait3A_141 : memref<4x128xi32, #tpu.memory_space<hbm>>) dst(%arg8 : memref<4x128xi32, #tpu.memory_space<vmem>>)
        tpu.yield
      }) : () -> ()
      "tpu.region"() ({
        %run_scoped3A_133 = tpu.sem_alloc : memref<!tpu.dma_semaphore, #tpu.memory_space<semaphore_mem>>
        %dma_start3A_134 = arith.constant 0 : i32
        %dma_start3A_135 = tpu.memref_slice %arg4[%add3A_31, %dma_start3A_134] : memref<2560x128xi32, #tpu.memory_space<hbm>> -> memref<4x128xi32, #tpu.memory_space<hbm>>
        %dma_start3A_136 = arith.constant 0 : i32
        %dma_start3A_137 = tpu.memref_slice %arg4[%add3A_31, %dma_start3A_136] : memref<2560x128xi32, #tpu.memory_space<hbm>> -> memref<4x128xi32, #tpu.memory_space<hbm>>
        tpu.enqueue_dma source(%dma_start3A_137 : memref<4x128xi32, #tpu.memory_space<hbm>>) target(%arg9 : memref<4x128xi32, #tpu.memory_space<vmem>>) target_semaphore(%run_scoped3A_133 : memref<!tpu.dma_semaphore, #tpu.memory_space<semaphore_mem>>)
        %dma_wait3A_138 = arith.constant 0 : i32
        %dma_wait3A_139 = tpu.memref_slice %arg4[%add3A_31, %dma_wait3A_138] : memref<2560x128xi32, #tpu.memory_space<hbm>> -> memref<4x128xi32, #tpu.memory_space<hbm>>
        %dma_wait3A_140 = arith.constant 0 : i32
        %dma_wait3A_141 = tpu.memref_slice %arg4[%add3A_31, %dma_wait3A_140] : memref<2560x128xi32, #tpu.memory_space<hbm>> -> memref<4x128xi32, #tpu.memory_space<hbm>>
        tpu.wait_dma2 semaphore(%run_scoped3A_133 : memref<!tpu.dma_semaphore, #tpu.memory_space<semaphore_mem>>) src(%dma_wait3A_141 : memref<4x128xi32, #tpu.memory_space<hbm>>) dst(%arg9 : memref<4x128xi32, #tpu.memory_space<vmem>>)
        tpu.yield
      }) : () -> ()
      %dma_start3A = arith.constant 0 : i32
      %dma_start3A_32 = arith.constant 0 : i32
      %dma_start3A_33 = arith.constant 0 : i32
      %dma_start3A_34 = arith.constant 0 : i32
      %dma_start3A_35 = tpu.memref_slice %arg10[%dma_start3A_32, %dma_start3A_33, %dma_start3A_34] : memref<4x128x32xf32, #tpu.memory_space<vmem>> -> memref<1x128x32xf32, #tpu.memory_space<vmem>>
      %dma_start3A_36 = tpu.memref_squeeze %dma_start3A_35 : memref<1x128x32xf32, #tpu.memory_space<vmem>> -> memref<128x32xf32, #tpu.memory_space<vmem>>
      %dma_start3A_37 = arith.constant 0 : i32
      %dma_start3A_38 = tpu.memref_slice %arg8[%dma_start3A, %dma_start3A_37] : memref<4x128xi32, #tpu.memory_space<vmem>> -> memref<1x128xi32, #tpu.memory_space<vmem>>
      %dma_start3A_39 = tpu.memref_squeeze %dma_start3A_38 : memref<1x128xi32, #tpu.memory_space<vmem>> -> memref<128xi32, #tpu.memory_space<vmem>>
      %dma_start3A_40 = arith.constant 0 : i32
      %dma_start3A_41 = arith.constant 0 : i32
      %dma_start3A_42 = tpu.memref_slice %arg2[%dma_start3A_40, %dma_start3A_41] : memref<10240x32xf32, #tpu.memory_space<hbm>> -> memref<10240x32xf32, #tpu.memory_space<hbm>>
      tpu.enqueue_indirect_dma source(%dma_start3A_42 : memref<10240x32xf32, #tpu.memory_space<hbm>>) target(%dma_start3A_36 : memref<128x32xf32, #tpu.memory_space<vmem>>) offsets(%dma_start3A_39 : memref<128xi32, #tpu.memory_space<vmem>>) semaphore(%arg13 : memref<!tpu.dma_semaphore, #tpu.memory_space<semaphore_mem>>)
      %dma_start3A_43 = arith.constant 1 : i32
      %dma_start3A_44 = arith.constant 1 : i32
      %dma_start3A_45 = arith.constant 0 : i32
      %dma_start3A_46 = arith.constant 0 : i32
      %dma_start3A_47 = tpu.memref_slice %arg10[%dma_start3A_44, %dma_start3A_45, %dma_start3A_46] : memref<4x128x32xf32, #tpu.memory_space<vmem>> -> memref<1x128x32xf32, #tpu.memory_space<vmem>>
      %dma_start3A_48 = tpu.memref_squeeze %dma_start3A_47 : memref<1x128x32xf32, #tpu.memory_space<vmem>> -> memref<128x32xf32, #tpu.memory_space<vmem>>
      %dma_start3A_49 = arith.constant 0 : i32
      %dma_start3A_50 = tpu.memref_slice %arg8[%dma_start3A_43, %dma_start3A_49] : memref<4x128xi32, #tpu.memory_space<vmem>> -> memref<1x128xi32, #tpu.memory_space<vmem>>
      %dma_start3A_51 = tpu.memref_squeeze %dma_start3A_50 : memref<1x128xi32, #tpu.memory_space<vmem>> -> memref<128xi32, #tpu.memory_space<vmem>>
      %dma_start3A_52 = arith.constant 0 : i32
      %dma_start3A_53 = arith.constant 0 : i32
      %dma_start3A_54 = tpu.memref_slice %arg2[%dma_start3A_52, %dma_start3A_53] : memref<10240x32xf32, #tpu.memory_space<hbm>> -> memref<10240x32xf32, #tpu.memory_space<hbm>>
      tpu.enqueue_indirect_dma source(%dma_start3A_54 : memref<10240x32xf32, #tpu.memory_space<hbm>>) target(%dma_start3A_48 : memref<128x32xf32, #tpu.memory_space<vmem>>) offsets(%dma_start3A_51 : memref<128xi32, #tpu.memory_space<vmem>>) semaphore(%arg13 : memref<!tpu.dma_semaphore, #tpu.memory_space<semaphore_mem>>)
      %dma_start3A_55 = arith.constant 2 : i32
      %dma_start3A_56 = arith.constant 2 : i32
      %dma_start3A_57 = arith.constant 0 : i32
      %dma_start3A_58 = arith.constant 0 : i32
      %dma_start3A_59 = tpu.memref_slice %arg10[%dma_start3A_56, %dma_start3A_57, %dma_start3A_58] : memref<4x128x32xf32, #tpu.memory_space<vmem>> -> memref<1x128x32xf32, #tpu.memory_space<vmem>>
      %dma_start3A_60 = tpu.memref_squeeze %dma_start3A_59 : memref<1x128x32xf32, #tpu.memory_space<vmem>> -> memref<128x32xf32, #tpu.memory_space<vmem>>
      %dma_start3A_61 = arith.constant 0 : i32
      %dma_start3A_62 = tpu.memref_slice %arg8[%dma_start3A_55, %dma_start3A_61] : memref<4x128xi32, #tpu.memory_space<vmem>> -> memref<1x128xi32, #tpu.memory_space<vmem>>
      %dma_start3A_63 = tpu.memref_squeeze %dma_start3A_62 : memref<1x128xi32, #tpu.memory_space<vmem>> -> memref<128xi32, #tpu.memory_space<vmem>>
      %dma_start3A_64 = arith.constant 0 : i32
      %dma_start3A_65 = arith.constant 0 : i32
      %dma_start3A_66 = tpu.memref_slice %arg2[%dma_start3A_64, %dma_start3A_65] : memref<10240x32xf32, #tpu.memory_space<hbm>> -> memref<10240x32xf32, #tpu.memory_space<hbm>>
      tpu.enqueue_indirect_dma source(%dma_start3A_66 : memref<10240x32xf32, #tpu.memory_space<hbm>>) target(%dma_start3A_60 : memref<128x32xf32, #tpu.memory_space<vmem>>) offsets(%dma_start3A_63 : memref<128xi32, #tpu.memory_space<vmem>>) semaphore(%arg13 : memref<!tpu.dma_semaphore, #tpu.memory_space<semaphore_mem>>)
      %dma_start3A_67 = arith.constant 3 : i32
      %dma_start3A_68 = arith.constant 3 : i32
      %dma_start3A_69 = arith.constant 0 : i32
      %dma_start3A_70 = arith.constant 0 : i32
      %dma_start3A_71 = tpu.memref_slice %arg10[%dma_start3A_68, %dma_start3A_69, %dma_start3A_70] : memref<4x128x32xf32, #tpu.memory_space<vmem>> -> memref<1x128x32xf32, #tpu.memory_space<vmem>>
      %dma_start3A_72 = tpu.memref_squeeze %dma_start3A_71 : memref<1x128x32xf32, #tpu.memory_space<vmem>> -> memref<128x32xf32, #tpu.memory_space<vmem>>
      %dma_start3A_73 = arith.constant 0 : i32
      %dma_start3A_74 = tpu.memref_slice %arg8[%dma_start3A_67, %dma_start3A_73] : memref<4x128xi32, #tpu.memory_space<vmem>> -> memref<1x128xi32, #tpu.memory_space<vmem>>
      %dma_start3A_75 = tpu.memref_squeeze %dma_start3A_74 : memref<1x128xi32, #tpu.memory_space<vmem>> -> memref<128xi32, #tpu.memory_space<vmem>>
      %dma_start3A_76 = arith.constant 0 : i32
      %dma_start3A_77 = arith.constant 0 : i32
      %dma_start3A_78 = tpu.memref_slice %arg2[%dma_start3A_76, %dma_start3A_77] : memref<10240x32xf32, #tpu.memory_space<hbm>> -> memref<10240x32xf32, #tpu.memory_space<hbm>>
      tpu.enqueue_indirect_dma source(%dma_start3A_78 : memref<10240x32xf32, #tpu.memory_space<hbm>>) target(%dma_start3A_72 : memref<128x32xf32, #tpu.memory_space<vmem>>) offsets(%dma_start3A_75 : memref<128xi32, #tpu.memory_space<vmem>>) semaphore(%arg13 : memref<!tpu.dma_semaphore, #tpu.memory_space<semaphore_mem>>)
      %dma_wait3A = arith.constant 0 : i32
      %dma_wait3A_79 = arith.constant 0 : i32
      %dma_wait3A_80 = arith.constant 0 : i32
      %dma_wait3A_81 = arith.constant 0 : i32
      %dma_wait3A_82 = tpu.memref_slice %arg10[%dma_wait3A_79, %dma_wait3A_80, %dma_wait3A_81] : memref<4x128x32xf32, #tpu.memory_space<vmem>> -> memref<1x128x32xf32, #tpu.memory_space<vmem>>
      %dma_wait3A_83 = tpu.memref_squeeze %dma_wait3A_82 : memref<1x128x32xf32, #tpu.memory_space<vmem>> -> memref<128x32xf32, #tpu.memory_space<vmem>>
      %dma_wait3A_84 = arith.constant 0 : i32
      %dma_wait3A_85 = tpu.memref_slice %arg8[%dma_wait3A, %dma_wait3A_84] : memref<4x128xi32, #tpu.memory_space<vmem>> -> memref<1x128xi32, #tpu.memory_space<vmem>>
      %dma_wait3A_86 = tpu.memref_squeeze %dma_wait3A_85 : memref<1x128xi32, #tpu.memory_space<vmem>> -> memref<128xi32, #tpu.memory_space<vmem>>
      %dma_wait3A_87 = arith.constant 0 : i32
      %dma_wait3A_88 = arith.constant 0 : i32
      %dma_wait3A_89 = tpu.memref_slice %arg2[%dma_wait3A_87, %dma_wait3A_88] : memref<10240x32xf32, #tpu.memory_space<hbm>> -> memref<10240x32xf32, #tpu.memory_space<hbm>>
      tpu.wait_indirect_dma semaphore(%arg13 : memref<!tpu.dma_semaphore, #tpu.memory_space<semaphore_mem>>) src(%dma_wait3A_89 : memref<10240x32xf32, #tpu.memory_space<hbm>>) dst(%dma_wait3A_83 : memref<128x32xf32, #tpu.memory_space<vmem>>)
      %dma_wait3A_90 = arith.constant 1 : i32
      %dma_wait3A_91 = arith.constant 1 : i32
      %dma_wait3A_92 = arith.constant 0 : i32
      %dma_wait3A_93 = arith.constant 0 : i32
      %dma_wait3A_94 = tpu.memref_slice %arg10[%dma_wait3A_91, %dma_wait3A_92, %dma_wait3A_93] : memref<4x128x32xf32, #tpu.memory_space<vmem>> -> memref<1x128x32xf32, #tpu.memory_space<vmem>>
      %dma_wait3A_95 = tpu.memref_squeeze %dma_wait3A_94 : memref<1x128x32xf32, #tpu.memory_space<vmem>> -> memref<128x32xf32, #tpu.memory_space<vmem>>
      %dma_wait3A_96 = arith.constant 0 : i32
      %dma_wait3A_97 = tpu.memref_slice %arg8[%dma_wait3A_90, %dma_wait3A_96] : memref<4x128xi32, #tpu.memory_space<vmem>> -> memref<1x128xi32, #tpu.memory_space<vmem>>
      %dma_wait3A_98 = tpu.memref_squeeze %dma_wait3A_97 : memref<1x128xi32, #tpu.memory_space<vmem>> -> memref<128xi32, #tpu.memory_space<vmem>>
      %dma_wait3A_99 = arith.constant 0 : i32
      %dma_wait3A_100 = arith.constant 0 : i32
      %dma_wait3A_101 = tpu.memref_slice %arg2[%dma_wait3A_99, %dma_wait3A_100] : memref<10240x32xf32, #tpu.memory_space<hbm>> -> memref<10240x32xf32, #tpu.memory_space<hbm>>
      tpu.wait_indirect_dma semaphore(%arg13 : memref<!tpu.dma_semaphore, #tpu.memory_space<semaphore_mem>>) src(%dma_wait3A_101 : memref<10240x32xf32, #tpu.memory_space<hbm>>) dst(%dma_wait3A_95 : memref<128x32xf32, #tpu.memory_space<vmem>>)
      %dma_wait3A_102 = arith.constant 2 : i32
      %dma_wait3A_103 = arith.constant 2 : i32
      %dma_wait3A_104 = arith.constant 0 : i32
      %dma_wait3A_105 = arith.constant 0 : i32
      %dma_wait3A_106 = tpu.memref_slice %arg10[%dma_wait3A_103, %dma_wait3A_104, %dma_wait3A_105] : memref<4x128x32xf32, #tpu.memory_space<vmem>> -> memref<1x128x32xf32, #tpu.memory_space<vmem>>
      %dma_wait3A_107 = tpu.memref_squeeze %dma_wait3A_106 : memref<1x128x32xf32, #tpu.memory_space<vmem>> -> memref<128x32xf32, #tpu.memory_space<vmem>>
      %dma_wait3A_108 = arith.constant 0 : i32
      %dma_wait3A_109 = tpu.memref_slice %arg8[%dma_wait3A_102, %dma_wait3A_108] : memref<4x128xi32, #tpu.memory_space<vmem>> -> memref<1x128xi32, #tpu.memory_space<vmem>>
      %dma_wait3A_110 = tpu.memref_squeeze %dma_wait3A_109 : memref<1x128xi32, #tpu.memory_space<vmem>> -> memref<128xi32, #tpu.memory_space<vmem>>
      %dma_wait3A_111 = arith.constant 0 : i32
      %dma_wait3A_112 = arith.constant 0 : i32
      %dma_wait3A_113 = tpu.memref_slice %arg2[%dma_wait3A_111, %dma_wait3A_112] : memref<10240x32xf32, #tpu.memory_space<hbm>> -> memref<10240x32xf32, #tpu.memory_space<hbm>>
      tpu.wait_indirect_dma semaphore(%arg13 : memref<!tpu.dma_semaphore, #tpu.memory_space<semaphore_mem>>) src(%dma_wait3A_113 : memref<10240x32xf32, #tpu.memory_space<hbm>>) dst(%dma_wait3A_107 : memref<128x32xf32, #tpu.memory_space<vmem>>)
      %dma_wait3A_114 = arith.constant 3 : i32
      %dma_wait3A_115 = arith.constant 3 : i32
      %dma_wait3A_116 = arith.constant 0 : i32
      %dma_wait3A_117 = arith.constant 0 : i32
      %dma_wait3A_118 = tpu.memref_slice %arg10[%dma_wait3A_115, %dma_wait3A_116, %dma_wait3A_117] : memref<4x128x32xf32, #tpu.memory_space<vmem>> -> memref<1x128x32xf32, #tpu.memory_space<vmem>>
      %dma_wait3A_119 = tpu.memref_squeeze %dma_wait3A_118 : memref<1x128x32xf32, #tpu.memory_space<vmem>> -> memref<128x32xf32, #tpu.memory_space<vmem>>
      %dma_wait3A_120 = arith.constant 0 : i32
      %dma_wait3A_121 = tpu.memref_slice %arg8[%dma_wait3A_114, %dma_wait3A_120] : memref<4x128xi32, #tpu.memory_space<vmem>> -> memref<1x128xi32, #tpu.memory_space<vmem>>
      %dma_wait3A_122 = tpu.memref_squeeze %dma_wait3A_121 : memref<1x128xi32, #tpu.memory_space<vmem>> -> memref<128xi32, #tpu.memory_space<vmem>>
      %dma_wait3A_123 = arith.constant 0 : i32
      %dma_wait3A_124 = arith.constant 0 : i32
      %dma_wait3A_125 = tpu.memref_slice %arg2[%dma_wait3A_123, %dma_wait3A_124] : memref<10240x32xf32, #tpu.memory_space<hbm>> -> memref<10240x32xf32, #tpu.memory_space<hbm>>
      tpu.wait_indirect_dma semaphore(%arg13 : memref<!tpu.dma_semaphore, #tpu.memory_space<semaphore_mem>>) src(%dma_wait3A_125 : memref<10240x32xf32, #tpu.memory_space<hbm>>) dst(%dma_wait3A_119 : memref<128x32xf32, #tpu.memory_space<vmem>>)
      %run_scoped3A = arith.constant 0 : i32
      %run_scoped3A_126 = arith.constant 0 : i32
      "tpu.region"() ({
        %run_scoped3A_133 = tpu.sem_alloc : memref<!tpu.dma_semaphore, #tpu.memory_space<semaphore_mem>>
        %dma_start3A_134 = arith.constant 0 : i32
        %dma_start3A_135 = arith.constant 0 : i32
        %dma_start3A_136 = tpu.memref_slice %arg10[%run_scoped3A, %dma_start3A_134, %dma_start3A_135] : memref<4x128x32xf32, #tpu.memory_space<vmem>> -> memref<1x128x32xf32, #tpu.memory_space<vmem>>
        %dma_start3A_137 = tpu.memref_squeeze %dma_start3A_136 : memref<1x128x32xf32, #tpu.memory_space<vmem>> -> memref<128x32xf32, #tpu.memory_space<vmem>>
        %dma_start3A_138 = arith.constant 0 : i32
        %dma_start3A_139 = tpu.memref_slice %arg9[%run_scoped3A_126, %dma_start3A_138] : memref<4x128xi32, #tpu.memory_space<vmem>> -> memref<1x128xi32, #tpu.memory_space<vmem>>
        %dma_start3A_140 = tpu.memref_squeeze %dma_start3A_139 : memref<1x128xi32, #tpu.memory_space<vmem>> -> memref<128xi32, #tpu.memory_space<vmem>>
        %dma_start3A_141 = arith.constant 0 : i32
        %dma_start3A_142 = arith.constant 0 : i32
        %dma_start3A_143 = tpu.memref_slice %arg12[%dma_start3A_141, %dma_start3A_142] : memref<10240x32xf32, #tpu.memory_space<vmem_shared>> -> memref<10240x32xf32, #tpu.memory_space<vmem_shared>>
        tpu.enqueue_indirect_dma source(%dma_start3A_137 : memref<128x32xf32, #tpu.memory_space<vmem>>) target(%dma_start3A_143 : memref<10240x32xf32, #tpu.memory_space<vmem_shared>>) offsets(%dma_start3A_140 : memref<128xi32, #tpu.memory_space<vmem>>) semaphore(%run_scoped3A_133 : memref<!tpu.dma_semaphore, #tpu.memory_space<semaphore_mem>>) {add = true}
        %dma_wait3A_144 = arith.constant 0 : i32
        %dma_wait3A_145 = arith.constant 0 : i32
        %dma_wait3A_146 = tpu.memref_slice %arg10[%run_scoped3A, %dma_wait3A_144, %dma_wait3A_145] : memref<4x128x32xf32, #tpu.memory_space<vmem>> -> memref<1x128x32xf32, #tpu.memory_space<vmem>>
        %dma_wait3A_147 = tpu.memref_squeeze %dma_wait3A_146 : memref<1x128x32xf32, #tpu.memory_space<vmem>> -> memref<128x32xf32, #tpu.memory_space<vmem>>
        %dma_wait3A_148 = arith.constant 0 : i32
        %dma_wait3A_149 = tpu.memref_slice %arg9[%run_scoped3A_126, %dma_wait3A_148] : memref<4x128xi32, #tpu.memory_space<vmem>> -> memref<1x128xi32, #tpu.memory_space<vmem>>
        %dma_wait3A_150 = tpu.memref_squeeze %dma_wait3A_149 : memref<1x128xi32, #tpu.memory_space<vmem>> -> memref<128xi32, #tpu.memory_space<vmem>>
        %dma_wait3A_151 = arith.constant 0 : i32
        %dma_wait3A_152 = arith.constant 0 : i32
        %dma_wait3A_153 = tpu.memref_slice %arg12[%dma_wait3A_151, %dma_wait3A_152] : memref<10240x32xf32, #tpu.memory_space<vmem_shared>> -> memref<10240x32xf32, #tpu.memory_space<vmem_shared>>
        tpu.wait_indirect_dma semaphore(%run_scoped3A_133 : memref<!tpu.dma_semaphore, #tpu.memory_space<semaphore_mem>>) src(%dma_wait3A_147 : memref<128x32xf32, #tpu.memory_space<vmem>>) dst(%dma_wait3A_153 : memref<10240x32xf32, #tpu.memory_space<vmem_shared>>)
        tpu.yield
      }) : () -> ()
      %run_scoped3A_127 = arith.constant 1 : i32
      %run_scoped3A_128 = arith.constant 1 : i32
      "tpu.region"() ({
        %run_scoped3A_133 = tpu.sem_alloc : memref<!tpu.dma_semaphore, #tpu.memory_space<semaphore_mem>>
        %dma_start3A_134 = arith.constant 0 : i32
        %dma_start3A_135 = arith.constant 0 : i32
        %dma_start3A_136 = tpu.memref_slice %arg10[%run_scoped3A_127, %dma_start3A_134, %dma_start3A_135] : memref<4x128x32xf32, #tpu.memory_space<vmem>> -> memref<1x128x32xf32, #tpu.memory_space<vmem>>
        %dma_start3A_137 = tpu.memref_squeeze %dma_start3A_136 : memref<1x128x32xf32, #tpu.memory_space<vmem>> -> memref<128x32xf32, #tpu.memory_space<vmem>>
        %dma_start3A_138 = arith.constant 0 : i32
        %dma_start3A_139 = tpu.memref_slice %arg9[%run_scoped3A_128, %dma_start3A_138] : memref<4x128xi32, #tpu.memory_space<vmem>> -> memref<1x128xi32, #tpu.memory_space<vmem>>
        %dma_start3A_140 = tpu.memref_squeeze %dma_start3A_139 : memref<1x128xi32, #tpu.memory_space<vmem>> -> memref<128xi32, #tpu.memory_space<vmem>>
        %dma_start3A_141 = arith.constant 0 : i32
        %dma_start3A_142 = arith.constant 0 : i32
        %dma_start3A_143 = tpu.memref_slice %arg12[%dma_start3A_141, %dma_start3A_142] : memref<10240x32xf32, #tpu.memory_space<vmem_shared>> -> memref<10240x32xf32, #tpu.memory_space<vmem_shared>>
        tpu.enqueue_indirect_dma source(%dma_start3A_137 : memref<128x32xf32, #tpu.memory_space<vmem>>) target(%dma_start3A_143 : memref<10240x32xf32, #tpu.memory_space<vmem_shared>>) offsets(%dma_start3A_140 : memref<128xi32, #tpu.memory_space<vmem>>) semaphore(%run_scoped3A_133 : memref<!tpu.dma_semaphore, #tpu.memory_space<semaphore_mem>>) {add = true}
        %dma_wait3A_144 = arith.constant 0 : i32
        %dma_wait3A_145 = arith.constant 0 : i32
        %dma_wait3A_146 = tpu.memref_slice %arg10[%run_scoped3A_127, %dma_wait3A_144, %dma_wait3A_145] : memref<4x128x32xf32, #tpu.memory_space<vmem>> -> memref<1x128x32xf32, #tpu.memory_space<vmem>>
        %dma_wait3A_147 = tpu.memref_squeeze %dma_wait3A_146 : memref<1x128x32xf32, #tpu.memory_space<vmem>> -> memref<128x32xf32, #tpu.memory_space<vmem>>
        %dma_wait3A_148 = arith.constant 0 : i32
        %dma_wait3A_149 = tpu.memref_slice %arg9[%run_scoped3A_128, %dma_wait3A_148] : memref<4x128xi32, #tpu.memory_space<vmem>> -> memref<1x128xi32, #tpu.memory_space<vmem>>
        %dma_wait3A_150 = tpu.memref_squeeze %dma_wait3A_149 : memref<1x128xi32, #tpu.memory_space<vmem>> -> memref<128xi32, #tpu.memory_space<vmem>>
        %dma_wait3A_151 = arith.constant 0 : i32
        %dma_wait3A_152 = arith.constant 0 : i32
        %dma_wait3A_153 = tpu.memref_slice %arg12[%dma_wait3A_151, %dma_wait3A_152] : memref<10240x32xf32, #tpu.memory_space<vmem_shared>> -> memref<10240x32xf32, #tpu.memory_space<vmem_shared>>
        tpu.wait_indirect_dma semaphore(%run_scoped3A_133 : memref<!tpu.dma_semaphore, #tpu.memory_space<semaphore_mem>>) src(%dma_wait3A_147 : memref<128x32xf32, #tpu.memory_space<vmem>>) dst(%dma_wait3A_153 : memref<10240x32xf32, #tpu.memory_space<vmem_shared>>)
        tpu.yield
      }) : () -> ()
      %run_scoped3A_129 = arith.constant 2 : i32
      %run_scoped3A_130 = arith.constant 2 : i32
      "tpu.region"() ({
        %run_scoped3A_133 = tpu.sem_alloc : memref<!tpu.dma_semaphore, #tpu.memory_space<semaphore_mem>>
        %dma_start3A_134 = arith.constant 0 : i32
        %dma_start3A_135 = arith.constant 0 : i32
        %dma_start3A_136 = tpu.memref_slice %arg10[%run_scoped3A_129, %dma_start3A_134, %dma_start3A_135] : memref<4x128x32xf32, #tpu.memory_space<vmem>> -> memref<1x128x32xf32, #tpu.memory_space<vmem>>
        %dma_start3A_137 = tpu.memref_squeeze %dma_start3A_136 : memref<1x128x32xf32, #tpu.memory_space<vmem>> -> memref<128x32xf32, #tpu.memory_space<vmem>>
        %dma_start3A_138 = arith.constant 0 : i32
        %dma_start3A_139 = tpu.memref_slice %arg9[%run_scoped3A_130, %dma_start3A_138] : memref<4x128xi32, #tpu.memory_space<vmem>> -> memref<1x128xi32, #tpu.memory_space<vmem>>
        %dma_start3A_140 = tpu.memref_squeeze %dma_start3A_139 : memref<1x128xi32, #tpu.memory_space<vmem>> -> memref<128xi32, #tpu.memory_space<vmem>>
        %dma_start3A_141 = arith.constant 0 : i32
        %dma_start3A_142 = arith.constant 0 : i32
        %dma_start3A_143 = tpu.memref_slice %arg12[%dma_start3A_141, %dma_start3A_142] : memref<10240x32xf32, #tpu.memory_space<vmem_shared>> -> memref<10240x32xf32, #tpu.memory_space<vmem_shared>>
        tpu.enqueue_indirect_dma source(%dma_start3A_137 : memref<128x32xf32, #tpu.memory_space<vmem>>) target(%dma_start3A_143 : memref<10240x32xf32, #tpu.memory_space<vmem_shared>>) offsets(%dma_start3A_140 : memref<128xi32, #tpu.memory_space<vmem>>) semaphore(%run_scoped3A_133 : memref<!tpu.dma_semaphore, #tpu.memory_space<semaphore_mem>>) {add = true}
        %dma_wait3A_144 = arith.constant 0 : i32
        %dma_wait3A_145 = arith.constant 0 : i32
        %dma_wait3A_146 = tpu.memref_slice %arg10[%run_scoped3A_129, %dma_wait3A_144, %dma_wait3A_145] : memref<4x128x32xf32, #tpu.memory_space<vmem>> -> memref<1x128x32xf32, #tpu.memory_space<vmem>>
        %dma_wait3A_147 = tpu.memref_squeeze %dma_wait3A_146 : memref<1x128x32xf32, #tpu.memory_space<vmem>> -> memref<128x32xf32, #tpu.memory_space<vmem>>
        %dma_wait3A_148 = arith.constant 0 : i32
        %dma_wait3A_149 = tpu.memref_slice %arg9[%run_scoped3A_130, %dma_wait3A_148] : memref<4x128xi32, #tpu.memory_space<vmem>> -> memref<1x128xi32, #tpu.memory_space<vmem>>
        %dma_wait3A_150 = tpu.memref_squeeze %dma_wait3A_149 : memref<1x128xi32, #tpu.memory_space<vmem>> -> memref<128xi32, #tpu.memory_space<vmem>>
        %dma_wait3A_151 = arith.constant 0 : i32
        %dma_wait3A_152 = arith.constant 0 : i32
        %dma_wait3A_153 = tpu.memref_slice %arg12[%dma_wait3A_151, %dma_wait3A_152] : memref<10240x32xf32, #tpu.memory_space<vmem_shared>> -> memref<10240x32xf32, #tpu.memory_space<vmem_shared>>
        tpu.wait_indirect_dma semaphore(%run_scoped3A_133 : memref<!tpu.dma_semaphore, #tpu.memory_space<semaphore_mem>>) src(%dma_wait3A_147 : memref<128x32xf32, #tpu.memory_space<vmem>>) dst(%dma_wait3A_153 : memref<10240x32xf32, #tpu.memory_space<vmem_shared>>)
        tpu.yield
      }) : () -> ()
      %run_scoped3A_131 = arith.constant 3 : i32
      %run_scoped3A_132 = arith.constant 3 : i32
      "tpu.region"() ({
        %run_scoped3A_133 = tpu.sem_alloc : memref<!tpu.dma_semaphore, #tpu.memory_space<semaphore_mem>>
        %dma_start3A_134 = arith.constant 0 : i32
        %dma_start3A_135 = arith.constant 0 : i32
        %dma_start3A_136 = tpu.memref_slice %arg10[%run_scoped3A_131, %dma_start3A_134, %dma_start3A_135] : memref<4x128x32xf32, #tpu.memory_space<vmem>> -> memref<1x128x32xf32, #tpu.memory_space<vmem>>
        %dma_start3A_137 = tpu.memref_squeeze %dma_start3A_136 : memref<1x128x32xf32, #tpu.memory_space<vmem>> -> memref<128x32xf32, #tpu.memory_space<vmem>>
        %dma_start3A_138 = arith.constant 0 : i32
        %dma_start3A_139 = tpu.memref_slice %arg9[%run_scoped3A_132, %dma_start3A_138] : memref<4x128xi32, #tpu.memory_space<vmem>> -> memref<1x128xi32, #tpu.memory_space<vmem>>
        %dma_start3A_140 = tpu.memref_squeeze %dma_start3A_139 : memref<1x128xi32, #tpu.memory_space<vmem>> -> memref<128xi32, #tpu.memory_space<vmem>>
        %dma_start3A_141 = arith.constant 0 : i32
        %dma_start3A_142 = arith.constant 0 : i32
        %dma_start3A_143 = tpu.memref_slice %arg12[%dma_start3A_141, %dma_start3A_142] : memref<10240x32xf32, #tpu.memory_space<vmem_shared>> -> memref<10240x32xf32, #tpu.memory_space<vmem_shared>>
        tpu.enqueue_indirect_dma source(%dma_start3A_137 : memref<128x32xf32, #tpu.memory_space<vmem>>) target(%dma_start3A_143 : memref<10240x32xf32, #tpu.memory_space<vmem_shared>>) offsets(%dma_start3A_140 : memref<128xi32, #tpu.memory_space<vmem>>) semaphore(%run_scoped3A_133 : memref<!tpu.dma_semaphore, #tpu.memory_space<semaphore_mem>>) {add = true}
        %dma_wait3A_144 = arith.constant 0 : i32
        %dma_wait3A_145 = arith.constant 0 : i32
        %dma_wait3A_146 = tpu.memref_slice %arg10[%run_scoped3A_131, %dma_wait3A_144, %dma_wait3A_145] : memref<4x128x32xf32, #tpu.memory_space<vmem>> -> memref<1x128x32xf32, #tpu.memory_space<vmem>>
        %dma_wait3A_147 = tpu.memref_squeeze %dma_wait3A_146 : memref<1x128x32xf32, #tpu.memory_space<vmem>> -> memref<128x32xf32, #tpu.memory_space<vmem>>
        %dma_wait3A_148 = arith.constant 0 : i32
        %dma_wait3A_149 = tpu.memref_slice %arg9[%run_scoped3A_132, %dma_wait3A_148] : memref<4x128xi32, #tpu.memory_space<vmem>> -> memref<1x128xi32, #tpu.memory_space<vmem>>
        %dma_wait3A_150 = tpu.memref_squeeze %dma_wait3A_149 : memref<1x128xi32, #tpu.memory_space<vmem>> -> memref<128xi32, #tpu.memory_space<vmem>>
        %dma_wait3A_151 = arith.constant 0 : i32
        %dma_wait3A_152 = arith.constant 0 : i32
        %dma_wait3A_153 = tpu.memref_slice %arg12[%dma_wait3A_151, %dma_wait3A_152] : memref<10240x32xf32, #tpu.memory_space<vmem_shared>> -> memref<10240x32xf32, #tpu.memory_space<vmem_shared>>
        tpu.wait_indirect_dma semaphore(%run_scoped3A_133 : memref<!tpu.dma_semaphore, #tpu.memory_space<semaphore_mem>>) src(%dma_wait3A_147 : memref<128x32xf32, #tpu.memory_space<vmem>>) dst(%dma_wait3A_153 : memref<10240x32xf32, #tpu.memory_space<vmem_shared>>)
        tpu.yield
      }) : () -> ()
    }
    %scan3A_17 = arith.constant 20 : i32
    %barrier3A_18 = arith.constant 0 : index
    tpu.barrier barrier_id(%barrier3A_18)
    %eq3A = arith.constant 0 : i32
    %eq3A_19 = arith.cmpi eq, %arg0, %eq3A : i32
    %convert_element_type3A = arith.extui %eq3A_19 : i1 to i32
    %cond3A = arith.constant 0 : i32
    %cond3A_20 = arith.cmpi ne, %convert_element_type3A, %cond3A : i32
    scf.if %cond3A_20 {
      "tpu.region"() ({
        %run_scoped3A = tpu.sem_alloc : memref<!tpu.dma_semaphore, #tpu.memory_space<semaphore_mem>>
        %dma_start3A = arith.constant 0 : i32
        %dma_start3A_26 = tpu.memref_slice %arg6[%mul3A_0, %dma_start3A] : memref<10240x32xf32, #tpu.memory_space<hbm>> -> memref<640x32xf32, #tpu.memory_space<hbm>>
        %dma_start3A_27 = arith.constant 0 : i32
        %dma_start3A_28 = tpu.memref_slice %arg12[%mul3A_0, %dma_start3A_27] : memref<10240x32xf32, #tpu.memory_space<vmem_shared>> -> memref<640x32xf32, #tpu.memory_space<vmem_shared>>
        tpu.enqueue_dma source(%dma_start3A_28 : memref<640x32xf32, #tpu.memory_space<vmem_shared>>) target(%dma_start3A_26 : memref<640x32xf32, #tpu.memory_space<hbm>>) target_semaphore(%run_scoped3A : memref<!tpu.dma_semaphore, #tpu.memory_space<semaphore_mem>>)
        %dma_wait3A = arith.constant 0 : i32
        %dma_wait3A_29 = tpu.memref_slice %arg6[%mul3A_0, %dma_wait3A] : memref<10240x32xf32, #tpu.memory_space<hbm>> -> memref<640x32xf32, #tpu.memory_space<hbm>>
        %dma_wait3A_30 = arith.constant 0 : i32
        %dma_wait3A_31 = tpu.memref_slice %arg12[%mul3A_0, %dma_wait3A_30] : memref<10240x32xf32, #tpu.memory_space<vmem_shared>> -> memref<640x32xf32, #tpu.memory_space<vmem_shared>>
        tpu.wait_dma2 semaphore(%run_scoped3A : memref<!tpu.dma_semaphore, #tpu.memory_space<semaphore_mem>>) src(%dma_wait3A_31 : memref<640x32xf32, #tpu.memory_space<vmem_shared>>) dst(%dma_wait3A_29 : memref<640x32xf32, #tpu.memory_space<hbm>>)
        tpu.yield
      }) : () -> ()
    } else {
    }
    %eq3A_21 = arith.constant 1 : i32
    %eq3A_22 = arith.cmpi eq, %arg0, %eq3A_21 : i32
    %convert_element_type3A_23 = arith.extui %eq3A_22 : i1 to i32
    %cond3A_24 = arith.constant 0 : i32
    %cond3A_25 = arith.cmpi ne, %convert_element_type3A_23, %cond3A_24 : i32
    scf.if %cond3A_25 {
      "tpu.region"() ({
        %run_scoped3A = tpu.sem_alloc : memref<!tpu.dma_semaphore, #tpu.memory_space<semaphore_mem>>
        %dma_start3A = arith.constant 0 : i32
        %dma_start3A_26 = tpu.memref_slice %arg7[%mul3A_0, %dma_start3A] : memref<10240x32xf32, #tpu.memory_space<hbm>> -> memref<640x32xf32, #tpu.memory_space<hbm>>
        %dma_start3A_27 = arith.constant 0 : i32
        %dma_start3A_28 = tpu.memref_slice %arg12[%mul3A_0, %dma_start3A_27] : memref<10240x32xf32, #tpu.memory_space<vmem_shared>> -> memref<640x32xf32, #tpu.memory_space<vmem_shared>>
        tpu.enqueue_dma source(%dma_start3A_28 : memref<640x32xf32, #tpu.memory_space<vmem_shared>>) target(%dma_start3A_26 : memref<640x32xf32, #tpu.memory_space<hbm>>) target_semaphore(%run_scoped3A : memref<!tpu.dma_semaphore, #tpu.memory_space<semaphore_mem>>)
        %dma_wait3A = arith.constant 0 : i32
        %dma_wait3A_29 = tpu.memref_slice %arg7[%mul3A_0, %dma_wait3A] : memref<10240x32xf32, #tpu.memory_space<hbm>> -> memref<640x32xf32, #tpu.memory_space<hbm>>
        %dma_wait3A_30 = arith.constant 0 : i32
        %dma_wait3A_31 = tpu.memref_slice %arg12[%mul3A_0, %dma_wait3A_30] : memref<10240x32xf32, #tpu.memory_space<vmem_shared>> -> memref<640x32xf32, #tpu.memory_space<vmem_shared>>
        tpu.wait_dma2 semaphore(%run_scoped3A : memref<!tpu.dma_semaphore, #tpu.memory_space<semaphore_mem>>) src(%dma_wait3A_31 : memref<640x32xf32, #tpu.memory_space<vmem_shared>>) dst(%dma_wait3A_29 : memref<640x32xf32, #tpu.memory_space<hbm>>)
        tpu.yield
      }) : () -> ()
    } else {
    }
    return
  }
}

#map = affine_map<(d0, d1) -> (0, 0)>
module attributes {stable_mosaic.version = 14 : i64} {
  func.func @agg(%arg0: i32, %arg1: i32, %arg2: memref<10240x64xf32, #tpu.memory_space<hbm>>, %arg3: memref<2560x128xi32, #tpu.memory_space<hbm>>, %arg4: memref<2560x128xi32, #tpu.memory_space<hbm>>, %arg5: memref<128x64xf32, #tpu.memory_space<hbm>>, %arg6: memref<10240x64xf32, #tpu.memory_space<hbm>>, %arg7: memref<10240x64xf32, #tpu.memory_space<hbm>>, %arg8: memref<4x128xi32, #tpu.memory_space<vmem>>, %arg9: memref<4x128xi32, #tpu.memory_space<vmem>>, %arg10: memref<4x128x64xf32, #tpu.memory_space<vmem>>, %arg11: memref<128x64xf32, #tpu.memory_space<vmem>>, %arg12: memref<10240x64xf32, #tpu.memory_space<vmem_shared>>, %arg13: memref<!tpu.dma_semaphore, #tpu.memory_space<semaphore_mem>>) attributes {dimension_semantics = [#tpu.dimension_semantics<core_parallel>, #tpu.dimension_semantics<subcore_parallel>], iteration_bounds = array<i64: 2, 16>, scalar_prefetch = 0 : i64, scratch_operands = 6 : i64, tpu.core_type = #tpu.core_type<sc_vector_subcore>, window_params = [{transform_indices = #map}, {transform_indices = #map}, {transform_indices = #map}, {transform_indices = #map}, {transform_indices = #map}, {transform_indices = #map}]} {
    %mul3A = arith.constant 640 : i32
    %mul3A_0 = arith.muli %arg1, %mul3A : i32
    "tpu.region"() ({
      %run_scoped3A = tpu.sem_alloc : memref<!tpu.dma_semaphore, #tpu.memory_space<semaphore_mem>>
      tpu.enqueue_dma source(%arg5 : memref<128x64xf32, #tpu.memory_space<hbm>>) target(%arg11 : memref<128x64xf32, #tpu.memory_space<vmem>>) target_semaphore(%run_scoped3A : memref<!tpu.dma_semaphore, #tpu.memory_space<semaphore_mem>>)
      tpu.wait_dma2 semaphore(%run_scoped3A : memref<!tpu.dma_semaphore, #tpu.memory_space<semaphore_mem>>) src(%arg5 : memref<128x64xf32, #tpu.memory_space<hbm>>) dst(%arg11 : memref<128x64xf32, #tpu.memory_space<vmem>>)
      tpu.yield
    }) : () -> ()
    %add3A = arith.constant 0 : i32
    %add3A_1 = arith.addi %mul3A_0, %add3A : i32
    "tpu.region"() ({
      %run_scoped3A = tpu.sem_alloc : memref<!tpu.dma_semaphore, #tpu.memory_space<semaphore_mem>>
      %dma_start3A = arith.constant 0 : i32
      %dma_start3A_26 = tpu.memref_slice %arg12[%add3A_1, %dma_start3A] : memref<10240x64xf32, #tpu.memory_space<vmem_shared>> -> memref<128x64xf32, #tpu.memory_space<vmem_shared>>
      %dma_start3A_27 = arith.constant 0 : i32
      %dma_start3A_28 = tpu.memref_slice %arg12[%add3A_1, %dma_start3A_27] : memref<10240x64xf32, #tpu.memory_space<vmem_shared>> -> memref<128x64xf32, #tpu.memory_space<vmem_shared>>
      tpu.enqueue_dma source(%arg11 : memref<128x64xf32, #tpu.memory_space<vmem>>) target(%dma_start3A_28 : memref<128x64xf32, #tpu.memory_space<vmem_shared>>) target_semaphore(%run_scoped3A : memref<!tpu.dma_semaphore, #tpu.memory_space<semaphore_mem>>)
      %dma_wait3A = arith.constant 0 : i32
      %dma_wait3A_29 = tpu.memref_slice %arg12[%add3A_1, %dma_wait3A] : memref<10240x64xf32, #tpu.memory_space<vmem_shared>> -> memref<128x64xf32, #tpu.memory_space<vmem_shared>>
      %dma_wait3A_30 = arith.constant 0 : i32
      %dma_wait3A_31 = tpu.memref_slice %arg12[%add3A_1, %dma_wait3A_30] : memref<10240x64xf32, #tpu.memory_space<vmem_shared>> -> memref<128x64xf32, #tpu.memory_space<vmem_shared>>
      tpu.wait_dma2 semaphore(%run_scoped3A : memref<!tpu.dma_semaphore, #tpu.memory_space<semaphore_mem>>) src(%arg11 : memref<128x64xf32, #tpu.memory_space<vmem>>) dst(%dma_wait3A_31 : memref<128x64xf32, #tpu.memory_space<vmem_shared>>)
      tpu.yield
    }) : () -> ()
    %add3A_2 = arith.constant 128 : i32
    %add3A_3 = arith.addi %mul3A_0, %add3A_2 : i32
    "tpu.region"() ({
      %run_scoped3A = tpu.sem_alloc : memref<!tpu.dma_semaphore, #tpu.memory_space<semaphore_mem>>
      %dma_start3A = arith.constant 0 : i32
      %dma_start3A_26 = tpu.memref_slice %arg12[%add3A_3, %dma_start3A] : memref<10240x64xf32, #tpu.memory_space<vmem_shared>> -> memref<128x64xf32, #tpu.memory_space<vmem_shared>>
      %dma_start3A_27 = arith.constant 0 : i32
      %dma_start3A_28 = tpu.memref_slice %arg12[%add3A_3, %dma_start3A_27] : memref<10240x64xf32, #tpu.memory_space<vmem_shared>> -> memref<128x64xf32, #tpu.memory_space<vmem_shared>>
      tpu.enqueue_dma source(%arg11 : memref<128x64xf32, #tpu.memory_space<vmem>>) target(%dma_start3A_28 : memref<128x64xf32, #tpu.memory_space<vmem_shared>>) target_semaphore(%run_scoped3A : memref<!tpu.dma_semaphore, #tpu.memory_space<semaphore_mem>>)
      %dma_wait3A = arith.constant 0 : i32
      %dma_wait3A_29 = tpu.memref_slice %arg12[%add3A_3, %dma_wait3A] : memref<10240x64xf32, #tpu.memory_space<vmem_shared>> -> memref<128x64xf32, #tpu.memory_space<vmem_shared>>
      %dma_wait3A_30 = arith.constant 0 : i32
      %dma_wait3A_31 = tpu.memref_slice %arg12[%add3A_3, %dma_wait3A_30] : memref<10240x64xf32, #tpu.memory_space<vmem_shared>> -> memref<128x64xf32, #tpu.memory_space<vmem_shared>>
      tpu.wait_dma2 semaphore(%run_scoped3A : memref<!tpu.dma_semaphore, #tpu.memory_space<semaphore_mem>>) src(%arg11 : memref<128x64xf32, #tpu.memory_space<vmem>>) dst(%dma_wait3A_31 : memref<128x64xf32, #tpu.memory_space<vmem_shared>>)
      tpu.yield
    }) : () -> ()
    %add3A_4 = arith.constant 256 : i32
    %add3A_5 = arith.addi %mul3A_0, %add3A_4 : i32
    "tpu.region"() ({
      %run_scoped3A = tpu.sem_alloc : memref<!tpu.dma_semaphore, #tpu.memory_space<semaphore_mem>>
      %dma_start3A = arith.constant 0 : i32
      %dma_start3A_26 = tpu.memref_slice %arg12[%add3A_5, %dma_start3A] : memref<10240x64xf32, #tpu.memory_space<vmem_shared>> -> memref<128x64xf32, #tpu.memory_space<vmem_shared>>
      %dma_start3A_27 = arith.constant 0 : i32
      %dma_start3A_28 = tpu.memref_slice %arg12[%add3A_5, %dma_start3A_27] : memref<10240x64xf32, #tpu.memory_space<vmem_shared>> -> memref<128x64xf32, #tpu.memory_space<vmem_shared>>
      tpu.enqueue_dma source(%arg11 : memref<128x64xf32, #tpu.memory_space<vmem>>) target(%dma_start3A_28 : memref<128x64xf32, #tpu.memory_space<vmem_shared>>) target_semaphore(%run_scoped3A : memref<!tpu.dma_semaphore, #tpu.memory_space<semaphore_mem>>)
      %dma_wait3A = arith.constant 0 : i32
      %dma_wait3A_29 = tpu.memref_slice %arg12[%add3A_5, %dma_wait3A] : memref<10240x64xf32, #tpu.memory_space<vmem_shared>> -> memref<128x64xf32, #tpu.memory_space<vmem_shared>>
      %dma_wait3A_30 = arith.constant 0 : i32
      %dma_wait3A_31 = tpu.memref_slice %arg12[%add3A_5, %dma_wait3A_30] : memref<10240x64xf32, #tpu.memory_space<vmem_shared>> -> memref<128x64xf32, #tpu.memory_space<vmem_shared>>
      tpu.wait_dma2 semaphore(%run_scoped3A : memref<!tpu.dma_semaphore, #tpu.memory_space<semaphore_mem>>) src(%arg11 : memref<128x64xf32, #tpu.memory_space<vmem>>) dst(%dma_wait3A_31 : memref<128x64xf32, #tpu.memory_space<vmem_shared>>)
      tpu.yield
    }) : () -> ()
    %add3A_6 = arith.constant 384 : i32
    %add3A_7 = arith.addi %mul3A_0, %add3A_6 : i32
    "tpu.region"() ({
      %run_scoped3A = tpu.sem_alloc : memref<!tpu.dma_semaphore, #tpu.memory_space<semaphore_mem>>
      %dma_start3A = arith.constant 0 : i32
      %dma_start3A_26 = tpu.memref_slice %arg12[%add3A_7, %dma_start3A] : memref<10240x64xf32, #tpu.memory_space<vmem_shared>> -> memref<128x64xf32, #tpu.memory_space<vmem_shared>>
      %dma_start3A_27 = arith.constant 0 : i32
      %dma_start3A_28 = tpu.memref_slice %arg12[%add3A_7, %dma_start3A_27] : memref<10240x64xf32, #tpu.memory_space<vmem_shared>> -> memref<128x64xf32, #tpu.memory_space<vmem_shared>>
      tpu.enqueue_dma source(%arg11 : memref<128x64xf32, #tpu.memory_space<vmem>>) target(%dma_start3A_28 : memref<128x64xf32, #tpu.memory_space<vmem_shared>>) target_semaphore(%run_scoped3A : memref<!tpu.dma_semaphore, #tpu.memory_space<semaphore_mem>>)
      %dma_wait3A = arith.constant 0 : i32
      %dma_wait3A_29 = tpu.memref_slice %arg12[%add3A_7, %dma_wait3A] : memref<10240x64xf32, #tpu.memory_space<vmem_shared>> -> memref<128x64xf32, #tpu.memory_space<vmem_shared>>
      %dma_wait3A_30 = arith.constant 0 : i32
      %dma_wait3A_31 = tpu.memref_slice %arg12[%add3A_7, %dma_wait3A_30] : memref<10240x64xf32, #tpu.memory_space<vmem_shared>> -> memref<128x64xf32, #tpu.memory_space<vmem_shared>>
      tpu.wait_dma2 semaphore(%run_scoped3A : memref<!tpu.dma_semaphore, #tpu.memory_space<semaphore_mem>>) src(%arg11 : memref<128x64xf32, #tpu.memory_space<vmem>>) dst(%dma_wait3A_31 : memref<128x64xf32, #tpu.memory_space<vmem_shared>>)
      tpu.yield
    }) : () -> ()
    %add3A_8 = arith.constant 512 : i32
    %add3A_9 = arith.addi %mul3A_0, %add3A_8 : i32
    "tpu.region"() ({
      %run_scoped3A = tpu.sem_alloc : memref<!tpu.dma_semaphore, #tpu.memory_space<semaphore_mem>>
      %dma_start3A = arith.constant 0 : i32
      %dma_start3A_26 = tpu.memref_slice %arg12[%add3A_9, %dma_start3A] : memref<10240x64xf32, #tpu.memory_space<vmem_shared>> -> memref<128x64xf32, #tpu.memory_space<vmem_shared>>
      %dma_start3A_27 = arith.constant 0 : i32
      %dma_start3A_28 = tpu.memref_slice %arg12[%add3A_9, %dma_start3A_27] : memref<10240x64xf32, #tpu.memory_space<vmem_shared>> -> memref<128x64xf32, #tpu.memory_space<vmem_shared>>
      tpu.enqueue_dma source(%arg11 : memref<128x64xf32, #tpu.memory_space<vmem>>) target(%dma_start3A_28 : memref<128x64xf32, #tpu.memory_space<vmem_shared>>) target_semaphore(%run_scoped3A : memref<!tpu.dma_semaphore, #tpu.memory_space<semaphore_mem>>)
      %dma_wait3A = arith.constant 0 : i32
      %dma_wait3A_29 = tpu.memref_slice %arg12[%add3A_9, %dma_wait3A] : memref<10240x64xf32, #tpu.memory_space<vmem_shared>> -> memref<128x64xf32, #tpu.memory_space<vmem_shared>>
      %dma_wait3A_30 = arith.constant 0 : i32
      %dma_wait3A_31 = tpu.memref_slice %arg12[%add3A_9, %dma_wait3A_30] : memref<10240x64xf32, #tpu.memory_space<vmem_shared>> -> memref<128x64xf32, #tpu.memory_space<vmem_shared>>
      tpu.wait_dma2 semaphore(%run_scoped3A : memref<!tpu.dma_semaphore, #tpu.memory_space<semaphore_mem>>) src(%arg11 : memref<128x64xf32, #tpu.memory_space<vmem>>) dst(%dma_wait3A_31 : memref<128x64xf32, #tpu.memory_space<vmem_shared>>)
      tpu.yield
    }) : () -> ()
    %barrier3A = arith.constant 0 : index
    tpu.barrier barrier_id(%barrier3A)
    %mul3A_10 = arith.constant 16 : i32
    %mul3A_11 = arith.muli %arg0, %mul3A_10 : i32
    %add3A_12 = arith.addi %mul3A_11, %arg1 : i32
    %scan3A = arith.constant 0 : i32
    %scan3A_13 = arith.constant 0 : i32
    %scan3A_14 = arith.constant 20 : i32
    %scan3A_15 = arith.addi %scan3A_13, %scan3A_14 : i32
    %scan3A_16 = arith.constant 1 : i32
    scf.for %scan3A_26 = %scan3A_13 to %scan3A_15 step %scan3A_16  : i32 {
      %mul3A_27 = arith.constant 80 : i32
      %mul3A_28 = arith.muli %add3A_12, %mul3A_27 : i32
      %mul3A_29 = arith.constant 4 : i32
      %mul3A_30 = arith.muli %scan3A_26, %mul3A_29 : i32
      %add3A_31 = arith.addi %mul3A_28, %mul3A_30 : i32
      "tpu.region"() ({
        %run_scoped3A_133 = tpu.sem_alloc : memref<!tpu.dma_semaphore, #tpu.memory_space<semaphore_mem>>
        %dma_start3A_134 = arith.constant 0 : i32
        %dma_start3A_135 = tpu.memref_slice %arg3[%add3A_31, %dma_start3A_134] : memref<2560x128xi32, #tpu.memory_space<hbm>> -> memref<4x128xi32, #tpu.memory_space<hbm>>
        %dma_start3A_136 = arith.constant 0 : i32
        %dma_start3A_137 = tpu.memref_slice %arg3[%add3A_31, %dma_start3A_136] : memref<2560x128xi32, #tpu.memory_space<hbm>> -> memref<4x128xi32, #tpu.memory_space<hbm>>
        tpu.enqueue_dma source(%dma_start3A_137 : memref<4x128xi32, #tpu.memory_space<hbm>>) target(%arg8 : memref<4x128xi32, #tpu.memory_space<vmem>>) target_semaphore(%run_scoped3A_133 : memref<!tpu.dma_semaphore, #tpu.memory_space<semaphore_mem>>)
        %dma_wait3A_138 = arith.constant 0 : i32
        %dma_wait3A_139 = tpu.memref_slice %arg3[%add3A_31, %dma_wait3A_138] : memref<2560x128xi32, #tpu.memory_space<hbm>> -> memref<4x128xi32, #tpu.memory_space<hbm>>
        %dma_wait3A_140 = arith.constant 0 : i32
        %dma_wait3A_141 = tpu.memref_slice %arg3[%add3A_31, %dma_wait3A_140] : memref<2560x128xi32, #tpu.memory_space<hbm>> -> memref<4x128xi32, #tpu.memory_space<hbm>>
        tpu.wait_dma2 semaphore(%run_scoped3A_133 : memref<!tpu.dma_semaphore, #tpu.memory_space<semaphore_mem>>) src(%dma_wait3A_141 : memref<4x128xi32, #tpu.memory_space<hbm>>) dst(%arg8 : memref<4x128xi32, #tpu.memory_space<vmem>>)
        tpu.yield
      }) : () -> ()
      "tpu.region"() ({
        %run_scoped3A_133 = tpu.sem_alloc : memref<!tpu.dma_semaphore, #tpu.memory_space<semaphore_mem>>
        %dma_start3A_134 = arith.constant 0 : i32
        %dma_start3A_135 = tpu.memref_slice %arg4[%add3A_31, %dma_start3A_134] : memref<2560x128xi32, #tpu.memory_space<hbm>> -> memref<4x128xi32, #tpu.memory_space<hbm>>
        %dma_start3A_136 = arith.constant 0 : i32
        %dma_start3A_137 = tpu.memref_slice %arg4[%add3A_31, %dma_start3A_136] : memref<2560x128xi32, #tpu.memory_space<hbm>> -> memref<4x128xi32, #tpu.memory_space<hbm>>
        tpu.enqueue_dma source(%dma_start3A_137 : memref<4x128xi32, #tpu.memory_space<hbm>>) target(%arg9 : memref<4x128xi32, #tpu.memory_space<vmem>>) target_semaphore(%run_scoped3A_133 : memref<!tpu.dma_semaphore, #tpu.memory_space<semaphore_mem>>)
        %dma_wait3A_138 = arith.constant 0 : i32
        %dma_wait3A_139 = tpu.memref_slice %arg4[%add3A_31, %dma_wait3A_138] : memref<2560x128xi32, #tpu.memory_space<hbm>> -> memref<4x128xi32, #tpu.memory_space<hbm>>
        %dma_wait3A_140 = arith.constant 0 : i32
        %dma_wait3A_141 = tpu.memref_slice %arg4[%add3A_31, %dma_wait3A_140] : memref<2560x128xi32, #tpu.memory_space<hbm>> -> memref<4x128xi32, #tpu.memory_space<hbm>>
        tpu.wait_dma2 semaphore(%run_scoped3A_133 : memref<!tpu.dma_semaphore, #tpu.memory_space<semaphore_mem>>) src(%dma_wait3A_141 : memref<4x128xi32, #tpu.memory_space<hbm>>) dst(%arg9 : memref<4x128xi32, #tpu.memory_space<vmem>>)
        tpu.yield
      }) : () -> ()
      %dma_start3A = arith.constant 0 : i32
      %dma_start3A_32 = arith.constant 0 : i32
      %dma_start3A_33 = arith.constant 0 : i32
      %dma_start3A_34 = arith.constant 0 : i32
      %dma_start3A_35 = tpu.memref_slice %arg10[%dma_start3A_32, %dma_start3A_33, %dma_start3A_34] : memref<4x128x64xf32, #tpu.memory_space<vmem>> -> memref<1x128x64xf32, #tpu.memory_space<vmem>>
      %dma_start3A_36 = tpu.memref_squeeze %dma_start3A_35 : memref<1x128x64xf32, #tpu.memory_space<vmem>> -> memref<128x64xf32, #tpu.memory_space<vmem>>
      %dma_start3A_37 = arith.constant 0 : i32
      %dma_start3A_38 = tpu.memref_slice %arg8[%dma_start3A, %dma_start3A_37] : memref<4x128xi32, #tpu.memory_space<vmem>> -> memref<1x128xi32, #tpu.memory_space<vmem>>
      %dma_start3A_39 = tpu.memref_squeeze %dma_start3A_38 : memref<1x128xi32, #tpu.memory_space<vmem>> -> memref<128xi32, #tpu.memory_space<vmem>>
      %dma_start3A_40 = arith.constant 0 : i32
      %dma_start3A_41 = arith.constant 0 : i32
      %dma_start3A_42 = tpu.memref_slice %arg2[%dma_start3A_40, %dma_start3A_41] : memref<10240x64xf32, #tpu.memory_space<hbm>> -> memref<10240x64xf32, #tpu.memory_space<hbm>>
      tpu.enqueue_indirect_dma source(%dma_start3A_42 : memref<10240x64xf32, #tpu.memory_space<hbm>>) target(%dma_start3A_36 : memref<128x64xf32, #tpu.memory_space<vmem>>) offsets(%dma_start3A_39 : memref<128xi32, #tpu.memory_space<vmem>>) semaphore(%arg13 : memref<!tpu.dma_semaphore, #tpu.memory_space<semaphore_mem>>)
      %dma_start3A_43 = arith.constant 1 : i32
      %dma_start3A_44 = arith.constant 1 : i32
      %dma_start3A_45 = arith.constant 0 : i32
      %dma_start3A_46 = arith.constant 0 : i32
      %dma_start3A_47 = tpu.memref_slice %arg10[%dma_start3A_44, %dma_start3A_45, %dma_start3A_46] : memref<4x128x64xf32, #tpu.memory_space<vmem>> -> memref<1x128x64xf32, #tpu.memory_space<vmem>>
      %dma_start3A_48 = tpu.memref_squeeze %dma_start3A_47 : memref<1x128x64xf32, #tpu.memory_space<vmem>> -> memref<128x64xf32, #tpu.memory_space<vmem>>
      %dma_start3A_49 = arith.constant 0 : i32
      %dma_start3A_50 = tpu.memref_slice %arg8[%dma_start3A_43, %dma_start3A_49] : memref<4x128xi32, #tpu.memory_space<vmem>> -> memref<1x128xi32, #tpu.memory_space<vmem>>
      %dma_start3A_51 = tpu.memref_squeeze %dma_start3A_50 : memref<1x128xi32, #tpu.memory_space<vmem>> -> memref<128xi32, #tpu.memory_space<vmem>>
      %dma_start3A_52 = arith.constant 0 : i32
      %dma_start3A_53 = arith.constant 0 : i32
      %dma_start3A_54 = tpu.memref_slice %arg2[%dma_start3A_52, %dma_start3A_53] : memref<10240x64xf32, #tpu.memory_space<hbm>> -> memref<10240x64xf32, #tpu.memory_space<hbm>>
      tpu.enqueue_indirect_dma source(%dma_start3A_54 : memref<10240x64xf32, #tpu.memory_space<hbm>>) target(%dma_start3A_48 : memref<128x64xf32, #tpu.memory_space<vmem>>) offsets(%dma_start3A_51 : memref<128xi32, #tpu.memory_space<vmem>>) semaphore(%arg13 : memref<!tpu.dma_semaphore, #tpu.memory_space<semaphore_mem>>)
      %dma_start3A_55 = arith.constant 2 : i32
      %dma_start3A_56 = arith.constant 2 : i32
      %dma_start3A_57 = arith.constant 0 : i32
      %dma_start3A_58 = arith.constant 0 : i32
      %dma_start3A_59 = tpu.memref_slice %arg10[%dma_start3A_56, %dma_start3A_57, %dma_start3A_58] : memref<4x128x64xf32, #tpu.memory_space<vmem>> -> memref<1x128x64xf32, #tpu.memory_space<vmem>>
      %dma_start3A_60 = tpu.memref_squeeze %dma_start3A_59 : memref<1x128x64xf32, #tpu.memory_space<vmem>> -> memref<128x64xf32, #tpu.memory_space<vmem>>
      %dma_start3A_61 = arith.constant 0 : i32
      %dma_start3A_62 = tpu.memref_slice %arg8[%dma_start3A_55, %dma_start3A_61] : memref<4x128xi32, #tpu.memory_space<vmem>> -> memref<1x128xi32, #tpu.memory_space<vmem>>
      %dma_start3A_63 = tpu.memref_squeeze %dma_start3A_62 : memref<1x128xi32, #tpu.memory_space<vmem>> -> memref<128xi32, #tpu.memory_space<vmem>>
      %dma_start3A_64 = arith.constant 0 : i32
      %dma_start3A_65 = arith.constant 0 : i32
      %dma_start3A_66 = tpu.memref_slice %arg2[%dma_start3A_64, %dma_start3A_65] : memref<10240x64xf32, #tpu.memory_space<hbm>> -> memref<10240x64xf32, #tpu.memory_space<hbm>>
      tpu.enqueue_indirect_dma source(%dma_start3A_66 : memref<10240x64xf32, #tpu.memory_space<hbm>>) target(%dma_start3A_60 : memref<128x64xf32, #tpu.memory_space<vmem>>) offsets(%dma_start3A_63 : memref<128xi32, #tpu.memory_space<vmem>>) semaphore(%arg13 : memref<!tpu.dma_semaphore, #tpu.memory_space<semaphore_mem>>)
      %dma_start3A_67 = arith.constant 3 : i32
      %dma_start3A_68 = arith.constant 3 : i32
      %dma_start3A_69 = arith.constant 0 : i32
      %dma_start3A_70 = arith.constant 0 : i32
      %dma_start3A_71 = tpu.memref_slice %arg10[%dma_start3A_68, %dma_start3A_69, %dma_start3A_70] : memref<4x128x64xf32, #tpu.memory_space<vmem>> -> memref<1x128x64xf32, #tpu.memory_space<vmem>>
      %dma_start3A_72 = tpu.memref_squeeze %dma_start3A_71 : memref<1x128x64xf32, #tpu.memory_space<vmem>> -> memref<128x64xf32, #tpu.memory_space<vmem>>
      %dma_start3A_73 = arith.constant 0 : i32
      %dma_start3A_74 = tpu.memref_slice %arg8[%dma_start3A_67, %dma_start3A_73] : memref<4x128xi32, #tpu.memory_space<vmem>> -> memref<1x128xi32, #tpu.memory_space<vmem>>
      %dma_start3A_75 = tpu.memref_squeeze %dma_start3A_74 : memref<1x128xi32, #tpu.memory_space<vmem>> -> memref<128xi32, #tpu.memory_space<vmem>>
      %dma_start3A_76 = arith.constant 0 : i32
      %dma_start3A_77 = arith.constant 0 : i32
      %dma_start3A_78 = tpu.memref_slice %arg2[%dma_start3A_76, %dma_start3A_77] : memref<10240x64xf32, #tpu.memory_space<hbm>> -> memref<10240x64xf32, #tpu.memory_space<hbm>>
      tpu.enqueue_indirect_dma source(%dma_start3A_78 : memref<10240x64xf32, #tpu.memory_space<hbm>>) target(%dma_start3A_72 : memref<128x64xf32, #tpu.memory_space<vmem>>) offsets(%dma_start3A_75 : memref<128xi32, #tpu.memory_space<vmem>>) semaphore(%arg13 : memref<!tpu.dma_semaphore, #tpu.memory_space<semaphore_mem>>)
      %dma_wait3A = arith.constant 0 : i32
      %dma_wait3A_79 = arith.constant 0 : i32
      %dma_wait3A_80 = arith.constant 0 : i32
      %dma_wait3A_81 = arith.constant 0 : i32
      %dma_wait3A_82 = tpu.memref_slice %arg10[%dma_wait3A_79, %dma_wait3A_80, %dma_wait3A_81] : memref<4x128x64xf32, #tpu.memory_space<vmem>> -> memref<1x128x64xf32, #tpu.memory_space<vmem>>
      %dma_wait3A_83 = tpu.memref_squeeze %dma_wait3A_82 : memref<1x128x64xf32, #tpu.memory_space<vmem>> -> memref<128x64xf32, #tpu.memory_space<vmem>>
      %dma_wait3A_84 = arith.constant 0 : i32
      %dma_wait3A_85 = tpu.memref_slice %arg8[%dma_wait3A, %dma_wait3A_84] : memref<4x128xi32, #tpu.memory_space<vmem>> -> memref<1x128xi32, #tpu.memory_space<vmem>>
      %dma_wait3A_86 = tpu.memref_squeeze %dma_wait3A_85 : memref<1x128xi32, #tpu.memory_space<vmem>> -> memref<128xi32, #tpu.memory_space<vmem>>
      %dma_wait3A_87 = arith.constant 0 : i32
      %dma_wait3A_88 = arith.constant 0 : i32
      %dma_wait3A_89 = tpu.memref_slice %arg2[%dma_wait3A_87, %dma_wait3A_88] : memref<10240x64xf32, #tpu.memory_space<hbm>> -> memref<10240x64xf32, #tpu.memory_space<hbm>>
      tpu.wait_indirect_dma semaphore(%arg13 : memref<!tpu.dma_semaphore, #tpu.memory_space<semaphore_mem>>) src(%dma_wait3A_89 : memref<10240x64xf32, #tpu.memory_space<hbm>>) dst(%dma_wait3A_83 : memref<128x64xf32, #tpu.memory_space<vmem>>)
      %dma_wait3A_90 = arith.constant 1 : i32
      %dma_wait3A_91 = arith.constant 1 : i32
      %dma_wait3A_92 = arith.constant 0 : i32
      %dma_wait3A_93 = arith.constant 0 : i32
      %dma_wait3A_94 = tpu.memref_slice %arg10[%dma_wait3A_91, %dma_wait3A_92, %dma_wait3A_93] : memref<4x128x64xf32, #tpu.memory_space<vmem>> -> memref<1x128x64xf32, #tpu.memory_space<vmem>>
      %dma_wait3A_95 = tpu.memref_squeeze %dma_wait3A_94 : memref<1x128x64xf32, #tpu.memory_space<vmem>> -> memref<128x64xf32, #tpu.memory_space<vmem>>
      %dma_wait3A_96 = arith.constant 0 : i32
      %dma_wait3A_97 = tpu.memref_slice %arg8[%dma_wait3A_90, %dma_wait3A_96] : memref<4x128xi32, #tpu.memory_space<vmem>> -> memref<1x128xi32, #tpu.memory_space<vmem>>
      %dma_wait3A_98 = tpu.memref_squeeze %dma_wait3A_97 : memref<1x128xi32, #tpu.memory_space<vmem>> -> memref<128xi32, #tpu.memory_space<vmem>>
      %dma_wait3A_99 = arith.constant 0 : i32
      %dma_wait3A_100 = arith.constant 0 : i32
      %dma_wait3A_101 = tpu.memref_slice %arg2[%dma_wait3A_99, %dma_wait3A_100] : memref<10240x64xf32, #tpu.memory_space<hbm>> -> memref<10240x64xf32, #tpu.memory_space<hbm>>
      tpu.wait_indirect_dma semaphore(%arg13 : memref<!tpu.dma_semaphore, #tpu.memory_space<semaphore_mem>>) src(%dma_wait3A_101 : memref<10240x64xf32, #tpu.memory_space<hbm>>) dst(%dma_wait3A_95 : memref<128x64xf32, #tpu.memory_space<vmem>>)
      %dma_wait3A_102 = arith.constant 2 : i32
      %dma_wait3A_103 = arith.constant 2 : i32
      %dma_wait3A_104 = arith.constant 0 : i32
      %dma_wait3A_105 = arith.constant 0 : i32
      %dma_wait3A_106 = tpu.memref_slice %arg10[%dma_wait3A_103, %dma_wait3A_104, %dma_wait3A_105] : memref<4x128x64xf32, #tpu.memory_space<vmem>> -> memref<1x128x64xf32, #tpu.memory_space<vmem>>
      %dma_wait3A_107 = tpu.memref_squeeze %dma_wait3A_106 : memref<1x128x64xf32, #tpu.memory_space<vmem>> -> memref<128x64xf32, #tpu.memory_space<vmem>>
      %dma_wait3A_108 = arith.constant 0 : i32
      %dma_wait3A_109 = tpu.memref_slice %arg8[%dma_wait3A_102, %dma_wait3A_108] : memref<4x128xi32, #tpu.memory_space<vmem>> -> memref<1x128xi32, #tpu.memory_space<vmem>>
      %dma_wait3A_110 = tpu.memref_squeeze %dma_wait3A_109 : memref<1x128xi32, #tpu.memory_space<vmem>> -> memref<128xi32, #tpu.memory_space<vmem>>
      %dma_wait3A_111 = arith.constant 0 : i32
      %dma_wait3A_112 = arith.constant 0 : i32
      %dma_wait3A_113 = tpu.memref_slice %arg2[%dma_wait3A_111, %dma_wait3A_112] : memref<10240x64xf32, #tpu.memory_space<hbm>> -> memref<10240x64xf32, #tpu.memory_space<hbm>>
      tpu.wait_indirect_dma semaphore(%arg13 : memref<!tpu.dma_semaphore, #tpu.memory_space<semaphore_mem>>) src(%dma_wait3A_113 : memref<10240x64xf32, #tpu.memory_space<hbm>>) dst(%dma_wait3A_107 : memref<128x64xf32, #tpu.memory_space<vmem>>)
      %dma_wait3A_114 = arith.constant 3 : i32
      %dma_wait3A_115 = arith.constant 3 : i32
      %dma_wait3A_116 = arith.constant 0 : i32
      %dma_wait3A_117 = arith.constant 0 : i32
      %dma_wait3A_118 = tpu.memref_slice %arg10[%dma_wait3A_115, %dma_wait3A_116, %dma_wait3A_117] : memref<4x128x64xf32, #tpu.memory_space<vmem>> -> memref<1x128x64xf32, #tpu.memory_space<vmem>>
      %dma_wait3A_119 = tpu.memref_squeeze %dma_wait3A_118 : memref<1x128x64xf32, #tpu.memory_space<vmem>> -> memref<128x64xf32, #tpu.memory_space<vmem>>
      %dma_wait3A_120 = arith.constant 0 : i32
      %dma_wait3A_121 = tpu.memref_slice %arg8[%dma_wait3A_114, %dma_wait3A_120] : memref<4x128xi32, #tpu.memory_space<vmem>> -> memref<1x128xi32, #tpu.memory_space<vmem>>
      %dma_wait3A_122 = tpu.memref_squeeze %dma_wait3A_121 : memref<1x128xi32, #tpu.memory_space<vmem>> -> memref<128xi32, #tpu.memory_space<vmem>>
      %dma_wait3A_123 = arith.constant 0 : i32
      %dma_wait3A_124 = arith.constant 0 : i32
      %dma_wait3A_125 = tpu.memref_slice %arg2[%dma_wait3A_123, %dma_wait3A_124] : memref<10240x64xf32, #tpu.memory_space<hbm>> -> memref<10240x64xf32, #tpu.memory_space<hbm>>
      tpu.wait_indirect_dma semaphore(%arg13 : memref<!tpu.dma_semaphore, #tpu.memory_space<semaphore_mem>>) src(%dma_wait3A_125 : memref<10240x64xf32, #tpu.memory_space<hbm>>) dst(%dma_wait3A_119 : memref<128x64xf32, #tpu.memory_space<vmem>>)
      %run_scoped3A = arith.constant 0 : i32
      %run_scoped3A_126 = arith.constant 0 : i32
      "tpu.region"() ({
        %run_scoped3A_133 = tpu.sem_alloc : memref<!tpu.dma_semaphore, #tpu.memory_space<semaphore_mem>>
        %dma_start3A_134 = arith.constant 0 : i32
        %dma_start3A_135 = arith.constant 0 : i32
        %dma_start3A_136 = tpu.memref_slice %arg10[%run_scoped3A, %dma_start3A_134, %dma_start3A_135] : memref<4x128x64xf32, #tpu.memory_space<vmem>> -> memref<1x128x64xf32, #tpu.memory_space<vmem>>
        %dma_start3A_137 = tpu.memref_squeeze %dma_start3A_136 : memref<1x128x64xf32, #tpu.memory_space<vmem>> -> memref<128x64xf32, #tpu.memory_space<vmem>>
        %dma_start3A_138 = arith.constant 0 : i32
        %dma_start3A_139 = tpu.memref_slice %arg9[%run_scoped3A_126, %dma_start3A_138] : memref<4x128xi32, #tpu.memory_space<vmem>> -> memref<1x128xi32, #tpu.memory_space<vmem>>
        %dma_start3A_140 = tpu.memref_squeeze %dma_start3A_139 : memref<1x128xi32, #tpu.memory_space<vmem>> -> memref<128xi32, #tpu.memory_space<vmem>>
        %dma_start3A_141 = arith.constant 0 : i32
        %dma_start3A_142 = arith.constant 0 : i32
        %dma_start3A_143 = tpu.memref_slice %arg12[%dma_start3A_141, %dma_start3A_142] : memref<10240x64xf32, #tpu.memory_space<vmem_shared>> -> memref<10240x64xf32, #tpu.memory_space<vmem_shared>>
        tpu.enqueue_indirect_dma source(%dma_start3A_137 : memref<128x64xf32, #tpu.memory_space<vmem>>) target(%dma_start3A_143 : memref<10240x64xf32, #tpu.memory_space<vmem_shared>>) offsets(%dma_start3A_140 : memref<128xi32, #tpu.memory_space<vmem>>) semaphore(%run_scoped3A_133 : memref<!tpu.dma_semaphore, #tpu.memory_space<semaphore_mem>>) {add = true}
        %dma_wait3A_144 = arith.constant 0 : i32
        %dma_wait3A_145 = arith.constant 0 : i32
        %dma_wait3A_146 = tpu.memref_slice %arg10[%run_scoped3A, %dma_wait3A_144, %dma_wait3A_145] : memref<4x128x64xf32, #tpu.memory_space<vmem>> -> memref<1x128x64xf32, #tpu.memory_space<vmem>>
        %dma_wait3A_147 = tpu.memref_squeeze %dma_wait3A_146 : memref<1x128x64xf32, #tpu.memory_space<vmem>> -> memref<128x64xf32, #tpu.memory_space<vmem>>
        %dma_wait3A_148 = arith.constant 0 : i32
        %dma_wait3A_149 = tpu.memref_slice %arg9[%run_scoped3A_126, %dma_wait3A_148] : memref<4x128xi32, #tpu.memory_space<vmem>> -> memref<1x128xi32, #tpu.memory_space<vmem>>
        %dma_wait3A_150 = tpu.memref_squeeze %dma_wait3A_149 : memref<1x128xi32, #tpu.memory_space<vmem>> -> memref<128xi32, #tpu.memory_space<vmem>>
        %dma_wait3A_151 = arith.constant 0 : i32
        %dma_wait3A_152 = arith.constant 0 : i32
        %dma_wait3A_153 = tpu.memref_slice %arg12[%dma_wait3A_151, %dma_wait3A_152] : memref<10240x64xf32, #tpu.memory_space<vmem_shared>> -> memref<10240x64xf32, #tpu.memory_space<vmem_shared>>
        tpu.wait_indirect_dma semaphore(%run_scoped3A_133 : memref<!tpu.dma_semaphore, #tpu.memory_space<semaphore_mem>>) src(%dma_wait3A_147 : memref<128x64xf32, #tpu.memory_space<vmem>>) dst(%dma_wait3A_153 : memref<10240x64xf32, #tpu.memory_space<vmem_shared>>)
        tpu.yield
      }) : () -> ()
      %run_scoped3A_127 = arith.constant 1 : i32
      %run_scoped3A_128 = arith.constant 1 : i32
      "tpu.region"() ({
        %run_scoped3A_133 = tpu.sem_alloc : memref<!tpu.dma_semaphore, #tpu.memory_space<semaphore_mem>>
        %dma_start3A_134 = arith.constant 0 : i32
        %dma_start3A_135 = arith.constant 0 : i32
        %dma_start3A_136 = tpu.memref_slice %arg10[%run_scoped3A_127, %dma_start3A_134, %dma_start3A_135] : memref<4x128x64xf32, #tpu.memory_space<vmem>> -> memref<1x128x64xf32, #tpu.memory_space<vmem>>
        %dma_start3A_137 = tpu.memref_squeeze %dma_start3A_136 : memref<1x128x64xf32, #tpu.memory_space<vmem>> -> memref<128x64xf32, #tpu.memory_space<vmem>>
        %dma_start3A_138 = arith.constant 0 : i32
        %dma_start3A_139 = tpu.memref_slice %arg9[%run_scoped3A_128, %dma_start3A_138] : memref<4x128xi32, #tpu.memory_space<vmem>> -> memref<1x128xi32, #tpu.memory_space<vmem>>
        %dma_start3A_140 = tpu.memref_squeeze %dma_start3A_139 : memref<1x128xi32, #tpu.memory_space<vmem>> -> memref<128xi32, #tpu.memory_space<vmem>>
        %dma_start3A_141 = arith.constant 0 : i32
        %dma_start3A_142 = arith.constant 0 : i32
        %dma_start3A_143 = tpu.memref_slice %arg12[%dma_start3A_141, %dma_start3A_142] : memref<10240x64xf32, #tpu.memory_space<vmem_shared>> -> memref<10240x64xf32, #tpu.memory_space<vmem_shared>>
        tpu.enqueue_indirect_dma source(%dma_start3A_137 : memref<128x64xf32, #tpu.memory_space<vmem>>) target(%dma_start3A_143 : memref<10240x64xf32, #tpu.memory_space<vmem_shared>>) offsets(%dma_start3A_140 : memref<128xi32, #tpu.memory_space<vmem>>) semaphore(%run_scoped3A_133 : memref<!tpu.dma_semaphore, #tpu.memory_space<semaphore_mem>>) {add = true}
        %dma_wait3A_144 = arith.constant 0 : i32
        %dma_wait3A_145 = arith.constant 0 : i32
        %dma_wait3A_146 = tpu.memref_slice %arg10[%run_scoped3A_127, %dma_wait3A_144, %dma_wait3A_145] : memref<4x128x64xf32, #tpu.memory_space<vmem>> -> memref<1x128x64xf32, #tpu.memory_space<vmem>>
        %dma_wait3A_147 = tpu.memref_squeeze %dma_wait3A_146 : memref<1x128x64xf32, #tpu.memory_space<vmem>> -> memref<128x64xf32, #tpu.memory_space<vmem>>
        %dma_wait3A_148 = arith.constant 0 : i32
        %dma_wait3A_149 = tpu.memref_slice %arg9[%run_scoped3A_128, %dma_wait3A_148] : memref<4x128xi32, #tpu.memory_space<vmem>> -> memref<1x128xi32, #tpu.memory_space<vmem>>
        %dma_wait3A_150 = tpu.memref_squeeze %dma_wait3A_149 : memref<1x128xi32, #tpu.memory_space<vmem>> -> memref<128xi32, #tpu.memory_space<vmem>>
        %dma_wait3A_151 = arith.constant 0 : i32
        %dma_wait3A_152 = arith.constant 0 : i32
        %dma_wait3A_153 = tpu.memref_slice %arg12[%dma_wait3A_151, %dma_wait3A_152] : memref<10240x64xf32, #tpu.memory_space<vmem_shared>> -> memref<10240x64xf32, #tpu.memory_space<vmem_shared>>
        tpu.wait_indirect_dma semaphore(%run_scoped3A_133 : memref<!tpu.dma_semaphore, #tpu.memory_space<semaphore_mem>>) src(%dma_wait3A_147 : memref<128x64xf32, #tpu.memory_space<vmem>>) dst(%dma_wait3A_153 : memref<10240x64xf32, #tpu.memory_space<vmem_shared>>)
        tpu.yield
      }) : () -> ()
      %run_scoped3A_129 = arith.constant 2 : i32
      %run_scoped3A_130 = arith.constant 2 : i32
      "tpu.region"() ({
        %run_scoped3A_133 = tpu.sem_alloc : memref<!tpu.dma_semaphore, #tpu.memory_space<semaphore_mem>>
        %dma_start3A_134 = arith.constant 0 : i32
        %dma_start3A_135 = arith.constant 0 : i32
        %dma_start3A_136 = tpu.memref_slice %arg10[%run_scoped3A_129, %dma_start3A_134, %dma_start3A_135] : memref<4x128x64xf32, #tpu.memory_space<vmem>> -> memref<1x128x64xf32, #tpu.memory_space<vmem>>
        %dma_start3A_137 = tpu.memref_squeeze %dma_start3A_136 : memref<1x128x64xf32, #tpu.memory_space<vmem>> -> memref<128x64xf32, #tpu.memory_space<vmem>>
        %dma_start3A_138 = arith.constant 0 : i32
        %dma_start3A_139 = tpu.memref_slice %arg9[%run_scoped3A_130, %dma_start3A_138] : memref<4x128xi32, #tpu.memory_space<vmem>> -> memref<1x128xi32, #tpu.memory_space<vmem>>
        %dma_start3A_140 = tpu.memref_squeeze %dma_start3A_139 : memref<1x128xi32, #tpu.memory_space<vmem>> -> memref<128xi32, #tpu.memory_space<vmem>>
        %dma_start3A_141 = arith.constant 0 : i32
        %dma_start3A_142 = arith.constant 0 : i32
        %dma_start3A_143 = tpu.memref_slice %arg12[%dma_start3A_141, %dma_start3A_142] : memref<10240x64xf32, #tpu.memory_space<vmem_shared>> -> memref<10240x64xf32, #tpu.memory_space<vmem_shared>>
        tpu.enqueue_indirect_dma source(%dma_start3A_137 : memref<128x64xf32, #tpu.memory_space<vmem>>) target(%dma_start3A_143 : memref<10240x64xf32, #tpu.memory_space<vmem_shared>>) offsets(%dma_start3A_140 : memref<128xi32, #tpu.memory_space<vmem>>) semaphore(%run_scoped3A_133 : memref<!tpu.dma_semaphore, #tpu.memory_space<semaphore_mem>>) {add = true}
        %dma_wait3A_144 = arith.constant 0 : i32
        %dma_wait3A_145 = arith.constant 0 : i32
        %dma_wait3A_146 = tpu.memref_slice %arg10[%run_scoped3A_129, %dma_wait3A_144, %dma_wait3A_145] : memref<4x128x64xf32, #tpu.memory_space<vmem>> -> memref<1x128x64xf32, #tpu.memory_space<vmem>>
        %dma_wait3A_147 = tpu.memref_squeeze %dma_wait3A_146 : memref<1x128x64xf32, #tpu.memory_space<vmem>> -> memref<128x64xf32, #tpu.memory_space<vmem>>
        %dma_wait3A_148 = arith.constant 0 : i32
        %dma_wait3A_149 = tpu.memref_slice %arg9[%run_scoped3A_130, %dma_wait3A_148] : memref<4x128xi32, #tpu.memory_space<vmem>> -> memref<1x128xi32, #tpu.memory_space<vmem>>
        %dma_wait3A_150 = tpu.memref_squeeze %dma_wait3A_149 : memref<1x128xi32, #tpu.memory_space<vmem>> -> memref<128xi32, #tpu.memory_space<vmem>>
        %dma_wait3A_151 = arith.constant 0 : i32
        %dma_wait3A_152 = arith.constant 0 : i32
        %dma_wait3A_153 = tpu.memref_slice %arg12[%dma_wait3A_151, %dma_wait3A_152] : memref<10240x64xf32, #tpu.memory_space<vmem_shared>> -> memref<10240x64xf32, #tpu.memory_space<vmem_shared>>
        tpu.wait_indirect_dma semaphore(%run_scoped3A_133 : memref<!tpu.dma_semaphore, #tpu.memory_space<semaphore_mem>>) src(%dma_wait3A_147 : memref<128x64xf32, #tpu.memory_space<vmem>>) dst(%dma_wait3A_153 : memref<10240x64xf32, #tpu.memory_space<vmem_shared>>)
        tpu.yield
      }) : () -> ()
      %run_scoped3A_131 = arith.constant 3 : i32
      %run_scoped3A_132 = arith.constant 3 : i32
      "tpu.region"() ({
        %run_scoped3A_133 = tpu.sem_alloc : memref<!tpu.dma_semaphore, #tpu.memory_space<semaphore_mem>>
        %dma_start3A_134 = arith.constant 0 : i32
        %dma_start3A_135 = arith.constant 0 : i32
        %dma_start3A_136 = tpu.memref_slice %arg10[%run_scoped3A_131, %dma_start3A_134, %dma_start3A_135] : memref<4x128x64xf32, #tpu.memory_space<vmem>> -> memref<1x128x64xf32, #tpu.memory_space<vmem>>
        %dma_start3A_137 = tpu.memref_squeeze %dma_start3A_136 : memref<1x128x64xf32, #tpu.memory_space<vmem>> -> memref<128x64xf32, #tpu.memory_space<vmem>>
        %dma_start3A_138 = arith.constant 0 : i32
        %dma_start3A_139 = tpu.memref_slice %arg9[%run_scoped3A_132, %dma_start3A_138] : memref<4x128xi32, #tpu.memory_space<vmem>> -> memref<1x128xi32, #tpu.memory_space<vmem>>
        %dma_start3A_140 = tpu.memref_squeeze %dma_start3A_139 : memref<1x128xi32, #tpu.memory_space<vmem>> -> memref<128xi32, #tpu.memory_space<vmem>>
        %dma_start3A_141 = arith.constant 0 : i32
        %dma_start3A_142 = arith.constant 0 : i32
        %dma_start3A_143 = tpu.memref_slice %arg12[%dma_start3A_141, %dma_start3A_142] : memref<10240x64xf32, #tpu.memory_space<vmem_shared>> -> memref<10240x64xf32, #tpu.memory_space<vmem_shared>>
        tpu.enqueue_indirect_dma source(%dma_start3A_137 : memref<128x64xf32, #tpu.memory_space<vmem>>) target(%dma_start3A_143 : memref<10240x64xf32, #tpu.memory_space<vmem_shared>>) offsets(%dma_start3A_140 : memref<128xi32, #tpu.memory_space<vmem>>) semaphore(%run_scoped3A_133 : memref<!tpu.dma_semaphore, #tpu.memory_space<semaphore_mem>>) {add = true}
        %dma_wait3A_144 = arith.constant 0 : i32
        %dma_wait3A_145 = arith.constant 0 : i32
        %dma_wait3A_146 = tpu.memref_slice %arg10[%run_scoped3A_131, %dma_wait3A_144, %dma_wait3A_145] : memref<4x128x64xf32, #tpu.memory_space<vmem>> -> memref<1x128x64xf32, #tpu.memory_space<vmem>>
        %dma_wait3A_147 = tpu.memref_squeeze %dma_wait3A_146 : memref<1x128x64xf32, #tpu.memory_space<vmem>> -> memref<128x64xf32, #tpu.memory_space<vmem>>
        %dma_wait3A_148 = arith.constant 0 : i32
        %dma_wait3A_149 = tpu.memref_slice %arg9[%run_scoped3A_132, %dma_wait3A_148] : memref<4x128xi32, #tpu.memory_space<vmem>> -> memref<1x128xi32, #tpu.memory_space<vmem>>
        %dma_wait3A_150 = tpu.memref_squeeze %dma_wait3A_149 : memref<1x128xi32, #tpu.memory_space<vmem>> -> memref<128xi32, #tpu.memory_space<vmem>>
        %dma_wait3A_151 = arith.constant 0 : i32
        %dma_wait3A_152 = arith.constant 0 : i32
        %dma_wait3A_153 = tpu.memref_slice %arg12[%dma_wait3A_151, %dma_wait3A_152] : memref<10240x64xf32, #tpu.memory_space<vmem_shared>> -> memref<10240x64xf32, #tpu.memory_space<vmem_shared>>
        tpu.wait_indirect_dma semaphore(%run_scoped3A_133 : memref<!tpu.dma_semaphore, #tpu.memory_space<semaphore_mem>>) src(%dma_wait3A_147 : memref<128x64xf32, #tpu.memory_space<vmem>>) dst(%dma_wait3A_153 : memref<10240x64xf32, #tpu.memory_space<vmem_shared>>)
        tpu.yield
      }) : () -> ()
    }
    %scan3A_17 = arith.constant 20 : i32
    %barrier3A_18 = arith.constant 0 : index
    tpu.barrier barrier_id(%barrier3A_18)
    %eq3A = arith.constant 0 : i32
    %eq3A_19 = arith.cmpi eq, %arg0, %eq3A : i32
    %convert_element_type3A = arith.extui %eq3A_19 : i1 to i32
    %cond3A = arith.constant 0 : i32
    %cond3A_20 = arith.cmpi ne, %convert_element_type3A, %cond3A : i32
    scf.if %cond3A_20 {
      "tpu.region"() ({
        %run_scoped3A = tpu.sem_alloc : memref<!tpu.dma_semaphore, #tpu.memory_space<semaphore_mem>>
        %dma_start3A = arith.constant 0 : i32
        %dma_start3A_26 = tpu.memref_slice %arg6[%mul3A_0, %dma_start3A] : memref<10240x64xf32, #tpu.memory_space<hbm>> -> memref<640x64xf32, #tpu.memory_space<hbm>>
        %dma_start3A_27 = arith.constant 0 : i32
        %dma_start3A_28 = tpu.memref_slice %arg12[%mul3A_0, %dma_start3A_27] : memref<10240x64xf32, #tpu.memory_space<vmem_shared>> -> memref<640x64xf32, #tpu.memory_space<vmem_shared>>
        tpu.enqueue_dma source(%dma_start3A_28 : memref<640x64xf32, #tpu.memory_space<vmem_shared>>) target(%dma_start3A_26 : memref<640x64xf32, #tpu.memory_space<hbm>>) target_semaphore(%run_scoped3A : memref<!tpu.dma_semaphore, #tpu.memory_space<semaphore_mem>>)
        %dma_wait3A = arith.constant 0 : i32
        %dma_wait3A_29 = tpu.memref_slice %arg6[%mul3A_0, %dma_wait3A] : memref<10240x64xf32, #tpu.memory_space<hbm>> -> memref<640x64xf32, #tpu.memory_space<hbm>>
        %dma_wait3A_30 = arith.constant 0 : i32
        %dma_wait3A_31 = tpu.memref_slice %arg12[%mul3A_0, %dma_wait3A_30] : memref<10240x64xf32, #tpu.memory_space<vmem_shared>> -> memref<640x64xf32, #tpu.memory_space<vmem_shared>>
        tpu.wait_dma2 semaphore(%run_scoped3A : memref<!tpu.dma_semaphore, #tpu.memory_space<semaphore_mem>>) src(%dma_wait3A_31 : memref<640x64xf32, #tpu.memory_space<vmem_shared>>) dst(%dma_wait3A_29 : memref<640x64xf32, #tpu.memory_space<hbm>>)
        tpu.yield
      }) : () -> ()
    } else {
    }
    %eq3A_21 = arith.constant 1 : i32
    %eq3A_22 = arith.cmpi eq, %arg0, %eq3A_21 : i32
    %convert_element_type3A_23 = arith.extui %eq3A_22 : i1 to i32
    %cond3A_24 = arith.constant 0 : i32
    %cond3A_25 = arith.cmpi ne, %convert_element_type3A_23, %cond3A_24 : i32
    scf.if %cond3A_25 {
      "tpu.region"() ({
        %run_scoped3A = tpu.sem_alloc : memref<!tpu.dma_semaphore, #tpu.memory_space<semaphore_mem>>
        %dma_start3A = arith.constant 0 : i32
        %dma_start3A_26 = tpu.memref_slice %arg7[%mul3A_0, %dma_start3A] : memref<10240x64xf32, #tpu.memory_space<hbm>> -> memref<640x64xf32, #tpu.memory_space<hbm>>
        %dma_start3A_27 = arith.constant 0 : i32
        %dma_start3A_28 = tpu.memref_slice %arg12[%mul3A_0, %dma_start3A_27] : memref<10240x64xf32, #tpu.memory_space<vmem_shared>> -> memref<640x64xf32, #tpu.memory_space<vmem_shared>>
        tpu.enqueue_dma source(%dma_start3A_28 : memref<640x64xf32, #tpu.memory_space<vmem_shared>>) target(%dma_start3A_26 : memref<640x64xf32, #tpu.memory_space<hbm>>) target_semaphore(%run_scoped3A : memref<!tpu.dma_semaphore, #tpu.memory_space<semaphore_mem>>)
        %dma_wait3A = arith.constant 0 : i32
        %dma_wait3A_29 = tpu.memref_slice %arg7[%mul3A_0, %dma_wait3A] : memref<10240x64xf32, #tpu.memory_space<hbm>> -> memref<640x64xf32, #tpu.memory_space<hbm>>
        %dma_wait3A_30 = arith.constant 0 : i32
        %dma_wait3A_31 = tpu.memref_slice %arg12[%mul3A_0, %dma_wait3A_30] : memref<10240x64xf32, #tpu.memory_space<vmem_shared>> -> memref<640x64xf32, #tpu.memory_space<vmem_shared>>
        tpu.wait_dma2 semaphore(%run_scoped3A : memref<!tpu.dma_semaphore, #tpu.memory_space<semaphore_mem>>) src(%dma_wait3A_31 : memref<640x64xf32, #tpu.memory_space<vmem_shared>>) dst(%dma_wait3A_29 : memref<640x64xf32, #tpu.memory_space<hbm>>)
        tpu.yield
      }) : () -> ()
    } else {
    }
    return
  }
}

#map = affine_map<(d0, d1) -> (0, 0)>
module attributes {stable_mosaic.version = 14 : i64} {
  func.func @agg(%arg0: i32, %arg1: i32, %arg2: memref<10240x32xf32, #tpu.memory_space<hbm>>, %arg3: memref<2560x128xi32, #tpu.memory_space<hbm>>, %arg4: memref<2560x128xi32, #tpu.memory_space<hbm>>, %arg5: memref<128x32xf32, #tpu.memory_space<hbm>>, %arg6: memref<10240x32xf32, #tpu.memory_space<hbm>>, %arg7: memref<10240x32xf32, #tpu.memory_space<hbm>>, %arg8: memref<4x128xi32, #tpu.memory_space<vmem>>, %arg9: memref<4x128xi32, #tpu.memory_space<vmem>>, %arg10: memref<4x128x32xf32, #tpu.memory_space<vmem>>, %arg11: memref<128x32xf32, #tpu.memory_space<vmem>>, %arg12: memref<10240x32xf32, #tpu.memory_space<vmem_shared>>, %arg13: memref<!tpu.dma_semaphore, #tpu.memory_space<semaphore_mem>>) attributes {dimension_semantics = [#tpu.dimension_semantics<core_parallel>, #tpu.dimension_semantics<subcore_parallel>], iteration_bounds = array<i64: 2, 16>, scalar_prefetch = 0 : i64, scratch_operands = 6 : i64, tpu.core_type = #tpu.core_type<sc_vector_subcore>, window_params = [{transform_indices = #map}, {transform_indices = #map}, {transform_indices = #map}, {transform_indices = #map}, {transform_indices = #map}, {transform_indices = #map}]} {
    %mul3A = arith.constant 640 : i32
    %mul3A_0 = arith.muli %arg1, %mul3A : i32
    "tpu.region"() ({
      %run_scoped3A = tpu.sem_alloc : memref<!tpu.dma_semaphore, #tpu.memory_space<semaphore_mem>>
      tpu.enqueue_dma source(%arg5 : memref<128x32xf32, #tpu.memory_space<hbm>>) target(%arg11 : memref<128x32xf32, #tpu.memory_space<vmem>>) target_semaphore(%run_scoped3A : memref<!tpu.dma_semaphore, #tpu.memory_space<semaphore_mem>>)
      tpu.wait_dma2 semaphore(%run_scoped3A : memref<!tpu.dma_semaphore, #tpu.memory_space<semaphore_mem>>) src(%arg5 : memref<128x32xf32, #tpu.memory_space<hbm>>) dst(%arg11 : memref<128x32xf32, #tpu.memory_space<vmem>>)
      tpu.yield
    }) : () -> ()
    %add3A = arith.constant 0 : i32
    %add3A_1 = arith.addi %mul3A_0, %add3A : i32
    "tpu.region"() ({
      %run_scoped3A = tpu.sem_alloc : memref<!tpu.dma_semaphore, #tpu.memory_space<semaphore_mem>>
      %dma_start3A = arith.constant 0 : i32
      %dma_start3A_26 = tpu.memref_slice %arg12[%add3A_1, %dma_start3A] : memref<10240x32xf32, #tpu.memory_space<vmem_shared>> -> memref<128x32xf32, #tpu.memory_space<vmem_shared>>
      %dma_start3A_27 = arith.constant 0 : i32
      %dma_start3A_28 = tpu.memref_slice %arg12[%add3A_1, %dma_start3A_27] : memref<10240x32xf32, #tpu.memory_space<vmem_shared>> -> memref<128x32xf32, #tpu.memory_space<vmem_shared>>
      tpu.enqueue_dma source(%arg11 : memref<128x32xf32, #tpu.memory_space<vmem>>) target(%dma_start3A_28 : memref<128x32xf32, #tpu.memory_space<vmem_shared>>) target_semaphore(%run_scoped3A : memref<!tpu.dma_semaphore, #tpu.memory_space<semaphore_mem>>)
      %dma_wait3A = arith.constant 0 : i32
      %dma_wait3A_29 = tpu.memref_slice %arg12[%add3A_1, %dma_wait3A] : memref<10240x32xf32, #tpu.memory_space<vmem_shared>> -> memref<128x32xf32, #tpu.memory_space<vmem_shared>>
      %dma_wait3A_30 = arith.constant 0 : i32
      %dma_wait3A_31 = tpu.memref_slice %arg12[%add3A_1, %dma_wait3A_30] : memref<10240x32xf32, #tpu.memory_space<vmem_shared>> -> memref<128x32xf32, #tpu.memory_space<vmem_shared>>
      tpu.wait_dma2 semaphore(%run_scoped3A : memref<!tpu.dma_semaphore, #tpu.memory_space<semaphore_mem>>) src(%arg11 : memref<128x32xf32, #tpu.memory_space<vmem>>) dst(%dma_wait3A_31 : memref<128x32xf32, #tpu.memory_space<vmem_shared>>)
      tpu.yield
    }) : () -> ()
    %add3A_2 = arith.constant 128 : i32
    %add3A_3 = arith.addi %mul3A_0, %add3A_2 : i32
    "tpu.region"() ({
      %run_scoped3A = tpu.sem_alloc : memref<!tpu.dma_semaphore, #tpu.memory_space<semaphore_mem>>
      %dma_start3A = arith.constant 0 : i32
      %dma_start3A_26 = tpu.memref_slice %arg12[%add3A_3, %dma_start3A] : memref<10240x32xf32, #tpu.memory_space<vmem_shared>> -> memref<128x32xf32, #tpu.memory_space<vmem_shared>>
      %dma_start3A_27 = arith.constant 0 : i32
      %dma_start3A_28 = tpu.memref_slice %arg12[%add3A_3, %dma_start3A_27] : memref<10240x32xf32, #tpu.memory_space<vmem_shared>> -> memref<128x32xf32, #tpu.memory_space<vmem_shared>>
      tpu.enqueue_dma source(%arg11 : memref<128x32xf32, #tpu.memory_space<vmem>>) target(%dma_start3A_28 : memref<128x32xf32, #tpu.memory_space<vmem_shared>>) target_semaphore(%run_scoped3A : memref<!tpu.dma_semaphore, #tpu.memory_space<semaphore_mem>>)
      %dma_wait3A = arith.constant 0 : i32
      %dma_wait3A_29 = tpu.memref_slice %arg12[%add3A_3, %dma_wait3A] : memref<10240x32xf32, #tpu.memory_space<vmem_shared>> -> memref<128x32xf32, #tpu.memory_space<vmem_shared>>
      %dma_wait3A_30 = arith.constant 0 : i32
      %dma_wait3A_31 = tpu.memref_slice %arg12[%add3A_3, %dma_wait3A_30] : memref<10240x32xf32, #tpu.memory_space<vmem_shared>> -> memref<128x32xf32, #tpu.memory_space<vmem_shared>>
      tpu.wait_dma2 semaphore(%run_scoped3A : memref<!tpu.dma_semaphore, #tpu.memory_space<semaphore_mem>>) src(%arg11 : memref<128x32xf32, #tpu.memory_space<vmem>>) dst(%dma_wait3A_31 : memref<128x32xf32, #tpu.memory_space<vmem_shared>>)
      tpu.yield
    }) : () -> ()
    %add3A_4 = arith.constant 256 : i32
    %add3A_5 = arith.addi %mul3A_0, %add3A_4 : i32
    "tpu.region"() ({
      %run_scoped3A = tpu.sem_alloc : memref<!tpu.dma_semaphore, #tpu.memory_space<semaphore_mem>>
      %dma_start3A = arith.constant 0 : i32
      %dma_start3A_26 = tpu.memref_slice %arg12[%add3A_5, %dma_start3A] : memref<10240x32xf32, #tpu.memory_space<vmem_shared>> -> memref<128x32xf32, #tpu.memory_space<vmem_shared>>
      %dma_start3A_27 = arith.constant 0 : i32
      %dma_start3A_28 = tpu.memref_slice %arg12[%add3A_5, %dma_start3A_27] : memref<10240x32xf32, #tpu.memory_space<vmem_shared>> -> memref<128x32xf32, #tpu.memory_space<vmem_shared>>
      tpu.enqueue_dma source(%arg11 : memref<128x32xf32, #tpu.memory_space<vmem>>) target(%dma_start3A_28 : memref<128x32xf32, #tpu.memory_space<vmem_shared>>) target_semaphore(%run_scoped3A : memref<!tpu.dma_semaphore, #tpu.memory_space<semaphore_mem>>)
      %dma_wait3A = arith.constant 0 : i32
      %dma_wait3A_29 = tpu.memref_slice %arg12[%add3A_5, %dma_wait3A] : memref<10240x32xf32, #tpu.memory_space<vmem_shared>> -> memref<128x32xf32, #tpu.memory_space<vmem_shared>>
      %dma_wait3A_30 = arith.constant 0 : i32
      %dma_wait3A_31 = tpu.memref_slice %arg12[%add3A_5, %dma_wait3A_30] : memref<10240x32xf32, #tpu.memory_space<vmem_shared>> -> memref<128x32xf32, #tpu.memory_space<vmem_shared>>
      tpu.wait_dma2 semaphore(%run_scoped3A : memref<!tpu.dma_semaphore, #tpu.memory_space<semaphore_mem>>) src(%arg11 : memref<128x32xf32, #tpu.memory_space<vmem>>) dst(%dma_wait3A_31 : memref<128x32xf32, #tpu.memory_space<vmem_shared>>)
      tpu.yield
    }) : () -> ()
    %add3A_6 = arith.constant 384 : i32
    %add3A_7 = arith.addi %mul3A_0, %add3A_6 : i32
    "tpu.region"() ({
      %run_scoped3A = tpu.sem_alloc : memref<!tpu.dma_semaphore, #tpu.memory_space<semaphore_mem>>
      %dma_start3A = arith.constant 0 : i32
      %dma_start3A_26 = tpu.memref_slice %arg12[%add3A_7, %dma_start3A] : memref<10240x32xf32, #tpu.memory_space<vmem_shared>> -> memref<128x32xf32, #tpu.memory_space<vmem_shared>>
      %dma_start3A_27 = arith.constant 0 : i32
      %dma_start3A_28 = tpu.memref_slice %arg12[%add3A_7, %dma_start3A_27] : memref<10240x32xf32, #tpu.memory_space<vmem_shared>> -> memref<128x32xf32, #tpu.memory_space<vmem_shared>>
      tpu.enqueue_dma source(%arg11 : memref<128x32xf32, #tpu.memory_space<vmem>>) target(%dma_start3A_28 : memref<128x32xf32, #tpu.memory_space<vmem_shared>>) target_semaphore(%run_scoped3A : memref<!tpu.dma_semaphore, #tpu.memory_space<semaphore_mem>>)
      %dma_wait3A = arith.constant 0 : i32
      %dma_wait3A_29 = tpu.memref_slice %arg12[%add3A_7, %dma_wait3A] : memref<10240x32xf32, #tpu.memory_space<vmem_shared>> -> memref<128x32xf32, #tpu.memory_space<vmem_shared>>
      %dma_wait3A_30 = arith.constant 0 : i32
      %dma_wait3A_31 = tpu.memref_slice %arg12[%add3A_7, %dma_wait3A_30] : memref<10240x32xf32, #tpu.memory_space<vmem_shared>> -> memref<128x32xf32, #tpu.memory_space<vmem_shared>>
      tpu.wait_dma2 semaphore(%run_scoped3A : memref<!tpu.dma_semaphore, #tpu.memory_space<semaphore_mem>>) src(%arg11 : memref<128x32xf32, #tpu.memory_space<vmem>>) dst(%dma_wait3A_31 : memref<128x32xf32, #tpu.memory_space<vmem_shared>>)
      tpu.yield
    }) : () -> ()
    %add3A_8 = arith.constant 512 : i32
    %add3A_9 = arith.addi %mul3A_0, %add3A_8 : i32
    "tpu.region"() ({
      %run_scoped3A = tpu.sem_alloc : memref<!tpu.dma_semaphore, #tpu.memory_space<semaphore_mem>>
      %dma_start3A = arith.constant 0 : i32
      %dma_start3A_26 = tpu.memref_slice %arg12[%add3A_9, %dma_start3A] : memref<10240x32xf32, #tpu.memory_space<vmem_shared>> -> memref<128x32xf32, #tpu.memory_space<vmem_shared>>
      %dma_start3A_27 = arith.constant 0 : i32
      %dma_start3A_28 = tpu.memref_slice %arg12[%add3A_9, %dma_start3A_27] : memref<10240x32xf32, #tpu.memory_space<vmem_shared>> -> memref<128x32xf32, #tpu.memory_space<vmem_shared>>
      tpu.enqueue_dma source(%arg11 : memref<128x32xf32, #tpu.memory_space<vmem>>) target(%dma_start3A_28 : memref<128x32xf32, #tpu.memory_space<vmem_shared>>) target_semaphore(%run_scoped3A : memref<!tpu.dma_semaphore, #tpu.memory_space<semaphore_mem>>)
      %dma_wait3A = arith.constant 0 : i32
      %dma_wait3A_29 = tpu.memref_slice %arg12[%add3A_9, %dma_wait3A] : memref<10240x32xf32, #tpu.memory_space<vmem_shared>> -> memref<128x32xf32, #tpu.memory_space<vmem_shared>>
      %dma_wait3A_30 = arith.constant 0 : i32
      %dma_wait3A_31 = tpu.memref_slice %arg12[%add3A_9, %dma_wait3A_30] : memref<10240x32xf32, #tpu.memory_space<vmem_shared>> -> memref<128x32xf32, #tpu.memory_space<vmem_shared>>
      tpu.wait_dma2 semaphore(%run_scoped3A : memref<!tpu.dma_semaphore, #tpu.memory_space<semaphore_mem>>) src(%arg11 : memref<128x32xf32, #tpu.memory_space<vmem>>) dst(%dma_wait3A_31 : memref<128x32xf32, #tpu.memory_space<vmem_shared>>)
      tpu.yield
    }) : () -> ()
    %barrier3A = arith.constant 0 : index
    tpu.barrier barrier_id(%barrier3A)
    %mul3A_10 = arith.constant 16 : i32
    %mul3A_11 = arith.muli %arg0, %mul3A_10 : i32
    %add3A_12 = arith.addi %mul3A_11, %arg1 : i32
    %scan3A = arith.constant 0 : i32
    %scan3A_13 = arith.constant 0 : i32
    %scan3A_14 = arith.constant 20 : i32
    %scan3A_15 = arith.addi %scan3A_13, %scan3A_14 : i32
    %scan3A_16 = arith.constant 1 : i32
    scf.for %scan3A_26 = %scan3A_13 to %scan3A_15 step %scan3A_16  : i32 {
      %mul3A_27 = arith.constant 80 : i32
      %mul3A_28 = arith.muli %add3A_12, %mul3A_27 : i32
      %mul3A_29 = arith.constant 4 : i32
      %mul3A_30 = arith.muli %scan3A_26, %mul3A_29 : i32
      %add3A_31 = arith.addi %mul3A_28, %mul3A_30 : i32
      "tpu.region"() ({
        %run_scoped3A_133 = tpu.sem_alloc : memref<!tpu.dma_semaphore, #tpu.memory_space<semaphore_mem>>
        %dma_start3A_134 = arith.constant 0 : i32
        %dma_start3A_135 = tpu.memref_slice %arg3[%add3A_31, %dma_start3A_134] : memref<2560x128xi32, #tpu.memory_space<hbm>> -> memref<4x128xi32, #tpu.memory_space<hbm>>
        %dma_start3A_136 = arith.constant 0 : i32
        %dma_start3A_137 = tpu.memref_slice %arg3[%add3A_31, %dma_start3A_136] : memref<2560x128xi32, #tpu.memory_space<hbm>> -> memref<4x128xi32, #tpu.memory_space<hbm>>
        tpu.enqueue_dma source(%dma_start3A_137 : memref<4x128xi32, #tpu.memory_space<hbm>>) target(%arg8 : memref<4x128xi32, #tpu.memory_space<vmem>>) target_semaphore(%run_scoped3A_133 : memref<!tpu.dma_semaphore, #tpu.memory_space<semaphore_mem>>)
        %dma_wait3A_138 = arith.constant 0 : i32
        %dma_wait3A_139 = tpu.memref_slice %arg3[%add3A_31, %dma_wait3A_138] : memref<2560x128xi32, #tpu.memory_space<hbm>> -> memref<4x128xi32, #tpu.memory_space<hbm>>
        %dma_wait3A_140 = arith.constant 0 : i32
        %dma_wait3A_141 = tpu.memref_slice %arg3[%add3A_31, %dma_wait3A_140] : memref<2560x128xi32, #tpu.memory_space<hbm>> -> memref<4x128xi32, #tpu.memory_space<hbm>>
        tpu.wait_dma2 semaphore(%run_scoped3A_133 : memref<!tpu.dma_semaphore, #tpu.memory_space<semaphore_mem>>) src(%dma_wait3A_141 : memref<4x128xi32, #tpu.memory_space<hbm>>) dst(%arg8 : memref<4x128xi32, #tpu.memory_space<vmem>>)
        tpu.yield
      }) : () -> ()
      "tpu.region"() ({
        %run_scoped3A_133 = tpu.sem_alloc : memref<!tpu.dma_semaphore, #tpu.memory_space<semaphore_mem>>
        %dma_start3A_134 = arith.constant 0 : i32
        %dma_start3A_135 = tpu.memref_slice %arg4[%add3A_31, %dma_start3A_134] : memref<2560x128xi32, #tpu.memory_space<hbm>> -> memref<4x128xi32, #tpu.memory_space<hbm>>
        %dma_start3A_136 = arith.constant 0 : i32
        %dma_start3A_137 = tpu.memref_slice %arg4[%add3A_31, %dma_start3A_136] : memref<2560x128xi32, #tpu.memory_space<hbm>> -> memref<4x128xi32, #tpu.memory_space<hbm>>
        tpu.enqueue_dma source(%dma_start3A_137 : memref<4x128xi32, #tpu.memory_space<hbm>>) target(%arg9 : memref<4x128xi32, #tpu.memory_space<vmem>>) target_semaphore(%run_scoped3A_133 : memref<!tpu.dma_semaphore, #tpu.memory_space<semaphore_mem>>)
        %dma_wait3A_138 = arith.constant 0 : i32
        %dma_wait3A_139 = tpu.memref_slice %arg4[%add3A_31, %dma_wait3A_138] : memref<2560x128xi32, #tpu.memory_space<hbm>> -> memref<4x128xi32, #tpu.memory_space<hbm>>
        %dma_wait3A_140 = arith.constant 0 : i32
        %dma_wait3A_141 = tpu.memref_slice %arg4[%add3A_31, %dma_wait3A_140] : memref<2560x128xi32, #tpu.memory_space<hbm>> -> memref<4x128xi32, #tpu.memory_space<hbm>>
        tpu.wait_dma2 semaphore(%run_scoped3A_133 : memref<!tpu.dma_semaphore, #tpu.memory_space<semaphore_mem>>) src(%dma_wait3A_141 : memref<4x128xi32, #tpu.memory_space<hbm>>) dst(%arg9 : memref<4x128xi32, #tpu.memory_space<vmem>>)
        tpu.yield
      }) : () -> ()
      %dma_start3A = arith.constant 0 : i32
      %dma_start3A_32 = arith.constant 0 : i32
      %dma_start3A_33 = arith.constant 0 : i32
      %dma_start3A_34 = arith.constant 0 : i32
      %dma_start3A_35 = tpu.memref_slice %arg10[%dma_start3A_32, %dma_start3A_33, %dma_start3A_34] : memref<4x128x32xf32, #tpu.memory_space<vmem>> -> memref<1x128x32xf32, #tpu.memory_space<vmem>>
      %dma_start3A_36 = tpu.memref_squeeze %dma_start3A_35 : memref<1x128x32xf32, #tpu.memory_space<vmem>> -> memref<128x32xf32, #tpu.memory_space<vmem>>
      %dma_start3A_37 = arith.constant 0 : i32
      %dma_start3A_38 = tpu.memref_slice %arg8[%dma_start3A, %dma_start3A_37] : memref<4x128xi32, #tpu.memory_space<vmem>> -> memref<1x128xi32, #tpu.memory_space<vmem>>
      %dma_start3A_39 = tpu.memref_squeeze %dma_start3A_38 : memref<1x128xi32, #tpu.memory_space<vmem>> -> memref<128xi32, #tpu.memory_space<vmem>>
      %dma_start3A_40 = arith.constant 0 : i32
      %dma_start3A_41 = arith.constant 0 : i32
      %dma_start3A_42 = tpu.memref_slice %arg2[%dma_start3A_40, %dma_start3A_41] : memref<10240x32xf32, #tpu.memory_space<hbm>> -> memref<10240x32xf32, #tpu.memory_space<hbm>>
      tpu.enqueue_indirect_dma source(%dma_start3A_42 : memref<10240x32xf32, #tpu.memory_space<hbm>>) target(%dma_start3A_36 : memref<128x32xf32, #tpu.memory_space<vmem>>) offsets(%dma_start3A_39 : memref<128xi32, #tpu.memory_space<vmem>>) semaphore(%arg13 : memref<!tpu.dma_semaphore, #tpu.memory_space<semaphore_mem>>)
      %dma_start3A_43 = arith.constant 1 : i32
      %dma_start3A_44 = arith.constant 1 : i32
      %dma_start3A_45 = arith.constant 0 : i32
      %dma_start3A_46 = arith.constant 0 : i32
      %dma_start3A_47 = tpu.memref_slice %arg10[%dma_start3A_44, %dma_start3A_45, %dma_start3A_46] : memref<4x128x32xf32, #tpu.memory_space<vmem>> -> memref<1x128x32xf32, #tpu.memory_space<vmem>>
      %dma_start3A_48 = tpu.memref_squeeze %dma_start3A_47 : memref<1x128x32xf32, #tpu.memory_space<vmem>> -> memref<128x32xf32, #tpu.memory_space<vmem>>
      %dma_start3A_49 = arith.constant 0 : i32
      %dma_start3A_50 = tpu.memref_slice %arg8[%dma_start3A_43, %dma_start3A_49] : memref<4x128xi32, #tpu.memory_space<vmem>> -> memref<1x128xi32, #tpu.memory_space<vmem>>
      %dma_start3A_51 = tpu.memref_squeeze %dma_start3A_50 : memref<1x128xi32, #tpu.memory_space<vmem>> -> memref<128xi32, #tpu.memory_space<vmem>>
      %dma_start3A_52 = arith.constant 0 : i32
      %dma_start3A_53 = arith.constant 0 : i32
      %dma_start3A_54 = tpu.memref_slice %arg2[%dma_start3A_52, %dma_start3A_53] : memref<10240x32xf32, #tpu.memory_space<hbm>> -> memref<10240x32xf32, #tpu.memory_space<hbm>>
      tpu.enqueue_indirect_dma source(%dma_start3A_54 : memref<10240x32xf32, #tpu.memory_space<hbm>>) target(%dma_start3A_48 : memref<128x32xf32, #tpu.memory_space<vmem>>) offsets(%dma_start3A_51 : memref<128xi32, #tpu.memory_space<vmem>>) semaphore(%arg13 : memref<!tpu.dma_semaphore, #tpu.memory_space<semaphore_mem>>)
      %dma_start3A_55 = arith.constant 2 : i32
      %dma_start3A_56 = arith.constant 2 : i32
      %dma_start3A_57 = arith.constant 0 : i32
      %dma_start3A_58 = arith.constant 0 : i32
      %dma_start3A_59 = tpu.memref_slice %arg10[%dma_start3A_56, %dma_start3A_57, %dma_start3A_58] : memref<4x128x32xf32, #tpu.memory_space<vmem>> -> memref<1x128x32xf32, #tpu.memory_space<vmem>>
      %dma_start3A_60 = tpu.memref_squeeze %dma_start3A_59 : memref<1x128x32xf32, #tpu.memory_space<vmem>> -> memref<128x32xf32, #tpu.memory_space<vmem>>
      %dma_start3A_61 = arith.constant 0 : i32
      %dma_start3A_62 = tpu.memref_slice %arg8[%dma_start3A_55, %dma_start3A_61] : memref<4x128xi32, #tpu.memory_space<vmem>> -> memref<1x128xi32, #tpu.memory_space<vmem>>
      %dma_start3A_63 = tpu.memref_squeeze %dma_start3A_62 : memref<1x128xi32, #tpu.memory_space<vmem>> -> memref<128xi32, #tpu.memory_space<vmem>>
      %dma_start3A_64 = arith.constant 0 : i32
      %dma_start3A_65 = arith.constant 0 : i32
      %dma_start3A_66 = tpu.memref_slice %arg2[%dma_start3A_64, %dma_start3A_65] : memref<10240x32xf32, #tpu.memory_space<hbm>> -> memref<10240x32xf32, #tpu.memory_space<hbm>>
      tpu.enqueue_indirect_dma source(%dma_start3A_66 : memref<10240x32xf32, #tpu.memory_space<hbm>>) target(%dma_start3A_60 : memref<128x32xf32, #tpu.memory_space<vmem>>) offsets(%dma_start3A_63 : memref<128xi32, #tpu.memory_space<vmem>>) semaphore(%arg13 : memref<!tpu.dma_semaphore, #tpu.memory_space<semaphore_mem>>)
      %dma_start3A_67 = arith.constant 3 : i32
      %dma_start3A_68 = arith.constant 3 : i32
      %dma_start3A_69 = arith.constant 0 : i32
      %dma_start3A_70 = arith.constant 0 : i32
      %dma_start3A_71 = tpu.memref_slice %arg10[%dma_start3A_68, %dma_start3A_69, %dma_start3A_70] : memref<4x128x32xf32, #tpu.memory_space<vmem>> -> memref<1x128x32xf32, #tpu.memory_space<vmem>>
      %dma_start3A_72 = tpu.memref_squeeze %dma_start3A_71 : memref<1x128x32xf32, #tpu.memory_space<vmem>> -> memref<128x32xf32, #tpu.memory_space<vmem>>
      %dma_start3A_73 = arith.constant 0 : i32
      %dma_start3A_74 = tpu.memref_slice %arg8[%dma_start3A_67, %dma_start3A_73] : memref<4x128xi32, #tpu.memory_space<vmem>> -> memref<1x128xi32, #tpu.memory_space<vmem>>
      %dma_start3A_75 = tpu.memref_squeeze %dma_start3A_74 : memref<1x128xi32, #tpu.memory_space<vmem>> -> memref<128xi32, #tpu.memory_space<vmem>>
      %dma_start3A_76 = arith.constant 0 : i32
      %dma_start3A_77 = arith.constant 0 : i32
      %dma_start3A_78 = tpu.memref_slice %arg2[%dma_start3A_76, %dma_start3A_77] : memref<10240x32xf32, #tpu.memory_space<hbm>> -> memref<10240x32xf32, #tpu.memory_space<hbm>>
      tpu.enqueue_indirect_dma source(%dma_start3A_78 : memref<10240x32xf32, #tpu.memory_space<hbm>>) target(%dma_start3A_72 : memref<128x32xf32, #tpu.memory_space<vmem>>) offsets(%dma_start3A_75 : memref<128xi32, #tpu.memory_space<vmem>>) semaphore(%arg13 : memref<!tpu.dma_semaphore, #tpu.memory_space<semaphore_mem>>)
      %dma_wait3A = arith.constant 0 : i32
      %dma_wait3A_79 = arith.constant 0 : i32
      %dma_wait3A_80 = arith.constant 0 : i32
      %dma_wait3A_81 = arith.constant 0 : i32
      %dma_wait3A_82 = tpu.memref_slice %arg10[%dma_wait3A_79, %dma_wait3A_80, %dma_wait3A_81] : memref<4x128x32xf32, #tpu.memory_space<vmem>> -> memref<1x128x32xf32, #tpu.memory_space<vmem>>
      %dma_wait3A_83 = tpu.memref_squeeze %dma_wait3A_82 : memref<1x128x32xf32, #tpu.memory_space<vmem>> -> memref<128x32xf32, #tpu.memory_space<vmem>>
      %dma_wait3A_84 = arith.constant 0 : i32
      %dma_wait3A_85 = tpu.memref_slice %arg8[%dma_wait3A, %dma_wait3A_84] : memref<4x128xi32, #tpu.memory_space<vmem>> -> memref<1x128xi32, #tpu.memory_space<vmem>>
      %dma_wait3A_86 = tpu.memref_squeeze %dma_wait3A_85 : memref<1x128xi32, #tpu.memory_space<vmem>> -> memref<128xi32, #tpu.memory_space<vmem>>
      %dma_wait3A_87 = arith.constant 0 : i32
      %dma_wait3A_88 = arith.constant 0 : i32
      %dma_wait3A_89 = tpu.memref_slice %arg2[%dma_wait3A_87, %dma_wait3A_88] : memref<10240x32xf32, #tpu.memory_space<hbm>> -> memref<10240x32xf32, #tpu.memory_space<hbm>>
      tpu.wait_indirect_dma semaphore(%arg13 : memref<!tpu.dma_semaphore, #tpu.memory_space<semaphore_mem>>) src(%dma_wait3A_89 : memref<10240x32xf32, #tpu.memory_space<hbm>>) dst(%dma_wait3A_83 : memref<128x32xf32, #tpu.memory_space<vmem>>)
      %dma_wait3A_90 = arith.constant 1 : i32
      %dma_wait3A_91 = arith.constant 1 : i32
      %dma_wait3A_92 = arith.constant 0 : i32
      %dma_wait3A_93 = arith.constant 0 : i32
      %dma_wait3A_94 = tpu.memref_slice %arg10[%dma_wait3A_91, %dma_wait3A_92, %dma_wait3A_93] : memref<4x128x32xf32, #tpu.memory_space<vmem>> -> memref<1x128x32xf32, #tpu.memory_space<vmem>>
      %dma_wait3A_95 = tpu.memref_squeeze %dma_wait3A_94 : memref<1x128x32xf32, #tpu.memory_space<vmem>> -> memref<128x32xf32, #tpu.memory_space<vmem>>
      %dma_wait3A_96 = arith.constant 0 : i32
      %dma_wait3A_97 = tpu.memref_slice %arg8[%dma_wait3A_90, %dma_wait3A_96] : memref<4x128xi32, #tpu.memory_space<vmem>> -> memref<1x128xi32, #tpu.memory_space<vmem>>
      %dma_wait3A_98 = tpu.memref_squeeze %dma_wait3A_97 : memref<1x128xi32, #tpu.memory_space<vmem>> -> memref<128xi32, #tpu.memory_space<vmem>>
      %dma_wait3A_99 = arith.constant 0 : i32
      %dma_wait3A_100 = arith.constant 0 : i32
      %dma_wait3A_101 = tpu.memref_slice %arg2[%dma_wait3A_99, %dma_wait3A_100] : memref<10240x32xf32, #tpu.memory_space<hbm>> -> memref<10240x32xf32, #tpu.memory_space<hbm>>
      tpu.wait_indirect_dma semaphore(%arg13 : memref<!tpu.dma_semaphore, #tpu.memory_space<semaphore_mem>>) src(%dma_wait3A_101 : memref<10240x32xf32, #tpu.memory_space<hbm>>) dst(%dma_wait3A_95 : memref<128x32xf32, #tpu.memory_space<vmem>>)
      %dma_wait3A_102 = arith.constant 2 : i32
      %dma_wait3A_103 = arith.constant 2 : i32
      %dma_wait3A_104 = arith.constant 0 : i32
      %dma_wait3A_105 = arith.constant 0 : i32
      %dma_wait3A_106 = tpu.memref_slice %arg10[%dma_wait3A_103, %dma_wait3A_104, %dma_wait3A_105] : memref<4x128x32xf32, #tpu.memory_space<vmem>> -> memref<1x128x32xf32, #tpu.memory_space<vmem>>
      %dma_wait3A_107 = tpu.memref_squeeze %dma_wait3A_106 : memref<1x128x32xf32, #tpu.memory_space<vmem>> -> memref<128x32xf32, #tpu.memory_space<vmem>>
      %dma_wait3A_108 = arith.constant 0 : i32
      %dma_wait3A_109 = tpu.memref_slice %arg8[%dma_wait3A_102, %dma_wait3A_108] : memref<4x128xi32, #tpu.memory_space<vmem>> -> memref<1x128xi32, #tpu.memory_space<vmem>>
      %dma_wait3A_110 = tpu.memref_squeeze %dma_wait3A_109 : memref<1x128xi32, #tpu.memory_space<vmem>> -> memref<128xi32, #tpu.memory_space<vmem>>
      %dma_wait3A_111 = arith.constant 0 : i32
      %dma_wait3A_112 = arith.constant 0 : i32
      %dma_wait3A_113 = tpu.memref_slice %arg2[%dma_wait3A_111, %dma_wait3A_112] : memref<10240x32xf32, #tpu.memory_space<hbm>> -> memref<10240x32xf32, #tpu.memory_space<hbm>>
      tpu.wait_indirect_dma semaphore(%arg13 : memref<!tpu.dma_semaphore, #tpu.memory_space<semaphore_mem>>) src(%dma_wait3A_113 : memref<10240x32xf32, #tpu.memory_space<hbm>>) dst(%dma_wait3A_107 : memref<128x32xf32, #tpu.memory_space<vmem>>)
      %dma_wait3A_114 = arith.constant 3 : i32
      %dma_wait3A_115 = arith.constant 3 : i32
      %dma_wait3A_116 = arith.constant 0 : i32
      %dma_wait3A_117 = arith.constant 0 : i32
      %dma_wait3A_118 = tpu.memref_slice %arg10[%dma_wait3A_115, %dma_wait3A_116, %dma_wait3A_117] : memref<4x128x32xf32, #tpu.memory_space<vmem>> -> memref<1x128x32xf32, #tpu.memory_space<vmem>>
      %dma_wait3A_119 = tpu.memref_squeeze %dma_wait3A_118 : memref<1x128x32xf32, #tpu.memory_space<vmem>> -> memref<128x32xf32, #tpu.memory_space<vmem>>
      %dma_wait3A_120 = arith.constant 0 : i32
      %dma_wait3A_121 = tpu.memref_slice %arg8[%dma_wait3A_114, %dma_wait3A_120] : memref<4x128xi32, #tpu.memory_space<vmem>> -> memref<1x128xi32, #tpu.memory_space<vmem>>
      %dma_wait3A_122 = tpu.memref_squeeze %dma_wait3A_121 : memref<1x128xi32, #tpu.memory_space<vmem>> -> memref<128xi32, #tpu.memory_space<vmem>>
      %dma_wait3A_123 = arith.constant 0 : i32
      %dma_wait3A_124 = arith.constant 0 : i32
      %dma_wait3A_125 = tpu.memref_slice %arg2[%dma_wait3A_123, %dma_wait3A_124] : memref<10240x32xf32, #tpu.memory_space<hbm>> -> memref<10240x32xf32, #tpu.memory_space<hbm>>
      tpu.wait_indirect_dma semaphore(%arg13 : memref<!tpu.dma_semaphore, #tpu.memory_space<semaphore_mem>>) src(%dma_wait3A_125 : memref<10240x32xf32, #tpu.memory_space<hbm>>) dst(%dma_wait3A_119 : memref<128x32xf32, #tpu.memory_space<vmem>>)
      %run_scoped3A = arith.constant 0 : i32
      %run_scoped3A_126 = arith.constant 0 : i32
      "tpu.region"() ({
        %run_scoped3A_133 = tpu.sem_alloc : memref<!tpu.dma_semaphore, #tpu.memory_space<semaphore_mem>>
        %dma_start3A_134 = arith.constant 0 : i32
        %dma_start3A_135 = arith.constant 0 : i32
        %dma_start3A_136 = tpu.memref_slice %arg10[%run_scoped3A, %dma_start3A_134, %dma_start3A_135] : memref<4x128x32xf32, #tpu.memory_space<vmem>> -> memref<1x128x32xf32, #tpu.memory_space<vmem>>
        %dma_start3A_137 = tpu.memref_squeeze %dma_start3A_136 : memref<1x128x32xf32, #tpu.memory_space<vmem>> -> memref<128x32xf32, #tpu.memory_space<vmem>>
        %dma_start3A_138 = arith.constant 0 : i32
        %dma_start3A_139 = tpu.memref_slice %arg9[%run_scoped3A_126, %dma_start3A_138] : memref<4x128xi32, #tpu.memory_space<vmem>> -> memref<1x128xi32, #tpu.memory_space<vmem>>
        %dma_start3A_140 = tpu.memref_squeeze %dma_start3A_139 : memref<1x128xi32, #tpu.memory_space<vmem>> -> memref<128xi32, #tpu.memory_space<vmem>>
        %dma_start3A_141 = arith.constant 0 : i32
        %dma_start3A_142 = arith.constant 0 : i32
        %dma_start3A_143 = tpu.memref_slice %arg12[%dma_start3A_141, %dma_start3A_142] : memref<10240x32xf32, #tpu.memory_space<vmem_shared>> -> memref<10240x32xf32, #tpu.memory_space<vmem_shared>>
        tpu.enqueue_indirect_dma source(%dma_start3A_137 : memref<128x32xf32, #tpu.memory_space<vmem>>) target(%dma_start3A_143 : memref<10240x32xf32, #tpu.memory_space<vmem_shared>>) offsets(%dma_start3A_140 : memref<128xi32, #tpu.memory_space<vmem>>) semaphore(%run_scoped3A_133 : memref<!tpu.dma_semaphore, #tpu.memory_space<semaphore_mem>>) {add = true}
        %dma_wait3A_144 = arith.constant 0 : i32
        %dma_wait3A_145 = arith.constant 0 : i32
        %dma_wait3A_146 = tpu.memref_slice %arg10[%run_scoped3A, %dma_wait3A_144, %dma_wait3A_145] : memref<4x128x32xf32, #tpu.memory_space<vmem>> -> memref<1x128x32xf32, #tpu.memory_space<vmem>>
        %dma_wait3A_147 = tpu.memref_squeeze %dma_wait3A_146 : memref<1x128x32xf32, #tpu.memory_space<vmem>> -> memref<128x32xf32, #tpu.memory_space<vmem>>
        %dma_wait3A_148 = arith.constant 0 : i32
        %dma_wait3A_149 = tpu.memref_slice %arg9[%run_scoped3A_126, %dma_wait3A_148] : memref<4x128xi32, #tpu.memory_space<vmem>> -> memref<1x128xi32, #tpu.memory_space<vmem>>
        %dma_wait3A_150 = tpu.memref_squeeze %dma_wait3A_149 : memref<1x128xi32, #tpu.memory_space<vmem>> -> memref<128xi32, #tpu.memory_space<vmem>>
        %dma_wait3A_151 = arith.constant 0 : i32
        %dma_wait3A_152 = arith.constant 0 : i32
        %dma_wait3A_153 = tpu.memref_slice %arg12[%dma_wait3A_151, %dma_wait3A_152] : memref<10240x32xf32, #tpu.memory_space<vmem_shared>> -> memref<10240x32xf32, #tpu.memory_space<vmem_shared>>
        tpu.wait_indirect_dma semaphore(%run_scoped3A_133 : memref<!tpu.dma_semaphore, #tpu.memory_space<semaphore_mem>>) src(%dma_wait3A_147 : memref<128x32xf32, #tpu.memory_space<vmem>>) dst(%dma_wait3A_153 : memref<10240x32xf32, #tpu.memory_space<vmem_shared>>)
        tpu.yield
      }) : () -> ()
      %run_scoped3A_127 = arith.constant 1 : i32
      %run_scoped3A_128 = arith.constant 1 : i32
      "tpu.region"() ({
        %run_scoped3A_133 = tpu.sem_alloc : memref<!tpu.dma_semaphore, #tpu.memory_space<semaphore_mem>>
        %dma_start3A_134 = arith.constant 0 : i32
        %dma_start3A_135 = arith.constant 0 : i32
        %dma_start3A_136 = tpu.memref_slice %arg10[%run_scoped3A_127, %dma_start3A_134, %dma_start3A_135] : memref<4x128x32xf32, #tpu.memory_space<vmem>> -> memref<1x128x32xf32, #tpu.memory_space<vmem>>
        %dma_start3A_137 = tpu.memref_squeeze %dma_start3A_136 : memref<1x128x32xf32, #tpu.memory_space<vmem>> -> memref<128x32xf32, #tpu.memory_space<vmem>>
        %dma_start3A_138 = arith.constant 0 : i32
        %dma_start3A_139 = tpu.memref_slice %arg9[%run_scoped3A_128, %dma_start3A_138] : memref<4x128xi32, #tpu.memory_space<vmem>> -> memref<1x128xi32, #tpu.memory_space<vmem>>
        %dma_start3A_140 = tpu.memref_squeeze %dma_start3A_139 : memref<1x128xi32, #tpu.memory_space<vmem>> -> memref<128xi32, #tpu.memory_space<vmem>>
        %dma_start3A_141 = arith.constant 0 : i32
        %dma_start3A_142 = arith.constant 0 : i32
        %dma_start3A_143 = tpu.memref_slice %arg12[%dma_start3A_141, %dma_start3A_142] : memref<10240x32xf32, #tpu.memory_space<vmem_shared>> -> memref<10240x32xf32, #tpu.memory_space<vmem_shared>>
        tpu.enqueue_indirect_dma source(%dma_start3A_137 : memref<128x32xf32, #tpu.memory_space<vmem>>) target(%dma_start3A_143 : memref<10240x32xf32, #tpu.memory_space<vmem_shared>>) offsets(%dma_start3A_140 : memref<128xi32, #tpu.memory_space<vmem>>) semaphore(%run_scoped3A_133 : memref<!tpu.dma_semaphore, #tpu.memory_space<semaphore_mem>>) {add = true}
        %dma_wait3A_144 = arith.constant 0 : i32
        %dma_wait3A_145 = arith.constant 0 : i32
        %dma_wait3A_146 = tpu.memref_slice %arg10[%run_scoped3A_127, %dma_wait3A_144, %dma_wait3A_145] : memref<4x128x32xf32, #tpu.memory_space<vmem>> -> memref<1x128x32xf32, #tpu.memory_space<vmem>>
        %dma_wait3A_147 = tpu.memref_squeeze %dma_wait3A_146 : memref<1x128x32xf32, #tpu.memory_space<vmem>> -> memref<128x32xf32, #tpu.memory_space<vmem>>
        %dma_wait3A_148 = arith.constant 0 : i32
        %dma_wait3A_149 = tpu.memref_slice %arg9[%run_scoped3A_128, %dma_wait3A_148] : memref<4x128xi32, #tpu.memory_space<vmem>> -> memref<1x128xi32, #tpu.memory_space<vmem>>
        %dma_wait3A_150 = tpu.memref_squeeze %dma_wait3A_149 : memref<1x128xi32, #tpu.memory_space<vmem>> -> memref<128xi32, #tpu.memory_space<vmem>>
        %dma_wait3A_151 = arith.constant 0 : i32
        %dma_wait3A_152 = arith.constant 0 : i32
        %dma_wait3A_153 = tpu.memref_slice %arg12[%dma_wait3A_151, %dma_wait3A_152] : memref<10240x32xf32, #tpu.memory_space<vmem_shared>> -> memref<10240x32xf32, #tpu.memory_space<vmem_shared>>
        tpu.wait_indirect_dma semaphore(%run_scoped3A_133 : memref<!tpu.dma_semaphore, #tpu.memory_space<semaphore_mem>>) src(%dma_wait3A_147 : memref<128x32xf32, #tpu.memory_space<vmem>>) dst(%dma_wait3A_153 : memref<10240x32xf32, #tpu.memory_space<vmem_shared>>)
        tpu.yield
      }) : () -> ()
      %run_scoped3A_129 = arith.constant 2 : i32
      %run_scoped3A_130 = arith.constant 2 : i32
      "tpu.region"() ({
        %run_scoped3A_133 = tpu.sem_alloc : memref<!tpu.dma_semaphore, #tpu.memory_space<semaphore_mem>>
        %dma_start3A_134 = arith.constant 0 : i32
        %dma_start3A_135 = arith.constant 0 : i32
        %dma_start3A_136 = tpu.memref_slice %arg10[%run_scoped3A_129, %dma_start3A_134, %dma_start3A_135] : memref<4x128x32xf32, #tpu.memory_space<vmem>> -> memref<1x128x32xf32, #tpu.memory_space<vmem>>
        %dma_start3A_137 = tpu.memref_squeeze %dma_start3A_136 : memref<1x128x32xf32, #tpu.memory_space<vmem>> -> memref<128x32xf32, #tpu.memory_space<vmem>>
        %dma_start3A_138 = arith.constant 0 : i32
        %dma_start3A_139 = tpu.memref_slice %arg9[%run_scoped3A_130, %dma_start3A_138] : memref<4x128xi32, #tpu.memory_space<vmem>> -> memref<1x128xi32, #tpu.memory_space<vmem>>
        %dma_start3A_140 = tpu.memref_squeeze %dma_start3A_139 : memref<1x128xi32, #tpu.memory_space<vmem>> -> memref<128xi32, #tpu.memory_space<vmem>>
        %dma_start3A_141 = arith.constant 0 : i32
        %dma_start3A_142 = arith.constant 0 : i32
        %dma_start3A_143 = tpu.memref_slice %arg12[%dma_start3A_141, %dma_start3A_142] : memref<10240x32xf32, #tpu.memory_space<vmem_shared>> -> memref<10240x32xf32, #tpu.memory_space<vmem_shared>>
        tpu.enqueue_indirect_dma source(%dma_start3A_137 : memref<128x32xf32, #tpu.memory_space<vmem>>) target(%dma_start3A_143 : memref<10240x32xf32, #tpu.memory_space<vmem_shared>>) offsets(%dma_start3A_140 : memref<128xi32, #tpu.memory_space<vmem>>) semaphore(%run_scoped3A_133 : memref<!tpu.dma_semaphore, #tpu.memory_space<semaphore_mem>>) {add = true}
        %dma_wait3A_144 = arith.constant 0 : i32
        %dma_wait3A_145 = arith.constant 0 : i32
        %dma_wait3A_146 = tpu.memref_slice %arg10[%run_scoped3A_129, %dma_wait3A_144, %dma_wait3A_145] : memref<4x128x32xf32, #tpu.memory_space<vmem>> -> memref<1x128x32xf32, #tpu.memory_space<vmem>>
        %dma_wait3A_147 = tpu.memref_squeeze %dma_wait3A_146 : memref<1x128x32xf32, #tpu.memory_space<vmem>> -> memref<128x32xf32, #tpu.memory_space<vmem>>
        %dma_wait3A_148 = arith.constant 0 : i32
        %dma_wait3A_149 = tpu.memref_slice %arg9[%run_scoped3A_130, %dma_wait3A_148] : memref<4x128xi32, #tpu.memory_space<vmem>> -> memref<1x128xi32, #tpu.memory_space<vmem>>
        %dma_wait3A_150 = tpu.memref_squeeze %dma_wait3A_149 : memref<1x128xi32, #tpu.memory_space<vmem>> -> memref<128xi32, #tpu.memory_space<vmem>>
        %dma_wait3A_151 = arith.constant 0 : i32
        %dma_wait3A_152 = arith.constant 0 : i32
        %dma_wait3A_153 = tpu.memref_slice %arg12[%dma_wait3A_151, %dma_wait3A_152] : memref<10240x32xf32, #tpu.memory_space<vmem_shared>> -> memref<10240x32xf32, #tpu.memory_space<vmem_shared>>
        tpu.wait_indirect_dma semaphore(%run_scoped3A_133 : memref<!tpu.dma_semaphore, #tpu.memory_space<semaphore_mem>>) src(%dma_wait3A_147 : memref<128x32xf32, #tpu.memory_space<vmem>>) dst(%dma_wait3A_153 : memref<10240x32xf32, #tpu.memory_space<vmem_shared>>)
        tpu.yield
      }) : () -> ()
      %run_scoped3A_131 = arith.constant 3 : i32
      %run_scoped3A_132 = arith.constant 3 : i32
      "tpu.region"() ({
        %run_scoped3A_133 = tpu.sem_alloc : memref<!tpu.dma_semaphore, #tpu.memory_space<semaphore_mem>>
        %dma_start3A_134 = arith.constant 0 : i32
        %dma_start3A_135 = arith.constant 0 : i32
        %dma_start3A_136 = tpu.memref_slice %arg10[%run_scoped3A_131, %dma_start3A_134, %dma_start3A_135] : memref<4x128x32xf32, #tpu.memory_space<vmem>> -> memref<1x128x32xf32, #tpu.memory_space<vmem>>
        %dma_start3A_137 = tpu.memref_squeeze %dma_start3A_136 : memref<1x128x32xf32, #tpu.memory_space<vmem>> -> memref<128x32xf32, #tpu.memory_space<vmem>>
        %dma_start3A_138 = arith.constant 0 : i32
        %dma_start3A_139 = tpu.memref_slice %arg9[%run_scoped3A_132, %dma_start3A_138] : memref<4x128xi32, #tpu.memory_space<vmem>> -> memref<1x128xi32, #tpu.memory_space<vmem>>
        %dma_start3A_140 = tpu.memref_squeeze %dma_start3A_139 : memref<1x128xi32, #tpu.memory_space<vmem>> -> memref<128xi32, #tpu.memory_space<vmem>>
        %dma_start3A_141 = arith.constant 0 : i32
        %dma_start3A_142 = arith.constant 0 : i32
        %dma_start3A_143 = tpu.memref_slice %arg12[%dma_start3A_141, %dma_start3A_142] : memref<10240x32xf32, #tpu.memory_space<vmem_shared>> -> memref<10240x32xf32, #tpu.memory_space<vmem_shared>>
        tpu.enqueue_indirect_dma source(%dma_start3A_137 : memref<128x32xf32, #tpu.memory_space<vmem>>) target(%dma_start3A_143 : memref<10240x32xf32, #tpu.memory_space<vmem_shared>>) offsets(%dma_start3A_140 : memref<128xi32, #tpu.memory_space<vmem>>) semaphore(%run_scoped3A_133 : memref<!tpu.dma_semaphore, #tpu.memory_space<semaphore_mem>>) {add = true}
        %dma_wait3A_144 = arith.constant 0 : i32
        %dma_wait3A_145 = arith.constant 0 : i32
        %dma_wait3A_146 = tpu.memref_slice %arg10[%run_scoped3A_131, %dma_wait3A_144, %dma_wait3A_145] : memref<4x128x32xf32, #tpu.memory_space<vmem>> -> memref<1x128x32xf32, #tpu.memory_space<vmem>>
        %dma_wait3A_147 = tpu.memref_squeeze %dma_wait3A_146 : memref<1x128x32xf32, #tpu.memory_space<vmem>> -> memref<128x32xf32, #tpu.memory_space<vmem>>
        %dma_wait3A_148 = arith.constant 0 : i32
        %dma_wait3A_149 = tpu.memref_slice %arg9[%run_scoped3A_132, %dma_wait3A_148] : memref<4x128xi32, #tpu.memory_space<vmem>> -> memref<1x128xi32, #tpu.memory_space<vmem>>
        %dma_wait3A_150 = tpu.memref_squeeze %dma_wait3A_149 : memref<1x128xi32, #tpu.memory_space<vmem>> -> memref<128xi32, #tpu.memory_space<vmem>>
        %dma_wait3A_151 = arith.constant 0 : i32
        %dma_wait3A_152 = arith.constant 0 : i32
        %dma_wait3A_153 = tpu.memref_slice %arg12[%dma_wait3A_151, %dma_wait3A_152] : memref<10240x32xf32, #tpu.memory_space<vmem_shared>> -> memref<10240x32xf32, #tpu.memory_space<vmem_shared>>
        tpu.wait_indirect_dma semaphore(%run_scoped3A_133 : memref<!tpu.dma_semaphore, #tpu.memory_space<semaphore_mem>>) src(%dma_wait3A_147 : memref<128x32xf32, #tpu.memory_space<vmem>>) dst(%dma_wait3A_153 : memref<10240x32xf32, #tpu.memory_space<vmem_shared>>)
        tpu.yield
      }) : () -> ()
    }
    %scan3A_17 = arith.constant 20 : i32
    %barrier3A_18 = arith.constant 0 : index
    tpu.barrier barrier_id(%barrier3A_18)
    %eq3A = arith.constant 0 : i32
    %eq3A_19 = arith.cmpi eq, %arg0, %eq3A : i32
    %convert_element_type3A = arith.extui %eq3A_19 : i1 to i32
    %cond3A = arith.constant 0 : i32
    %cond3A_20 = arith.cmpi ne, %convert_element_type3A, %cond3A : i32
    scf.if %cond3A_20 {
      "tpu.region"() ({
        %run_scoped3A = tpu.sem_alloc : memref<!tpu.dma_semaphore, #tpu.memory_space<semaphore_mem>>
        %dma_start3A = arith.constant 0 : i32
        %dma_start3A_26 = tpu.memref_slice %arg6[%mul3A_0, %dma_start3A] : memref<10240x32xf32, #tpu.memory_space<hbm>> -> memref<640x32xf32, #tpu.memory_space<hbm>>
        %dma_start3A_27 = arith.constant 0 : i32
        %dma_start3A_28 = tpu.memref_slice %arg12[%mul3A_0, %dma_start3A_27] : memref<10240x32xf32, #tpu.memory_space<vmem_shared>> -> memref<640x32xf32, #tpu.memory_space<vmem_shared>>
        tpu.enqueue_dma source(%dma_start3A_28 : memref<640x32xf32, #tpu.memory_space<vmem_shared>>) target(%dma_start3A_26 : memref<640x32xf32, #tpu.memory_space<hbm>>) target_semaphore(%run_scoped3A : memref<!tpu.dma_semaphore, #tpu.memory_space<semaphore_mem>>)
        %dma_wait3A = arith.constant 0 : i32
        %dma_wait3A_29 = tpu.memref_slice %arg6[%mul3A_0, %dma_wait3A] : memref<10240x32xf32, #tpu.memory_space<hbm>> -> memref<640x32xf32, #tpu.memory_space<hbm>>
        %dma_wait3A_30 = arith.constant 0 : i32
        %dma_wait3A_31 = tpu.memref_slice %arg12[%mul3A_0, %dma_wait3A_30] : memref<10240x32xf32, #tpu.memory_space<vmem_shared>> -> memref<640x32xf32, #tpu.memory_space<vmem_shared>>
        tpu.wait_dma2 semaphore(%run_scoped3A : memref<!tpu.dma_semaphore, #tpu.memory_space<semaphore_mem>>) src(%dma_wait3A_31 : memref<640x32xf32, #tpu.memory_space<vmem_shared>>) dst(%dma_wait3A_29 : memref<640x32xf32, #tpu.memory_space<hbm>>)
        tpu.yield
      }) : () -> ()
    } else {
    }
    %eq3A_21 = arith.constant 1 : i32
    %eq3A_22 = arith.cmpi eq, %arg0, %eq3A_21 : i32
    %convert_element_type3A_23 = arith.extui %eq3A_22 : i1 to i32
    %cond3A_24 = arith.constant 0 : i32
    %cond3A_25 = arith.cmpi ne, %convert_element_type3A_23, %cond3A_24 : i32
    scf.if %cond3A_25 {
      "tpu.region"() ({
        %run_scoped3A = tpu.sem_alloc : memref<!tpu.dma_semaphore, #tpu.memory_space<semaphore_mem>>
        %dma_start3A = arith.constant 0 : i32
        %dma_start3A_26 = tpu.memref_slice %arg7[%mul3A_0, %dma_start3A] : memref<10240x32xf32, #tpu.memory_space<hbm>> -> memref<640x32xf32, #tpu.memory_space<hbm>>
        %dma_start3A_27 = arith.constant 0 : i32
        %dma_start3A_28 = tpu.memref_slice %arg12[%mul3A_0, %dma_start3A_27] : memref<10240x32xf32, #tpu.memory_space<vmem_shared>> -> memref<640x32xf32, #tpu.memory_space<vmem_shared>>
        tpu.enqueue_dma source(%dma_start3A_28 : memref<640x32xf32, #tpu.memory_space<vmem_shared>>) target(%dma_start3A_26 : memref<640x32xf32, #tpu.memory_space<hbm>>) target_semaphore(%run_scoped3A : memref<!tpu.dma_semaphore, #tpu.memory_space<semaphore_mem>>)
        %dma_wait3A = arith.constant 0 : i32
        %dma_wait3A_29 = tpu.memref_slice %arg7[%mul3A_0, %dma_wait3A] : memref<10240x32xf32, #tpu.memory_space<hbm>> -> memref<640x32xf32, #tpu.memory_space<hbm>>
        %dma_wait3A_30 = arith.constant 0 : i32
        %dma_wait3A_31 = tpu.memref_slice %arg12[%mul3A_0, %dma_wait3A_30] : memref<10240x32xf32, #tpu.memory_space<vmem_shared>> -> memref<640x32xf32, #tpu.memory_space<vmem_shared>>
        tpu.wait_dma2 semaphore(%run_scoped3A : memref<!tpu.dma_semaphore, #tpu.memory_space<semaphore_mem>>) src(%dma_wait3A_31 : memref<640x32xf32, #tpu.memory_space<vmem_shared>>) dst(%dma_wait3A_29 : memref<640x32xf32, #tpu.memory_space<hbm>>)
        tpu.yield
      }) : () -> ()
    } else {
    }
    return
  }
}

#map = affine_map<(d0, d1) -> (0, 0)>
module attributes {stable_mosaic.version = 14 : i64} {
  func.func @agg(%arg0: i32, %arg1: i32, %arg2: memref<10240x8xf32, #tpu.memory_space<hbm>>, %arg3: memref<2560x128xi32, #tpu.memory_space<hbm>>, %arg4: memref<2560x128xi32, #tpu.memory_space<hbm>>, %arg5: memref<128x8xf32, #tpu.memory_space<hbm>>, %arg6: memref<10240x8xf32, #tpu.memory_space<hbm>>, %arg7: memref<10240x8xf32, #tpu.memory_space<hbm>>, %arg8: memref<4x128xi32, #tpu.memory_space<vmem>>, %arg9: memref<4x128xi32, #tpu.memory_space<vmem>>, %arg10: memref<4x128x8xf32, #tpu.memory_space<vmem>>, %arg11: memref<128x8xf32, #tpu.memory_space<vmem>>, %arg12: memref<10240x8xf32, #tpu.memory_space<vmem_shared>>, %arg13: memref<!tpu.dma_semaphore, #tpu.memory_space<semaphore_mem>>) attributes {dimension_semantics = [#tpu.dimension_semantics<core_parallel>, #tpu.dimension_semantics<subcore_parallel>], iteration_bounds = array<i64: 2, 16>, scalar_prefetch = 0 : i64, scratch_operands = 6 : i64, tpu.core_type = #tpu.core_type<sc_vector_subcore>, window_params = [{transform_indices = #map}, {transform_indices = #map}, {transform_indices = #map}, {transform_indices = #map}, {transform_indices = #map}, {transform_indices = #map}]} {
    %mul3A = arith.constant 640 : i32
    %mul3A_0 = arith.muli %arg1, %mul3A : i32
    "tpu.region"() ({
      %run_scoped3A = tpu.sem_alloc : memref<!tpu.dma_semaphore, #tpu.memory_space<semaphore_mem>>
      tpu.enqueue_dma source(%arg5 : memref<128x8xf32, #tpu.memory_space<hbm>>) target(%arg11 : memref<128x8xf32, #tpu.memory_space<vmem>>) target_semaphore(%run_scoped3A : memref<!tpu.dma_semaphore, #tpu.memory_space<semaphore_mem>>)
      tpu.wait_dma2 semaphore(%run_scoped3A : memref<!tpu.dma_semaphore, #tpu.memory_space<semaphore_mem>>) src(%arg5 : memref<128x8xf32, #tpu.memory_space<hbm>>) dst(%arg11 : memref<128x8xf32, #tpu.memory_space<vmem>>)
      tpu.yield
    }) : () -> ()
    %add3A = arith.constant 0 : i32
    %add3A_1 = arith.addi %mul3A_0, %add3A : i32
    "tpu.region"() ({
      %run_scoped3A = tpu.sem_alloc : memref<!tpu.dma_semaphore, #tpu.memory_space<semaphore_mem>>
      %dma_start3A = arith.constant 0 : i32
      %dma_start3A_26 = tpu.memref_slice %arg12[%add3A_1, %dma_start3A] : memref<10240x8xf32, #tpu.memory_space<vmem_shared>> -> memref<128x8xf32, #tpu.memory_space<vmem_shared>>
      %dma_start3A_27 = arith.constant 0 : i32
      %dma_start3A_28 = tpu.memref_slice %arg12[%add3A_1, %dma_start3A_27] : memref<10240x8xf32, #tpu.memory_space<vmem_shared>> -> memref<128x8xf32, #tpu.memory_space<vmem_shared>>
      tpu.enqueue_dma source(%arg11 : memref<128x8xf32, #tpu.memory_space<vmem>>) target(%dma_start3A_28 : memref<128x8xf32, #tpu.memory_space<vmem_shared>>) target_semaphore(%run_scoped3A : memref<!tpu.dma_semaphore, #tpu.memory_space<semaphore_mem>>)
      %dma_wait3A = arith.constant 0 : i32
      %dma_wait3A_29 = tpu.memref_slice %arg12[%add3A_1, %dma_wait3A] : memref<10240x8xf32, #tpu.memory_space<vmem_shared>> -> memref<128x8xf32, #tpu.memory_space<vmem_shared>>
      %dma_wait3A_30 = arith.constant 0 : i32
      %dma_wait3A_31 = tpu.memref_slice %arg12[%add3A_1, %dma_wait3A_30] : memref<10240x8xf32, #tpu.memory_space<vmem_shared>> -> memref<128x8xf32, #tpu.memory_space<vmem_shared>>
      tpu.wait_dma2 semaphore(%run_scoped3A : memref<!tpu.dma_semaphore, #tpu.memory_space<semaphore_mem>>) src(%arg11 : memref<128x8xf32, #tpu.memory_space<vmem>>) dst(%dma_wait3A_31 : memref<128x8xf32, #tpu.memory_space<vmem_shared>>)
      tpu.yield
    }) : () -> ()
    %add3A_2 = arith.constant 128 : i32
    %add3A_3 = arith.addi %mul3A_0, %add3A_2 : i32
    "tpu.region"() ({
      %run_scoped3A = tpu.sem_alloc : memref<!tpu.dma_semaphore, #tpu.memory_space<semaphore_mem>>
      %dma_start3A = arith.constant 0 : i32
      %dma_start3A_26 = tpu.memref_slice %arg12[%add3A_3, %dma_start3A] : memref<10240x8xf32, #tpu.memory_space<vmem_shared>> -> memref<128x8xf32, #tpu.memory_space<vmem_shared>>
      %dma_start3A_27 = arith.constant 0 : i32
      %dma_start3A_28 = tpu.memref_slice %arg12[%add3A_3, %dma_start3A_27] : memref<10240x8xf32, #tpu.memory_space<vmem_shared>> -> memref<128x8xf32, #tpu.memory_space<vmem_shared>>
      tpu.enqueue_dma source(%arg11 : memref<128x8xf32, #tpu.memory_space<vmem>>) target(%dma_start3A_28 : memref<128x8xf32, #tpu.memory_space<vmem_shared>>) target_semaphore(%run_scoped3A : memref<!tpu.dma_semaphore, #tpu.memory_space<semaphore_mem>>)
      %dma_wait3A = arith.constant 0 : i32
      %dma_wait3A_29 = tpu.memref_slice %arg12[%add3A_3, %dma_wait3A] : memref<10240x8xf32, #tpu.memory_space<vmem_shared>> -> memref<128x8xf32, #tpu.memory_space<vmem_shared>>
      %dma_wait3A_30 = arith.constant 0 : i32
      %dma_wait3A_31 = tpu.memref_slice %arg12[%add3A_3, %dma_wait3A_30] : memref<10240x8xf32, #tpu.memory_space<vmem_shared>> -> memref<128x8xf32, #tpu.memory_space<vmem_shared>>
      tpu.wait_dma2 semaphore(%run_scoped3A : memref<!tpu.dma_semaphore, #tpu.memory_space<semaphore_mem>>) src(%arg11 : memref<128x8xf32, #tpu.memory_space<vmem>>) dst(%dma_wait3A_31 : memref<128x8xf32, #tpu.memory_space<vmem_shared>>)
      tpu.yield
    }) : () -> ()
    %add3A_4 = arith.constant 256 : i32
    %add3A_5 = arith.addi %mul3A_0, %add3A_4 : i32
    "tpu.region"() ({
      %run_scoped3A = tpu.sem_alloc : memref<!tpu.dma_semaphore, #tpu.memory_space<semaphore_mem>>
      %dma_start3A = arith.constant 0 : i32
      %dma_start3A_26 = tpu.memref_slice %arg12[%add3A_5, %dma_start3A] : memref<10240x8xf32, #tpu.memory_space<vmem_shared>> -> memref<128x8xf32, #tpu.memory_space<vmem_shared>>
      %dma_start3A_27 = arith.constant 0 : i32
      %dma_start3A_28 = tpu.memref_slice %arg12[%add3A_5, %dma_start3A_27] : memref<10240x8xf32, #tpu.memory_space<vmem_shared>> -> memref<128x8xf32, #tpu.memory_space<vmem_shared>>
      tpu.enqueue_dma source(%arg11 : memref<128x8xf32, #tpu.memory_space<vmem>>) target(%dma_start3A_28 : memref<128x8xf32, #tpu.memory_space<vmem_shared>>) target_semaphore(%run_scoped3A : memref<!tpu.dma_semaphore, #tpu.memory_space<semaphore_mem>>)
      %dma_wait3A = arith.constant 0 : i32
      %dma_wait3A_29 = tpu.memref_slice %arg12[%add3A_5, %dma_wait3A] : memref<10240x8xf32, #tpu.memory_space<vmem_shared>> -> memref<128x8xf32, #tpu.memory_space<vmem_shared>>
      %dma_wait3A_30 = arith.constant 0 : i32
      %dma_wait3A_31 = tpu.memref_slice %arg12[%add3A_5, %dma_wait3A_30] : memref<10240x8xf32, #tpu.memory_space<vmem_shared>> -> memref<128x8xf32, #tpu.memory_space<vmem_shared>>
      tpu.wait_dma2 semaphore(%run_scoped3A : memref<!tpu.dma_semaphore, #tpu.memory_space<semaphore_mem>>) src(%arg11 : memref<128x8xf32, #tpu.memory_space<vmem>>) dst(%dma_wait3A_31 : memref<128x8xf32, #tpu.memory_space<vmem_shared>>)
      tpu.yield
    }) : () -> ()
    %add3A_6 = arith.constant 384 : i32
    %add3A_7 = arith.addi %mul3A_0, %add3A_6 : i32
    "tpu.region"() ({
      %run_scoped3A = tpu.sem_alloc : memref<!tpu.dma_semaphore, #tpu.memory_space<semaphore_mem>>
      %dma_start3A = arith.constant 0 : i32
      %dma_start3A_26 = tpu.memref_slice %arg12[%add3A_7, %dma_start3A] : memref<10240x8xf32, #tpu.memory_space<vmem_shared>> -> memref<128x8xf32, #tpu.memory_space<vmem_shared>>
      %dma_start3A_27 = arith.constant 0 : i32
      %dma_start3A_28 = tpu.memref_slice %arg12[%add3A_7, %dma_start3A_27] : memref<10240x8xf32, #tpu.memory_space<vmem_shared>> -> memref<128x8xf32, #tpu.memory_space<vmem_shared>>
      tpu.enqueue_dma source(%arg11 : memref<128x8xf32, #tpu.memory_space<vmem>>) target(%dma_start3A_28 : memref<128x8xf32, #tpu.memory_space<vmem_shared>>) target_semaphore(%run_scoped3A : memref<!tpu.dma_semaphore, #tpu.memory_space<semaphore_mem>>)
      %dma_wait3A = arith.constant 0 : i32
      %dma_wait3A_29 = tpu.memref_slice %arg12[%add3A_7, %dma_wait3A] : memref<10240x8xf32, #tpu.memory_space<vmem_shared>> -> memref<128x8xf32, #tpu.memory_space<vmem_shared>>
      %dma_wait3A_30 = arith.constant 0 : i32
      %dma_wait3A_31 = tpu.memref_slice %arg12[%add3A_7, %dma_wait3A_30] : memref<10240x8xf32, #tpu.memory_space<vmem_shared>> -> memref<128x8xf32, #tpu.memory_space<vmem_shared>>
      tpu.wait_dma2 semaphore(%run_scoped3A : memref<!tpu.dma_semaphore, #tpu.memory_space<semaphore_mem>>) src(%arg11 : memref<128x8xf32, #tpu.memory_space<vmem>>) dst(%dma_wait3A_31 : memref<128x8xf32, #tpu.memory_space<vmem_shared>>)
      tpu.yield
    }) : () -> ()
    %add3A_8 = arith.constant 512 : i32
    %add3A_9 = arith.addi %mul3A_0, %add3A_8 : i32
    "tpu.region"() ({
      %run_scoped3A = tpu.sem_alloc : memref<!tpu.dma_semaphore, #tpu.memory_space<semaphore_mem>>
      %dma_start3A = arith.constant 0 : i32
      %dma_start3A_26 = tpu.memref_slice %arg12[%add3A_9, %dma_start3A] : memref<10240x8xf32, #tpu.memory_space<vmem_shared>> -> memref<128x8xf32, #tpu.memory_space<vmem_shared>>
      %dma_start3A_27 = arith.constant 0 : i32
      %dma_start3A_28 = tpu.memref_slice %arg12[%add3A_9, %dma_start3A_27] : memref<10240x8xf32, #tpu.memory_space<vmem_shared>> -> memref<128x8xf32, #tpu.memory_space<vmem_shared>>
      tpu.enqueue_dma source(%arg11 : memref<128x8xf32, #tpu.memory_space<vmem>>) target(%dma_start3A_28 : memref<128x8xf32, #tpu.memory_space<vmem_shared>>) target_semaphore(%run_scoped3A : memref<!tpu.dma_semaphore, #tpu.memory_space<semaphore_mem>>)
      %dma_wait3A = arith.constant 0 : i32
      %dma_wait3A_29 = tpu.memref_slice %arg12[%add3A_9, %dma_wait3A] : memref<10240x8xf32, #tpu.memory_space<vmem_shared>> -> memref<128x8xf32, #tpu.memory_space<vmem_shared>>
      %dma_wait3A_30 = arith.constant 0 : i32
      %dma_wait3A_31 = tpu.memref_slice %arg12[%add3A_9, %dma_wait3A_30] : memref<10240x8xf32, #tpu.memory_space<vmem_shared>> -> memref<128x8xf32, #tpu.memory_space<vmem_shared>>
      tpu.wait_dma2 semaphore(%run_scoped3A : memref<!tpu.dma_semaphore, #tpu.memory_space<semaphore_mem>>) src(%arg11 : memref<128x8xf32, #tpu.memory_space<vmem>>) dst(%dma_wait3A_31 : memref<128x8xf32, #tpu.memory_space<vmem_shared>>)
      tpu.yield
    }) : () -> ()
    %barrier3A = arith.constant 0 : index
    tpu.barrier barrier_id(%barrier3A)
    %mul3A_10 = arith.constant 16 : i32
    %mul3A_11 = arith.muli %arg0, %mul3A_10 : i32
    %add3A_12 = arith.addi %mul3A_11, %arg1 : i32
    %scan3A = arith.constant 0 : i32
    %scan3A_13 = arith.constant 0 : i32
    %scan3A_14 = arith.constant 20 : i32
    %scan3A_15 = arith.addi %scan3A_13, %scan3A_14 : i32
    %scan3A_16 = arith.constant 1 : i32
    scf.for %scan3A_26 = %scan3A_13 to %scan3A_15 step %scan3A_16  : i32 {
      %mul3A_27 = arith.constant 80 : i32
      %mul3A_28 = arith.muli %add3A_12, %mul3A_27 : i32
      %mul3A_29 = arith.constant 4 : i32
      %mul3A_30 = arith.muli %scan3A_26, %mul3A_29 : i32
      %add3A_31 = arith.addi %mul3A_28, %mul3A_30 : i32
      "tpu.region"() ({
        %run_scoped3A_133 = tpu.sem_alloc : memref<!tpu.dma_semaphore, #tpu.memory_space<semaphore_mem>>
        %dma_start3A_134 = arith.constant 0 : i32
        %dma_start3A_135 = tpu.memref_slice %arg3[%add3A_31, %dma_start3A_134] : memref<2560x128xi32, #tpu.memory_space<hbm>> -> memref<4x128xi32, #tpu.memory_space<hbm>>
        %dma_start3A_136 = arith.constant 0 : i32
        %dma_start3A_137 = tpu.memref_slice %arg3[%add3A_31, %dma_start3A_136] : memref<2560x128xi32, #tpu.memory_space<hbm>> -> memref<4x128xi32, #tpu.memory_space<hbm>>
        tpu.enqueue_dma source(%dma_start3A_137 : memref<4x128xi32, #tpu.memory_space<hbm>>) target(%arg8 : memref<4x128xi32, #tpu.memory_space<vmem>>) target_semaphore(%run_scoped3A_133 : memref<!tpu.dma_semaphore, #tpu.memory_space<semaphore_mem>>)
        %dma_wait3A_138 = arith.constant 0 : i32
        %dma_wait3A_139 = tpu.memref_slice %arg3[%add3A_31, %dma_wait3A_138] : memref<2560x128xi32, #tpu.memory_space<hbm>> -> memref<4x128xi32, #tpu.memory_space<hbm>>
        %dma_wait3A_140 = arith.constant 0 : i32
        %dma_wait3A_141 = tpu.memref_slice %arg3[%add3A_31, %dma_wait3A_140] : memref<2560x128xi32, #tpu.memory_space<hbm>> -> memref<4x128xi32, #tpu.memory_space<hbm>>
        tpu.wait_dma2 semaphore(%run_scoped3A_133 : memref<!tpu.dma_semaphore, #tpu.memory_space<semaphore_mem>>) src(%dma_wait3A_141 : memref<4x128xi32, #tpu.memory_space<hbm>>) dst(%arg8 : memref<4x128xi32, #tpu.memory_space<vmem>>)
        tpu.yield
      }) : () -> ()
      "tpu.region"() ({
        %run_scoped3A_133 = tpu.sem_alloc : memref<!tpu.dma_semaphore, #tpu.memory_space<semaphore_mem>>
        %dma_start3A_134 = arith.constant 0 : i32
        %dma_start3A_135 = tpu.memref_slice %arg4[%add3A_31, %dma_start3A_134] : memref<2560x128xi32, #tpu.memory_space<hbm>> -> memref<4x128xi32, #tpu.memory_space<hbm>>
        %dma_start3A_136 = arith.constant 0 : i32
        %dma_start3A_137 = tpu.memref_slice %arg4[%add3A_31, %dma_start3A_136] : memref<2560x128xi32, #tpu.memory_space<hbm>> -> memref<4x128xi32, #tpu.memory_space<hbm>>
        tpu.enqueue_dma source(%dma_start3A_137 : memref<4x128xi32, #tpu.memory_space<hbm>>) target(%arg9 : memref<4x128xi32, #tpu.memory_space<vmem>>) target_semaphore(%run_scoped3A_133 : memref<!tpu.dma_semaphore, #tpu.memory_space<semaphore_mem>>)
        %dma_wait3A_138 = arith.constant 0 : i32
        %dma_wait3A_139 = tpu.memref_slice %arg4[%add3A_31, %dma_wait3A_138] : memref<2560x128xi32, #tpu.memory_space<hbm>> -> memref<4x128xi32, #tpu.memory_space<hbm>>
        %dma_wait3A_140 = arith.constant 0 : i32
        %dma_wait3A_141 = tpu.memref_slice %arg4[%add3A_31, %dma_wait3A_140] : memref<2560x128xi32, #tpu.memory_space<hbm>> -> memref<4x128xi32, #tpu.memory_space<hbm>>
        tpu.wait_dma2 semaphore(%run_scoped3A_133 : memref<!tpu.dma_semaphore, #tpu.memory_space<semaphore_mem>>) src(%dma_wait3A_141 : memref<4x128xi32, #tpu.memory_space<hbm>>) dst(%arg9 : memref<4x128xi32, #tpu.memory_space<vmem>>)
        tpu.yield
      }) : () -> ()
      %dma_start3A = arith.constant 0 : i32
      %dma_start3A_32 = arith.constant 0 : i32
      %dma_start3A_33 = arith.constant 0 : i32
      %dma_start3A_34 = arith.constant 0 : i32
      %dma_start3A_35 = tpu.memref_slice %arg10[%dma_start3A_32, %dma_start3A_33, %dma_start3A_34] : memref<4x128x8xf32, #tpu.memory_space<vmem>> -> memref<1x128x8xf32, #tpu.memory_space<vmem>>
      %dma_start3A_36 = tpu.memref_squeeze %dma_start3A_35 : memref<1x128x8xf32, #tpu.memory_space<vmem>> -> memref<128x8xf32, #tpu.memory_space<vmem>>
      %dma_start3A_37 = arith.constant 0 : i32
      %dma_start3A_38 = tpu.memref_slice %arg8[%dma_start3A, %dma_start3A_37] : memref<4x128xi32, #tpu.memory_space<vmem>> -> memref<1x128xi32, #tpu.memory_space<vmem>>
      %dma_start3A_39 = tpu.memref_squeeze %dma_start3A_38 : memref<1x128xi32, #tpu.memory_space<vmem>> -> memref<128xi32, #tpu.memory_space<vmem>>
      %dma_start3A_40 = arith.constant 0 : i32
      %dma_start3A_41 = arith.constant 0 : i32
      %dma_start3A_42 = tpu.memref_slice %arg2[%dma_start3A_40, %dma_start3A_41] : memref<10240x8xf32, #tpu.memory_space<hbm>> -> memref<10240x8xf32, #tpu.memory_space<hbm>>
      tpu.enqueue_indirect_dma source(%dma_start3A_42 : memref<10240x8xf32, #tpu.memory_space<hbm>>) target(%dma_start3A_36 : memref<128x8xf32, #tpu.memory_space<vmem>>) offsets(%dma_start3A_39 : memref<128xi32, #tpu.memory_space<vmem>>) semaphore(%arg13 : memref<!tpu.dma_semaphore, #tpu.memory_space<semaphore_mem>>)
      %dma_start3A_43 = arith.constant 1 : i32
      %dma_start3A_44 = arith.constant 1 : i32
      %dma_start3A_45 = arith.constant 0 : i32
      %dma_start3A_46 = arith.constant 0 : i32
      %dma_start3A_47 = tpu.memref_slice %arg10[%dma_start3A_44, %dma_start3A_45, %dma_start3A_46] : memref<4x128x8xf32, #tpu.memory_space<vmem>> -> memref<1x128x8xf32, #tpu.memory_space<vmem>>
      %dma_start3A_48 = tpu.memref_squeeze %dma_start3A_47 : memref<1x128x8xf32, #tpu.memory_space<vmem>> -> memref<128x8xf32, #tpu.memory_space<vmem>>
      %dma_start3A_49 = arith.constant 0 : i32
      %dma_start3A_50 = tpu.memref_slice %arg8[%dma_start3A_43, %dma_start3A_49] : memref<4x128xi32, #tpu.memory_space<vmem>> -> memref<1x128xi32, #tpu.memory_space<vmem>>
      %dma_start3A_51 = tpu.memref_squeeze %dma_start3A_50 : memref<1x128xi32, #tpu.memory_space<vmem>> -> memref<128xi32, #tpu.memory_space<vmem>>
      %dma_start3A_52 = arith.constant 0 : i32
      %dma_start3A_53 = arith.constant 0 : i32
      %dma_start3A_54 = tpu.memref_slice %arg2[%dma_start3A_52, %dma_start3A_53] : memref<10240x8xf32, #tpu.memory_space<hbm>> -> memref<10240x8xf32, #tpu.memory_space<hbm>>
      tpu.enqueue_indirect_dma source(%dma_start3A_54 : memref<10240x8xf32, #tpu.memory_space<hbm>>) target(%dma_start3A_48 : memref<128x8xf32, #tpu.memory_space<vmem>>) offsets(%dma_start3A_51 : memref<128xi32, #tpu.memory_space<vmem>>) semaphore(%arg13 : memref<!tpu.dma_semaphore, #tpu.memory_space<semaphore_mem>>)
      %dma_start3A_55 = arith.constant 2 : i32
      %dma_start3A_56 = arith.constant 2 : i32
      %dma_start3A_57 = arith.constant 0 : i32
      %dma_start3A_58 = arith.constant 0 : i32
      %dma_start3A_59 = tpu.memref_slice %arg10[%dma_start3A_56, %dma_start3A_57, %dma_start3A_58] : memref<4x128x8xf32, #tpu.memory_space<vmem>> -> memref<1x128x8xf32, #tpu.memory_space<vmem>>
      %dma_start3A_60 = tpu.memref_squeeze %dma_start3A_59 : memref<1x128x8xf32, #tpu.memory_space<vmem>> -> memref<128x8xf32, #tpu.memory_space<vmem>>
      %dma_start3A_61 = arith.constant 0 : i32
      %dma_start3A_62 = tpu.memref_slice %arg8[%dma_start3A_55, %dma_start3A_61] : memref<4x128xi32, #tpu.memory_space<vmem>> -> memref<1x128xi32, #tpu.memory_space<vmem>>
      %dma_start3A_63 = tpu.memref_squeeze %dma_start3A_62 : memref<1x128xi32, #tpu.memory_space<vmem>> -> memref<128xi32, #tpu.memory_space<vmem>>
      %dma_start3A_64 = arith.constant 0 : i32
      %dma_start3A_65 = arith.constant 0 : i32
      %dma_start3A_66 = tpu.memref_slice %arg2[%dma_start3A_64, %dma_start3A_65] : memref<10240x8xf32, #tpu.memory_space<hbm>> -> memref<10240x8xf32, #tpu.memory_space<hbm>>
      tpu.enqueue_indirect_dma source(%dma_start3A_66 : memref<10240x8xf32, #tpu.memory_space<hbm>>) target(%dma_start3A_60 : memref<128x8xf32, #tpu.memory_space<vmem>>) offsets(%dma_start3A_63 : memref<128xi32, #tpu.memory_space<vmem>>) semaphore(%arg13 : memref<!tpu.dma_semaphore, #tpu.memory_space<semaphore_mem>>)
      %dma_start3A_67 = arith.constant 3 : i32
      %dma_start3A_68 = arith.constant 3 : i32
      %dma_start3A_69 = arith.constant 0 : i32
      %dma_start3A_70 = arith.constant 0 : i32
      %dma_start3A_71 = tpu.memref_slice %arg10[%dma_start3A_68, %dma_start3A_69, %dma_start3A_70] : memref<4x128x8xf32, #tpu.memory_space<vmem>> -> memref<1x128x8xf32, #tpu.memory_space<vmem>>
      %dma_start3A_72 = tpu.memref_squeeze %dma_start3A_71 : memref<1x128x8xf32, #tpu.memory_space<vmem>> -> memref<128x8xf32, #tpu.memory_space<vmem>>
      %dma_start3A_73 = arith.constant 0 : i32
      %dma_start3A_74 = tpu.memref_slice %arg8[%dma_start3A_67, %dma_start3A_73] : memref<4x128xi32, #tpu.memory_space<vmem>> -> memref<1x128xi32, #tpu.memory_space<vmem>>
      %dma_start3A_75 = tpu.memref_squeeze %dma_start3A_74 : memref<1x128xi32, #tpu.memory_space<vmem>> -> memref<128xi32, #tpu.memory_space<vmem>>
      %dma_start3A_76 = arith.constant 0 : i32
      %dma_start3A_77 = arith.constant 0 : i32
      %dma_start3A_78 = tpu.memref_slice %arg2[%dma_start3A_76, %dma_start3A_77] : memref<10240x8xf32, #tpu.memory_space<hbm>> -> memref<10240x8xf32, #tpu.memory_space<hbm>>
      tpu.enqueue_indirect_dma source(%dma_start3A_78 : memref<10240x8xf32, #tpu.memory_space<hbm>>) target(%dma_start3A_72 : memref<128x8xf32, #tpu.memory_space<vmem>>) offsets(%dma_start3A_75 : memref<128xi32, #tpu.memory_space<vmem>>) semaphore(%arg13 : memref<!tpu.dma_semaphore, #tpu.memory_space<semaphore_mem>>)
      %dma_wait3A = arith.constant 0 : i32
      %dma_wait3A_79 = arith.constant 0 : i32
      %dma_wait3A_80 = arith.constant 0 : i32
      %dma_wait3A_81 = arith.constant 0 : i32
      %dma_wait3A_82 = tpu.memref_slice %arg10[%dma_wait3A_79, %dma_wait3A_80, %dma_wait3A_81] : memref<4x128x8xf32, #tpu.memory_space<vmem>> -> memref<1x128x8xf32, #tpu.memory_space<vmem>>
      %dma_wait3A_83 = tpu.memref_squeeze %dma_wait3A_82 : memref<1x128x8xf32, #tpu.memory_space<vmem>> -> memref<128x8xf32, #tpu.memory_space<vmem>>
      %dma_wait3A_84 = arith.constant 0 : i32
      %dma_wait3A_85 = tpu.memref_slice %arg8[%dma_wait3A, %dma_wait3A_84] : memref<4x128xi32, #tpu.memory_space<vmem>> -> memref<1x128xi32, #tpu.memory_space<vmem>>
      %dma_wait3A_86 = tpu.memref_squeeze %dma_wait3A_85 : memref<1x128xi32, #tpu.memory_space<vmem>> -> memref<128xi32, #tpu.memory_space<vmem>>
      %dma_wait3A_87 = arith.constant 0 : i32
      %dma_wait3A_88 = arith.constant 0 : i32
      %dma_wait3A_89 = tpu.memref_slice %arg2[%dma_wait3A_87, %dma_wait3A_88] : memref<10240x8xf32, #tpu.memory_space<hbm>> -> memref<10240x8xf32, #tpu.memory_space<hbm>>
      tpu.wait_indirect_dma semaphore(%arg13 : memref<!tpu.dma_semaphore, #tpu.memory_space<semaphore_mem>>) src(%dma_wait3A_89 : memref<10240x8xf32, #tpu.memory_space<hbm>>) dst(%dma_wait3A_83 : memref<128x8xf32, #tpu.memory_space<vmem>>)
      %dma_wait3A_90 = arith.constant 1 : i32
      %dma_wait3A_91 = arith.constant 1 : i32
      %dma_wait3A_92 = arith.constant 0 : i32
      %dma_wait3A_93 = arith.constant 0 : i32
      %dma_wait3A_94 = tpu.memref_slice %arg10[%dma_wait3A_91, %dma_wait3A_92, %dma_wait3A_93] : memref<4x128x8xf32, #tpu.memory_space<vmem>> -> memref<1x128x8xf32, #tpu.memory_space<vmem>>
      %dma_wait3A_95 = tpu.memref_squeeze %dma_wait3A_94 : memref<1x128x8xf32, #tpu.memory_space<vmem>> -> memref<128x8xf32, #tpu.memory_space<vmem>>
      %dma_wait3A_96 = arith.constant 0 : i32
      %dma_wait3A_97 = tpu.memref_slice %arg8[%dma_wait3A_90, %dma_wait3A_96] : memref<4x128xi32, #tpu.memory_space<vmem>> -> memref<1x128xi32, #tpu.memory_space<vmem>>
      %dma_wait3A_98 = tpu.memref_squeeze %dma_wait3A_97 : memref<1x128xi32, #tpu.memory_space<vmem>> -> memref<128xi32, #tpu.memory_space<vmem>>
      %dma_wait3A_99 = arith.constant 0 : i32
      %dma_wait3A_100 = arith.constant 0 : i32
      %dma_wait3A_101 = tpu.memref_slice %arg2[%dma_wait3A_99, %dma_wait3A_100] : memref<10240x8xf32, #tpu.memory_space<hbm>> -> memref<10240x8xf32, #tpu.memory_space<hbm>>
      tpu.wait_indirect_dma semaphore(%arg13 : memref<!tpu.dma_semaphore, #tpu.memory_space<semaphore_mem>>) src(%dma_wait3A_101 : memref<10240x8xf32, #tpu.memory_space<hbm>>) dst(%dma_wait3A_95 : memref<128x8xf32, #tpu.memory_space<vmem>>)
      %dma_wait3A_102 = arith.constant 2 : i32
      %dma_wait3A_103 = arith.constant 2 : i32
      %dma_wait3A_104 = arith.constant 0 : i32
      %dma_wait3A_105 = arith.constant 0 : i32
      %dma_wait3A_106 = tpu.memref_slice %arg10[%dma_wait3A_103, %dma_wait3A_104, %dma_wait3A_105] : memref<4x128x8xf32, #tpu.memory_space<vmem>> -> memref<1x128x8xf32, #tpu.memory_space<vmem>>
      %dma_wait3A_107 = tpu.memref_squeeze %dma_wait3A_106 : memref<1x128x8xf32, #tpu.memory_space<vmem>> -> memref<128x8xf32, #tpu.memory_space<vmem>>
      %dma_wait3A_108 = arith.constant 0 : i32
      %dma_wait3A_109 = tpu.memref_slice %arg8[%dma_wait3A_102, %dma_wait3A_108] : memref<4x128xi32, #tpu.memory_space<vmem>> -> memref<1x128xi32, #tpu.memory_space<vmem>>
      %dma_wait3A_110 = tpu.memref_squeeze %dma_wait3A_109 : memref<1x128xi32, #tpu.memory_space<vmem>> -> memref<128xi32, #tpu.memory_space<vmem>>
      %dma_wait3A_111 = arith.constant 0 : i32
      %dma_wait3A_112 = arith.constant 0 : i32
      %dma_wait3A_113 = tpu.memref_slice %arg2[%dma_wait3A_111, %dma_wait3A_112] : memref<10240x8xf32, #tpu.memory_space<hbm>> -> memref<10240x8xf32, #tpu.memory_space<hbm>>
      tpu.wait_indirect_dma semaphore(%arg13 : memref<!tpu.dma_semaphore, #tpu.memory_space<semaphore_mem>>) src(%dma_wait3A_113 : memref<10240x8xf32, #tpu.memory_space<hbm>>) dst(%dma_wait3A_107 : memref<128x8xf32, #tpu.memory_space<vmem>>)
      %dma_wait3A_114 = arith.constant 3 : i32
      %dma_wait3A_115 = arith.constant 3 : i32
      %dma_wait3A_116 = arith.constant 0 : i32
      %dma_wait3A_117 = arith.constant 0 : i32
      %dma_wait3A_118 = tpu.memref_slice %arg10[%dma_wait3A_115, %dma_wait3A_116, %dma_wait3A_117] : memref<4x128x8xf32, #tpu.memory_space<vmem>> -> memref<1x128x8xf32, #tpu.memory_space<vmem>>
      %dma_wait3A_119 = tpu.memref_squeeze %dma_wait3A_118 : memref<1x128x8xf32, #tpu.memory_space<vmem>> -> memref<128x8xf32, #tpu.memory_space<vmem>>
      %dma_wait3A_120 = arith.constant 0 : i32
      %dma_wait3A_121 = tpu.memref_slice %arg8[%dma_wait3A_114, %dma_wait3A_120] : memref<4x128xi32, #tpu.memory_space<vmem>> -> memref<1x128xi32, #tpu.memory_space<vmem>>
      %dma_wait3A_122 = tpu.memref_squeeze %dma_wait3A_121 : memref<1x128xi32, #tpu.memory_space<vmem>> -> memref<128xi32, #tpu.memory_space<vmem>>
      %dma_wait3A_123 = arith.constant 0 : i32
      %dma_wait3A_124 = arith.constant 0 : i32
      %dma_wait3A_125 = tpu.memref_slice %arg2[%dma_wait3A_123, %dma_wait3A_124] : memref<10240x8xf32, #tpu.memory_space<hbm>> -> memref<10240x8xf32, #tpu.memory_space<hbm>>
      tpu.wait_indirect_dma semaphore(%arg13 : memref<!tpu.dma_semaphore, #tpu.memory_space<semaphore_mem>>) src(%dma_wait3A_125 : memref<10240x8xf32, #tpu.memory_space<hbm>>) dst(%dma_wait3A_119 : memref<128x8xf32, #tpu.memory_space<vmem>>)
      %run_scoped3A = arith.constant 0 : i32
      %run_scoped3A_126 = arith.constant 0 : i32
      "tpu.region"() ({
        %run_scoped3A_133 = tpu.sem_alloc : memref<!tpu.dma_semaphore, #tpu.memory_space<semaphore_mem>>
        %dma_start3A_134 = arith.constant 0 : i32
        %dma_start3A_135 = arith.constant 0 : i32
        %dma_start3A_136 = tpu.memref_slice %arg10[%run_scoped3A, %dma_start3A_134, %dma_start3A_135] : memref<4x128x8xf32, #tpu.memory_space<vmem>> -> memref<1x128x8xf32, #tpu.memory_space<vmem>>
        %dma_start3A_137 = tpu.memref_squeeze %dma_start3A_136 : memref<1x128x8xf32, #tpu.memory_space<vmem>> -> memref<128x8xf32, #tpu.memory_space<vmem>>
        %dma_start3A_138 = arith.constant 0 : i32
        %dma_start3A_139 = tpu.memref_slice %arg9[%run_scoped3A_126, %dma_start3A_138] : memref<4x128xi32, #tpu.memory_space<vmem>> -> memref<1x128xi32, #tpu.memory_space<vmem>>
        %dma_start3A_140 = tpu.memref_squeeze %dma_start3A_139 : memref<1x128xi32, #tpu.memory_space<vmem>> -> memref<128xi32, #tpu.memory_space<vmem>>
        %dma_start3A_141 = arith.constant 0 : i32
        %dma_start3A_142 = arith.constant 0 : i32
        %dma_start3A_143 = tpu.memref_slice %arg12[%dma_start3A_141, %dma_start3A_142] : memref<10240x8xf32, #tpu.memory_space<vmem_shared>> -> memref<10240x8xf32, #tpu.memory_space<vmem_shared>>
        tpu.enqueue_indirect_dma source(%dma_start3A_137 : memref<128x8xf32, #tpu.memory_space<vmem>>) target(%dma_start3A_143 : memref<10240x8xf32, #tpu.memory_space<vmem_shared>>) offsets(%dma_start3A_140 : memref<128xi32, #tpu.memory_space<vmem>>) semaphore(%run_scoped3A_133 : memref<!tpu.dma_semaphore, #tpu.memory_space<semaphore_mem>>) {add = true}
        %dma_wait3A_144 = arith.constant 0 : i32
        %dma_wait3A_145 = arith.constant 0 : i32
        %dma_wait3A_146 = tpu.memref_slice %arg10[%run_scoped3A, %dma_wait3A_144, %dma_wait3A_145] : memref<4x128x8xf32, #tpu.memory_space<vmem>> -> memref<1x128x8xf32, #tpu.memory_space<vmem>>
        %dma_wait3A_147 = tpu.memref_squeeze %dma_wait3A_146 : memref<1x128x8xf32, #tpu.memory_space<vmem>> -> memref<128x8xf32, #tpu.memory_space<vmem>>
        %dma_wait3A_148 = arith.constant 0 : i32
        %dma_wait3A_149 = tpu.memref_slice %arg9[%run_scoped3A_126, %dma_wait3A_148] : memref<4x128xi32, #tpu.memory_space<vmem>> -> memref<1x128xi32, #tpu.memory_space<vmem>>
        %dma_wait3A_150 = tpu.memref_squeeze %dma_wait3A_149 : memref<1x128xi32, #tpu.memory_space<vmem>> -> memref<128xi32, #tpu.memory_space<vmem>>
        %dma_wait3A_151 = arith.constant 0 : i32
        %dma_wait3A_152 = arith.constant 0 : i32
        %dma_wait3A_153 = tpu.memref_slice %arg12[%dma_wait3A_151, %dma_wait3A_152] : memref<10240x8xf32, #tpu.memory_space<vmem_shared>> -> memref<10240x8xf32, #tpu.memory_space<vmem_shared>>
        tpu.wait_indirect_dma semaphore(%run_scoped3A_133 : memref<!tpu.dma_semaphore, #tpu.memory_space<semaphore_mem>>) src(%dma_wait3A_147 : memref<128x8xf32, #tpu.memory_space<vmem>>) dst(%dma_wait3A_153 : memref<10240x8xf32, #tpu.memory_space<vmem_shared>>)
        tpu.yield
      }) : () -> ()
      %run_scoped3A_127 = arith.constant 1 : i32
      %run_scoped3A_128 = arith.constant 1 : i32
      "tpu.region"() ({
        %run_scoped3A_133 = tpu.sem_alloc : memref<!tpu.dma_semaphore, #tpu.memory_space<semaphore_mem>>
        %dma_start3A_134 = arith.constant 0 : i32
        %dma_start3A_135 = arith.constant 0 : i32
        %dma_start3A_136 = tpu.memref_slice %arg10[%run_scoped3A_127, %dma_start3A_134, %dma_start3A_135] : memref<4x128x8xf32, #tpu.memory_space<vmem>> -> memref<1x128x8xf32, #tpu.memory_space<vmem>>
        %dma_start3A_137 = tpu.memref_squeeze %dma_start3A_136 : memref<1x128x8xf32, #tpu.memory_space<vmem>> -> memref<128x8xf32, #tpu.memory_space<vmem>>
        %dma_start3A_138 = arith.constant 0 : i32
        %dma_start3A_139 = tpu.memref_slice %arg9[%run_scoped3A_128, %dma_start3A_138] : memref<4x128xi32, #tpu.memory_space<vmem>> -> memref<1x128xi32, #tpu.memory_space<vmem>>
        %dma_start3A_140 = tpu.memref_squeeze %dma_start3A_139 : memref<1x128xi32, #tpu.memory_space<vmem>> -> memref<128xi32, #tpu.memory_space<vmem>>
        %dma_start3A_141 = arith.constant 0 : i32
        %dma_start3A_142 = arith.constant 0 : i32
        %dma_start3A_143 = tpu.memref_slice %arg12[%dma_start3A_141, %dma_start3A_142] : memref<10240x8xf32, #tpu.memory_space<vmem_shared>> -> memref<10240x8xf32, #tpu.memory_space<vmem_shared>>
        tpu.enqueue_indirect_dma source(%dma_start3A_137 : memref<128x8xf32, #tpu.memory_space<vmem>>) target(%dma_start3A_143 : memref<10240x8xf32, #tpu.memory_space<vmem_shared>>) offsets(%dma_start3A_140 : memref<128xi32, #tpu.memory_space<vmem>>) semaphore(%run_scoped3A_133 : memref<!tpu.dma_semaphore, #tpu.memory_space<semaphore_mem>>) {add = true}
        %dma_wait3A_144 = arith.constant 0 : i32
        %dma_wait3A_145 = arith.constant 0 : i32
        %dma_wait3A_146 = tpu.memref_slice %arg10[%run_scoped3A_127, %dma_wait3A_144, %dma_wait3A_145] : memref<4x128x8xf32, #tpu.memory_space<vmem>> -> memref<1x128x8xf32, #tpu.memory_space<vmem>>
        %dma_wait3A_147 = tpu.memref_squeeze %dma_wait3A_146 : memref<1x128x8xf32, #tpu.memory_space<vmem>> -> memref<128x8xf32, #tpu.memory_space<vmem>>
        %dma_wait3A_148 = arith.constant 0 : i32
        %dma_wait3A_149 = tpu.memref_slice %arg9[%run_scoped3A_128, %dma_wait3A_148] : memref<4x128xi32, #tpu.memory_space<vmem>> -> memref<1x128xi32, #tpu.memory_space<vmem>>
        %dma_wait3A_150 = tpu.memref_squeeze %dma_wait3A_149 : memref<1x128xi32, #tpu.memory_space<vmem>> -> memref<128xi32, #tpu.memory_space<vmem>>
        %dma_wait3A_151 = arith.constant 0 : i32
        %dma_wait3A_152 = arith.constant 0 : i32
        %dma_wait3A_153 = tpu.memref_slice %arg12[%dma_wait3A_151, %dma_wait3A_152] : memref<10240x8xf32, #tpu.memory_space<vmem_shared>> -> memref<10240x8xf32, #tpu.memory_space<vmem_shared>>
        tpu.wait_indirect_dma semaphore(%run_scoped3A_133 : memref<!tpu.dma_semaphore, #tpu.memory_space<semaphore_mem>>) src(%dma_wait3A_147 : memref<128x8xf32, #tpu.memory_space<vmem>>) dst(%dma_wait3A_153 : memref<10240x8xf32, #tpu.memory_space<vmem_shared>>)
        tpu.yield
      }) : () -> ()
      %run_scoped3A_129 = arith.constant 2 : i32
      %run_scoped3A_130 = arith.constant 2 : i32
      "tpu.region"() ({
        %run_scoped3A_133 = tpu.sem_alloc : memref<!tpu.dma_semaphore, #tpu.memory_space<semaphore_mem>>
        %dma_start3A_134 = arith.constant 0 : i32
        %dma_start3A_135 = arith.constant 0 : i32
        %dma_start3A_136 = tpu.memref_slice %arg10[%run_scoped3A_129, %dma_start3A_134, %dma_start3A_135] : memref<4x128x8xf32, #tpu.memory_space<vmem>> -> memref<1x128x8xf32, #tpu.memory_space<vmem>>
        %dma_start3A_137 = tpu.memref_squeeze %dma_start3A_136 : memref<1x128x8xf32, #tpu.memory_space<vmem>> -> memref<128x8xf32, #tpu.memory_space<vmem>>
        %dma_start3A_138 = arith.constant 0 : i32
        %dma_start3A_139 = tpu.memref_slice %arg9[%run_scoped3A_130, %dma_start3A_138] : memref<4x128xi32, #tpu.memory_space<vmem>> -> memref<1x128xi32, #tpu.memory_space<vmem>>
        %dma_start3A_140 = tpu.memref_squeeze %dma_start3A_139 : memref<1x128xi32, #tpu.memory_space<vmem>> -> memref<128xi32, #tpu.memory_space<vmem>>
        %dma_start3A_141 = arith.constant 0 : i32
        %dma_start3A_142 = arith.constant 0 : i32
        %dma_start3A_143 = tpu.memref_slice %arg12[%dma_start3A_141, %dma_start3A_142] : memref<10240x8xf32, #tpu.memory_space<vmem_shared>> -> memref<10240x8xf32, #tpu.memory_space<vmem_shared>>
        tpu.enqueue_indirect_dma source(%dma_start3A_137 : memref<128x8xf32, #tpu.memory_space<vmem>>) target(%dma_start3A_143 : memref<10240x8xf32, #tpu.memory_space<vmem_shared>>) offsets(%dma_start3A_140 : memref<128xi32, #tpu.memory_space<vmem>>) semaphore(%run_scoped3A_133 : memref<!tpu.dma_semaphore, #tpu.memory_space<semaphore_mem>>) {add = true}
        %dma_wait3A_144 = arith.constant 0 : i32
        %dma_wait3A_145 = arith.constant 0 : i32
        %dma_wait3A_146 = tpu.memref_slice %arg10[%run_scoped3A_129, %dma_wait3A_144, %dma_wait3A_145] : memref<4x128x8xf32, #tpu.memory_space<vmem>> -> memref<1x128x8xf32, #tpu.memory_space<vmem>>
        %dma_wait3A_147 = tpu.memref_squeeze %dma_wait3A_146 : memref<1x128x8xf32, #tpu.memory_space<vmem>> -> memref<128x8xf32, #tpu.memory_space<vmem>>
        %dma_wait3A_148 = arith.constant 0 : i32
        %dma_wait3A_149 = tpu.memref_slice %arg9[%run_scoped3A_130, %dma_wait3A_148] : memref<4x128xi32, #tpu.memory_space<vmem>> -> memref<1x128xi32, #tpu.memory_space<vmem>>
        %dma_wait3A_150 = tpu.memref_squeeze %dma_wait3A_149 : memref<1x128xi32, #tpu.memory_space<vmem>> -> memref<128xi32, #tpu.memory_space<vmem>>
        %dma_wait3A_151 = arith.constant 0 : i32
        %dma_wait3A_152 = arith.constant 0 : i32
        %dma_wait3A_153 = tpu.memref_slice %arg12[%dma_wait3A_151, %dma_wait3A_152] : memref<10240x8xf32, #tpu.memory_space<vmem_shared>> -> memref<10240x8xf32, #tpu.memory_space<vmem_shared>>
        tpu.wait_indirect_dma semaphore(%run_scoped3A_133 : memref<!tpu.dma_semaphore, #tpu.memory_space<semaphore_mem>>) src(%dma_wait3A_147 : memref<128x8xf32, #tpu.memory_space<vmem>>) dst(%dma_wait3A_153 : memref<10240x8xf32, #tpu.memory_space<vmem_shared>>)
        tpu.yield
      }) : () -> ()
      %run_scoped3A_131 = arith.constant 3 : i32
      %run_scoped3A_132 = arith.constant 3 : i32
      "tpu.region"() ({
        %run_scoped3A_133 = tpu.sem_alloc : memref<!tpu.dma_semaphore, #tpu.memory_space<semaphore_mem>>
        %dma_start3A_134 = arith.constant 0 : i32
        %dma_start3A_135 = arith.constant 0 : i32
        %dma_start3A_136 = tpu.memref_slice %arg10[%run_scoped3A_131, %dma_start3A_134, %dma_start3A_135] : memref<4x128x8xf32, #tpu.memory_space<vmem>> -> memref<1x128x8xf32, #tpu.memory_space<vmem>>
        %dma_start3A_137 = tpu.memref_squeeze %dma_start3A_136 : memref<1x128x8xf32, #tpu.memory_space<vmem>> -> memref<128x8xf32, #tpu.memory_space<vmem>>
        %dma_start3A_138 = arith.constant 0 : i32
        %dma_start3A_139 = tpu.memref_slice %arg9[%run_scoped3A_132, %dma_start3A_138] : memref<4x128xi32, #tpu.memory_space<vmem>> -> memref<1x128xi32, #tpu.memory_space<vmem>>
        %dma_start3A_140 = tpu.memref_squeeze %dma_start3A_139 : memref<1x128xi32, #tpu.memory_space<vmem>> -> memref<128xi32, #tpu.memory_space<vmem>>
        %dma_start3A_141 = arith.constant 0 : i32
        %dma_start3A_142 = arith.constant 0 : i32
        %dma_start3A_143 = tpu.memref_slice %arg12[%dma_start3A_141, %dma_start3A_142] : memref<10240x8xf32, #tpu.memory_space<vmem_shared>> -> memref<10240x8xf32, #tpu.memory_space<vmem_shared>>
        tpu.enqueue_indirect_dma source(%dma_start3A_137 : memref<128x8xf32, #tpu.memory_space<vmem>>) target(%dma_start3A_143 : memref<10240x8xf32, #tpu.memory_space<vmem_shared>>) offsets(%dma_start3A_140 : memref<128xi32, #tpu.memory_space<vmem>>) semaphore(%run_scoped3A_133 : memref<!tpu.dma_semaphore, #tpu.memory_space<semaphore_mem>>) {add = true}
        %dma_wait3A_144 = arith.constant 0 : i32
        %dma_wait3A_145 = arith.constant 0 : i32
        %dma_wait3A_146 = tpu.memref_slice %arg10[%run_scoped3A_131, %dma_wait3A_144, %dma_wait3A_145] : memref<4x128x8xf32, #tpu.memory_space<vmem>> -> memref<1x128x8xf32, #tpu.memory_space<vmem>>
        %dma_wait3A_147 = tpu.memref_squeeze %dma_wait3A_146 : memref<1x128x8xf32, #tpu.memory_space<vmem>> -> memref<128x8xf32, #tpu.memory_space<vmem>>
        %dma_wait3A_148 = arith.constant 0 : i32
        %dma_wait3A_149 = tpu.memref_slice %arg9[%run_scoped3A_132, %dma_wait3A_148] : memref<4x128xi32, #tpu.memory_space<vmem>> -> memref<1x128xi32, #tpu.memory_space<vmem>>
        %dma_wait3A_150 = tpu.memref_squeeze %dma_wait3A_149 : memref<1x128xi32, #tpu.memory_space<vmem>> -> memref<128xi32, #tpu.memory_space<vmem>>
        %dma_wait3A_151 = arith.constant 0 : i32
        %dma_wait3A_152 = arith.constant 0 : i32
        %dma_wait3A_153 = tpu.memref_slice %arg12[%dma_wait3A_151, %dma_wait3A_152] : memref<10240x8xf32, #tpu.memory_space<vmem_shared>> -> memref<10240x8xf32, #tpu.memory_space<vmem_shared>>
        tpu.wait_indirect_dma semaphore(%run_scoped3A_133 : memref<!tpu.dma_semaphore, #tpu.memory_space<semaphore_mem>>) src(%dma_wait3A_147 : memref<128x8xf32, #tpu.memory_space<vmem>>) dst(%dma_wait3A_153 : memref<10240x8xf32, #tpu.memory_space<vmem_shared>>)
        tpu.yield
      }) : () -> ()
    }
    %scan3A_17 = arith.constant 20 : i32
    %barrier3A_18 = arith.constant 0 : index
    tpu.barrier barrier_id(%barrier3A_18)
    %eq3A = arith.constant 0 : i32
    %eq3A_19 = arith.cmpi eq, %arg0, %eq3A : i32
    %convert_element_type3A = arith.extui %eq3A_19 : i1 to i32
    %cond3A = arith.constant 0 : i32
    %cond3A_20 = arith.cmpi ne, %convert_element_type3A, %cond3A : i32
    scf.if %cond3A_20 {
      "tpu.region"() ({
        %run_scoped3A = tpu.sem_alloc : memref<!tpu.dma_semaphore, #tpu.memory_space<semaphore_mem>>
        %dma_start3A = arith.constant 0 : i32
        %dma_start3A_26 = tpu.memref_slice %arg6[%mul3A_0, %dma_start3A] : memref<10240x8xf32, #tpu.memory_space<hbm>> -> memref<640x8xf32, #tpu.memory_space<hbm>>
        %dma_start3A_27 = arith.constant 0 : i32
        %dma_start3A_28 = tpu.memref_slice %arg12[%mul3A_0, %dma_start3A_27] : memref<10240x8xf32, #tpu.memory_space<vmem_shared>> -> memref<640x8xf32, #tpu.memory_space<vmem_shared>>
        tpu.enqueue_dma source(%dma_start3A_28 : memref<640x8xf32, #tpu.memory_space<vmem_shared>>) target(%dma_start3A_26 : memref<640x8xf32, #tpu.memory_space<hbm>>) target_semaphore(%run_scoped3A : memref<!tpu.dma_semaphore, #tpu.memory_space<semaphore_mem>>)
        %dma_wait3A = arith.constant 0 : i32
        %dma_wait3A_29 = tpu.memref_slice %arg6[%mul3A_0, %dma_wait3A] : memref<10240x8xf32, #tpu.memory_space<hbm>> -> memref<640x8xf32, #tpu.memory_space<hbm>>
        %dma_wait3A_30 = arith.constant 0 : i32
        %dma_wait3A_31 = tpu.memref_slice %arg12[%mul3A_0, %dma_wait3A_30] : memref<10240x8xf32, #tpu.memory_space<vmem_shared>> -> memref<640x8xf32, #tpu.memory_space<vmem_shared>>
        tpu.wait_dma2 semaphore(%run_scoped3A : memref<!tpu.dma_semaphore, #tpu.memory_space<semaphore_mem>>) src(%dma_wait3A_31 : memref<640x8xf32, #tpu.memory_space<vmem_shared>>) dst(%dma_wait3A_29 : memref<640x8xf32, #tpu.memory_space<hbm>>)
        tpu.yield
      }) : () -> ()
    } else {
    }
    %eq3A_21 = arith.constant 1 : i32
    %eq3A_22 = arith.cmpi eq, %arg0, %eq3A_21 : i32
    %convert_element_type3A_23 = arith.extui %eq3A_22 : i1 to i32
    %cond3A_24 = arith.constant 0 : i32
    %cond3A_25 = arith.cmpi ne, %convert_element_type3A_23, %cond3A_24 : i32
    scf.if %cond3A_25 {
      "tpu.region"() ({
        %run_scoped3A = tpu.sem_alloc : memref<!tpu.dma_semaphore, #tpu.memory_space<semaphore_mem>>
        %dma_start3A = arith.constant 0 : i32
        %dma_start3A_26 = tpu.memref_slice %arg7[%mul3A_0, %dma_start3A] : memref<10240x8xf32, #tpu.memory_space<hbm>> -> memref<640x8xf32, #tpu.memory_space<hbm>>
        %dma_start3A_27 = arith.constant 0 : i32
        %dma_start3A_28 = tpu.memref_slice %arg12[%mul3A_0, %dma_start3A_27] : memref<10240x8xf32, #tpu.memory_space<vmem_shared>> -> memref<640x8xf32, #tpu.memory_space<vmem_shared>>
        tpu.enqueue_dma source(%dma_start3A_28 : memref<640x8xf32, #tpu.memory_space<vmem_shared>>) target(%dma_start3A_26 : memref<640x8xf32, #tpu.memory_space<hbm>>) target_semaphore(%run_scoped3A : memref<!tpu.dma_semaphore, #tpu.memory_space<semaphore_mem>>)
        %dma_wait3A = arith.constant 0 : i32
        %dma_wait3A_29 = tpu.memref_slice %arg7[%mul3A_0, %dma_wait3A] : memref<10240x8xf32, #tpu.memory_space<hbm>> -> memref<640x8xf32, #tpu.memory_space<hbm>>
        %dma_wait3A_30 = arith.constant 0 : i32
        %dma_wait3A_31 = tpu.memref_slice %arg12[%mul3A_0, %dma_wait3A_30] : memref<10240x8xf32, #tpu.memory_space<vmem_shared>> -> memref<640x8xf32, #tpu.memory_space<vmem_shared>>
        tpu.wait_dma2 semaphore(%run_scoped3A : memref<!tpu.dma_semaphore, #tpu.memory_space<semaphore_mem>>) src(%dma_wait3A_31 : memref<640x8xf32, #tpu.memory_space<vmem_shared>>) dst(%dma_wait3A_29 : memref<640x8xf32, #tpu.memory_space<hbm>>)
        tpu.yield
      }) : () -> ()
    } else {
    }
    return
  }
}

module attributes {stable_mosaic.version = 14 : i64} {
  func.func @body(%arg0: i32, %arg1: memref<1024x8xf32, #tpu.memory_space<vmem>>, %arg2: memref<1024x8xf32, #tpu.memory_space<vmem>>, %arg3: memref<1024x128xf32, #tpu.memory_space<vmem>>, %arg4: memref<128x32xf32, #tpu.memory_space<vmem>>, %arg5: memref<1024x8xf32, #tpu.memory_space<vmem>>, %arg6: memref<1024x32xf32, #tpu.memory_space<vmem>>) attributes {dimension_semantics = [#tpu.dimension_semantics<arbitrary>], iteration_bounds = array<i64: 10>, scalar_prefetch = 0 : i64, scratch_operands = 0 : i64, tpu.core_type = #tpu.core_type<tc>, window_params = [{transform_indices = @transform_0, window_bounds = array<i64: 1024, 8>}, {transform_indices = @transform_1, window_bounds = array<i64: 1024, 8>}, {transform_indices = @transform_2, window_bounds = array<i64: 1024, 128>}, {pipeline_mode = #tpu.pipeline_mode<synchronous>, transform_indices = @transform_3, window_bounds = array<i64: 128, 32>}, {transform_indices = @transform_4, window_bounds = array<i64: 1024, 8>}, {transform_indices = @transform_5, window_bounds = array<i64: 1024, 32>}]} {
    %get3A = arith.constant 0 : index
    %get3A_0 = arith.constant 0 : index
    %get3A_1 = vector.load %arg1[%get3A, %get3A_0] : memref<1024x8xf32, #tpu.memory_space<vmem>>, vector<1024x1xf32>
    %get3A_2 = arith.constant 0 : index
    %get3A_3 = arith.constant 0 : index
    %get3A_4 = vector.load %arg2[%get3A_2, %get3A_3] : memref<1024x8xf32, #tpu.memory_space<vmem>>, vector<1024x1xf32>
    %add3A = arith.addf %get3A_1, %get3A_4 : vector<1024x1xf32>
    %add3A_5 = arith.constant 1.000000e+00 : f32
    %add3A_6 = vector.broadcast %add3A_5 : f32 to vector<1024x1xf32>
    %add3A_7 = arith.addf %add3A, %add3A_6 : vector<1024x1xf32>
    %rsqrt3A = math.rsqrt %add3A_7 : vector<1024x1xf32>
    %broadcast_in_dim3A = vector.shape_cast %rsqrt3A : vector<1024x1xf32> to vector<1024x1xf32>
    %broadcast_in_dim3A_8 = vector.broadcast %broadcast_in_dim3A : vector<1024x1xf32> to vector<1024x8xf32>
    %swap3A = arith.constant 0 : index
    %swap3A_9 = arith.constant 0 : index
    %swap3A_10 = vector.load %arg5[%swap3A, %swap3A_9] : memref<1024x8xf32, #tpu.memory_space<vmem>>, vector<1024x8xf32>
    tpu.vector_store %arg5[%swap3A, %swap3A_9], %broadcast_in_dim3A_8 {strides = array<i32>} : memref<1024x8xf32, #tpu.memory_space<vmem>>, vector<1024x8xf32>,
    %get3A_11 = arith.constant 0 : index
    %get3A_12 = arith.constant 0 : index
    %get3A_13 = vector.load %arg3[%get3A_11, %get3A_12] : memref<1024x128xf32, #tpu.memory_space<vmem>>, vector<1024x128xf32>
    %get3A_14 = arith.constant 0 : index
    %get3A_15 = arith.constant 0 : index
    %get3A_16 = vector.load %arg4[%get3A_14, %get3A_15] : memref<128x32xf32, #tpu.memory_space<vmem>>, vector<128x32xf32>
    %dot_general3A = arith.constant dense<0.000000e+00> : vector<1024x32xf32>
    %dot_general3A_17 = tpu.matmul %get3A_13, %get3A_16, %dot_general3A {dimension_numbers = #tpu.dot_dimension_numbers<[1], [0], [0], [1], [0, 0, 1, 1], [], []>, transpose_lhs_hint = false} : vector<1024x128xf32>, vector<128x32xf32>, vector<1024x32xf32> -> vector<1024x32xf32>
    %mul3A = vector.broadcast %rsqrt3A : vector<1024x1xf32> to vector<1024x32xf32>
    %mul3A_18 = arith.mulf %mul3A, %dot_general3A_17 : vector<1024x32xf32>
    %swap3A_19 = arith.constant 0 : index
    %swap3A_20 = arith.constant 0 : index
    %swap3A_21 = vector.load %arg6[%swap3A_19, %swap3A_20] : memref<1024x32xf32, #tpu.memory_space<vmem>>, vector<1024x32xf32>
    tpu.vector_store %arg6[%swap3A_19, %swap3A_20], %mul3A_18 {strides = array<i32>} : memref<1024x32xf32, #tpu.memory_space<vmem>>, vector<1024x32xf32>,
    return
  }
  func.func @transform_0(%arg0: i32) -> (i32, i32) {
    %c0_i32 = arith.constant 0 : i32
    %c0_i32_0 = arith.constant 0 : i32
    return %arg0, %c0_i32 : i32, i32
  }
  func.func @transform_1(%arg0: i32) -> (i32, i32) {
    %c0_i32 = arith.constant 0 : i32
    %c0_i32_0 = arith.constant 0 : i32
    return %arg0, %c0_i32 : i32, i32
  }
  func.func @transform_2(%arg0: i32) -> (i32, i32) {
    %c0_i32 = arith.constant 0 : i32
    %c0_i32_0 = arith.constant 0 : i32
    return %arg0, %c0_i32 : i32, i32
  }
  func.func @transform_3(%arg0: i32) -> (i32, i32) {
    %c0_i32 = arith.constant 0 : i32
    %c0_i32_0 = arith.constant 0 : i32
    %c0_i32_1 = arith.constant 0 : i32
    return %c0_i32, %c0_i32_0 : i32, i32
  }
  func.func @transform_4(%arg0: i32) -> (i32, i32) {
    %c0_i32 = arith.constant 0 : i32
    %c0_i32_0 = arith.constant 0 : i32
    return %arg0, %c0_i32 : i32, i32
  }
  func.func @transform_5(%arg0: i32) -> (i32, i32) {
    %c0_i32 = arith.constant 0 : i32
    %c0_i32_0 = arith.constant 0 : i32
    return %arg0, %c0_i32 : i32, i32
  }
}

module attributes {stable_mosaic.version = 14 : i64} {
  func.func @body(%arg0: i32, %arg1: memref<1024x32xf32, #tpu.memory_space<vmem>>, %arg2: memref<1024x32xf32, #tpu.memory_space<vmem>>, %arg3: memref<1024x32xf32, #tpu.memory_space<vmem>>, %arg4: memref<1024x8xf32, #tpu.memory_space<vmem>>, %arg5: memref<1x32xf32, #tpu.memory_space<vmem>>, %arg6: memref<1x32xf32, #tpu.memory_space<vmem>>, %arg7: memref<1x32xf32, #tpu.memory_space<vmem>>, %arg8: memref<1024x32xf32, #tpu.memory_space<vmem>>) attributes {dimension_semantics = [#tpu.dimension_semantics<arbitrary>], iteration_bounds = array<i64: 10>, scalar_prefetch = 0 : i64, scratch_operands = 0 : i64, tpu.core_type = #tpu.core_type<tc>, window_params = [{transform_indices = @transform_0, window_bounds = array<i64: 1024, 32>}, {transform_indices = @transform_1, window_bounds = array<i64: 1024, 32>}, {transform_indices = @transform_2, window_bounds = array<i64: 1024, 32>}, {transform_indices = @transform_3, window_bounds = array<i64: 1024, 8>}, {pipeline_mode = #tpu.pipeline_mode<synchronous>, transform_indices = @transform_4, window_bounds = array<i64: 1, 32>}, {pipeline_mode = #tpu.pipeline_mode<synchronous>, transform_indices = @transform_5, window_bounds = array<i64: 1, 32>}, {pipeline_mode = #tpu.pipeline_mode<synchronous>, transform_indices = @transform_6, window_bounds = array<i64: 1, 32>}, {transform_indices = @transform_7, window_bounds = array<i64: 1024, 32>}]} {
    %get3A = arith.constant 0 : index
    %get3A_0 = arith.constant 0 : index
    %get3A_1 = vector.load %arg4[%get3A, %get3A_0] : memref<1024x8xf32, #tpu.memory_space<vmem>>, vector<1024x1xf32>
    %get3A_2 = arith.constant 0 : index
    %get3A_3 = arith.constant 0 : index
    %get3A_4 = vector.load %arg1[%get3A_2, %get3A_3] : memref<1024x32xf32, #tpu.memory_space<vmem>>, vector<1024x32xf32>
    %get3A_5 = arith.constant 0 : index
    %get3A_6 = arith.constant 0 : index
    %get3A_7 = vector.load %arg2[%get3A_5, %get3A_6] : memref<1024x32xf32, #tpu.memory_space<vmem>>, vector<1024x32xf32>
    %add3A = arith.addf %get3A_4, %get3A_7 : vector<1024x32xf32>
    %get3A_8 = arith.constant 0 : index
    %get3A_9 = arith.constant 0 : index
    %get3A_10 = vector.load %arg3[%get3A_8, %get3A_9] : memref<1024x32xf32, #tpu.memory_space<vmem>>, vector<1024x32xf32>
    %add3A_11 = arith.addf %add3A, %get3A_10 : vector<1024x32xf32>
    %mul3A = vector.broadcast %get3A_1 : vector<1024x1xf32> to vector<1024x32xf32>
    %mul3A_12 = arith.mulf %mul3A, %add3A_11 : vector<1024x32xf32>
    %get3A_13 = arith.constant 0 : index
    %get3A_14 = arith.constant 0 : index
    %get3A_15 = vector.load %arg5[%get3A_13, %get3A_14] : memref<1x32xf32, #tpu.memory_space<vmem>>, vector<1x32xf32>
    %add3A_16 = vector.broadcast %get3A_15 : vector<1x32xf32> to vector<1024x32xf32>
    %add3A_17 = arith.addf %mul3A_12, %add3A_16 : vector<1024x32xf32>
    %get3A_18 = arith.constant 0 : index
    %get3A_19 = arith.constant 0 : index
    %get3A_20 = vector.load %arg6[%get3A_18, %get3A_19] : memref<1x32xf32, #tpu.memory_space<vmem>>, vector<1x32xf32>
    %mul3A_21 = arith.constant 0.999994993 : f32
    %mul3A_22 = vector.broadcast %mul3A_21 : f32 to vector<1x32xf32>
    %mul3A_23 = arith.mulf %get3A_20, %mul3A_22 : vector<1x32xf32>
    %mul3A_24 = vector.broadcast %mul3A_23 : vector<1x32xf32> to vector<1024x32xf32>
    %mul3A_25 = arith.mulf %add3A_17, %mul3A_24 : vector<1024x32xf32>
    %get3A_26 = arith.constant 0 : index
    %get3A_27 = arith.constant 0 : index
    %get3A_28 = vector.load %arg7[%get3A_26, %get3A_27] : memref<1x32xf32, #tpu.memory_space<vmem>>, vector<1x32xf32>
    %add3A_29 = vector.broadcast %get3A_28 : vector<1x32xf32> to vector<1024x32xf32>
    %add3A_30 = arith.addf %mul3A_25, %add3A_29 : vector<1024x32xf32>
    %gt3A = arith.constant 0.000000e+00 : f32
    %gt3A_31 = vector.broadcast %gt3A : f32 to vector<1024x32xf32>
    %gt3A_32 = arith.cmpf ogt, %add3A_30, %gt3A_31 : vector<1024x32xf32>
    %min3A = arith.constant 0.000000e+00 : f32
    %min3A_33 = vector.broadcast %min3A : f32 to vector<1024x32xf32>
    %min3A_34 = arith.minimumf %add3A_30, %min3A_33 : vector<1024x32xf32>
    %exp3A = math.exp %min3A_34 : vector<1024x32xf32>
    %sub3A = arith.constant 1.000000e+00 : f32
    %sub3A_35 = vector.broadcast %sub3A : f32 to vector<1024x32xf32>
    %sub3A_36 = arith.subf %exp3A, %sub3A_35 : vector<1024x32xf32>
    %select_n3A = arith.select %gt3A_32, %add3A_30, %sub3A_36 : vector<1024x32xi1>, vector<1024x32xf32>
    %mul3A_37 = vector.broadcast %get3A_1 : vector<1024x1xf32> to vector<1024x32xf32>
    %mul3A_38 = arith.mulf %mul3A_37, %select_n3A : vector<1024x32xf32>
    %swap3A = arith.constant 0 : index
    %swap3A_39 = arith.constant 0 : index
    %swap3A_40 = vector.load %arg8[%swap3A, %swap3A_39] : memref<1024x32xf32, #tpu.memory_space<vmem>>, vector<1024x32xf32>
    tpu.vector_store %arg8[%swap3A, %swap3A_39], %mul3A_38 {strides = array<i32>} : memref<1024x32xf32, #tpu.memory_space<vmem>>, vector<1024x32xf32>,
    return
  }
  func.func @transform_0(%arg0: i32) -> (i32, i32) {
    %c0_i32 = arith.constant 0 : i32
    %c0_i32_0 = arith.constant 0 : i32
    return %arg0, %c0_i32 : i32, i32
  }
  func.func @transform_1(%arg0: i32) -> (i32, i32) {
    %c0_i32 = arith.constant 0 : i32
    %c0_i32_0 = arith.constant 0 : i32
    return %arg0, %c0_i32 : i32, i32
  }
  func.func @transform_2(%arg0: i32) -> (i32, i32) {
    %c0_i32 = arith.constant 0 : i32
    %c0_i32_0 = arith.constant 0 : i32
    return %arg0, %c0_i32 : i32, i32
  }
  func.func @transform_3(%arg0: i32) -> (i32, i32) {
    %c0_i32 = arith.constant 0 : i32
    %c0_i32_0 = arith.constant 0 : i32
    return %arg0, %c0_i32 : i32, i32
  }
  func.func @transform_4(%arg0: i32) -> (i32, i32) {
    %c0_i32 = arith.constant 0 : i32
    %c0_i32_0 = arith.constant 0 : i32
    %c0_i32_1 = arith.constant 0 : i32
    return %c0_i32, %c0_i32_0 : i32, i32
  }
  func.func @transform_5(%arg0: i32) -> (i32, i32) {
    %c0_i32 = arith.constant 0 : i32
    %c0_i32_0 = arith.constant 0 : i32
    %c0_i32_1 = arith.constant 0 : i32
    return %c0_i32, %c0_i32_0 : i32, i32
  }
  func.func @transform_6(%arg0: i32) -> (i32, i32) {
    %c0_i32 = arith.constant 0 : i32
    %c0_i32_0 = arith.constant 0 : i32
    %c0_i32_1 = arith.constant 0 : i32
    return %c0_i32, %c0_i32_0 : i32, i32
  }
  func.func @transform_7(%arg0: i32) -> (i32, i32) {
    %c0_i32 = arith.constant 0 : i32
    %c0_i32_0 = arith.constant 0 : i32
    return %arg0, %c0_i32 : i32, i32
  }
}

module attributes {stable_mosaic.version = 14 : i64} {
  func.func @body(%arg0: i32, %arg1: memref<1024x32xf32, #tpu.memory_space<vmem>>, %arg2: memref<1024x32xf32, #tpu.memory_space<vmem>>, %arg3: memref<1024x32xf32, #tpu.memory_space<vmem>>, %arg4: memref<1024x8xf32, #tpu.memory_space<vmem>>, %arg5: memref<32x64xf32, #tpu.memory_space<vmem>>, %arg6: memref<1x64xf32, #tpu.memory_space<vmem>>, %arg7: memref<1x64xf32, #tpu.memory_space<vmem>>, %arg8: memref<1x64xf32, #tpu.memory_space<vmem>>, %arg9: memref<1024x64xf32, #tpu.memory_space<vmem>>) attributes {dimension_semantics = [#tpu.dimension_semantics<arbitrary>], iteration_bounds = array<i64: 10>, scalar_prefetch = 0 : i64, scratch_operands = 0 : i64, tpu.core_type = #tpu.core_type<tc>, window_params = [{transform_indices = @transform_0, window_bounds = array<i64: 1024, 32>}, {transform_indices = @transform_1, window_bounds = array<i64: 1024, 32>}, {transform_indices = @transform_2, window_bounds = array<i64: 1024, 32>}, {transform_indices = @transform_3, window_bounds = array<i64: 1024, 8>}, {pipeline_mode = #tpu.pipeline_mode<synchronous>, transform_indices = @transform_4, window_bounds = array<i64: 32, 64>}, {pipeline_mode = #tpu.pipeline_mode<synchronous>, transform_indices = @transform_5, window_bounds = array<i64: 1, 64>}, {pipeline_mode = #tpu.pipeline_mode<synchronous>, transform_indices = @transform_6, window_bounds = array<i64: 1, 64>}, {pipeline_mode = #tpu.pipeline_mode<synchronous>, transform_indices = @transform_7, window_bounds = array<i64: 1, 64>}, {transform_indices = @transform_8, window_bounds = array<i64: 1024, 64>}]} {
    %get3A = arith.constant 0 : index
    %get3A_0 = arith.constant 0 : index
    %get3A_1 = vector.load %arg4[%get3A, %get3A_0] : memref<1024x8xf32, #tpu.memory_space<vmem>>, vector<1024x1xf32>
    %get3A_2 = arith.constant 0 : index
    %get3A_3 = arith.constant 0 : index
    %get3A_4 = vector.load %arg1[%get3A_2, %get3A_3] : memref<1024x32xf32, #tpu.memory_space<vmem>>, vector<1024x32xf32>
    %get3A_5 = arith.constant 0 : index
    %get3A_6 = arith.constant 0 : index
    %get3A_7 = vector.load %arg2[%get3A_5, %get3A_6] : memref<1024x32xf32, #tpu.memory_space<vmem>>, vector<1024x32xf32>
    %add3A = arith.addf %get3A_4, %get3A_7 : vector<1024x32xf32>
    %get3A_8 = arith.constant 0 : index
    %get3A_9 = arith.constant 0 : index
    %get3A_10 = vector.load %arg3[%get3A_8, %get3A_9] : memref<1024x32xf32, #tpu.memory_space<vmem>>, vector<1024x32xf32>
    %add3A_11 = arith.addf %add3A, %get3A_10 : vector<1024x32xf32>
    %mul3A = vector.broadcast %get3A_1 : vector<1024x1xf32> to vector<1024x32xf32>
    %mul3A_12 = arith.mulf %mul3A, %add3A_11 : vector<1024x32xf32>
    %get3A_13 = arith.constant 0 : index
    %get3A_14 = arith.constant 0 : index
    %get3A_15 = vector.load %arg5[%get3A_13, %get3A_14] : memref<32x64xf32, #tpu.memory_space<vmem>>, vector<32x64xf32>
    %dot_general3A = arith.constant dense<0.000000e+00> : vector<1024x64xf32>
    %dot_general3A_16 = tpu.matmul %mul3A_12, %get3A_15, %dot_general3A {dimension_numbers = #tpu.dot_dimension_numbers<[1], [0], [0], [1], [0, 0, 1, 1], [], []>, transpose_lhs_hint = false} : vector<1024x32xf32>, vector<32x64xf32>, vector<1024x64xf32> -> vector<1024x64xf32>
    %get3A_17 = arith.constant 0 : index
    %get3A_18 = arith.constant 0 : index
    %get3A_19 = vector.load %arg6[%get3A_17, %get3A_18] : memref<1x64xf32, #tpu.memory_space<vmem>>, vector<1x64xf32>
    %add3A_20 = vector.broadcast %get3A_19 : vector<1x64xf32> to vector<1024x64xf32>
    %add3A_21 = arith.addf %dot_general3A_16, %add3A_20 : vector<1024x64xf32>
    %get3A_22 = arith.constant 0 : index
    %get3A_23 = arith.constant 0 : index
    %get3A_24 = vector.load %arg7[%get3A_22, %get3A_23] : memref<1x64xf32, #tpu.memory_space<vmem>>, vector<1x64xf32>
    %mul3A_25 = arith.constant 0.999994993 : f32
    %mul3A_26 = vector.broadcast %mul3A_25 : f32 to vector<1x64xf32>
    %mul3A_27 = arith.mulf %get3A_24, %mul3A_26 : vector<1x64xf32>
    %mul3A_28 = vector.broadcast %mul3A_27 : vector<1x64xf32> to vector<1024x64xf32>
    %mul3A_29 = arith.mulf %add3A_21, %mul3A_28 : vector<1024x64xf32>
    %get3A_30 = arith.constant 0 : index
    %get3A_31 = arith.constant 0 : index
    %get3A_32 = vector.load %arg8[%get3A_30, %get3A_31] : memref<1x64xf32, #tpu.memory_space<vmem>>, vector<1x64xf32>
    %add3A_33 = vector.broadcast %get3A_32 : vector<1x64xf32> to vector<1024x64xf32>
    %add3A_34 = arith.addf %mul3A_29, %add3A_33 : vector<1024x64xf32>
    %gt3A = arith.constant 0.000000e+00 : f32
    %gt3A_35 = vector.broadcast %gt3A : f32 to vector<1024x64xf32>
    %gt3A_36 = arith.cmpf ogt, %add3A_34, %gt3A_35 : vector<1024x64xf32>
    %min3A = arith.constant 0.000000e+00 : f32
    %min3A_37 = vector.broadcast %min3A : f32 to vector<1024x64xf32>
    %min3A_38 = arith.minimumf %add3A_34, %min3A_37 : vector<1024x64xf32>
    %exp3A = math.exp %min3A_38 : vector<1024x64xf32>
    %sub3A = arith.constant 1.000000e+00 : f32
    %sub3A_39 = vector.broadcast %sub3A : f32 to vector<1024x64xf32>
    %sub3A_40 = arith.subf %exp3A, %sub3A_39 : vector<1024x64xf32>
    %select_n3A = arith.select %gt3A_36, %add3A_34, %sub3A_40 : vector<1024x64xi1>, vector<1024x64xf32>
    %mul3A_41 = vector.broadcast %get3A_1 : vector<1024x1xf32> to vector<1024x64xf32>
    %mul3A_42 = arith.mulf %mul3A_41, %select_n3A : vector<1024x64xf32>
    %swap3A = arith.constant 0 : index
    %swap3A_43 = arith.constant 0 : index
    %swap3A_44 = vector.load %arg9[%swap3A, %swap3A_43] : memref<1024x64xf32, #tpu.memory_space<vmem>>, vector<1024x64xf32>
    tpu.vector_store %arg9[%swap3A, %swap3A_43], %mul3A_42 {strides = array<i32>} : memref<1024x64xf32, #tpu.memory_space<vmem>>, vector<1024x64xf32>,
    return
  }
  func.func @transform_0(%arg0: i32) -> (i32, i32) {
    %c0_i32 = arith.constant 0 : i32
    %c0_i32_0 = arith.constant 0 : i32
    return %arg0, %c0_i32 : i32, i32
  }
  func.func @transform_1(%arg0: i32) -> (i32, i32) {
    %c0_i32 = arith.constant 0 : i32
    %c0_i32_0 = arith.constant 0 : i32
    return %arg0, %c0_i32 : i32, i32
  }
  func.func @transform_2(%arg0: i32) -> (i32, i32) {
    %c0_i32 = arith.constant 0 : i32
    %c0_i32_0 = arith.constant 0 : i32
    return %arg0, %c0_i32 : i32, i32
  }
  func.func @transform_3(%arg0: i32) -> (i32, i32) {
    %c0_i32 = arith.constant 0 : i32
    %c0_i32_0 = arith.constant 0 : i32
    return %arg0, %c0_i32 : i32, i32
  }
  func.func @transform_4(%arg0: i32) -> (i32, i32) {
    %c0_i32 = arith.constant 0 : i32
    %c0_i32_0 = arith.constant 0 : i32
    %c0_i32_1 = arith.constant 0 : i32
    return %c0_i32, %c0_i32_0 : i32, i32
  }
  func.func @transform_5(%arg0: i32) -> (i32, i32) {
    %c0_i32 = arith.constant 0 : i32
    %c0_i32_0 = arith.constant 0 : i32
    %c0_i32_1 = arith.constant 0 : i32
    return %c0_i32, %c0_i32_0 : i32, i32
  }
  func.func @transform_6(%arg0: i32) -> (i32, i32) {
    %c0_i32 = arith.constant 0 : i32
    %c0_i32_0 = arith.constant 0 : i32
    %c0_i32_1 = arith.constant 0 : i32
    return %c0_i32, %c0_i32_0 : i32, i32
  }
  func.func @transform_7(%arg0: i32) -> (i32, i32) {
    %c0_i32 = arith.constant 0 : i32
    %c0_i32_0 = arith.constant 0 : i32
    %c0_i32_1 = arith.constant 0 : i32
    return %c0_i32, %c0_i32_0 : i32, i32
  }
  func.func @transform_8(%arg0: i32) -> (i32, i32) {
    %c0_i32 = arith.constant 0 : i32
    %c0_i32_0 = arith.constant 0 : i32
    return %arg0, %c0_i32 : i32, i32
  }
}

module attributes {stable_mosaic.version = 14 : i64} {
  func.func @body(%arg0: i32, %arg1: memref<1024x64xf32, #tpu.memory_space<vmem>>, %arg2: memref<1024x64xf32, #tpu.memory_space<vmem>>, %arg3: memref<1024x64xf32, #tpu.memory_space<vmem>>, %arg4: memref<1024x8xf32, #tpu.memory_space<vmem>>, %arg5: memref<64x128xf32, #tpu.memory_space<vmem>>, %arg6: memref<1x128xf32, #tpu.memory_space<vmem>>, %arg7: memref<1x128xf32, #tpu.memory_space<vmem>>, %arg8: memref<1x128xf32, #tpu.memory_space<vmem>>, %arg9: memref<128x1xf32, #tpu.memory_space<vmem>>, %arg10: memref<1024x8xf32, #tpu.memory_space<vmem>>) attributes {dimension_semantics = [#tpu.dimension_semantics<arbitrary>], iteration_bounds = array<i64: 10>, scalar_prefetch = 0 : i64, scratch_operands = 0 : i64, tpu.core_type = #tpu.core_type<tc>, window_params = [{transform_indices = @transform_0, window_bounds = array<i64: 1024, 64>}, {transform_indices = @transform_1, window_bounds = array<i64: 1024, 64>}, {transform_indices = @transform_2, window_bounds = array<i64: 1024, 64>}, {transform_indices = @transform_3, window_bounds = array<i64: 1024, 8>}, {pipeline_mode = #tpu.pipeline_mode<synchronous>, transform_indices = @transform_4, window_bounds = array<i64: 64, 128>}, {pipeline_mode = #tpu.pipeline_mode<synchronous>, transform_indices = @transform_5, window_bounds = array<i64: 1, 128>}, {pipeline_mode = #tpu.pipeline_mode<synchronous>, transform_indices = @transform_6, window_bounds = array<i64: 1, 128>}, {pipeline_mode = #tpu.pipeline_mode<synchronous>, transform_indices = @transform_7, window_bounds = array<i64: 1, 128>}, {pipeline_mode = #tpu.pipeline_mode<synchronous>, transform_indices = @transform_8, window_bounds = array<i64: 128, 1>}, {transform_indices = @transform_9, window_bounds = array<i64: 1024, 8>}]} {
    %get3A = arith.constant 0 : index
    %get3A_0 = arith.constant 0 : index
    %get3A_1 = vector.load %arg4[%get3A, %get3A_0] : memref<1024x8xf32, #tpu.memory_space<vmem>>, vector<1024x1xf32>
    %get3A_2 = arith.constant 0 : index
    %get3A_3 = arith.constant 0 : index
    %get3A_4 = vector.load %arg1[%get3A_2, %get3A_3] : memref<1024x64xf32, #tpu.memory_space<vmem>>, vector<1024x64xf32>
    %get3A_5 = arith.constant 0 : index
    %get3A_6 = arith.constant 0 : index
    %get3A_7 = vector.load %arg2[%get3A_5, %get3A_6] : memref<1024x64xf32, #tpu.memory_space<vmem>>, vector<1024x64xf32>
    %add3A = arith.addf %get3A_4, %get3A_7 : vector<1024x64xf32>
    %get3A_8 = arith.constant 0 : index
    %get3A_9 = arith.constant 0 : index
    %get3A_10 = vector.load %arg3[%get3A_8, %get3A_9] : memref<1024x64xf32, #tpu.memory_space<vmem>>, vector<1024x64xf32>
    %add3A_11 = arith.addf %add3A, %get3A_10 : vector<1024x64xf32>
    %mul3A = vector.broadcast %get3A_1 : vector<1024x1xf32> to vector<1024x64xf32>
    %mul3A_12 = arith.mulf %mul3A, %add3A_11 : vector<1024x64xf32>
    %get3A_13 = arith.constant 0 : index
    %get3A_14 = arith.constant 0 : index
    %get3A_15 = vector.load %arg5[%get3A_13, %get3A_14] : memref<64x128xf32, #tpu.memory_space<vmem>>, vector<64x128xf32>
    %dot_general3A = arith.constant dense<0.000000e+00> : vector<1024x128xf32>
    %dot_general3A_16 = tpu.matmul %mul3A_12, %get3A_15, %dot_general3A {dimension_numbers = #tpu.dot_dimension_numbers<[1], [0], [0], [1], [0, 0, 1, 1], [], []>, transpose_lhs_hint = false} : vector<1024x64xf32>, vector<64x128xf32>, vector<1024x128xf32> -> vector<1024x128xf32>
    %get3A_17 = arith.constant 0 : index
    %get3A_18 = arith.constant 0 : index
    %get3A_19 = vector.load %arg6[%get3A_17, %get3A_18] : memref<1x128xf32, #tpu.memory_space<vmem>>, vector<1x128xf32>
    %add3A_20 = vector.broadcast %get3A_19 : vector<1x128xf32> to vector<1024x128xf32>
    %add3A_21 = arith.addf %dot_general3A_16, %add3A_20 : vector<1024x128xf32>
    %get3A_22 = arith.constant 0 : index
    %get3A_23 = arith.constant 0 : index
    %get3A_24 = vector.load %arg7[%get3A_22, %get3A_23] : memref<1x128xf32, #tpu.memory_space<vmem>>, vector<1x128xf32>
    %mul3A_25 = arith.constant 0.999994993 : f32
    %mul3A_26 = vector.broadcast %mul3A_25 : f32 to vector<1x128xf32>
    %mul3A_27 = arith.mulf %get3A_24, %mul3A_26 : vector<1x128xf32>
    %mul3A_28 = vector.broadcast %mul3A_27 : vector<1x128xf32> to vector<1024x128xf32>
    %mul3A_29 = arith.mulf %add3A_21, %mul3A_28 : vector<1024x128xf32>
    %get3A_30 = arith.constant 0 : index
    %get3A_31 = arith.constant 0 : index
    %get3A_32 = vector.load %arg8[%get3A_30, %get3A_31] : memref<1x128xf32, #tpu.memory_space<vmem>>, vector<1x128xf32>
    %add3A_33 = vector.broadcast %get3A_32 : vector<1x128xf32> to vector<1024x128xf32>
    %add3A_34 = arith.addf %mul3A_29, %add3A_33 : vector<1024x128xf32>
    %gt3A = arith.constant 0.000000e+00 : f32
    %gt3A_35 = vector.broadcast %gt3A : f32 to vector<1024x128xf32>
    %gt3A_36 = arith.cmpf ogt, %add3A_34, %gt3A_35 : vector<1024x128xf32>
    %min3A = arith.constant 0.000000e+00 : f32
    %min3A_37 = vector.broadcast %min3A : f32 to vector<1024x128xf32>
    %min3A_38 = arith.minimumf %add3A_34, %min3A_37 : vector<1024x128xf32>
    %exp3A = math.exp %min3A_38 : vector<1024x128xf32>
    %sub3A = arith.constant 1.000000e+00 : f32
    %sub3A_39 = vector.broadcast %sub3A : f32 to vector<1024x128xf32>
    %sub3A_40 = arith.subf %exp3A, %sub3A_39 : vector<1024x128xf32>
    %select_n3A = arith.select %gt3A_36, %add3A_34, %sub3A_40 : vector<1024x128xi1>, vector<1024x128xf32>
    %get3A_41 = arith.constant 0 : index
    %get3A_42 = arith.constant 0 : index
    %get3A_43 = vector.load %arg9[%get3A_41, %get3A_42] : memref<128x1xf32, #tpu.memory_space<vmem>>, vector<128x1xf32>
    %dot_general3A_44 = arith.constant dense<0.000000e+00> : vector<1024x1xf32>
    %dot_general3A_45 = tpu.matmul %select_n3A, %get3A_43, %dot_general3A_44 {dimension_numbers = #tpu.dot_dimension_numbers<[1], [0], [0], [1], [0, 0, 1, 1], [], []>, transpose_lhs_hint = false} : vector<1024x128xf32>, vector<128x1xf32>, vector<1024x1xf32> -> vector<1024x1xf32>
    %mul3A_46 = arith.mulf %get3A_1, %dot_general3A_45 : vector<1024x1xf32>
    %broadcast_in_dim3A = vector.shape_cast %mul3A_46 : vector<1024x1xf32> to vector<1024x1xf32>
    %broadcast_in_dim3A_47 = vector.broadcast %broadcast_in_dim3A : vector<1024x1xf32> to vector<1024x8xf32>
    %swap3A = arith.constant 0 : index
    %swap3A_48 = arith.constant 0 : index
    %swap3A_49 = vector.load %arg10[%swap3A, %swap3A_48] : memref<1024x8xf32, #tpu.memory_space<vmem>>, vector<1024x8xf32>
    tpu.vector_store %arg10[%swap3A, %swap3A_48], %broadcast_in_dim3A_47 {strides = array<i32>} : memref<1024x8xf32, #tpu.memory_space<vmem>>, vector<1024x8xf32>,
    return
  }
  func.func @transform_0(%arg0: i32) -> (i32, i32) {
    %c0_i32 = arith.constant 0 : i32
    %c0_i32_0 = arith.constant 0 : i32
    return %arg0, %c0_i32 : i32, i32
  }
  func.func @transform_1(%arg0: i32) -> (i32, i32) {
    %c0_i32 = arith.constant 0 : i32
    %c0_i32_0 = arith.constant 0 : i32
    return %arg0, %c0_i32 : i32, i32
  }
  func.func @transform_2(%arg0: i32) -> (i32, i32) {
    %c0_i32 = arith.constant 0 : i32
    %c0_i32_0 = arith.constant 0 : i32
    return %arg0, %c0_i32 : i32, i32
  }
  func.func @transform_3(%arg0: i32) -> (i32, i32) {
    %c0_i32 = arith.constant 0 : i32
    %c0_i32_0 = arith.constant 0 : i32
    return %arg0, %c0_i32 : i32, i32
  }
  func.func @transform_4(%arg0: i32) -> (i32, i32) {
    %c0_i32 = arith.constant 0 : i32
    %c0_i32_0 = arith.constant 0 : i32
    %c0_i32_1 = arith.constant 0 : i32
    return %c0_i32, %c0_i32_0 : i32, i32
  }
  func.func @transform_5(%arg0: i32) -> (i32, i32) {
    %c0_i32 = arith.constant 0 : i32
    %c0_i32_0 = arith.constant 0 : i32
    %c0_i32_1 = arith.constant 0 : i32
    return %c0_i32, %c0_i32_0 : i32, i32
  }
  func.func @transform_6(%arg0: i32) -> (i32, i32) {
    %c0_i32 = arith.constant 0 : i32
    %c0_i32_0 = arith.constant 0 : i32
    %c0_i32_1 = arith.constant 0 : i32
    return %c0_i32, %c0_i32_0 : i32, i32
  }
  func.func @transform_7(%arg0: i32) -> (i32, i32) {
    %c0_i32 = arith.constant 0 : i32
    %c0_i32_0 = arith.constant 0 : i32
    %c0_i32_1 = arith.constant 0 : i32
    return %c0_i32, %c0_i32_0 : i32, i32
  }
  func.func @transform_8(%arg0: i32) -> (i32, i32) {
    %c0_i32 = arith.constant 0 : i32
    %c0_i32_0 = arith.constant 0 : i32
    %c0_i32_1 = arith.constant 0 : i32
    return %c0_i32, %c0_i32_0 : i32, i32
  }
  func.func @transform_9(%arg0: i32) -> (i32, i32) {
    %c0_i32 = arith.constant 0 : i32
    %c0_i32_0 = arith.constant 0 : i32
    return %arg0, %c0_i32 : i32, i32
  }
}

module attributes {stable_mosaic.version = 14 : i64} {
  func.func @body(%arg0: i32, %arg1: memref<1024x8xf32, #tpu.memory_space<vmem>>, %arg2: memref<1024x8xf32, #tpu.memory_space<vmem>>, %arg3: memref<1024x8xf32, #tpu.memory_space<vmem>>, %arg4: memref<1024x8xf32, #tpu.memory_space<vmem>>, %arg5: memref<1x1xf32, #tpu.memory_space<vmem>>, %arg6: memref<1024x1xf32, #tpu.memory_space<vmem>>) attributes {dimension_semantics = [#tpu.dimension_semantics<arbitrary>], iteration_bounds = array<i64: 10>, scalar_prefetch = 0 : i64, scratch_operands = 0 : i64, tpu.core_type = #tpu.core_type<tc>, window_params = [{transform_indices = @transform_0, window_bounds = array<i64: 1024, 8>}, {transform_indices = @transform_1, window_bounds = array<i64: 1024, 8>}, {transform_indices = @transform_2, window_bounds = array<i64: 1024, 8>}, {transform_indices = @transform_3, window_bounds = array<i64: 1024, 8>}, {pipeline_mode = #tpu.pipeline_mode<synchronous>, transform_indices = @transform_4, window_bounds = array<i64: 1, 1>}, {transform_indices = @transform_5, window_bounds = array<i64: 1024, 1>}]} {
    %get3A = arith.constant 0 : index
    %get3A_0 = arith.constant 0 : index
    %get3A_1 = vector.load %arg4[%get3A, %get3A_0] : memref<1024x8xf32, #tpu.memory_space<vmem>>, vector<1024x1xf32>
    %get3A_2 = arith.constant 0 : index
    %get3A_3 = arith.constant 0 : index
    %get3A_4 = vector.load %arg1[%get3A_2, %get3A_3] : memref<1024x8xf32, #tpu.memory_space<vmem>>, vector<1024x1xf32>
    %get3A_5 = arith.constant 0 : index
    %get3A_6 = arith.constant 0 : index
    %get3A_7 = vector.load %arg2[%get3A_5, %get3A_6] : memref<1024x8xf32, #tpu.memory_space<vmem>>, vector<1024x1xf32>
    %add3A = arith.addf %get3A_4, %get3A_7 : vector<1024x1xf32>
    %get3A_8 = arith.constant 0 : index
    %get3A_9 = arith.constant 0 : index
    %get3A_10 = vector.load %arg3[%get3A_8, %get3A_9] : memref<1024x8xf32, #tpu.memory_space<vmem>>, vector<1024x1xf32>
    %add3A_11 = arith.addf %add3A, %get3A_10 : vector<1024x1xf32>
    %mul3A = arith.mulf %get3A_1, %add3A_11 : vector<1024x1xf32>
    %get3A_12 = arith.constant 0 : index
    %get3A_13 = arith.constant 0 : index
    %get3A_14 = vector.load %arg5[%get3A_12, %get3A_13] : memref<1x1xf32, #tpu.memory_space<vmem>>, vector<1x1xf32>
    %add3A_15 = vector.broadcast %get3A_14 : vector<1x1xf32> to vector<1024x1xf32>
    %add3A_16 = arith.addf %mul3A, %add3A_15 : vector<1024x1xf32>
    %gt3A = arith.constant 0.000000e+00 : f32
    %gt3A_17 = vector.broadcast %gt3A : f32 to vector<1024x1xf32>
    %gt3A_18 = arith.cmpf ogt, %add3A_16, %gt3A_17 : vector<1024x1xf32>
    %min3A = arith.constant 0.000000e+00 : f32
    %min3A_19 = vector.broadcast %min3A : f32 to vector<1024x1xf32>
    %min3A_20 = arith.minimumf %add3A_16, %min3A_19 : vector<1024x1xf32>
    %exp3A = math.exp %min3A_20 : vector<1024x1xf32>
    %sub3A = arith.constant 1.000000e+00 : f32
    %sub3A_21 = vector.broadcast %sub3A : f32 to vector<1024x1xf32>
    %sub3A_22 = arith.subf %exp3A, %sub3A_21 : vector<1024x1xf32>
    %select_n3A = arith.select %gt3A_18, %add3A_16, %sub3A_22 : vector<1024x1xi1>, vector<1024x1xf32>
    %neg3A = arith.constant 0.000000e+00 : f32
    %neg3A_23 = vector.broadcast %neg3A : f32 to vector<1024x1xf32>
    %neg3A_24 = arith.subf %neg3A_23, %select_n3A : vector<1024x1xf32>
    %exp3A_25 = math.exp %neg3A_24 : vector<1024x1xf32>
    %add3A_26 = arith.constant 1.000000e+00 : f32
    %add3A_27 = vector.broadcast %add3A_26 : f32 to vector<1024x1xf32>
    %add3A_28 = arith.addf %add3A_27, %exp3A_25 : vector<1024x1xf32>
    %div3A = arith.constant 1.000000e+00 : f32
    %div3A_29 = vector.broadcast %div3A : f32 to vector<1024x1xf32>
    %div3A_30 = arith.divf %div3A_29, %add3A_28 : vector<1024x1xf32>
    %swap3A = arith.constant 0 : index
    %swap3A_31 = arith.constant 0 : index
    %swap3A_32 = vector.load %arg6[%swap3A, %swap3A_31] : memref<1024x1xf32, #tpu.memory_space<vmem>>, vector<1024x1xf32>
    tpu.vector_store %arg6[%swap3A, %swap3A_31], %div3A_30 {strides = array<i32>} : memref<1024x1xf32, #tpu.memory_space<vmem>>, vector<1024x1xf32>,
    return
  }
  func.func @transform_0(%arg0: i32) -> (i32, i32) {
    %c0_i32 = arith.constant 0 : i32
    %c0_i32_0 = arith.constant 0 : i32
    return %arg0, %c0_i32 : i32, i32
  }
  func.func @transform_1(%arg0: i32) -> (i32, i32) {
    %c0_i32 = arith.constant 0 : i32
    %c0_i32_0 = arith.constant 0 : i32
    return %arg0, %c0_i32 : i32, i32
  }
  func.func @transform_2(%arg0: i32) -> (i32, i32) {
    %c0_i32 = arith.constant 0 : i32
    %c0_i32_0 = arith.constant 0 : i32
    return %arg0, %c0_i32 : i32, i32
  }
  func.func @transform_3(%arg0: i32) -> (i32, i32) {
    %c0_i32 = arith.constant 0 : i32
    %c0_i32_0 = arith.constant 0 : i32
    return %arg0, %c0_i32 : i32, i32
  }
  func.func @transform_4(%arg0: i32) -> (i32, i32) {
    %c0_i32 = arith.constant 0 : i32
    %c0_i32_0 = arith.constant 0 : i32
    %c0_i32_1 = arith.constant 0 : i32
    return %c0_i32, %c0_i32_0 : i32, i32
  }
  func.func @transform_5(%arg0: i32) -> (i32, i32) {
    %c0_i32 = arith.constant 0 : i32
    %c0_i32_0 = arith.constant 0 : i32
    return %arg0, %c0_i32 : i32, i32
  }
}

</mosaic_0001>

<sc_bundles>
// kernel: kernel.12.cloned.1.call-start
scs
__scs_entry_jumppad:
0x0: {  	(pc) =	sbr.rel $0x88, $3  }
0x1: {  	(tag) =	ssettag $0x0;
	lr =	simm.s32 $0x1  }
0x2: {  	[smem:$0x3F91] =	sst lr;
	_ =	strace $0xD0000000  }
0x3: {  	_ = 	snop  }
0x4: {  	_ = 	snop  }
0x5: {  	_ = 	snop  }
0x6: {  	_ = 	snop  }
0x7: {  	_ = 	snop  }
__scs_overlays_trampoline_lowered:
0x8: {  	[smem:$0x3FA0] =	sst s0  }
0x9: {  	[smem:$0x3FA1] =	sst s1  }
0xa: {  	[smem:$0x3FA2] =	sst s2  }
0xb: {  	[smem:$0x3FA3] =	sst s3  }
0xc: {  	[smem:$0x3FA4] =	sst s4  }
0xd: {  	[smem:$0x3FA5] =	sst s5  }
0xe: {  	[smem:$0x3FA6] =	sst s6  }
0xf: {  	[smem:$0x3FA7] =	sst s7  }
0x10: {  	[smem:$0x3FA8] =	sst s8  }
0x11: {  	[smem:$0x3FA9] =	sst s9;
	s0 =	simm.s32 @!p0 $0x0  }
0x12: {  	s1 =	sld [smem:$0x3F8F];
	s0 =	simm.s32 @p0 $0x1  }
0x13: {  	[smem:$0x3FAA] =	sst s0;
	s0 =	simm.s32 @!p1 $0x0  }
0x14: {  	s2 =	sld [smem:$0x3F8E];
	s0 =	simm.s32 @p1 $0x1  }
0x15: {  	[smem:$0x3FAB] =	sst s0;
	s0 =	simm.s32 @!p2 $0x0  }
0x16: {  	s3 =	sld [smem:$0x3FDB];
	s0 =	simm.s32 @p2 $0x1  }
0x17: {  	s4 =	simm.s32 $0x1BF5;
	[smem:$0x3FAD] =	sst s0  }
0x18: {  	s0 =	sld [smem:$0x3F90];
	_ =	swait.ge [sflag:s4], $0x0  }
0x19: {  	s7 =	sld [smem:$0x3F91]  }
0x1a: {  	s8 =	sadd.s32 $0xFFFFE003, lr  }
0x1b: {  	s9 =	sadd.s32 $0xFFFFFEF7, lr;
	s5 =	simm.s32 $0xFFFFFFFF;
	p2 =	slt.u32 s8, $0xFFFFF086  }
0x1c: {  	p1 =	slt.u32 s9, $0xF7A;
	s5 =	simm.s32 @!p2 $0x0  }
0x1d: {  	s5 =	simm.s32 @p1 $0x1;
	p0 =	seq.s32 s7, s2  }
0x1e: {  	s7 =	smul.u32 @!p0 $0xF7A, s2;
	p2 =	seq.s32 @!p0 s5, $0x0  }
0x1f: {  	s9 =	smul.u32 $0xF7A, s1;
	s8 =	simm.s32 @!p0 $0x1BF5;
	p2 =	por !p2, p0  }
0x20: {  	[sflag:s8] =	ssyncset.s32 @!p0 $0xFFFFF086;
	s6 =	sadd.s32 @!p0 s3, s7;
	s7 =	simm.s32 @!p0 $0x108  }
0x21: {  	s3 =	sadd.s32 s3, s9;
	s6 =	sadd.s32 @!p0 $0x88, s6;
	s7 =	simm.s32 @p2 $0x1082  }
0x22: {  	[simem:s7], [sflag:s8] =	dma.local @!p0 [hbm:s6], $0xF7A  }
0x23: {  	s9 =	sor.u32 $0xD0000000, s2;
	s6 =	simm.s32 $0x108;
	_ =	swait.ge @!p0 [sflag:s8], $0x0  }
0x24: {  	s3 =	sadd.s32 $0x88, s3;
	s6 =	simm.s32 @!p1 $0x1082;
	[sflag:s4] =	ssyncset.s32 $0xFFFFF086  }
0x25: {  	[simem:s6], [sflag:s4] =	dma.local [hbm:s3], $0xF7A  }
0x26: {  	[smem:$0x3F91] =	sst s1;
	(tag) =	ssettag s2;
	_ =	strace s9  }
0x27: {  	s1 =	sld [smem:$0x3FA1]  }
0x28: {  	s2 =	sld [smem:$0x3FA2]  }
0x29: {  	s4 =	sld [smem:$0x3FA4]  }
0x2a: {  	p0 =	seq.s32 s5, $0x0;
	s5 =	sld [smem:$0x3FA5]  }
0x2b: {  	s6 =	sld [smem:$0x3FA6]  }
0x2c: {  	s7 =	sld [smem:$0x3FA7]  }
0x2d: {  	s3 =	simm.s32 $0x108;
	s8 =	sld [smem:$0x3FA8]  }
0x2e: {  	s3 =	simm.s32 @!p0 $0x1082;
	s9 =	sld [smem:$0x3FA9]  }
0x2f: {  	lr =	sadd.s32 s0, s3;
	s0 =	sld [smem:$0x3FA0]  }
0x30: {  	s3 =	sld [smem:$0x3FA3]  }
0x31: {  	[smem:$0x3FAC] =	sst s10  }
0x32: {  	s10 =	sld [smem:$0x3FAA];
	_ =	sdelay $0x3  }
0x33: {  	p0 =	seq.s32 s10, $0x1;
	s10 =	sld [smem:$0x3FAC];
	_ =	sdelay $0x3  }
0x34: {  	[smem:$0x3FAC] =	sst s10  }
0x35: {  	s10 =	sld [smem:$0x3FAB];
	_ =	sdelay $0x3  }
0x36: {  	p1 =	seq.s32 s10, $0x1;
	s10 =	sld [smem:$0x3FAC];
	_ =	sdelay $0x3  }
0x37: {  	[smem:$0x3FAC] =	sst s10  }
0x38: {  	s10 =	sld [smem:$0x3FAD]  }
0x39: {  	_ = 	snop;
	(pc) =	sbr.ind lr, $3  }
0x3a: {  	_ = 	snop  }
0x3b: {  	_ = 	snop  }
0x3c: {  	p2 =	seq.s32 s10, $0x1;
	s10 =	sld [smem:$0x3FAC]  }
0x3d: {  	_ =	shalt  }
0x3e: {  	_ =	shalt  }
0x3f: {  	_ =	shalt  }
0x40: {  	_ =	shalt  }
0x41: {  	_ =	shalt  }
0x42: {  	_ =	shalt  }
0x43: {  	_ =	shalt  }
0x44: {  	_ =	shalt  }
0x45: {  	_ =	shalt  }
0x46: {  	_ =	shalt  }
0x47: {  	_ =	shalt  }
0x48: {  	_ =	shalt  }
0x49: {  	_ =	shalt  }
0x4a: {  	_ =	shalt  }
0x4b: {  	_ =	shalt  }
0x4c: {  	_ =	shalt  }
0x4d: {  	_ =	shalt  }
0x4e: {  	_ =	shalt  }
0x4f: {  	_ =	shalt  }
0x50: {  	_ =	shalt  }
0x51: {  	_ =	shalt  }
0x52: {  	_ =	shalt  }
0x53: {  	_ =	shalt  }
0x54: {  	_ =	shalt  }
0x55: {  	_ =	shalt  }
0x56: {  	_ =	shalt  }
0x57: {  	_ =	shalt  }
0x58: {  	_ =	shalt  }
0x59: {  	_ =	shalt  }
0x5a: {  	_ =	shalt  }
0x5b: {  	_ =	shalt  }
0x5c: {  	_ =	shalt  }
0x5d: {  	_ =	shalt  }
0x5e: {  	_ =	shalt  }
0x5f: {  	_ =	shalt  }
0x60: {  	_ =	shalt  }
0x61: {  	_ =	shalt  }
0x62: {  	_ =	shalt  }
0x63: {  	_ =	shalt  }
0x64: {  	_ =	shalt  }
0x65: {  	_ =	shalt  }
0x66: {  	_ =	shalt  }
0x67: {  	_ =	shalt  }
0x68: {  	_ =	shalt  }
0x69: {  	_ =	shalt  }
0x6a: {  	_ =	shalt  }
0x6b: {  	_ =	shalt  }
0x6c: {  	_ =	shalt  }
0x6d: {  	_ =	shalt  }
0x6e: {  	_ =	shalt  }
0x6f: {  	_ =	shalt  }
0x70: {  	_ =	shalt  }
0x71: {  	_ =	shalt  }
0x72: {  	_ =	shalt  }
0x73: {  	_ =	shalt  }
0x74: {  	_ =	shalt  }
0x75: {  	_ =	shalt  }
0x76: {  	_ =	shalt  }
0x77: {  	_ =	shalt  }
0x78: {  	_ =	shalt  }
0x79: {  	_ =	shalt  }
0x7a: {  	_ =	shalt  }
0x7b: {  	_ =	shalt  }
0x7c: {  	_ =	shalt  }
0x7d: {  	_ =	shalt  }
0x7e: {  	_ =	shalt  }
0x7f: {  	_ =	shalt  }
0x80: {  	_ =	shalt  }
0x81: {  	_ =	shalt  }
0x82: {  	_ =	shalt  }
0x83: {  	_ =	shalt  }
0x84: {  	_ =	shalt  }
0x85: {  	_ =	shalt  }
0x86: {  	_ =	shalt  }
0x87: {  	_ =	shalt  }
.Lfunc_end0:
.L_simem_size_0:
called_computation_lowered:
.L_overlay_start_0:
0x88: {  	s2 =	sld [smem:$0x3FD9]  }
0x89: {  	s3 =	sld [smem:$0x3FFE];
	_ =	sdelay $0x1  }
0x8a: {  	s1 =	srdreg.scid  }
0x8b: {  	s0 =	sand.u32 $0x1, s1  }
0x8c: {  	s17 =	sshll.u32 s0, $0xA;
	s2 =	sadd.s32 s3, s2  }
0x8d: {  	s2 =	sadd.s32 s2, s17  }
0x8e: {  	[smem:$0x3FB8] =	sst s2  }
0x8f: {  	_ = 	snop  }
0x90: {  	s2 =	sld [smem:$0x3FD0];
	(tm) =	ssettm $0x1  }
0x91: {  	s18 =	sld [smem:$0x3FFB];
	_ =	sdelay $0x3  }
0x92: {  	_ =	strace s18  }
0x93: {  	s3 =	sld [smem:$0x3FFC];
	_ =	sdelay $0x3  }
0x94: {  	_ =	strace s3  }
0x95: {  	s3 =	sld [smem:$0x3FFD];
	_ =	sdelay $0x3  }
0x96: {  	_ =	strace s3  }
0x97: {  	_ =	strace $0x8FFFFFFF  }
0x98: {  	s19 =	sld [smem:$0x3FDB];
	_ =	sdelay $0x1  }
0x99: {  	s4 =	simm.s32 $_scs_section_size  }
0x9a: {  	s5 =	simm.s32 $_size__tile_overlayer_lowered;
	s6 =	simm.s32 $_tile_overlayer_lowered  }
0x9b: {  	s22 =	simm.s32 $0x1BFF;
	s21 =	sshll.u32 s6, $0x1;
	s3 =	sadd.s32 s4, s19  }
0x9c: {  	s7 =	simm.s32 $0x0;
	s20 =	sshll.u32 s5, $0x1;
	s5 =	sadd.s32 s21, s3  }
0x9d: {  	[timem:s7], [sflag:s22] =	dma.local [hbm:s5], s20  }
0x9e: {  	_ =	swait.ge [sflag:s22], s20  }
0x9f: {  	s4 =	ssub.s32 $0x0, s20;
	[sflag:s22] =	ssyncset.done $0x0  }
0xa0: {  	[sflag:s22] =	ssyncadd.s32 s4;
	_ =	sdelay $0x1  }
0xa1: {  	s23 =	simm.s32 $0x1B8B  }
0xa2: {  	_ =	swait.ge [sflag:s23], $0x1  }
0xa3: {  	[sflag:s23] =	ssyncset.done $0x0  }
0xa4: {  	s25 =	simm.s32 $0x1B8E;
	s24 =	sld [smem:$0x3FFE];
	[sflag:s23] =	ssyncadd.s32 $0xFFFFFFFF  }
0xa5: {  	s26 =	simm.s32 $execute0_lowered;
	[smem:$0x3FD2] =	sst s25  }
0xa6: {  	s5 =	sshll.u32 s26, $0x1;
	_ =	strace $0x80000046;
	[dreg:$0x1] =	wrdreg $0xFFFFFFFF  }
0xa7: {  	s28 =	simm.s32 $_size_execute0_lowered;
	s3 =	sadd.s32 s3, s5;
	[dreg:$0x0] =	wrdreg $0x0  }
0xa8: {  	s5 =	sshll.u32 s28, $0x1;
	[dreg:$0x2] =	wrdreg s3  }
0xa9: {  	[dreg:$0x3] =	wrdreg s5  }
0xaa: {  	[dreg:$0x4] =	wrdreg $0xC0  }
0xab: {  	_ =	task [dreg:s7], $0x5FFFF  }
0xac: {  	[dreg:$0x1] =	wrdreg $0xFFFFFFFF  }
0xad: {  	[dreg:$0x0] =	wrdreg $0x60  }
0xae: {  	[dreg:$0x2] =	wrdreg s24  }
0xaf: {  	[dreg:$0x3] =	wrdreg s2  }
0xb0: {  	[dreg:$0x4] =	wrdreg $0xA000  }
0xb1: {  	[dreg:$0x5] =	wrdreg $0x9  }
0xb2: {  	_ =	task.clear_ibuf [dreg:s7], $0x6FFFF;
	_ =	strace $0x90000046  }
0xb3: {  	s29 =	simm.s32 $0x9;
	_ =	strace $0x80000048  }
0xb4: {  	_ =	swait.ge [sflag:s29], $0x1  }
0xb5: {  	[sflag:s29] =	ssyncadd.s32 $0xFFFFFFFF  }
0xb6: {  	_ =	strace $0x90000048  }
0xb7: {  	_ =	sfence  }
0xb8: {  	s30 =	sld [smem:$0x0];
	_ =	sdelay $0x2  }
0xb9: {  	s31 =	sshll.u32 s1, $0xD;
	s1 =	sshrl.u32 s1, $0x2  }
0xba: {  	s3 =	sand.u32 $0x4000, s31;
	s1 =	sadd.s32 s1, s30  }
0xbb: {  	s0 =	sor.u32 s3, s0;
	s1 =	sshll.u32 s1, $0x11  }
0xbc: {  	s0 =	sor.u32 s1, s0  }
0xbd: {  	s0 =	sadd.s32 $0x8F2B, s0  }
0xbe: {  	[sflag:s0] =	ssyncadd.remote.s32 $0x1  }
0xbf: {  	_ =	sfence.sel $0xFFFF  }
0xc0: {  	[dreg:$0x0] =	wrdreg $0xFFFFFFFF;
	(pc) =	sbr.abs _section_cstart, $3  }
0xc1: {  	[dreg:$0x1] =	wrdreg $0xFFFFFFFF  }
0xc2: {  	_ =	task.clear_ibuf [dreg:s7], $0x2FFFF;
	_ =	strace $0x9FFFFFFF  }
0xc3: {  	(tm) =	ssettm $0x7FFFFFFF  }
tec
execute0_lowered:
.L_overlay_start_1:
0x0: {  	(tag) =	ssettag $0x1  }
0x1: {  	s12 =	rddreg [dreg:$0x0]  }
0x2: {  	s2 =	rddreg [dreg:$0x1]  }
0x3: {  	s0 =	srdreg.scid;
	s3 =	rddreg [dreg:$0x2]  }
0x4: {  	s1 =	rddreg [dreg:$0x3];
	s4 =	simm.s32 $0x0;
	s15 =	simm.s32 $0xEC00  }
0x5: {  	s17 =	simm.s32 $0x80;
	s18 =	simm.s32 $0x100;
	s9 =	sand.u32 $0x1, s0  }
0x6: {  	s19 =	simm.s32 $0x180;
	s0 =	stileid.u32;
	s5 =	smul.u32 $0x28000, s9  }
0x7: {  	s22 =	simm.s32 $0x0;
	[smem:$0x7FF] =	sst s4;
	s6 =	smul.u32 $0x2800, s0  }
0x8: {  	s31 =	smul.u32 $0x5000, s0;
	_ =	strace $0x80000047;
	s7 =	ssub.s32 $0x2, s9  }
0x9: {  	s11 =	smul.u32 $0x1400, s0;
	p0 =	seq.s32 s9, $0x1;
	s20 =	sshll.u32 s0, $0x6  }
0xa: {  	s8 =	sshrl.u32 s7, $0x1;
	s15 =	simm.s32 @!p0 $0x11400;
	s20 =	sor.u32 $0x1C01, s20  }
0xb: {  	s5 =	sadd.s32 s6, s5;
	s6 =	sshrl.u32 s31, $0x2;
	s14 =	ssub.s32 s7, s8  }
0xc: {  	s16 =	sshrl.u32 s11, $0x3;
	s5 =	sshrl.u32 s5, $0x3;
	s10 =	sadd.s32 s6, s3  }
0xd: {  	s6 =	sadd.s32 s11, s3;
	s11 =	smax.u32 s14, $0x1;
	s14 =	simm.s32 $0x600  }
0xe: {  	s13 =	sadd.s32 s5, s12;
	s5 =	sadd.s32 $0xEA00, s12;
	s7 =	sadd.s32 $0x400, s10  }
0xf: {  	s8 =	sadd.s32 $0x800, s10;
	s9 =	sadd.s32 $0xC00, s10;
	s10 =	sadd.s32 $0x1000, s10  }
0x10: {  	s12 =	sadd.s32 s15, s12;
	s15 =	simm.s32 $0x1;
	s21 =	sshrl.u32 s6, $0x3  }
0x11: {  	s12 =	sadd.s32 s12, s16;
	s13 =	sadd.s32 $0x4A00, s13;
	s16 =	simm.s32 $0x200  }
.LBB2_1:
0x12: {  	[tilespmem:s14], [sflag:$0x1] =	stream.linear.gather [hbm4b:s5+s4], $0x400, $0x38;
	[tilespmem:$0x1E00] =	vst v63  }
0x13: {  	_ =	swait.ge [sflag:s15], $0x400  }
0x14: {  	[sflag:s15] =	ssyncset.done $0x0  }
0x15: {  	[sflag:s15] =	ssyncadd.s32 $0xFFFFFC00  }
0x16: {  	[spmem:s6] =	stream.linear.scatter [tilespmem:s14], [sflag:$0x1], $0x400, $0x38;
	[tilespmem:$0x1E00] =	vst v63  }
0x17: {  	_ =	swait.ge [sflag:s15], $0x400  }
0x18: {  	[sflag:s15] =	ssyncset.done $0x0  }
0x19: {  	[sflag:s15] =	ssyncadd.s32 $0xFFFFFC00  }
0x1a: {  	[spmem:s7] =	stream.linear.scatter [tilespmem:s14], [sflag:$0x1], $0x400, $0x38;
	[tilespmem:$0x1E00] =	vst v63  }
0x1b: {  	_ =	swait.ge [sflag:s15], $0x400  }
0x1c: {  	[sflag:s15] =	ssyncset.done $0x0  }
0x1d: {  	[sflag:s15] =	ssyncadd.s32 $0xFFFFFC00  }
0x1e: {  	[spmem:s8] =	stream.linear.scatter [tilespmem:s14], [sflag:$0x1], $0x400, $0x38;
	[tilespmem:$0x1E00] =	vst v63  }
0x1f: {  	_ =	swait.ge [sflag:s15], $0x400  }
0x20: {  	[sflag:s15] =	ssyncset.done $0x0  }
0x21: {  	[sflag:s15] =	ssyncadd.s32 $0xFFFFFC00  }
0x22: {  	[spmem:s9] =	stream.linear.scatter [tilespmem:s14], [sflag:$0x1], $0x400, $0x38;
	[tilespmem:$0x1E00] =	vst v63  }
0x23: {  	_ =	swait.ge [sflag:s15], $0x400  }
0x24: {  	[sflag:s15] =	ssyncset.done $0x0  }
0x25: {  	[sflag:s15] =	ssyncadd.s32 $0xFFFFFC00  }
0x26: {  	[spmem:s10] =	stream.linear.scatter [tilespmem:s14], [sflag:$0x1], $0x400, $0x38;
	[tilespmem:$0x1E00] =	vst v63  }
0x27: {  	_ =	swait.ge [sflag:s15], $0x400  }
0x28: {  	[sflag:s15] =	ssyncset.done $0x0  }
0x29: {  	[sflag:s15] =	ssyncadd.s32 $0xFFFFFC00  }
0x2a: {  	[tilespmem:s16], [sflag:$0x1] =	stream.linear.gather [hbm4b:s2+s4], $0x400, $0x38;
	[tilespmem:$0x1E00] =	vst v63  }
0x2b: {  	_ =	swait.ge [sflag:s15], $0x400  }
0x2c: {  	[sflag:s15] =	ssyncset.done $0x0  }
0x2d: {  	[sflag:s15] =	ssyncadd.s32 $0xFFFFFC00  }
0x2e: {  	s23 =	sadd.s32 $0x0, s13;
	[bflag:$0x0] =	sbarrier.arrive $0xFFFF  }
0x2f: {  	[tilespmem:s4], [sflag:$0x1] =	stream.linear.gather [hbm4b:s23+s4], $0x200, $0x38;
	[tilespmem:$0x1E00] =	vst v63  }
0x30: {  	_ =	swait.ge [sflag:s15], $0x200  }
0x31: {  	[sflag:s15] =	ssyncset.done $0x0  }
0x32: {  	[sflag:s15] =	ssyncadd.s32 $0xFFFFFE00  }
0x33: {  	[spmem:s3] =	stream.indirect.scatter.add.f32 [tilespmem:s16], [sflag:$0x1], $0x8, s4, s17, $0xb8;
	[tilespmem:$0x1E00] =	vst v63  }
0x34: {  	_ =	swait.ge [sflag:s15], $0x400  }
0x35: {  	[sflag:s15] =	ssyncset.done $0x0  }
0x36: {  	[sflag:s15] =	ssyncadd.s32 $0xFFFFFC00  }
0x37: {  	[spmem:s3] =	stream.indirect.scatter.add.f32 [tilespmem:s16], [sflag:$0x1], $0x8, s17, s17, $0xb8;
	[tilespmem:$0x1E00] =	vst v63  }
0x38: {  	_ =	swait.ge [sflag:s15], $0x400  }
0x39: {  	[sflag:s15] =	ssyncset.done $0x0  }
0x3a: {  	[sflag:s15] =	ssyncadd.s32 $0xFFFFFC00  }
0x3b: {  	[spmem:s3] =	stream.indirect.scatter.add.f32 [tilespmem:s16], [sflag:$0x1], $0x8, s18, s17, $0xb8;
	[tilespmem:$0x1E00] =	vst v63  }
0x3c: {  	_ =	swait.ge [sflag:s15], $0x400  }
0x3d: {  	[sflag:s15] =	ssyncset.done $0x0  }
0x3e: {  	[sflag:s15] =	ssyncadd.s32 $0xFFFFFC00  }
0x3f: {  	[spmem:s3] =	stream.indirect.scatter.add.f32 [tilespmem:s16], [sflag:$0x1], $0x8, s19, s17, $0xb8;
	[tilespmem:$0x1E00] =	vst v63  }
0x40: {  	_ =	swait.ge [sflag:s15], $0x400  }
0x41: {  	s24 =	simm.s32 $0x80;
	s23 =	simm.s32 $0x40;
	[sflag:s15] =	ssyncset.done $0x0  }
.LBB2_2:
0x42: {  	s25 =	sadd.s32 s23, s13  }
0x43: {  	[sflag:s15] =	ssyncadd.s32 $0xFFFFFC00;
	s23 =	smov.u32 s24;
	s26 =	sadd.s32 $0x40, s24  }
0x44: {  	[tilespmem:s4], [sflag:$0x1] =	stream.linear.gather [hbm4b:s25+s4], $0x200, $0x38;
	[tilespmem:$0x1E00] =	vst v63  }
0x45: {  	p0 =	sne.s32 s24, $0x4C0;
	_ =	swait.ge [sflag:s15], $0x200  }
0x46: {  	[sflag:s15] =	ssyncset.done $0x0  }
0x47: {  	[sflag:s15] =	ssyncadd.s32 $0xFFFFFE00  }
0x48: {  	[spmem:s3] =	stream.indirect.scatter.add.f32 [tilespmem:s16], [sflag:$0x1], $0x8, s4, s17, $0xb8;
	[tilespmem:$0x1E00] =	vst v63  }
0x49: {  	_ =	swait.ge [sflag:s15], $0x400  }
0x4a: {  	[sflag:s15] =	ssyncset.done $0x0  }
0x4b: {  	[sflag:s15] =	ssyncadd.s32 $0xFFFFFC00  }
0x4c: {  	[spmem:s3] =	stream.indirect.scatter.add.f32 [tilespmem:s16], [sflag:$0x1], $0x8, s17, s17, $0xb8;
	[tilespmem:$0x1E00] =	vst v63  }
0x4d: {  	_ =	swait.ge [sflag:s15], $0x400  }
0x4e: {  	[sflag:s15] =	ssyncset.done $0x0  }
0x4f: {  	[sflag:s15] =	ssyncadd.s32 $0xFFFFFC00  }
0x50: {  	[spmem:s3] =	stream.indirect.scatter.add.f32 [tilespmem:s16], [sflag:$0x1], $0x8, s18, s17, $0xb8;
	[tilespmem:$0x1E00] =	vst v63  }
0x51: {  	_ =	swait.ge [sflag:s15], $0x400  }
.Ltmp0:
0x52: {  	[sflag:s15] =	ssyncset.done $0x0;
	(pc) =	sbr.rel @p0 .LBB2_2-.Ltmp0, $4  }
0x53: {  	[sflag:s15] =	ssyncadd.s32 $0xFFFFFC00  }
0x54: {  	[spmem:s3] =	stream.indirect.scatter.add.f32 [tilespmem:s16], [sflag:$0x1], $0x8, s19, s17, $0xb8;
	[tilespmem:$0x1E00] =	vst v63  }
0x55: {  	_ =	swait.ge [sflag:s15], $0x400  }
0x56: {  	s24 =	smov.u32 s26;
	[sflag:s15] =	ssyncset.done $0x0  }
0x57: {  	s23 =	sadd.s32 s23, s13;
	[sflag:s15] =	ssyncadd.s32 $0xFFFFFC00  }
0x58: {  	[tilespmem:s4], [sflag:$0x1] =	stream.linear.gather [hbm4b:s23+s4], $0x200, $0x38;
	[tilespmem:$0x1E00] =	vst v63  }
0x59: {  	_ =	swait.ge [sflag:s15], $0x200  }
0x5a: {  	[sflag:s15] =	ssyncset.done $0x0  }
0x5b: {  	[sflag:s15] =	ssyncadd.s32 $0xFFFFFE00  }
0x5c: {  	[spmem:s3] =	stream.indirect.scatter.add.f32 [tilespmem:s16], [sflag:$0x1], $0x8, s4, s17, $0xb8;
	[tilespmem:$0x1E00] =	vst v63  }
0x5d: {  	_ =	swait.ge [sflag:s15], $0x400  }
0x5e: {  	[sflag:s15] =	ssyncset.done $0x0  }
0x5f: {  	[sflag:s15] =	ssyncadd.s32 $0xFFFFFC00  }
0x60: {  	[spmem:s3] =	stream.indirect.scatter.add.f32 [tilespmem:s16], [sflag:$0x1], $0x8, s17, s17, $0xb8;
	[tilespmem:$0x1E00] =	vst v63  }
0x61: {  	_ =	swait.ge [sflag:s15], $0x400  }
0x62: {  	[sflag:s15] =	ssyncset.done $0x0  }
0x63: {  	[sflag:s15] =	ssyncadd.s32 $0xFFFFFC00  }
0x64: {  	[spmem:s3] =	stream.indirect.scatter.add.f32 [tilespmem:s16], [sflag:$0x1], $0x8, s18, s17, $0xb8;
	[tilespmem:$0x1E00] =	vst v63  }
0x65: {  	_ =	swait.ge [sflag:s15], $0x400  }
0x66: {  	[sflag:s15] =	ssyncset.done $0x0  }
0x67: {  	[sflag:s15] =	ssyncadd.s32 $0xFFFFFC00  }
0x68: {  	[spmem:s3] =	stream.indirect.scatter.add.f32 [tilespmem:s16], [sflag:$0x1], $0x8, s19, s17, $0xb8;
	[tilespmem:$0x1E00] =	vst v63  }
0x69: {  	_ =	swait.ge [sflag:s15], $0x400  }
0x6a: {  	s22 =	sadd.s32 $0x1, s22;
	[sflag:s15] =	ssyncset.done $0x0  }
0x6b: {  	p0 =	sne.s32 s22, s11;
	[sflag:s15] =	ssyncadd.s32 $0xFFFFFC00  }
.Ltmp1:
0x6c: {  	[bflag:$0x0] =	sbarrier.arrive $0xFFFF;
	(pc) =	sbr.rel @p0 .LBB2_1-.Ltmp1, $4  }
0x6d: {  	[hbm:s12], [sflag:s20] =	dma.local [spmem:s21], $0x280  }
0x6e: {  	_ =	swait.ge [sflag:s15], $0x280  }
0x6f: {  	[sflag:s15] =	ssyncset.done $0x0  }
0x70: {  	[sflag:s15] =	ssyncadd.s32 $0xFFFFFD80  }
0x71: {  	_ =	sfence.sel $0x180000  }
0x72: {  	[bflag:$0x0] =	sbarrier.arrive $0xFFFF  }
0x73: {  	p0 =	sne.s32 s0, $0x0;
	_ =	strace $0x90000047  }
0x74: {  	s0 =	sadd.s32 @!p0 $0x100000, s1;
	[bflag:$0x2] =	sbarrier.arrive $0xFFFF  }
0x75: {  	[sflag:s0] =	ssyncadd.tile.s32 @!p0 $0x1;
	_ =	shalt  }
.Lfunc_end2:
_tile_overlayer_lowered:
.L_overlay_start_2:
0x76: {  	(tag) =	ssettag $0x2  }
0x77: {  	s0 =	rddreg [dreg:$0x0];
	s2 =	stileid.u32  }
0x78: {  	s1 =	rddreg [dreg:$0x1];
	p0 =	sne.s32 s2, $0x0  }
0x79: {  	s3 =	rddreg [dreg:$0x2];
	[bflag:$0x3] =	sbarrier.arrive $0xFFFF;
	s2 =	simm.s32 @!p0 $0x1C01  }
0x7a: {  	[timem:s3], [sflag:s2] =	dma.local @!p0 [hbm:s0], s1  }
0x7b: {  	s0 =	simm.s32 @!p0 $0x1  }
0x7c: {  	_ =	swait.ge @!p0 [sflag:s0], s1  }
0x7d: {  	s1 =	ssub.s32 @!p0 $0x0, s1;
	[sflag:s0] =	ssyncset.done @!p0 $0x0  }
0x7e: {  	[sflag:s0] =	ssyncadd.s32 @!p0 s1  }
0x7f: {  	[bflag:$0x3] =	sbarrier.arrive $0xFFFF  }
0x80: {  	_ =	shalt  }

// kernel: kernel.15.cloned.1.call-start
scs
__scs_entry_jumppad:
0x0: {  	(pc) =	sbr.rel $0x88, $3  }
0x1: {  	(tag) =	ssettag $0x0;
	lr =	simm.s32 $0x1  }
0x2: {  	[smem:$0x3F91] =	sst lr;
	_ =	strace $0xD0000000  }
0x3: {  	_ = 	snop  }
0x4: {  	_ = 	snop  }
0x5: {  	_ = 	snop  }
0x6: {  	_ = 	snop  }
0x7: {  	_ = 	snop  }
__scs_overlays_trampoline_lowered:
0x8: {  	[smem:$0x3FA0] =	sst s0  }
0x9: {  	[smem:$0x3FA1] =	sst s1  }
0xa: {  	[smem:$0x3FA2] =	sst s2  }
0xb: {  	[smem:$0x3FA3] =	sst s3  }
0xc: {  	[smem:$0x3FA4] =	sst s4  }
0xd: {  	[smem:$0x3FA5] =	sst s5  }
0xe: {  	[smem:$0x3FA6] =	sst s6  }
0xf: {  	[smem:$0x3FA7] =	sst s7  }
0x10: {  	[smem:$0x3FA8] =	sst s8  }
0x11: {  	[smem:$0x3FA9] =	sst s9;
	s0 =	simm.s32 @!p0 $0x0  }
0x12: {  	s1 =	sld [smem:$0x3F8F];
	s0 =	simm.s32 @p0 $0x1  }
0x13: {  	[smem:$0x3FAA] =	sst s0;
	s0 =	simm.s32 @!p1 $0x0  }
0x14: {  	s2 =	sld [smem:$0x3F8E];
	s0 =	simm.s32 @p1 $0x1  }
0x15: {  	[smem:$0x3FAB] =	sst s0;
	s0 =	simm.s32 @!p2 $0x0  }
0x16: {  	s3 =	sld [smem:$0x3FDB];
	s0 =	simm.s32 @p2 $0x1  }
0x17: {  	s4 =	simm.s32 $0x1BF5;
	[smem:$0x3FAD] =	sst s0  }
0x18: {  	s0 =	sld [smem:$0x3F90];
	_ =	swait.ge [sflag:s4], $0x0  }
0x19: {  	s7 =	sld [smem:$0x3F91]  }
0x1a: {  	s8 =	sadd.s32 $0xFFFFE003, lr  }
0x1b: {  	s9 =	sadd.s32 $0xFFFFFEF7, lr;
	s5 =	simm.s32 $0xFFFFFFFF;
	p2 =	slt.u32 s8, $0xFFFFF086  }
0x1c: {  	p1 =	slt.u32 s9, $0xF7A;
	s5 =	simm.s32 @!p2 $0x0  }
0x1d: {  	s5 =	simm.s32 @p1 $0x1;
	p0 =	seq.s32 s7, s2  }
0x1e: {  	s7 =	smul.u32 @!p0 $0xF7A, s2;
	p2 =	seq.s32 @!p0 s5, $0x0  }
0x1f: {  	s9 =	smul.u32 $0xF7A, s1;
	s8 =	simm.s32 @!p0 $0x1BF5;
	p2 =	por !p2, p0  }
0x20: {  	[sflag:s8] =	ssyncset.s32 @!p0 $0xFFFFF086;
	s6 =	sadd.s32 @!p0 s3, s7;
	s7 =	simm.s32 @!p0 $0x108  }
0x21: {  	s3 =	sadd.s32 s3, s9;
	s6 =	sadd.s32 @!p0 $0x88, s6;
	s7 =	simm.s32 @p2 $0x1082  }
0x22: {  	[simem:s7], [sflag:s8] =	dma.local @!p0 [hbm:s6], $0xF7A  }
0x23: {  	s9 =	sor.u32 $0xD0000000, s2;
	s6 =	simm.s32 $0x108;
	_ =	swait.ge @!p0 [sflag:s8], $0x0  }
0x24: {  	s3 =	sadd.s32 $0x88, s3;
	s6 =	simm.s32 @!p1 $0x1082;
	[sflag:s4] =	ssyncset.s32 $0xFFFFF086  }
0x25: {  	[simem:s6], [sflag:s4] =	dma.local [hbm:s3], $0xF7A  }
0x26: {  	[smem:$0x3F91] =	sst s1;
	(tag) =	ssettag s2;
	_ =	strace s9  }
0x27: {  	s1 =	sld [smem:$0x3FA1]  }
0x28: {  	s2 =	sld [smem:$0x3FA2]  }
0x29: {  	s4 =	sld [smem:$0x3FA4]  }
0x2a: {  	p0 =	seq.s32 s5, $0x0;
	s5 =	sld [smem:$0x3FA5]  }
0x2b: {  	s6 =	sld [smem:$0x3FA6]  }
0x2c: {  	s7 =	sld [smem:$0x3FA7]  }
0x2d: {  	s3 =	simm.s32 $0x108;
	s8 =	sld [smem:$0x3FA8]  }
0x2e: {  	s3 =	simm.s32 @!p0 $0x1082;
	s9 =	sld [smem:$0x3FA9]  }
0x2f: {  	lr =	sadd.s32 s0, s3;
	s0 =	sld [smem:$0x3FA0]  }
0x30: {  	s3 =	sld [smem:$0x3FA3]  }
0x31: {  	[smem:$0x3FAC] =	sst s10  }
0x32: {  	s10 =	sld [smem:$0x3FAA];
	_ =	sdelay $0x3  }
0x33: {  	p0 =	seq.s32 s10, $0x1;
	s10 =	sld [smem:$0x3FAC];
	_ =	sdelay $0x3  }
0x34: {  	[smem:$0x3FAC] =	sst s10  }
0x35: {  	s10 =	sld [smem:$0x3FAB];
	_ =	sdelay $0x3  }
0x36: {  	p1 =	seq.s32 s10, $0x1;
	s10 =	sld [smem:$0x3FAC];
	_ =	sdelay $0x3  }
0x37: {  	[smem:$0x3FAC] =	sst s10  }
0x38: {  	s10 =	sld [smem:$0x3FAD]  }
0x39: {  	_ = 	snop;
	(pc) =	sbr.ind lr, $3  }
0x3a: {  	_ = 	snop  }
0x3b: {  	_ = 	snop  }
0x3c: {  	p2 =	seq.s32 s10, $0x1;
	s10 =	sld [smem:$0x3FAC]  }
0x3d: {  	_ =	shalt  }
0x3e: {  	_ =	shalt  }
0x3f: {  	_ =	shalt  }
0x40: {  	_ =	shalt  }
0x41: {  	_ =	shalt  }
0x42: {  	_ =	shalt  }
0x43: {  	_ =	shalt  }
0x44: {  	_ =	shalt  }
0x45: {  	_ =	shalt  }
0x46: {  	_ =	shalt  }
0x47: {  	_ =	shalt  }
0x48: {  	_ =	shalt  }
0x49: {  	_ =	shalt  }
0x4a: {  	_ =	shalt  }
0x4b: {  	_ =	shalt  }
0x4c: {  	_ =	shalt  }
0x4d: {  	_ =	shalt  }
0x4e: {  	_ =	shalt  }
0x4f: {  	_ =	shalt  }
0x50: {  	_ =	shalt  }
0x51: {  	_ =	shalt  }
0x52: {  	_ =	shalt  }
0x53: {  	_ =	shalt  }
0x54: {  	_ =	shalt  }
0x55: {  	_ =	shalt  }
0x56: {  	_ =	shalt  }
0x57: {  	_ =	shalt  }
0x58: {  	_ =	shalt  }
0x59: {  	_ =	shalt  }
0x5a: {  	_ =	shalt  }
0x5b: {  	_ =	shalt  }
0x5c: {  	_ =	shalt  }
0x5d: {  	_ =	shalt  }
0x5e: {  	_ =	shalt  }
0x5f: {  	_ =	shalt  }
0x60: {  	_ =	shalt  }
0x61: {  	_ =	shalt  }
0x62: {  	_ =	shalt  }
0x63: {  	_ =	shalt  }
0x64: {  	_ =	shalt  }
0x65: {  	_ =	shalt  }
0x66: {  	_ =	shalt  }
0x67: {  	_ =	shalt  }
0x68: {  	_ =	shalt  }
0x69: {  	_ =	shalt  }
0x6a: {  	_ =	shalt  }
0x6b: {  	_ =	shalt  }
0x6c: {  	_ =	shalt  }
0x6d: {  	_ =	shalt  }
0x6e: {  	_ =	shalt  }
0x6f: {  	_ =	shalt  }
0x70: {  	_ =	shalt  }
0x71: {  	_ =	shalt  }
0x72: {  	_ =	shalt  }
0x73: {  	_ =	shalt  }
0x74: {  	_ =	shalt  }
0x75: {  	_ =	shalt  }
0x76: {  	_ =	shalt  }
0x77: {  	_ =	shalt  }
0x78: {  	_ =	shalt  }
0x79: {  	_ =	shalt  }
0x7a: {  	_ =	shalt  }
0x7b: {  	_ =	shalt  }
0x7c: {  	_ =	shalt  }
0x7d: {  	_ =	shalt  }
0x7e: {  	_ =	shalt  }
0x7f: {  	_ =	shalt  }
0x80: {  	_ =	shalt  }
0x81: {  	_ =	shalt  }
0x82: {  	_ =	shalt  }
0x83: {  	_ =	shalt  }
0x84: {  	_ =	shalt  }
0x85: {  	_ =	shalt  }
0x86: {  	_ =	shalt  }
0x87: {  	_ =	shalt  }
.Lfunc_end0:
.L_simem_size_0:
called_computation.1_lowered:
.L_overlay_start_0:
0x88: {  	s2 =	sld [smem:$0x3FD9]  }
0x89: {  	s3 =	sld [smem:$0x3FFE];
	_ =	sdelay $0x1  }
0x8a: {  	s1 =	srdreg.scid  }
0x8b: {  	s0 =	sand.u32 $0x1, s1  }
0x8c: {  	s17 =	sshll.u32 s0, $0xA;
	s2 =	sadd.s32 s3, s2  }
0x8d: {  	s2 =	sadd.s32 s2, s17  }
0x8e: {  	[smem:$0x3FB8] =	sst s2  }
0x8f: {  	_ = 	snop  }
0x90: {  	s2 =	sld [smem:$0x3FD0];
	(tm) =	ssettm $0x1  }
0x91: {  	s18 =	sld [smem:$0x3FFB];
	_ =	sdelay $0x3  }
0x92: {  	_ =	strace s18  }
0x93: {  	s3 =	sld [smem:$0x3FFC];
	_ =	sdelay $0x3  }
0x94: {  	_ =	strace s3  }
0x95: {  	s3 =	sld [smem:$0x3FFD];
	_ =	sdelay $0x3  }
0x96: {  	_ =	strace s3  }
0x97: {  	_ =	strace $0x8FFFFFFF  }
0x98: {  	s19 =	sld [smem:$0x3FDB];
	_ =	sdelay $0x1  }
0x99: {  	s4 =	simm.s32 $_scs_section_size  }
0x9a: {  	s5 =	simm.s32 $_size__tile_overlayer_lowered;
	s6 =	simm.s32 $_tile_overlayer_lowered  }
0x9b: {  	s22 =	simm.s32 $0x1BFF;
	s21 =	sshll.u32 s6, $0x1;
	s3 =	sadd.s32 s4, s19  }
0x9c: {  	s7 =	simm.s32 $0x0;
	s20 =	sshll.u32 s5, $0x1;
	s5 =	sadd.s32 s21, s3  }
0x9d: {  	[timem:s7], [sflag:s22] =	dma.local [hbm:s5], s20  }
0x9e: {  	_ =	swait.ge [sflag:s22], s20  }
0x9f: {  	s4 =	ssub.s32 $0x0, s20;
	[sflag:s22] =	ssyncset.done $0x0  }
0xa0: {  	[sflag:s22] =	ssyncadd.s32 s4;
	_ =	sdelay $0x1  }
0xa1: {  	s23 =	simm.s32 $0x1B8B  }
0xa2: {  	_ =	swait.ge [sflag:s23], $0x1  }
0xa3: {  	[sflag:s23] =	ssyncset.done $0x0  }
0xa4: {  	s25 =	simm.s32 $0x1B8E;
	s24 =	sld [smem:$0x3FFE];
	[sflag:s23] =	ssyncadd.s32 $0xFFFFFFFF  }
0xa5: {  	s26 =	simm.s32 $execute0_lowered;
	[smem:$0x3FD2] =	sst s25  }
0xa6: {  	s5 =	sshll.u32 s26, $0x1;
	_ =	strace $0x80000049;
	[dreg:$0x1] =	wrdreg $0xFFFFFFFF  }
0xa7: {  	s28 =	simm.s32 $_size_execute0_lowered;
	s3 =	sadd.s32 s3, s5;
	[dreg:$0x0] =	wrdreg $0x0  }
0xa8: {  	s5 =	sshll.u32 s28, $0x1;
	[dreg:$0x2] =	wrdreg s3  }
0xa9: {  	[dreg:$0x3] =	wrdreg s5  }
0xaa: {  	[dreg:$0x4] =	wrdreg $0xC0  }
0xab: {  	_ =	task [dreg:s7], $0x5FFFF  }
0xac: {  	[dreg:$0x1] =	wrdreg $0xFFFFFFFF  }
0xad: {  	[dreg:$0x0] =	wrdreg $0x60  }
0xae: {  	[dreg:$0x2] =	wrdreg s24  }
0xaf: {  	[dreg:$0x3] =	wrdreg s2  }
0xb0: {  	[dreg:$0x4] =	wrdreg $0x54000  }
0xb1: {  	[dreg:$0x5] =	wrdreg $0x9  }
0xb2: {  	_ =	task.clear_ibuf [dreg:s7], $0x6FFFF;
	_ =	strace $0x90000049  }
0xb3: {  	s29 =	simm.s32 $0x9;
	_ =	strace $0x8000004B  }
0xb4: {  	_ =	swait.ge [sflag:s29], $0x1  }
0xb5: {  	[sflag:s29] =	ssyncadd.s32 $0xFFFFFFFF  }
0xb6: {  	_ =	strace $0x9000004B  }
0xb7: {  	_ =	sfence  }
0xb8: {  	s30 =	sld [smem:$0x0];
	_ =	sdelay $0x2  }
0xb9: {  	s31 =	sshll.u32 s1, $0xD;
	s1 =	sshrl.u32 s1, $0x2  }
0xba: {  	s3 =	sand.u32 $0x4000, s31;
	s1 =	sadd.s32 s1, s30  }
0xbb: {  	s0 =	sor.u32 s3, s0;
	s1 =	sshll.u32 s1, $0x11  }
0xbc: {  	s0 =	sor.u32 s1, s0  }
0xbd: {  	s0 =	sadd.s32 $0x8F2B, s0  }
0xbe: {  	[sflag:s0] =	ssyncadd.remote.s32 $0x1  }
0xbf: {  	_ =	sfence.sel $0xFFFF  }
0xc0: {  	[dreg:$0x0] =	wrdreg $0xFFFFFFFF;
	(pc) =	sbr.abs _section_cstart, $3  }
0xc1: {  	[dreg:$0x1] =	wrdreg $0xFFFFFFFF  }
0xc2: {  	_ =	task.clear_ibuf [dreg:s7], $0x2FFFF;
	_ =	strace $0x9FFFFFFF  }
0xc3: {  	(tm) =	ssettm $0x7FFFFFFF  }
tec
execute0_lowered:
.L_overlay_start_1:
0x0: {  	(tag) =	ssettag $0x1  }
0x1: {  	s1 =	rddreg [dreg:$0x0]  }
0x2: {  	s0 =	srdreg.scid;
	s25 =	stileid.u32  }
0x3: {  	s3 =	rddreg [dreg:$0x2];
	s4 =	simm.s32 $0x0;
	s15 =	simm.s32 $0x4400  }
0x4: {  	s16 =	simm.s32 $0x2;
	s17 =	simm.s32 $0x200;
	s18 =	simm.s32 $0x80  }
0x5: {  	s19 =	simm.s32 $0x400;
	s20 =	simm.s32 $0x1400;
	s21 =	simm.s32 $0x100  }
0x6: {  	s22 =	simm.s32 $0x2400;
	s23 =	simm.s32 $0x180;
	s24 =	simm.s32 $0x3400  }
0x7: {  	s28 =	simm.s32 $0x300;
	s29 =	simm.s32 $0x380;
	s6 =	smul.u32 $0x2800, s25  }
0x8: {  	s30 =	simm.s32 $0x0;
	s2 =	sand.u32 $0x1, s0;
	s7 =	smul.u32 $0x14000, s25  }
0x9: {  	[smem:$0x7FF] =	sst s4;
	s11 =	smul.u32 $0x5000, s25;
	s25 =	simm.s32 $0x1  }
0xa: {  	s5 =	smul.u32 $0x28000, s2;
	_ =	strace $0x8000004A;
	s8 =	ssub.s32 $0x2, s2  }
0xb: {  	p0 =	seq.s32 s2, $0x1;
	s2 =	simm.s32 $0x4FC00;
	s7 =	sshrl.u32 s7, $0x2  }
0xc: {  	s26 =	sshrl.u32 s8, $0x1;
	s2 =	simm.s32 @!p0 $0x59C00;
	s13 =	sshrl.u32 s11, $0x3  }
0xd: {  	s6 =	sadd.s32 s6, s5;
	s5 =	sadd.s32 $0x45C00, s1;
	s10 =	sadd.s32 s7, s3  }
0xe: {  	s12 =	ssub.s32 s8, s26;
	s26 =	simm.s32 $0x280;
	s6 =	sshrl.u32 s6, $0x3  }
0xf: {  	s31 =	sadd.s32 $0x1000, s10;
	s8 =	sadd.s32 $0x2000, s10;
	s9 =	sadd.s32 $0x3000, s10  }
0x10: {  	s10 =	sadd.s32 $0x4000, s10;
	s14 =	sadd.s32 s6, s1;
	s6 =	sadd.s32 s11, s3  }
0x11: {  	[dreg:$0x4] =	wrdreg s31;
	s11 =	smax.u32 s12, $0x1;
	s1 =	sadd.s32 s2, s1  }
0x12: {  	s12 =	sadd.s32 s1, s13;
	s13 =	sadd.s32 $0x4A00, s14;
	s14 =	sadd.s32 $0x3BC00, s14  }
.LBB2_1:
0x13: {  	s0 =	rddreg [dreg:$0x1]  }
0x14: {  	[tilespmem:s15], [sflag:$0x2] =	stream.linear.gather [hbm4b:s0+s4], $0x1000, $0x38;
	[tilespmem:$0xA400] =	vst v63  }
0x15: {  	_ =	swait.ge [sflag:s16], $0x1000  }
0x16: {  	[sflag:s16] =	ssyncset.done $0x0  }
0x17: {  	[sflag:s16] =	ssyncadd.s32 $0xFFFFF000  }
0x18: {  	[spmem:s6] =	stream.linear.scatter [tilespmem:s15], [sflag:$0x2], $0x1000, $0x38;
	[tilespmem:$0xA400] =	vst v63  }
0x19: {  	_ =	swait.ge [sflag:s16], $0x1000  }
0x1a: {  	[sflag:s16] =	ssyncset.done $0x0  }
0x1b: {  	s2 =	rddreg [dreg:$0x4];
	[sflag:s16] =	ssyncadd.s32 $0xFFFFF000  }
0x1c: {  	[spmem:s2] =	stream.linear.scatter [tilespmem:s15], [sflag:$0x2], $0x1000, $0x38;
	[tilespmem:$0xA400] =	vst v63  }
0x1d: {  	_ =	swait.ge [sflag:s16], $0x1000  }
0x1e: {  	[sflag:s16] =	ssyncset.done $0x0  }
0x1f: {  	[sflag:s16] =	ssyncadd.s32 $0xFFFFF000  }
0x20: {  	[spmem:s8] =	stream.linear.scatter [tilespmem:s15], [sflag:$0x2], $0x1000, $0x38;
	[tilespmem:$0xA400] =	vst v63  }
0x21: {  	_ =	swait.ge [sflag:s16], $0x1000  }
0x22: {  	[sflag:s16] =	ssyncset.done $0x0  }
0x23: {  	[sflag:s16] =	ssyncadd.s32 $0xFFFFF000  }
0x24: {  	[spmem:s9] =	stream.linear.scatter [tilespmem:s15], [sflag:$0x2], $0x1000, $0x38;
	[tilespmem:$0xA400] =	vst v63  }
0x25: {  	_ =	swait.ge [sflag:s16], $0x1000  }
0x26: {  	[sflag:s16] =	ssyncset.done $0x0  }
0x27: {  	[sflag:s16] =	ssyncadd.s32 $0xFFFFF000  }
0x28: {  	[spmem:s10] =	stream.linear.scatter [tilespmem:s15], [sflag:$0x2], $0x1000, $0x38;
	[tilespmem:$0xA400] =	vst v63  }
0x29: {  	_ =	swait.ge [sflag:s16], $0x1000  }
0x2a: {  	[sflag:s16] =	ssyncset.done $0x0  }
0x2b: {  	[sflag:s16] =	ssyncadd.s32 $0xFFFFF000  }
0x2c: {  	s1 =	sadd.s32 $0x0, s14;
	[bflag:$0x0] =	sbarrier.arrive $0xFFFF  }
0x2d: {  	[tilespmem:s4], [sflag:$0x2] =	stream.linear.gather [hbm4b:s1+s4], $0x200, $0x38;
	[tilespmem:$0xA400] =	vst v63  }
0x2e: {  	_ =	swait.ge [sflag:s16], $0x200  }
0x2f: {  	[sflag:s16] =	ssyncset.done $0x0  }
0x30: {  	s7 =	sadd.s32 $0x0, s13;
	[sflag:s16] =	ssyncadd.s32 $0xFFFFFE00  }
0x31: {  	[tilespmem:s17], [sflag:$0x2] =	stream.linear.gather [hbm4b:s7+s4], $0x200, $0x38;
	[tilespmem:$0xA400] =	vst v63  }
0x32: {  	_ =	swait.ge [sflag:s16], $0x200  }
0x33: {  	[sflag:s16] =	ssyncset.done $0x0  }
0x34: {  	[sflag:s16] =	ssyncadd.s32 $0xFFFFFE00  }
0x35: {  	[tilespmem:s19], [sflag:$0x1] =	stream.indirect.gather [hbm4b:s5+s18], $0x20, s4, s18, $0xb8;
	[tilespmem:$0xA400] =	vst v63  }
0x36: {  	_ = 	snop  }
0x37: {  	[tilespmem:s20], [sflag:$0x1] =	stream.indirect.gather [hbm4b:s5+s18], $0x20, s18, s18, $0xb8;
	[tilespmem:$0xA400] =	vst v63  }
0x38: {  	_ = 	snop  }
0x39: {  	[tilespmem:s22], [sflag:$0x1] =	stream.indirect.gather [hbm4b:s5+s18], $0x20, s21, s18, $0xb8;
	[tilespmem:$0xA400] =	vst v63  }
0x3a: {  	_ = 	snop  }
0x3b: {  	[tilespmem:s24], [sflag:$0x1] =	stream.indirect.gather [hbm4b:s5+s18], $0x20, s23, s18, $0xb8;
	[tilespmem:$0xA400] =	vst v63  }
0x3c: {  	_ =	swait.ge [sflag:s25], $0x1000  }
0x3d: {  	[sflag:s25] =	ssyncset.done $0x0  }
0x3e: {  	[sflag:s25] =	ssyncadd.s32 $0xFFFFF000  }
0x3f: {  	_ =	swait.ge [sflag:s25], $0x1000  }
0x40: {  	[sflag:s25] =	ssyncset.done $0x0  }
0x41: {  	[sflag:s25] =	ssyncadd.s32 $0xFFFFF000  }
0x42: {  	_ =	swait.ge [sflag:s25], $0x1000  }
0x43: {  	[sflag:s25] =	ssyncset.done $0x0  }
0x44: {  	[sflag:s25] =	ssyncadd.s32 $0xFFFFF000  }
0x45: {  	_ =	swait.ge [sflag:s25], $0x1000  }
0x46: {  	[sflag:s25] =	ssyncset.done $0x0  }
0x47: {  	[sflag:s25] =	ssyncadd.s32 $0xFFFFF000  }
0x48: {  	[spmem:s3] =	stream.indirect.scatter.add.f32 [tilespmem:s19], [sflag:$0x2], $0x20, s17, s18, $0xb8;
	[tilespmem:$0xA400] =	vst v63  }
0x49: {  	_ =	swait.ge [sflag:s16], $0x1000  }
0x4a: {  	[sflag:s16] =	ssyncset.done $0x0  }
0x4b: {  	[sflag:s16] =	ssyncadd.s32 $0xFFFFF000  }
0x4c: {  	[spmem:s3] =	stream.indirect.scatter.add.f32 [tilespmem:s20], [sflag:$0x2], $0x20, s26, s18, $0xb8;
	[tilespmem:$0xA400] =	vst v63  }
0x4d: {  	_ =	swait.ge [sflag:s16], $0x1000  }
0x4e: {  	[sflag:s16] =	ssyncset.done $0x0  }
0x4f: {  	[sflag:s16] =	ssyncadd.s32 $0xFFFFF000  }
0x50: {  	[spmem:s3] =	stream.indirect.scatter.add.f32 [tilespmem:s22], [sflag:$0x2], $0x20, s28, s18, $0xb8;
	[tilespmem:$0xA400] =	vst v63  }
0x51: {  	_ =	swait.ge [sflag:s16], $0x1000  }
0x52: {  	[sflag:s16] =	ssyncset.done $0x0  }
0x53: {  	[sflag:s16] =	ssyncadd.s32 $0xFFFFF000  }
0x54: {  	[spmem:s3] =	stream.indirect.scatter.add.f32 [tilespmem:s24], [sflag:$0x2], $0x20, s29, s18, $0xb8;
	[tilespmem:$0xA400] =	vst v63  }
0x55: {  	_ =	swait.ge [sflag:s16], $0x1000  }
0x56: {  	s31 =	simm.s32 $0x40;
	s1 =	simm.s32 $0x80;
	[sflag:s16] =	ssyncset.done $0x0  }
.LBB2_2:
0x57: {  	s0 =	sadd.s32 s31, s14  }
0x58: {  	[sflag:s16] =	ssyncadd.s32 $0xFFFFF000;
	s7 =	smov.u32 s1;
	s2 =	sadd.s32 $0x40, s1  }
0x59: {  	[tilespmem:s4], [sflag:$0x2] =	stream.linear.gather [hbm4b:s0+s4], $0x200, $0x38;
	[tilespmem:$0xA400] =	vst v63  }
0x5a: {  	p0 =	sne.s32 s1, $0x4C0;
	_ =	swait.ge [sflag:s16], $0x200  }
0x5b: {  	[sflag:s16] =	ssyncset.done $0x0  }
0x5c: {  	s0 =	sadd.s32 s31, s13;
	s31 =	smov.u32 s7;
	[sflag:s16] =	ssyncadd.s32 $0xFFFFFE00  }
0x5d: {  	[tilespmem:s17], [sflag:$0x2] =	stream.linear.gather [hbm4b:s0+s4], $0x200, $0x38;
	[tilespmem:$0xA400] =	vst v63  }
0x5e: {  	_ =	swait.ge [sflag:s16], $0x200  }
0x5f: {  	[sflag:s16] =	ssyncset.done $0x0  }
0x60: {  	[sflag:s16] =	ssyncadd.s32 $0xFFFFFE00  }
0x61: {  	[tilespmem:s19], [sflag:$0x1] =	stream.indirect.gather [hbm4b:s5+s18], $0x20, s4, s18, $0xb8;
	[tilespmem:$0xA400] =	vst v63  }
0x62: {  	_ = 	snop  }
0x63: {  	[tilespmem:s20], [sflag:$0x1] =	stream.indirect.gather [hbm4b:s5+s18], $0x20, s18, s18, $0xb8;
	[tilespmem:$0xA400] =	vst v63  }
0x64: {  	_ = 	snop  }
0x65: {  	[tilespmem:s22], [sflag:$0x1] =	stream.indirect.gather [hbm4b:s5+s18], $0x20, s21, s18, $0xb8;
	[tilespmem:$0xA400] =	vst v63  }
0x66: {  	_ = 	snop  }
0x67: {  	[tilespmem:s24], [sflag:$0x1] =	stream.indirect.gather [hbm4b:s5+s18], $0x20, s23, s18, $0xb8;
	[tilespmem:$0xA400] =	vst v63  }
0x68: {  	_ =	swait.ge [sflag:s25], $0x1000  }
0x69: {  	[sflag:s25] =	ssyncset.done $0x0  }
0x6a: {  	[sflag:s25] =	ssyncadd.s32 $0xFFFFF000  }
0x6b: {  	_ =	swait.ge [sflag:s25], $0x1000  }
0x6c: {  	[sflag:s25] =	ssyncset.done $0x0  }
0x6d: {  	[sflag:s25] =	ssyncadd.s32 $0xFFFFF000  }
0x6e: {  	_ =	swait.ge [sflag:s25], $0x1000  }
0x6f: {  	[sflag:s25] =	ssyncset.done $0x0  }
0x70: {  	[sflag:s25] =	ssyncadd.s32 $0xFFFFF000  }
0x71: {  	_ =	swait.ge [sflag:s25], $0x1000  }
0x72: {  	[sflag:s25] =	ssyncset.done $0x0  }
0x73: {  	[sflag:s25] =	ssyncadd.s32 $0xFFFFF000  }
0x74: {  	[spmem:s3] =	stream.indirect.scatter.add.f32 [tilespmem:s19], [sflag:$0x2], $0x20, s17, s18, $0xb8;
	[tilespmem:$0xA400] =	vst v63  }
0x75: {  	_ =	swait.ge [sflag:s16], $0x1000  }
0x76: {  	[sflag:s16] =	ssyncset.done $0x0  }
0x77: {  	[sflag:s16] =	ssyncadd.s32 $0xFFFFF000  }
0x78: {  	[spmem:s3] =	stream.indirect.scatter.add.f32 [tilespmem:s20], [sflag:$0x2], $0x20, s26, s18, $0xb8;
	[tilespmem:$0xA400] =	vst v63  }
0x79: {  	_ =	swait.ge [sflag:s16], $0x1000  }
0x7a: {  	[sflag:s16] =	ssyncset.done $0x0  }
0x7b: {  	[sflag:s16] =	ssyncadd.s32 $0xFFFFF000  }
0x7c: {  	[spmem:s3] =	stream.indirect.scatter.add.f32 [tilespmem:s22], [sflag:$0x2], $0x20, s28, s18, $0xb8;
	[tilespmem:$0xA400] =	vst v63  }
0x7d: {  	_ =	swait.ge [sflag:s16], $0x1000  }
.Ltmp0:
0x7e: {  	[sflag:s16] =	ssyncset.done $0x0;
	(pc) =	sbr.rel @p0 .LBB2_2-.Ltmp0, $4  }
0x7f: {  	[sflag:s16] =	ssyncadd.s32 $0xFFFFF000  }
0x80: {  	[spmem:s3] =	stream.indirect.scatter.add.f32 [tilespmem:s24], [sflag:$0x2], $0x20, s29, s18, $0xb8;
	[tilespmem:$0xA400] =	vst v63  }
0x81: {  	_ =	swait.ge [sflag:s16], $0x1000  }
0x82: {  	s1 =	smov.u32 s2;
	[sflag:s16] =	ssyncset.done $0x0  }
0x83: {  	s0 =	sadd.s32 s31, s14;
	[sflag:s16] =	ssyncadd.s32 $0xFFFFF000  }
0x84: {  	[tilespmem:s4], [sflag:$0x2] =	stream.linear.gather [hbm4b:s0+s4], $0x200, $0x38;
	[tilespmem:$0xA400] =	vst v63  }
0x85: {  	_ =	swait.ge [sflag:s16], $0x200  }
0x86: {  	[sflag:s16] =	ssyncset.done $0x0  }
0x87: {  	s7 =	sadd.s32 s31, s13;
	[sflag:s16] =	ssyncadd.s32 $0xFFFFFE00  }
0x88: {  	[tilespmem:s17], [sflag:$0x2] =	stream.linear.gather [hbm4b:s7+s4], $0x200, $0x38;
	[tilespmem:$0xA400] =	vst v63  }
0x89: {  	_ =	swait.ge [sflag:s16], $0x200  }
0x8a: {  	[sflag:s16] =	ssyncset.done $0x0  }
0x8b: {  	[sflag:s16] =	ssyncadd.s32 $0xFFFFFE00  }
0x8c: {  	[tilespmem:s19], [sflag:$0x1] =	stream.indirect.gather [hbm4b:s5+s18], $0x20, s4, s18, $0xb8;
	[tilespmem:$0xA400] =	vst v63  }
0x8d: {  	_ = 	snop  }
0x8e: {  	[tilespmem:s20], [sflag:$0x1] =	stream.indirect.gather [hbm4b:s5+s18], $0x20, s18, s18, $0xb8;
	[tilespmem:$0xA400] =	vst v63  }
0x8f: {  	_ = 	snop  }
0x90: {  	[tilespmem:s22], [sflag:$0x1] =	stream.indirect.gather [hbm4b:s5+s18], $0x20, s21, s18, $0xb8;
	[tilespmem:$0xA400] =	vst v63  }
0x91: {  	_ = 	snop  }
0x92: {  	[tilespmem:s24], [sflag:$0x1] =	stream.indirect.gather [hbm4b:s5+s18], $0x20, s23, s18, $0xb8;
	[tilespmem:$0xA400] =	vst v63  }
0x93: {  	_ =	swait.ge [sflag:s25], $0x1000  }
0x94: {  	[sflag:s25] =	ssyncset.done $0x0  }
0x95: {  	[sflag:s25] =	ssyncadd.s32 $0xFFFFF000  }
0x96: {  	_ =	swait.ge [sflag:s25], $0x1000  }
0x97: {  	[sflag:s25] =	ssyncset.done $0x0  }
0x98: {  	[sflag:s25] =	ssyncadd.s32 $0xFFFFF000  }
0x99: {  	_ =	swait.ge [sflag:s25], $0x1000  }
0x9a: {  	[sflag:s25] =	ssyncset.done $0x0  }
0x9b: {  	[sflag:s25] =	ssyncadd.s32 $0xFFFFF000  }
0x9c: {  	_ =	swait.ge [sflag:s25], $0x1000  }
0x9d: {  	[sflag:s25] =	ssyncset.done $0x0  }
0x9e: {  	[sflag:s25] =	ssyncadd.s32 $0xFFFFF000  }
0x9f: {  	[spmem:s3] =	stream.indirect.scatter.add.f32 [tilespmem:s19], [sflag:$0x2], $0x20, s17, s18, $0xb8;
	[tilespmem:$0xA400] =	vst v63  }
0xa0: {  	_ =	swait.ge [sflag:s16], $0x1000  }
0xa1: {  	[sflag:s16] =	ssyncset.done $0x0  }
0xa2: {  	[sflag:s16] =	ssyncadd.s32 $0xFFFFF000  }
0xa3: {  	[spmem:s3] =	stream.indirect.scatter.add.f32 [tilespmem:s20], [sflag:$0x2], $0x20, s26, s18, $0xb8;
	[tilespmem:$0xA400] =	vst v63  }
0xa4: {  	_ =	swait.ge [sflag:s16], $0x1000  }
0xa5: {  	[sflag:s16] =	ssyncset.done $0x0  }
0xa6: {  	[sflag:s16] =	ssyncadd.s32 $0xFFFFF000  }
0xa7: {  	[spmem:s3] =	stream.indirect.scatter.add.f32 [tilespmem:s22], [sflag:$0x2], $0x20, s28, s18, $0xb8;
	[tilespmem:$0xA400] =	vst v63  }
0xa8: {  	_ =	swait.ge [sflag:s16], $0x1000  }
0xa9: {  	[sflag:s16] =	ssyncset.done $0x0  }
0xaa: {  	[sflag:s16] =	ssyncadd.s32 $0xFFFFF000  }
0xab: {  	[spmem:s3] =	stream.indirect.scatter.add.f32 [tilespmem:s24], [sflag:$0x2], $0x20, s29, s18, $0xb8;
	[tilespmem:$0xA400] =	vst v63  }
0xac: {  	s31 =	stileid.u32;
	_ =	swait.ge [sflag:s16], $0x1000  }
0xad: {  	s1 =	sshrl.u32 s6, $0x3;
	s30 =	sadd.s32 $0x1, s30;
	[sflag:s16] =	ssyncset.done $0x0  }
0xae: {  	s0 =	sshll.u32 s31, $0x6;
	p0 =	sne.s32 s30, s11;
	[sflag:s16] =	ssyncadd.s32 $0xFFFFF000  }
.Ltmp1:
0xaf: {  	s0 =	sor.u32 $0x1C02, s0;
	[bflag:$0x0] =	sbarrier.arrive $0xFFFF;
	(pc) =	sbr.rel @p0 .LBB2_1-.Ltmp1, $4  }
0xb0: {  	[hbm:s12], [sflag:s0] =	dma.local [spmem:s1], $0xA00  }
0xb1: {  	_ =	swait.ge [sflag:s16], $0xA00  }
0xb2: {  	[sflag:s16] =	ssyncset.done $0x0  }
0xb3: {  	[sflag:s16] =	ssyncadd.s32 $0xFFFFF600  }
0xb4: {  	_ =	sfence.sel $0x180000  }
0xb5: {  	[bflag:$0x0] =	sbarrier.arrive $0xFFFF  }
0xb6: {  	_ =	strace $0x9000004A  }
0xb7: {  	s0 =	stileid.u32;
	[bflag:$0x2] =	sbarrier.arrive $0xFFFF  }
0xb8: {  	p0 =	sne.s32 s0, $0x0;
	s0 =	rddreg [dreg:$0x3]  }
0xb9: {  	s0 =	sadd.s32 @!p0 $0x100000, s0  }
0xba: {  	[sflag:s0] =	ssyncadd.tile.s32 @!p0 $0x1;
	_ =	shalt  }
.Lfunc_end2:
_tile_overlayer_lowered:
.L_overlay_start_2:
0xbb: {  	(tag) =	ssettag $0x2  }
0xbc: {  	s0 =	rddreg [dreg:$0x0];
	s2 =	stileid.u32  }
0xbd: {  	s1 =	rddreg [dreg:$0x1];
	p0 =	sne.s32 s2, $0x0  }
0xbe: {  	s3 =	rddreg [dreg:$0x2];
	[bflag:$0x3] =	sbarrier.arrive $0xFFFF;
	s2 =	simm.s32 @!p0 $0x1C02  }
0xbf: {  	[timem:s3], [sflag:s2] =	dma.local @!p0 [hbm:s0], s1  }
0xc0: {  	s0 =	simm.s32 @!p0 $0x2  }
0xc1: {  	_ =	swait.ge @!p0 [sflag:s0], s1  }
0xc2: {  	s1 =	ssub.s32 @!p0 $0x0, s1;
	[sflag:s0] =	ssyncset.done @!p0 $0x0  }
0xc3: {  	[sflag:s0] =	ssyncadd.s32 @!p0 s1  }
0xc4: {  	[bflag:$0x3] =	sbarrier.arrive $0xFFFF  }
0xc5: {  	_ =	shalt  }

// kernel: kernel.18.cloned.1.call-start
scs
__scs_entry_jumppad:
0x0: {  	(pc) =	sbr.rel $0x88, $3  }
0x1: {  	(tag) =	ssettag $0x0;
	lr =	simm.s32 $0x1  }
0x2: {  	[smem:$0x3F91] =	sst lr;
	_ =	strace $0xD0000000  }
0x3: {  	_ = 	snop  }
0x4: {  	_ = 	snop  }
0x5: {  	_ = 	snop  }
0x6: {  	_ = 	snop  }
0x7: {  	_ = 	snop  }
__scs_overlays_trampoline_lowered:
0x8: {  	[smem:$0x3FA0] =	sst s0  }
0x9: {  	[smem:$0x3FA1] =	sst s1  }
0xa: {  	[smem:$0x3FA2] =	sst s2  }
0xb: {  	[smem:$0x3FA3] =	sst s3  }
0xc: {  	[smem:$0x3FA4] =	sst s4  }
0xd: {  	[smem:$0x3FA5] =	sst s5  }
0xe: {  	[smem:$0x3FA6] =	sst s6  }
0xf: {  	[smem:$0x3FA7] =	sst s7  }
0x10: {  	[smem:$0x3FA8] =	sst s8  }
0x11: {  	[smem:$0x3FA9] =	sst s9;
	s0 =	simm.s32 @!p0 $0x0  }
0x12: {  	s1 =	sld [smem:$0x3F8F];
	s0 =	simm.s32 @p0 $0x1  }
0x13: {  	[smem:$0x3FAA] =	sst s0;
	s0 =	simm.s32 @!p1 $0x0  }
0x14: {  	s2 =	sld [smem:$0x3F8E];
	s0 =	simm.s32 @p1 $0x1  }
0x15: {  	[smem:$0x3FAB] =	sst s0;
	s0 =	simm.s32 @!p2 $0x0  }
0x16: {  	s3 =	sld [smem:$0x3FDB];
	s0 =	simm.s32 @p2 $0x1  }
0x17: {  	s4 =	simm.s32 $0x1BF5;
	[smem:$0x3FAD] =	sst s0  }
0x18: {  	s0 =	sld [smem:$0x3F90];
	_ =	swait.ge [sflag:s4], $0x0  }
0x19: {  	s7 =	sld [smem:$0x3F91]  }
0x1a: {  	s8 =	sadd.s32 $0xFFFFE003, lr  }
0x1b: {  	s9 =	sadd.s32 $0xFFFFFEF7, lr;
	s5 =	simm.s32 $0xFFFFFFFF;
	p2 =	slt.u32 s8, $0xFFFFF086  }
0x1c: {  	p1 =	slt.u32 s9, $0xF7A;
	s5 =	simm.s32 @!p2 $0x0  }
0x1d: {  	s5 =	simm.s32 @p1 $0x1;
	p0 =	seq.s32 s7, s2  }
0x1e: {  	s7 =	smul.u32 @!p0 $0xF7A, s2;
	p2 =	seq.s32 @!p0 s5, $0x0  }
0x1f: {  	s9 =	smul.u32 $0xF7A, s1;
	s8 =	simm.s32 @!p0 $0x1BF5;
	p2 =	por !p2, p0  }
0x20: {  	[sflag:s8] =	ssyncset.s32 @!p0 $0xFFFFF086;
	s6 =	sadd.s32 @!p0 s3, s7;
	s7 =	simm.s32 @!p0 $0x108  }
0x21: {  	s3 =	sadd.s32 s3, s9;
	s6 =	sadd.s32 @!p0 $0x88, s6;
	s7 =	simm.s32 @p2 $0x1082  }
0x22: {  	[simem:s7], [sflag:s8] =	dma.local @!p0 [hbm:s6], $0xF7A  }
0x23: {  	s9 =	sor.u32 $0xD0000000, s2;
	s6 =	simm.s32 $0x108;
	_ =	swait.ge @!p0 [sflag:s8], $0x0  }
0x24: {  	s3 =	sadd.s32 $0x88, s3;
	s6 =	simm.s32 @!p1 $0x1082;
	[sflag:s4] =	ssyncset.s32 $0xFFFFF086  }
0x25: {  	[simem:s6], [sflag:s4] =	dma.local [hbm:s3], $0xF7A  }
0x26: {  	[smem:$0x3F91] =	sst s1;
	(tag) =	ssettag s2;
	_ =	strace s9  }
0x27: {  	s1 =	sld [smem:$0x3FA1]  }
0x28: {  	s2 =	sld [smem:$0x3FA2]  }
0x29: {  	s4 =	sld [smem:$0x3FA4]  }
0x2a: {  	p0 =	seq.s32 s5, $0x0;
	s5 =	sld [smem:$0x3FA5]  }
0x2b: {  	s6 =	sld [smem:$0x3FA6]  }
0x2c: {  	s7 =	sld [smem:$0x3FA7]  }
0x2d: {  	s3 =	simm.s32 $0x108;
	s8 =	sld [smem:$0x3FA8]  }
0x2e: {  	s3 =	simm.s32 @!p0 $0x1082;
	s9 =	sld [smem:$0x3FA9]  }
0x2f: {  	lr =	sadd.s32 s0, s3;
	s0 =	sld [smem:$0x3FA0]  }
0x30: {  	s3 =	sld [smem:$0x3FA3]  }
0x31: {  	[smem:$0x3FAC] =	sst s10  }
0x32: {  	s10 =	sld [smem:$0x3FAA];
	_ =	sdelay $0x3  }
0x33: {  	p0 =	seq.s32 s10, $0x1;
	s10 =	sld [smem:$0x3FAC];
	_ =	sdelay $0x3  }
0x34: {  	[smem:$0x3FAC] =	sst s10  }
0x35: {  	s10 =	sld [smem:$0x3FAB];
	_ =	sdelay $0x3  }
0x36: {  	p1 =	seq.s32 s10, $0x1;
	s10 =	sld [smem:$0x3FAC];
	_ =	sdelay $0x3  }
0x37: {  	[smem:$0x3FAC] =	sst s10  }
0x38: {  	s10 =	sld [smem:$0x3FAD]  }
0x39: {  	_ = 	snop;
	(pc) =	sbr.ind lr, $3  }
0x3a: {  	_ = 	snop  }
0x3b: {  	_ = 	snop  }
0x3c: {  	p2 =	seq.s32 s10, $0x1;
	s10 =	sld [smem:$0x3FAC]  }
0x3d: {  	_ =	shalt  }
0x3e: {  	_ =	shalt  }
0x3f: {  	_ =	shalt  }
0x40: {  	_ =	shalt  }
0x41: {  	_ =	shalt  }
0x42: {  	_ =	shalt  }
0x43: {  	_ =	shalt  }
0x44: {  	_ =	shalt  }
0x45: {  	_ =	shalt  }
0x46: {  	_ =	shalt  }
0x47: {  	_ =	shalt  }
0x48: {  	_ =	shalt  }
0x49: {  	_ =	shalt  }
0x4a: {  	_ =	shalt  }
0x4b: {  	_ =	shalt  }
0x4c: {  	_ =	shalt  }
0x4d: {  	_ =	shalt  }
0x4e: {  	_ =	shalt  }
0x4f: {  	_ =	shalt  }
0x50: {  	_ =	shalt  }
0x51: {  	_ =	shalt  }
0x52: {  	_ =	shalt  }
0x53: {  	_ =	shalt  }
0x54: {  	_ =	shalt  }
0x55: {  	_ =	shalt  }
0x56: {  	_ =	shalt  }
0x57: {  	_ =	shalt  }
0x58: {  	_ =	shalt  }
0x59: {  	_ =	shalt  }
0x5a: {  	_ =	shalt  }
0x5b: {  	_ =	shalt  }
0x5c: {  	_ =	shalt  }
0x5d: {  	_ =	shalt  }
0x5e: {  	_ =	shalt  }
0x5f: {  	_ =	shalt  }
0x60: {  	_ =	shalt  }
0x61: {  	_ =	shalt  }
0x62: {  	_ =	shalt  }
0x63: {  	_ =	shalt  }
0x64: {  	_ =	shalt  }
0x65: {  	_ =	shalt  }
0x66: {  	_ =	shalt  }
0x67: {  	_ =	shalt  }
0x68: {  	_ =	shalt  }
0x69: {  	_ =	shalt  }
0x6a: {  	_ =	shalt  }
0x6b: {  	_ =	shalt  }
0x6c: {  	_ =	shalt  }
0x6d: {  	_ =	shalt  }
0x6e: {  	_ =	shalt  }
0x6f: {  	_ =	shalt  }
0x70: {  	_ =	shalt  }
0x71: {  	_ =	shalt  }
0x72: {  	_ =	shalt  }
0x73: {  	_ =	shalt  }
0x74: {  	_ =	shalt  }
0x75: {  	_ =	shalt  }
0x76: {  	_ =	shalt  }
0x77: {  	_ =	shalt  }
0x78: {  	_ =	shalt  }
0x79: {  	_ =	shalt  }
0x7a: {  	_ =	shalt  }
0x7b: {  	_ =	shalt  }
0x7c: {  	_ =	shalt  }
0x7d: {  	_ =	shalt  }
0x7e: {  	_ =	shalt  }
0x7f: {  	_ =	shalt  }
0x80: {  	_ =	shalt  }
0x81: {  	_ =	shalt  }
0x82: {  	_ =	shalt  }
0x83: {  	_ =	shalt  }
0x84: {  	_ =	shalt  }
0x85: {  	_ =	shalt  }
0x86: {  	_ =	shalt  }
0x87: {  	_ =	shalt  }
.Lfunc_end0:
.L_simem_size_0:
called_computation.2_lowered:
.L_overlay_start_0:
0x88: {  	s2 =	sld [smem:$0x3FD9]  }
0x89: {  	s3 =	sld [smem:$0x3FFE];
	_ =	sdelay $0x1  }
0x8a: {  	s1 =	srdreg.scid  }
0x8b: {  	s0 =	sand.u32 $0x1, s1  }
0x8c: {  	s17 =	sshll.u32 s0, $0xA;
	s2 =	sadd.s32 s3, s2  }
0x8d: {  	s2 =	sadd.s32 s2, s17  }
0x8e: {  	[smem:$0x3FB8] =	sst s2  }
0x8f: {  	_ = 	snop  }
0x90: {  	s2 =	sld [smem:$0x3FD0];
	(tm) =	ssettm $0x1  }
0x91: {  	s18 =	sld [smem:$0x3FFB];
	_ =	sdelay $0x3  }
0x92: {  	_ =	strace s18  }
0x93: {  	s3 =	sld [smem:$0x3FFC];
	_ =	sdelay $0x3  }
0x94: {  	_ =	strace s3  }
0x95: {  	s3 =	sld [smem:$0x3FFD];
	_ =	sdelay $0x3  }
0x96: {  	_ =	strace s3  }
0x97: {  	_ =	strace $0x8FFFFFFF  }
0x98: {  	s19 =	sld [smem:$0x3FDB];
	_ =	sdelay $0x1  }
0x99: {  	s4 =	simm.s32 $_scs_section_size  }
0x9a: {  	s5 =	simm.s32 $_size__tile_overlayer_lowered;
	s6 =	simm.s32 $_tile_overlayer_lowered  }
0x9b: {  	s22 =	simm.s32 $0x1BFF;
	s21 =	sshll.u32 s6, $0x1;
	s3 =	sadd.s32 s4, s19  }
0x9c: {  	s7 =	simm.s32 $0x0;
	s20 =	sshll.u32 s5, $0x1;
	s5 =	sadd.s32 s21, s3  }
0x9d: {  	[timem:s7], [sflag:s22] =	dma.local [hbm:s5], s20  }
0x9e: {  	_ =	swait.ge [sflag:s22], s20  }
0x9f: {  	s4 =	ssub.s32 $0x0, s20;
	[sflag:s22] =	ssyncset.done $0x0  }
0xa0: {  	[sflag:s22] =	ssyncadd.s32 s4;
	_ =	sdelay $0x1  }
0xa1: {  	s23 =	simm.s32 $0x1B8B  }
0xa2: {  	_ =	swait.ge [sflag:s23], $0x1  }
0xa3: {  	[sflag:s23] =	ssyncset.done $0x0  }
0xa4: {  	s25 =	simm.s32 $0x1B8E;
	s24 =	sld [smem:$0x3FFE];
	[sflag:s23] =	ssyncadd.s32 $0xFFFFFFFF  }
0xa5: {  	s26 =	simm.s32 $execute0_lowered;
	[smem:$0x3FD2] =	sst s25  }
0xa6: {  	s5 =	sshll.u32 s26, $0x1;
	_ =	strace $0x8000004C;
	[dreg:$0x1] =	wrdreg $0xFFFFFFFF  }
0xa7: {  	s28 =	simm.s32 $_size_execute0_lowered;
	s3 =	sadd.s32 s3, s5;
	[dreg:$0x0] =	wrdreg $0x0  }
0xa8: {  	s5 =	sshll.u32 s28, $0x1;
	[dreg:$0x2] =	wrdreg s3  }
0xa9: {  	[dreg:$0x3] =	wrdreg s5  }
0xaa: {  	[dreg:$0x4] =	wrdreg $0xC0  }
0xab: {  	_ =	task [dreg:s7], $0x5FFFF  }
0xac: {  	[dreg:$0x1] =	wrdreg $0xFFFFFFFF  }
0xad: {  	[dreg:$0x0] =	wrdreg $0x60  }
0xae: {  	[dreg:$0x2] =	wrdreg s24  }
0xaf: {  	[dreg:$0x3] =	wrdreg s2  }
0xb0: {  	[dreg:$0x4] =	wrdreg $0x54000  }
0xb1: {  	[dreg:$0x5] =	wrdreg $0x9  }
0xb2: {  	_ =	task.clear_ibuf [dreg:s7], $0x6FFFF;
	_ =	strace $0x9000004C  }
0xb3: {  	s29 =	simm.s32 $0x9;
	_ =	strace $0x8000004E  }
0xb4: {  	_ =	swait.ge [sflag:s29], $0x1  }
0xb5: {  	[sflag:s29] =	ssyncadd.s32 $0xFFFFFFFF  }
0xb6: {  	_ =	strace $0x9000004E  }
0xb7: {  	_ =	sfence  }
0xb8: {  	s30 =	sld [smem:$0x0];
	_ =	sdelay $0x2  }
0xb9: {  	s31 =	sshll.u32 s1, $0xD;
	s1 =	sshrl.u32 s1, $0x2  }
0xba: {  	s3 =	sand.u32 $0x4000, s31;
	s1 =	sadd.s32 s1, s30  }
0xbb: {  	s0 =	sor.u32 s3, s0;
	s1 =	sshll.u32 s1, $0x11  }
0xbc: {  	s0 =	sor.u32 s1, s0  }
0xbd: {  	s0 =	sadd.s32 $0x8F2B, s0  }
0xbe: {  	[sflag:s0] =	ssyncadd.remote.s32 $0x1  }
0xbf: {  	_ =	sfence.sel $0xFFFF  }
0xc0: {  	[dreg:$0x0] =	wrdreg $0xFFFFFFFF;
	(pc) =	sbr.abs _section_cstart, $3  }
0xc1: {  	[dreg:$0x1] =	wrdreg $0xFFFFFFFF  }
0xc2: {  	_ =	task.clear_ibuf [dreg:s7], $0x2FFFF;
	_ =	strace $0x9FFFFFFF  }
0xc3: {  	(tm) =	ssettm $0x7FFFFFFF  }
tec
execute0_lowered:
.L_overlay_start_1:
0x0: {  	(tag) =	ssettag $0x1  }
0x1: {  	s1 =	rddreg [dreg:$0x0]  }
0x2: {  	s0 =	srdreg.scid;
	s25 =	stileid.u32  }
0x3: {  	s3 =	rddreg [dreg:$0x2];
	s4 =	simm.s32 $0x0;
	s15 =	simm.s32 $0x4400  }
0x4: {  	s16 =	simm.s32 $0x2;
	s17 =	simm.s32 $0x200;
	s18 =	simm.s32 $0x80  }
0x5: {  	s19 =	simm.s32 $0x400;
	s20 =	simm.s32 $0x1400;
	s21 =	simm.s32 $0x100  }
0x6: {  	s22 =	simm.s32 $0x2400;
	s23 =	simm.s32 $0x180;
	s24 =	simm.s32 $0x3400  }
0x7: {  	s28 =	simm.s32 $0x300;
	s29 =	simm.s32 $0x380;
	s6 =	smul.u32 $0x2800, s25  }
0x8: {  	s30 =	simm.s32 $0x0;
	s2 =	sand.u32 $0x1, s0;
	s7 =	smul.u32 $0x14000, s25  }
0x9: {  	[smem:$0x7FF] =	sst s4;
	s11 =	smul.u32 $0x5000, s25;
	s25 =	simm.s32 $0x1  }
0xa: {  	s5 =	smul.u32 $0x28000, s2;
	_ =	strace $0x8000004D;
	s8 =	ssub.s32 $0x2, s2  }
0xb: {  	p0 =	seq.s32 s2, $0x1;
	s2 =	simm.s32 $0x4FC00;
	s7 =	sshrl.u32 s7, $0x2  }
0xc: {  	s26 =	sshrl.u32 s8, $0x1;
	s2 =	simm.s32 @!p0 $0x59C00;
	s13 =	sshrl.u32 s11, $0x3  }
0xd: {  	s6 =	sadd.s32 s6, s5;
	s5 =	sadd.s32 $0x45C00, s1;
	s10 =	sadd.s32 s7, s3  }
0xe: {  	s12 =	ssub.s32 s8, s26;
	s26 =	simm.s32 $0x280;
	s6 =	sshrl.u32 s6, $0x3  }
0xf: {  	s31 =	sadd.s32 $0x1000, s10;
	s8 =	sadd.s32 $0x2000, s10;
	s9 =	sadd.s32 $0x3000, s10  }
0x10: {  	s10 =	sadd.s32 $0x4000, s10;
	s14 =	sadd.s32 s6, s1;
	s6 =	sadd.s32 s11, s3  }
0x11: {  	[dreg:$0x4] =	wrdreg s31;
	s11 =	smax.u32 s12, $0x1;
	s1 =	sadd.s32 s2, s1  }
0x12: {  	s12 =	sadd.s32 s1, s13;
	s13 =	sadd.s32 $0x4A00, s14;
	s14 =	sadd.s32 $0x3BC00, s14  }
.LBB2_1:
0x13: {  	s0 =	rddreg [dreg:$0x1]  }
0x14: {  	[tilespmem:s15], [sflag:$0x2] =	stream.linear.gather [hbm4b:s0+s4], $0x1000, $0x38;
	[tilespmem:$0xA400] =	vst v63  }
0x15: {  	_ =	swait.ge [sflag:s16], $0x1000  }
0x16: {  	[sflag:s16] =	ssyncset.done $0x0  }
0x17: {  	[sflag:s16] =	ssyncadd.s32 $0xFFFFF000  }
0x18: {  	[spmem:s6] =	stream.linear.scatter [tilespmem:s15], [sflag:$0x2], $0x1000, $0x38;
	[tilespmem:$0xA400] =	vst v63  }
0x19: {  	_ =	swait.ge [sflag:s16], $0x1000  }
0x1a: {  	[sflag:s16] =	ssyncset.done $0x0  }
0x1b: {  	s2 =	rddreg [dreg:$0x4];
	[sflag:s16] =	ssyncadd.s32 $0xFFFFF000  }
0x1c: {  	[spmem:s2] =	stream.linear.scatter [tilespmem:s15], [sflag:$0x2], $0x1000, $0x38;
	[tilespmem:$0xA400] =	vst v63  }
0x1d: {  	_ =	swait.ge [sflag:s16], $0x1000  }
0x1e: {  	[sflag:s16] =	ssyncset.done $0x0  }
0x1f: {  	[sflag:s16] =	ssyncadd.s32 $0xFFFFF000  }
0x20: {  	[spmem:s8] =	stream.linear.scatter [tilespmem:s15], [sflag:$0x2], $0x1000, $0x38;
	[tilespmem:$0xA400] =	vst v63  }
0x21: {  	_ =	swait.ge [sflag:s16], $0x1000  }
0x22: {  	[sflag:s16] =	ssyncset.done $0x0  }
0x23: {  	[sflag:s16] =	ssyncadd.s32 $0xFFFFF000  }
0x24: {  	[spmem:s9] =	stream.linear.scatter [tilespmem:s15], [sflag:$0x2], $0x1000, $0x38;
	[tilespmem:$0xA400] =	vst v63  }
0x25: {  	_ =	swait.ge [sflag:s16], $0x1000  }
0x26: {  	[sflag:s16] =	ssyncset.done $0x0  }
0x27: {  	[sflag:s16] =	ssyncadd.s32 $0xFFFFF000  }
0x28: {  	[spmem:s10] =	stream.linear.scatter [tilespmem:s15], [sflag:$0x2], $0x1000, $0x38;
	[tilespmem:$0xA400] =	vst v63  }
0x29: {  	_ =	swait.ge [sflag:s16], $0x1000  }
0x2a: {  	[sflag:s16] =	ssyncset.done $0x0  }
0x2b: {  	[sflag:s16] =	ssyncadd.s32 $0xFFFFF000  }
0x2c: {  	s1 =	sadd.s32 $0x0, s14;
	[bflag:$0x0] =	sbarrier.arrive $0xFFFF  }
0x2d: {  	[tilespmem:s4], [sflag:$0x2] =	stream.linear.gather [hbm4b:s1+s4], $0x200, $0x38;
	[tilespmem:$0xA400] =	vst v63  }
0x2e: {  	_ =	swait.ge [sflag:s16], $0x200  }
0x2f: {  	[sflag:s16] =	ssyncset.done $0x0  }
0x30: {  	s7 =	sadd.s32 $0x0, s13;
	[sflag:s16] =	ssyncadd.s32 $0xFFFFFE00  }
0x31: {  	[tilespmem:s17], [sflag:$0x2] =	stream.linear.gather [hbm4b:s7+s4], $0x200, $0x38;
	[tilespmem:$0xA400] =	vst v63  }
0x32: {  	_ =	swait.ge [sflag:s16], $0x200  }
0x33: {  	[sflag:s16] =	ssyncset.done $0x0  }
0x34: {  	[sflag:s16] =	ssyncadd.s32 $0xFFFFFE00  }
0x35: {  	[tilespmem:s19], [sflag:$0x1] =	stream.indirect.gather [hbm4b:s5+s18], $0x20, s4, s18, $0xb8;
	[tilespmem:$0xA400] =	vst v63  }
0x36: {  	_ = 	snop  }
0x37: {  	[tilespmem:s20], [sflag:$0x1] =	stream.indirect.gather [hbm4b:s5+s18], $0x20, s18, s18, $0xb8;
	[tilespmem:$0xA400] =	vst v63  }
0x38: {  	_ = 	snop  }
0x39: {  	[tilespmem:s22], [sflag:$0x1] =	stream.indirect.gather [hbm4b:s5+s18], $0x20, s21, s18, $0xb8;
	[tilespmem:$0xA400] =	vst v63  }
0x3a: {  	_ = 	snop  }
0x3b: {  	[tilespmem:s24], [sflag:$0x1] =	stream.indirect.gather [hbm4b:s5+s18], $0x20, s23, s18, $0xb8;
	[tilespmem:$0xA400] =	vst v63  }
0x3c: {  	_ =	swait.ge [sflag:s25], $0x1000  }
0x3d: {  	[sflag:s25] =	ssyncset.done $0x0  }
0x3e: {  	[sflag:s25] =	ssyncadd.s32 $0xFFFFF000  }
0x3f: {  	_ =	swait.ge [sflag:s25], $0x1000  }
0x40: {  	[sflag:s25] =	ssyncset.done $0x0  }
0x41: {  	[sflag:s25] =	ssyncadd.s32 $0xFFFFF000  }
0x42: {  	_ =	swait.ge [sflag:s25], $0x1000  }
0x43: {  	[sflag:s25] =	ssyncset.done $0x0  }
0x44: {  	[sflag:s25] =	ssyncadd.s32 $0xFFFFF000  }
0x45: {  	_ =	swait.ge [sflag:s25], $0x1000  }
0x46: {  	[sflag:s25] =	ssyncset.done $0x0  }
0x47: {  	[sflag:s25] =	ssyncadd.s32 $0xFFFFF000  }
0x48: {  	[spmem:s3] =	stream.indirect.scatter.add.f32 [tilespmem:s19], [sflag:$0x2], $0x20, s17, s18, $0xb8;
	[tilespmem:$0xA400] =	vst v63  }
0x49: {  	_ =	swait.ge [sflag:s16], $0x1000  }
0x4a: {  	[sflag:s16] =	ssyncset.done $0x0  }
0x4b: {  	[sflag:s16] =	ssyncadd.s32 $0xFFFFF000  }
0x4c: {  	[spmem:s3] =	stream.indirect.scatter.add.f32 [tilespmem:s20], [sflag:$0x2], $0x20, s26, s18, $0xb8;
	[tilespmem:$0xA400] =	vst v63  }
0x4d: {  	_ =	swait.ge [sflag:s16], $0x1000  }
0x4e: {  	[sflag:s16] =	ssyncset.done $0x0  }
0x4f: {  	[sflag:s16] =	ssyncadd.s32 $0xFFFFF000  }
0x50: {  	[spmem:s3] =	stream.indirect.scatter.add.f32 [tilespmem:s22], [sflag:$0x2], $0x20, s28, s18, $0xb8;
	[tilespmem:$0xA400] =	vst v63  }
0x51: {  	_ =	swait.ge [sflag:s16], $0x1000  }
0x52: {  	[sflag:s16] =	ssyncset.done $0x0  }
0x53: {  	[sflag:s16] =	ssyncadd.s32 $0xFFFFF000  }
0x54: {  	[spmem:s3] =	stream.indirect.scatter.add.f32 [tilespmem:s24], [sflag:$0x2], $0x20, s29, s18, $0xb8;
	[tilespmem:$0xA400] =	vst v63  }
0x55: {  	_ =	swait.ge [sflag:s16], $0x1000  }
0x56: {  	s31 =	simm.s32 $0x40;
	s1 =	simm.s32 $0x80;
	[sflag:s16] =	ssyncset.done $0x0  }
.LBB2_2:
0x57: {  	s0 =	sadd.s32 s31, s14  }
0x58: {  	[sflag:s16] =	ssyncadd.s32 $0xFFFFF000;
	s7 =	smov.u32 s1;
	s2 =	sadd.s32 $0x40, s1  }
0x59: {  	[tilespmem:s4], [sflag:$0x2] =	stream.linear.gather [hbm4b:s0+s4], $0x200, $0x38;
	[tilespmem:$0xA400] =	vst v63  }
0x5a: {  	p0 =	sne.s32 s1, $0x4C0;
	_ =	swait.ge [sflag:s16], $0x200  }
0x5b: {  	[sflag:s16] =	ssyncset.done $0x0  }
0x5c: {  	s0 =	sadd.s32 s31, s13;
	s31 =	smov.u32 s7;
	[sflag:s16] =	ssyncadd.s32 $0xFFFFFE00  }
0x5d: {  	[tilespmem:s17], [sflag:$0x2] =	stream.linear.gather [hbm4b:s0+s4], $0x200, $0x38;
	[tilespmem:$0xA400] =	vst v63  }
0x5e: {  	_ =	swait.ge [sflag:s16], $0x200  }
0x5f: {  	[sflag:s16] =	ssyncset.done $0x0  }
0x60: {  	[sflag:s16] =	ssyncadd.s32 $0xFFFFFE00  }
0x61: {  	[tilespmem:s19], [sflag:$0x1] =	stream.indirect.gather [hbm4b:s5+s18], $0x20, s4, s18, $0xb8;
	[tilespmem:$0xA400] =	vst v63  }
0x62: {  	_ = 	snop  }
0x63: {  	[tilespmem:s20], [sflag:$0x1] =	stream.indirect.gather [hbm4b:s5+s18], $0x20, s18, s18, $0xb8;
	[tilespmem:$0xA400] =	vst v63  }
0x64: {  	_ = 	snop  }
0x65: {  	[tilespmem:s22], [sflag:$0x1] =	stream.indirect.gather [hbm4b:s5+s18], $0x20, s21, s18, $0xb8;
	[tilespmem:$0xA400] =	vst v63  }
0x66: {  	_ = 	snop  }
0x67: {  	[tilespmem:s24], [sflag:$0x1] =	stream.indirect.gather [hbm4b:s5+s18], $0x20, s23, s18, $0xb8;
	[tilespmem:$0xA400] =	vst v63  }
0x68: {  	_ =	swait.ge [sflag:s25], $0x1000  }
0x69: {  	[sflag:s25] =	ssyncset.done $0x0  }
0x6a: {  	[sflag:s25] =	ssyncadd.s32 $0xFFFFF000  }
0x6b: {  	_ =	swait.ge [sflag:s25], $0x1000  }
0x6c: {  	[sflag:s25] =	ssyncset.done $0x0  }
0x6d: {  	[sflag:s25] =	ssyncadd.s32 $0xFFFFF000  }
0x6e: {  	_ =	swait.ge [sflag:s25], $0x1000  }
0x6f: {  	[sflag:s25] =	ssyncset.done $0x0  }
0x70: {  	[sflag:s25] =	ssyncadd.s32 $0xFFFFF000  }
0x71: {  	_ =	swait.ge [sflag:s25], $0x1000  }
0x72: {  	[sflag:s25] =	ssyncset.done $0x0  }
0x73: {  	[sflag:s25] =	ssyncadd.s32 $0xFFFFF000  }
0x74: {  	[spmem:s3] =	stream.indirect.scatter.add.f32 [tilespmem:s19], [sflag:$0x2], $0x20, s17, s18, $0xb8;
	[tilespmem:$0xA400] =	vst v63  }
0x75: {  	_ =	swait.ge [sflag:s16], $0x1000  }
0x76: {  	[sflag:s16] =	ssyncset.done $0x0  }
0x77: {  	[sflag:s16] =	ssyncadd.s32 $0xFFFFF000  }
0x78: {  	[spmem:s3] =	stream.indirect.scatter.add.f32 [tilespmem:s20], [sflag:$0x2], $0x20, s26, s18, $0xb8;
	[tilespmem:$0xA400] =	vst v63  }
0x79: {  	_ =	swait.ge [sflag:s16], $0x1000  }
0x7a: {  	[sflag:s16] =	ssyncset.done $0x0  }
0x7b: {  	[sflag:s16] =	ssyncadd.s32 $0xFFFFF000  }
0x7c: {  	[spmem:s3] =	stream.indirect.scatter.add.f32 [tilespmem:s22], [sflag:$0x2], $0x20, s28, s18, $0xb8;
	[tilespmem:$0xA400] =	vst v63  }
0x7d: {  	_ =	swait.ge [sflag:s16], $0x1000  }
.Ltmp0:
0x7e: {  	[sflag:s16] =	ssyncset.done $0x0;
	(pc) =	sbr.rel @p0 .LBB2_2-.Ltmp0, $4  }
0x7f: {  	[sflag:s16] =	ssyncadd.s32 $0xFFFFF000  }
0x80: {  	[spmem:s3] =	stream.indirect.scatter.add.f32 [tilespmem:s24], [sflag:$0x2], $0x20, s29, s18, $0xb8;
	[tilespmem:$0xA400] =	vst v63  }
0x81: {  	_ =	swait.ge [sflag:s16], $0x1000  }
0x82: {  	s1 =	smov.u32 s2;
	[sflag:s16] =	ssyncset.done $0x0  }
0x83: {  	s0 =	sadd.s32 s31, s14;
	[sflag:s16] =	ssyncadd.s32 $0xFFFFF000  }
0x84: {  	[tilespmem:s4], [sflag:$0x2] =	stream.linear.gather [hbm4b:s0+s4], $0x200, $0x38;
	[tilespmem:$0xA400] =	vst v63  }
0x85: {  	_ =	swait.ge [sflag:s16], $0x200  }
0x86: {  	[sflag:s16] =	ssyncset.done $0x0  }
0x87: {  	s7 =	sadd.s32 s31, s13;
	[sflag:s16] =	ssyncadd.s32 $0xFFFFFE00  }
0x88: {  	[tilespmem:s17], [sflag:$0x2] =	stream.linear.gather [hbm4b:s7+s4], $0x200, $0x38;
	[tilespmem:$0xA400] =	vst v63  }
0x89: {  	_ =	swait.ge [sflag:s16], $0x200  }
0x8a: {  	[sflag:s16] =	ssyncset.done $0x0  }
0x8b: {  	[sflag:s16] =	ssyncadd.s32 $0xFFFFFE00  }
0x8c: {  	[tilespmem:s19], [sflag:$0x1] =	stream.indirect.gather [hbm4b:s5+s18], $0x20, s4, s18, $0xb8;
	[tilespmem:$0xA400] =	vst v63  }
0x8d: {  	_ = 	snop  }
0x8e: {  	[tilespmem:s20], [sflag:$0x1] =	stream.indirect.gather [hbm4b:s5+s18], $0x20, s18, s18, $0xb8;
	[tilespmem:$0xA400] =	vst v63  }
0x8f: {  	_ = 	snop  }
0x90: {  	[tilespmem:s22], [sflag:$0x1] =	stream.indirect.gather [hbm4b:s5+s18], $0x20, s21, s18, $0xb8;
	[tilespmem:$0xA400] =	vst v63  }
0x91: {  	_ = 	snop  }
0x92: {  	[tilespmem:s24], [sflag:$0x1] =	stream.indirect.gather [hbm4b:s5+s18], $0x20, s23, s18, $0xb8;
	[tilespmem:$0xA400] =	vst v63  }
0x93: {  	_ =	swait.ge [sflag:s25], $0x1000  }
0x94: {  	[sflag:s25] =	ssyncset.done $0x0  }
0x95: {  	[sflag:s25] =	ssyncadd.s32 $0xFFFFF000  }
0x96: {  	_ =	swait.ge [sflag:s25], $0x1000  }
0x97: {  	[sflag:s25] =	ssyncset.done $0x0  }
0x98: {  	[sflag:s25] =	ssyncadd.s32 $0xFFFFF000  }
0x99: {  	_ =	swait.ge [sflag:s25], $0x1000  }
0x9a: {  	[sflag:s25] =	ssyncset.done $0x0  }
0x9b: {  	[sflag:s25] =	ssyncadd.s32 $0xFFFFF000  }
0x9c: {  	_ =	swait.ge [sflag:s25], $0x1000  }
0x9d: {  	[sflag:s25] =	ssyncset.done $0x0  }
0x9e: {  	[sflag:s25] =	ssyncadd.s32 $0xFFFFF000  }
0x9f: {  	[spmem:s3] =	stream.indirect.scatter.add.f32 [tilespmem:s19], [sflag:$0x2], $0x20, s17, s18, $0xb8;
	[tilespmem:$0xA400] =	vst v63  }
0xa0: {  	_ =	swait.ge [sflag:s16], $0x1000  }
0xa1: {  	[sflag:s16] =	ssyncset.done $0x0  }
0xa2: {  	[sflag:s16] =	ssyncadd.s32 $0xFFFFF000  }
0xa3: {  	[spmem:s3] =	stream.indirect.scatter.add.f32 [tilespmem:s20], [sflag:$0x2], $0x20, s26, s18, $0xb8;
	[tilespmem:$0xA400] =	vst v63  }
0xa4: {  	_ =	swait.ge [sflag:s16], $0x1000  }
0xa5: {  	[sflag:s16] =	ssyncset.done $0x0  }
0xa6: {  	[sflag:s16] =	ssyncadd.s32 $0xFFFFF000  }
0xa7: {  	[spmem:s3] =	stream.indirect.scatter.add.f32 [tilespmem:s22], [sflag:$0x2], $0x20, s28, s18, $0xb8;
	[tilespmem:$0xA400] =	vst v63  }
0xa8: {  	_ =	swait.ge [sflag:s16], $0x1000  }
0xa9: {  	[sflag:s16] =	ssyncset.done $0x0  }
0xaa: {  	[sflag:s16] =	ssyncadd.s32 $0xFFFFF000  }
0xab: {  	[spmem:s3] =	stream.indirect.scatter.add.f32 [tilespmem:s24], [sflag:$0x2], $0x20, s29, s18, $0xb8;
	[tilespmem:$0xA400] =	vst v63  }
0xac: {  	s31 =	stileid.u32;
	_ =	swait.ge [sflag:s16], $0x1000  }
0xad: {  	s1 =	sshrl.u32 s6, $0x3;
	s30 =	sadd.s32 $0x1, s30;
	[sflag:s16] =	ssyncset.done $0x0  }
0xae: {  	s0 =	sshll.u32 s31, $0x6;
	p0 =	sne.s32 s30, s11;
	[sflag:s16] =	ssyncadd.s32 $0xFFFFF000  }
.Ltmp1:
0xaf: {  	s0 =	sor.u32 $0x1C02, s0;
	[bflag:$0x0] =	sbarrier.arrive $0xFFFF;
	(pc) =	sbr.rel @p0 .LBB2_1-.Ltmp1, $4  }
0xb0: {  	[hbm:s12], [sflag:s0] =	dma.local [spmem:s1], $0xA00  }
0xb1: {  	_ =	swait.ge [sflag:s16], $0xA00  }
0xb2: {  	[sflag:s16] =	ssyncset.done $0x0  }
0xb3: {  	[sflag:s16] =	ssyncadd.s32 $0xFFFFF600  }
0xb4: {  	_ =	sfence.sel $0x180000  }
0xb5: {  	[bflag:$0x0] =	sbarrier.arrive $0xFFFF  }
0xb6: {  	_ =	strace $0x9000004D  }
0xb7: {  	s0 =	stileid.u32;
	[bflag:$0x2] =	sbarrier.arrive $0xFFFF  }
0xb8: {  	p0 =	sne.s32 s0, $0x0;
	s0 =	rddreg [dreg:$0x3]  }
0xb9: {  	s0 =	sadd.s32 @!p0 $0x100000, s0  }
0xba: {  	[sflag:s0] =	ssyncadd.tile.s32 @!p0 $0x1;
	_ =	shalt  }
.Lfunc_end2:
_tile_overlayer_lowered:
.L_overlay_start_2:
0xbb: {  	(tag) =	ssettag $0x2  }
0xbc: {  	s0 =	rddreg [dreg:$0x0];
	s2 =	stileid.u32  }
0xbd: {  	s1 =	rddreg [dreg:$0x1];
	p0 =	sne.s32 s2, $0x0  }
0xbe: {  	s3 =	rddreg [dreg:$0x2];
	[bflag:$0x3] =	sbarrier.arrive $0xFFFF;
	s2 =	simm.s32 @!p0 $0x1C02  }
0xbf: {  	[timem:s3], [sflag:s2] =	dma.local @!p0 [hbm:s0], s1  }
0xc0: {  	s0 =	simm.s32 @!p0 $0x2  }
0xc1: {  	_ =	swait.ge @!p0 [sflag:s0], s1  }
0xc2: {  	s1 =	ssub.s32 @!p0 $0x0, s1;
	[sflag:s0] =	ssyncset.done @!p0 $0x0  }
0xc3: {  	[sflag:s0] =	ssyncadd.s32 @!p0 s1  }
0xc4: {  	[bflag:$0x3] =	sbarrier.arrive $0xFFFF  }
0xc5: {  	_ =	shalt  }

// kernel: kernel.21.cloned.1.call-start
scs
__scs_entry_jumppad:
0x0: {  	(pc) =	sbr.rel $0x88, $3  }
0x1: {  	(tag) =	ssettag $0x0;
	lr =	simm.s32 $0x1  }
0x2: {  	[smem:$0x3F91] =	sst lr;
	_ =	strace $0xD0000000  }
0x3: {  	_ = 	snop  }
0x4: {  	_ = 	snop  }
0x5: {  	_ = 	snop  }
0x6: {  	_ = 	snop  }
0x7: {  	_ = 	snop  }
__scs_overlays_trampoline_lowered:
0x8: {  	[smem:$0x3FA0] =	sst s0  }
0x9: {  	[smem:$0x3FA1] =	sst s1  }
0xa: {  	[smem:$0x3FA2] =	sst s2  }
0xb: {  	[smem:$0x3FA3] =	sst s3  }
0xc: {  	[smem:$0x3FA4] =	sst s4  }
0xd: {  	[smem:$0x3FA5] =	sst s5  }
0xe: {  	[smem:$0x3FA6] =	sst s6  }
0xf: {  	[smem:$0x3FA7] =	sst s7  }
0x10: {  	[smem:$0x3FA8] =	sst s8  }
0x11: {  	[smem:$0x3FA9] =	sst s9;
	s0 =	simm.s32 @!p0 $0x0  }
0x12: {  	s1 =	sld [smem:$0x3F8F];
	s0 =	simm.s32 @p0 $0x1  }
0x13: {  	[smem:$0x3FAA] =	sst s0;
	s0 =	simm.s32 @!p1 $0x0  }
0x14: {  	s2 =	sld [smem:$0x3F8E];
	s0 =	simm.s32 @p1 $0x1  }
0x15: {  	[smem:$0x3FAB] =	sst s0;
	s0 =	simm.s32 @!p2 $0x0  }
0x16: {  	s3 =	sld [smem:$0x3FDB];
	s0 =	simm.s32 @p2 $0x1  }
0x17: {  	s4 =	simm.s32 $0x1BF5;
	[smem:$0x3FAD] =	sst s0  }
0x18: {  	s0 =	sld [smem:$0x3F90];
	_ =	swait.ge [sflag:s4], $0x0  }
0x19: {  	s7 =	sld [smem:$0x3F91]  }
0x1a: {  	s8 =	sadd.s32 $0xFFFFE003, lr  }
0x1b: {  	s9 =	sadd.s32 $0xFFFFFEF7, lr;
	s5 =	simm.s32 $0xFFFFFFFF;
	p2 =	slt.u32 s8, $0xFFFFF086  }
0x1c: {  	p1 =	slt.u32 s9, $0xF7A;
	s5 =	simm.s32 @!p2 $0x0  }
0x1d: {  	s5 =	simm.s32 @p1 $0x1;
	p0 =	seq.s32 s7, s2  }
0x1e: {  	s7 =	smul.u32 @!p0 $0xF7A, s2;
	p2 =	seq.s32 @!p0 s5, $0x0  }
0x1f: {  	s9 =	smul.u32 $0xF7A, s1;
	s8 =	simm.s32 @!p0 $0x1BF5;
	p2 =	por !p2, p0  }
0x20: {  	[sflag:s8] =	ssyncset.s32 @!p0 $0xFFFFF086;
	s6 =	sadd.s32 @!p0 s3, s7;
	s7 =	simm.s32 @!p0 $0x108  }
0x21: {  	s3 =	sadd.s32 s3, s9;
	s6 =	sadd.s32 @!p0 $0x88, s6;
	s7 =	simm.s32 @p2 $0x1082  }
0x22: {  	[simem:s7], [sflag:s8] =	dma.local @!p0 [hbm:s6], $0xF7A  }
0x23: {  	s9 =	sor.u32 $0xD0000000, s2;
	s6 =	simm.s32 $0x108;
	_ =	swait.ge @!p0 [sflag:s8], $0x0  }
0x24: {  	s3 =	sadd.s32 $0x88, s3;
	s6 =	simm.s32 @!p1 $0x1082;
	[sflag:s4] =	ssyncset.s32 $0xFFFFF086  }
0x25: {  	[simem:s6], [sflag:s4] =	dma.local [hbm:s3], $0xF7A  }
0x26: {  	[smem:$0x3F91] =	sst s1;
	(tag) =	ssettag s2;
	_ =	strace s9  }
0x27: {  	s1 =	sld [smem:$0x3FA1]  }
0x28: {  	s2 =	sld [smem:$0x3FA2]  }
0x29: {  	s4 =	sld [smem:$0x3FA4]  }
0x2a: {  	p0 =	seq.s32 s5, $0x0;
	s5 =	sld [smem:$0x3FA5]  }
0x2b: {  	s6 =	sld [smem:$0x3FA6]  }
0x2c: {  	s7 =	sld [smem:$0x3FA7]  }
0x2d: {  	s3 =	simm.s32 $0x108;
	s8 =	sld [smem:$0x3FA8]  }
0x2e: {  	s3 =	simm.s32 @!p0 $0x1082;
	s9 =	sld [smem:$0x3FA9]  }
0x2f: {  	lr =	sadd.s32 s0, s3;
	s0 =	sld [smem:$0x3FA0]  }
0x30: {  	s3 =	sld [smem:$0x3FA3]  }
0x31: {  	[smem:$0x3FAC] =	sst s10  }
0x32: {  	s10 =	sld [smem:$0x3FAA];
	_ =	sdelay $0x3  }
0x33: {  	p0 =	seq.s32 s10, $0x1;
	s10 =	sld [smem:$0x3FAC];
	_ =	sdelay $0x3  }
0x34: {  	[smem:$0x3FAC] =	sst s10  }
0x35: {  	s10 =	sld [smem:$0x3FAB];
	_ =	sdelay $0x3  }
0x36: {  	p1 =	seq.s32 s10, $0x1;
	s10 =	sld [smem:$0x3FAC];
	_ =	sdelay $0x3  }
0x37: {  	[smem:$0x3FAC] =	sst s10  }
0x38: {  	s10 =	sld [smem:$0x3FAD]  }
0x39: {  	_ = 	snop;
	(pc) =	sbr.ind lr, $3  }
0x3a: {  	_ = 	snop  }
0x3b: {  	_ = 	snop  }
0x3c: {  	p2 =	seq.s32 s10, $0x1;
	s10 =	sld [smem:$0x3FAC]  }
0x3d: {  	_ =	shalt  }
0x3e: {  	_ =	shalt  }
0x3f: {  	_ =	shalt  }
0x40: {  	_ =	shalt  }
0x41: {  	_ =	shalt  }
0x42: {  	_ =	shalt  }
0x43: {  	_ =	shalt  }
0x44: {  	_ =	shalt  }
0x45: {  	_ =	shalt  }
0x46: {  	_ =	shalt  }
0x47: {  	_ =	shalt  }
0x48: {  	_ =	shalt  }
0x49: {  	_ =	shalt  }
0x4a: {  	_ =	shalt  }
0x4b: {  	_ =	shalt  }
0x4c: {  	_ =	shalt  }
0x4d: {  	_ =	shalt  }
0x4e: {  	_ =	shalt  }
0x4f: {  	_ =	shalt  }
0x50: {  	_ =	shalt  }
0x51: {  	_ =	shalt  }
0x52: {  	_ =	shalt  }
0x53: {  	_ =	shalt  }
0x54: {  	_ =	shalt  }
0x55: {  	_ =	shalt  }
0x56: {  	_ =	shalt  }
0x57: {  	_ =	shalt  }
0x58: {  	_ =	shalt  }
0x59: {  	_ =	shalt  }
0x5a: {  	_ =	shalt  }
0x5b: {  	_ =	shalt  }
0x5c: {  	_ =	shalt  }
0x5d: {  	_ =	shalt  }
0x5e: {  	_ =	shalt  }
0x5f: {  	_ =	shalt  }
0x60: {  	_ =	shalt  }
0x61: {  	_ =	shalt  }
0x62: {  	_ =	shalt  }
0x63: {  	_ =	shalt  }
0x64: {  	_ =	shalt  }
0x65: {  	_ =	shalt  }
0x66: {  	_ =	shalt  }
0x67: {  	_ =	shalt  }
0x68: {  	_ =	shalt  }
0x69: {  	_ =	shalt  }
0x6a: {  	_ =	shalt  }
0x6b: {  	_ =	shalt  }
0x6c: {  	_ =	shalt  }
0x6d: {  	_ =	shalt  }
0x6e: {  	_ =	shalt  }
0x6f: {  	_ =	shalt  }
0x70: {  	_ =	shalt  }
0x71: {  	_ =	shalt  }
0x72: {  	_ =	shalt  }
0x73: {  	_ =	shalt  }
0x74: {  	_ =	shalt  }
0x75: {  	_ =	shalt  }
0x76: {  	_ =	shalt  }
0x77: {  	_ =	shalt  }
0x78: {  	_ =	shalt  }
0x79: {  	_ =	shalt  }
0x7a: {  	_ =	shalt  }
0x7b: {  	_ =	shalt  }
0x7c: {  	_ =	shalt  }
0x7d: {  	_ =	shalt  }
0x7e: {  	_ =	shalt  }
0x7f: {  	_ =	shalt  }
0x80: {  	_ =	shalt  }
0x81: {  	_ =	shalt  }
0x82: {  	_ =	shalt  }
0x83: {  	_ =	shalt  }
0x84: {  	_ =	shalt  }
0x85: {  	_ =	shalt  }
0x86: {  	_ =	shalt  }
0x87: {  	_ =	shalt  }
.Lfunc_end0:
.L_simem_size_0:
called_computation.3_lowered:
.L_overlay_start_0:
0x88: {  	s2 =	sld [smem:$0x3FD9]  }
0x89: {  	s3 =	sld [smem:$0x3FFE];
	_ =	sdelay $0x1  }
0x8a: {  	s1 =	srdreg.scid  }
0x8b: {  	s0 =	sand.u32 $0x1, s1  }
0x8c: {  	s17 =	sshll.u32 s0, $0xA;
	s2 =	sadd.s32 s3, s2  }
0x8d: {  	s2 =	sadd.s32 s2, s17  }
0x8e: {  	[smem:$0x3FB8] =	sst s2  }
0x8f: {  	_ = 	snop  }
0x90: {  	s2 =	sld [smem:$0x3FD0];
	(tm) =	ssettm $0x1  }
0x91: {  	s18 =	sld [smem:$0x3FFB];
	_ =	sdelay $0x3  }
0x92: {  	_ =	strace s18  }
0x93: {  	s3 =	sld [smem:$0x3FFC];
	_ =	sdelay $0x3  }
0x94: {  	_ =	strace s3  }
0x95: {  	s3 =	sld [smem:$0x3FFD];
	_ =	sdelay $0x3  }
0x96: {  	_ =	strace s3  }
0x97: {  	_ =	strace $0x8FFFFFFF  }
0x98: {  	s19 =	sld [smem:$0x3FDB];
	_ =	sdelay $0x1  }
0x99: {  	s4 =	simm.s32 $_scs_section_size  }
0x9a: {  	s5 =	simm.s32 $_size__tile_overlayer_lowered;
	s6 =	simm.s32 $_tile_overlayer_lowered  }
0x9b: {  	s22 =	simm.s32 $0x1BFF;
	s21 =	sshll.u32 s6, $0x1;
	s3 =	sadd.s32 s4, s19  }
0x9c: {  	s7 =	simm.s32 $0x0;
	s20 =	sshll.u32 s5, $0x1;
	s5 =	sadd.s32 s21, s3  }
0x9d: {  	[timem:s7], [sflag:s22] =	dma.local [hbm:s5], s20  }
0x9e: {  	_ =	swait.ge [sflag:s22], s20  }
0x9f: {  	s4 =	ssub.s32 $0x0, s20;
	[sflag:s22] =	ssyncset.done $0x0  }
0xa0: {  	[sflag:s22] =	ssyncadd.s32 s4;
	_ =	sdelay $0x1  }
0xa1: {  	s23 =	simm.s32 $0x1B8B  }
0xa2: {  	_ =	swait.ge [sflag:s23], $0x1  }
0xa3: {  	[sflag:s23] =	ssyncset.done $0x0  }
0xa4: {  	s25 =	simm.s32 $0x1B8E;
	s24 =	sld [smem:$0x3FFE];
	[sflag:s23] =	ssyncadd.s32 $0xFFFFFFFF  }
0xa5: {  	s26 =	simm.s32 $execute0_lowered;
	[smem:$0x3FD2] =	sst s25  }
0xa6: {  	s5 =	sshll.u32 s26, $0x1;
	_ =	strace $0x8000004F;
	[dreg:$0x1] =	wrdreg $0xFFFFFFFF  }
0xa7: {  	s28 =	simm.s32 $_size_execute0_lowered;
	s3 =	sadd.s32 s3, s5;
	[dreg:$0x0] =	wrdreg $0x0  }
0xa8: {  	s5 =	sshll.u32 s28, $0x1;
	[dreg:$0x2] =	wrdreg s3  }
0xa9: {  	[dreg:$0x3] =	wrdreg s5  }
0xaa: {  	[dreg:$0x4] =	wrdreg $0xC0  }
0xab: {  	_ =	task [dreg:s7], $0x5FFFF  }
0xac: {  	[dreg:$0x1] =	wrdreg $0xFFFFFFFF  }
0xad: {  	[dreg:$0x0] =	wrdreg $0x60  }
0xae: {  	[dreg:$0x2] =	wrdreg s24  }
0xaf: {  	[dreg:$0x3] =	wrdreg s2  }
0xb0: {  	[dreg:$0x4] =	wrdreg $0xA4000  }
0xb1: {  	[dreg:$0x5] =	wrdreg $0x9  }
0xb2: {  	_ =	task.clear_ibuf [dreg:s7], $0x6FFFF;
	_ =	strace $0x9000004F  }
0xb3: {  	s29 =	simm.s32 $0x9;
	_ =	strace $0x80000051  }
0xb4: {  	_ =	swait.ge [sflag:s29], $0x1  }
0xb5: {  	[sflag:s29] =	ssyncadd.s32 $0xFFFFFFFF  }
0xb6: {  	_ =	strace $0x90000051  }
0xb7: {  	_ =	sfence  }
0xb8: {  	s30 =	sld [smem:$0x0];
	_ =	sdelay $0x2  }
0xb9: {  	s31 =	sshll.u32 s1, $0xD;
	s1 =	sshrl.u32 s1, $0x2  }
0xba: {  	s3 =	sand.u32 $0x4000, s31;
	s1 =	sadd.s32 s1, s30  }
0xbb: {  	s0 =	sor.u32 s3, s0;
	s1 =	sshll.u32 s1, $0x11  }
0xbc: {  	s0 =	sor.u32 s1, s0  }
0xbd: {  	s0 =	sadd.s32 $0x8F2B, s0  }
0xbe: {  	[sflag:s0] =	ssyncadd.remote.s32 $0x1  }
0xbf: {  	_ =	sfence.sel $0xFFFF  }
0xc0: {  	[dreg:$0x0] =	wrdreg $0xFFFFFFFF;
	(pc) =	sbr.abs _section_cstart, $3  }
0xc1: {  	[dreg:$0x1] =	wrdreg $0xFFFFFFFF  }
0xc2: {  	_ =	task.clear_ibuf [dreg:s7], $0x2FFFF;
	_ =	strace $0x9FFFFFFF  }
0xc3: {  	(tm) =	ssettm $0x7FFFFFFF  }
tec
execute0_lowered:
.L_overlay_start_1:
0x0: {  	(tag) =	ssettag $0x1  }
0x1: {  	s1 =	rddreg [dreg:$0x0]  }
0x2: {  	s0 =	srdreg.scid;
	s25 =	stileid.u32  }
0x3: {  	s3 =	rddreg [dreg:$0x2];
	s4 =	simm.s32 $0x0;
	s15 =	simm.s32 $0x8400  }
0x4: {  	s16 =	simm.s32 $0x2;
	s17 =	simm.s32 $0x200;
	s18 =	simm.s32 $0x80  }
0x5: {  	s19 =	simm.s32 $0x400;
	s20 =	simm.s32 $0x2400;
	s21 =	simm.s32 $0x100  }
0x6: {  	s22 =	simm.s32 $0x4400;
	s23 =	simm.s32 $0x180;
	s24 =	simm.s32 $0x6400  }
0x7: {  	s28 =	simm.s32 $0x300;
	s29 =	simm.s32 $0x380;
	s6 =	smul.u32 $0x2800, s25  }
0x8: {  	s30 =	simm.s32 $0x0;
	s2 =	sand.u32 $0x1, s0;
	s7 =	smul.u32 $0x28000, s25  }
0x9: {  	[smem:$0x7FF] =	sst s4;
	s11 =	smul.u32 $0xA000, s25;
	s25 =	simm.s32 $0x1  }
0xa: {  	s5 =	smul.u32 $0x28000, s2;
	_ =	strace $0x80000050;
	s8 =	ssub.s32 $0x2, s2  }
0xb: {  	p0 =	seq.s32 s2, $0x1;
	s2 =	simm.s32 $0x59C00;
	s7 =	sshrl.u32 s7, $0x2  }
0xc: {  	s26 =	sshrl.u32 s8, $0x1;
	s2 =	simm.s32 @!p0 $0x6DC00;
	s13 =	sshrl.u32 s11, $0x3  }
0xd: {  	s6 =	sadd.s32 s6, s5;
	s5 =	sadd.s32 $0x45C00, s1;
	s10 =	sadd.s32 s7, s3  }
0xe: {  	s12 =	ssub.s32 s8, s26;
	s26 =	simm.s32 $0x280;
	s6 =	sshrl.u32 s6, $0x3  }
0xf: {  	s31 =	sadd.s32 $0x2000, s10;
	s8 =	sadd.s32 $0x4000, s10;
	s9 =	sadd.s32 $0x6000, s10  }
0x10: {  	s10 =	sadd.s32 $0x8000, s10;
	s14 =	sadd.s32 s6, s1;
	s6 =	sadd.s32 s11, s3  }
0x11: {  	[dreg:$0x4] =	wrdreg s31;
	s11 =	smax.u32 s12, $0x1;
	s1 =	sadd.s32 s2, s1  }
0x12: {  	s12 =	sadd.s32 s1, s13;
	s13 =	sadd.s32 $0x4A00, s14;
	s14 =	sadd.s32 $0x3BC00, s14  }
.LBB2_1:
0x13: {  	s0 =	rddreg [dreg:$0x1]  }
0x14: {  	[tilespmem:s15], [sflag:$0x2] =	stream.linear.gather [hbm4b:s0+s4], $0x2000, $0x38;
	[tilespmem:$0x14400] =	vst v63  }
0x15: {  	_ =	swait.ge [sflag:s16], $0x2000  }
0x16: {  	[sflag:s16] =	ssyncset.done $0x0  }
0x17: {  	[sflag:s16] =	ssyncadd.s32 $0xFFFFE000  }
0x18: {  	[spmem:s6] =	stream.linear.scatter [tilespmem:s15], [sflag:$0x2], $0x2000, $0x38;
	[tilespmem:$0x14400] =	vst v63  }
0x19: {  	_ =	swait.ge [sflag:s16], $0x2000  }
0x1a: {  	[sflag:s16] =	ssyncset.done $0x0  }
0x1b: {  	s2 =	rddreg [dreg:$0x4];
	[sflag:s16] =	ssyncadd.s32 $0xFFFFE000  }
0x1c: {  	[spmem:s2] =	stream.linear.scatter [tilespmem:s15], [sflag:$0x2], $0x2000, $0x38;
	[tilespmem:$0x14400] =	vst v63  }
0x1d: {  	_ =	swait.ge [sflag:s16], $0x2000  }
0x1e: {  	[sflag:s16] =	ssyncset.done $0x0  }
0x1f: {  	[sflag:s16] =	ssyncadd.s32 $0xFFFFE000  }
0x20: {  	[spmem:s8] =	stream.linear.scatter [tilespmem:s15], [sflag:$0x2], $0x2000, $0x38;
	[tilespmem:$0x14400] =	vst v63  }
0x21: {  	_ =	swait.ge [sflag:s16], $0x2000  }
0x22: {  	[sflag:s16] =	ssyncset.done $0x0  }
0x23: {  	[sflag:s16] =	ssyncadd.s32 $0xFFFFE000  }
0x24: {  	[spmem:s9] =	stream.linear.scatter [tilespmem:s15], [sflag:$0x2], $0x2000, $0x38;
	[tilespmem:$0x14400] =	vst v63  }
0x25: {  	_ =	swait.ge [sflag:s16], $0x2000  }
0x26: {  	[sflag:s16] =	ssyncset.done $0x0  }
0x27: {  	[sflag:s16] =	ssyncadd.s32 $0xFFFFE000  }
0x28: {  	[spmem:s10] =	stream.linear.scatter [tilespmem:s15], [sflag:$0x2], $0x2000, $0x38;
	[tilespmem:$0x14400] =	vst v63  }
0x29: {  	_ =	swait.ge [sflag:s16], $0x2000  }
0x2a: {  	[sflag:s16] =	ssyncset.done $0x0  }
0x2b: {  	[sflag:s16] =	ssyncadd.s32 $0xFFFFE000  }
0x2c: {  	s1 =	sadd.s32 $0x0, s14;
	[bflag:$0x0] =	sbarrier.arrive $0xFFFF  }
0x2d: {  	[tilespmem:s4], [sflag:$0x2] =	stream.linear.gather [hbm4b:s1+s4], $0x200, $0x38;
	[tilespmem:$0x14400] =	vst v63  }
0x2e: {  	_ =	swait.ge [sflag:s16], $0x200  }
0x2f: {  	[sflag:s16] =	ssyncset.done $0x0  }
0x30: {  	s7 =	sadd.s32 $0x0, s13;
	[sflag:s16] =	ssyncadd.s32 $0xFFFFFE00  }
0x31: {  	[tilespmem:s17], [sflag:$0x2] =	stream.linear.gather [hbm4b:s7+s4], $0x200, $0x38;
	[tilespmem:$0x14400] =	vst v63  }
0x32: {  	_ =	swait.ge [sflag:s16], $0x200  }
0x33: {  	[sflag:s16] =	ssyncset.done $0x0  }
0x34: {  	[sflag:s16] =	ssyncadd.s32 $0xFFFFFE00  }
0x35: {  	[tilespmem:s19], [sflag:$0x1] =	stream.indirect.gather [hbm4b:s5+s18], $0x40, s4, s18, $0xb8;
	[tilespmem:$0x14400] =	vst v63  }
0x36: {  	_ = 	snop  }
0x37: {  	[tilespmem:s20], [sflag:$0x1] =	stream.indirect.gather [hbm4b:s5+s18], $0x40, s18, s18, $0xb8;
	[tilespmem:$0x14400] =	vst v63  }
0x38: {  	_ = 	snop  }
0x39: {  	[tilespmem:s22], [sflag:$0x1] =	stream.indirect.gather [hbm4b:s5+s18], $0x40, s21, s18, $0xb8;
	[tilespmem:$0x14400] =	vst v63  }
0x3a: {  	_ = 	snop  }
0x3b: {  	[tilespmem:s24], [sflag:$0x1] =	stream.indirect.gather [hbm4b:s5+s18], $0x40, s23, s18, $0xb8;
	[tilespmem:$0x14400] =	vst v63  }
0x3c: {  	_ =	swait.ge [sflag:s25], $0x2000  }
0x3d: {  	[sflag:s25] =	ssyncset.done $0x0  }
0x3e: {  	[sflag:s25] =	ssyncadd.s32 $0xFFFFE000  }
0x3f: {  	_ =	swait.ge [sflag:s25], $0x2000  }
0x40: {  	[sflag:s25] =	ssyncset.done $0x0  }
0x41: {  	[sflag:s25] =	ssyncadd.s32 $0xFFFFE000  }
0x42: {  	_ =	swait.ge [sflag:s25], $0x2000  }
0x43: {  	[sflag:s25] =	ssyncset.done $0x0  }
0x44: {  	[sflag:s25] =	ssyncadd.s32 $0xFFFFE000  }
0x45: {  	_ =	swait.ge [sflag:s25], $0x2000  }
0x46: {  	[sflag:s25] =	ssyncset.done $0x0  }
0x47: {  	[sflag:s25] =	ssyncadd.s32 $0xFFFFE000  }
0x48: {  	[spmem:s3] =	stream.indirect.scatter.add.f32 [tilespmem:s19], [sflag:$0x2], $0x40, s17, s18, $0xb8;
	[tilespmem:$0x14400] =	vst v63  }
0x49: {  	_ =	swait.ge [sflag:s16], $0x2000  }
0x4a: {  	[sflag:s16] =	ssyncset.done $0x0  }
0x4b: {  	[sflag:s16] =	ssyncadd.s32 $0xFFFFE000  }
0x4c: {  	[spmem:s3] =	stream.indirect.scatter.add.f32 [tilespmem:s20], [sflag:$0x2], $0x40, s26, s18, $0xb8;
	[tilespmem:$0x14400] =	vst v63  }
0x4d: {  	_ =	swait.ge [sflag:s16], $0x2000  }
0x4e: {  	[sflag:s16] =	ssyncset.done $0x0  }
0x4f: {  	[sflag:s16] =	ssyncadd.s32 $0xFFFFE000  }
0x50: {  	[spmem:s3] =	stream.indirect.scatter.add.f32 [tilespmem:s22], [sflag:$0x2], $0x40, s28, s18, $0xb8;
	[tilespmem:$0x14400] =	vst v63  }
0x51: {  	_ =	swait.ge [sflag:s16], $0x2000  }
0x52: {  	[sflag:s16] =	ssyncset.done $0x0  }
0x53: {  	[sflag:s16] =	ssyncadd.s32 $0xFFFFE000  }
0x54: {  	[spmem:s3] =	stream.indirect.scatter.add.f32 [tilespmem:s24], [sflag:$0x2], $0x40, s29, s18, $0xb8;
	[tilespmem:$0x14400] =	vst v63  }
0x55: {  	_ =	swait.ge [sflag:s16], $0x2000  }
0x56: {  	s31 =	simm.s32 $0x40;
	s1 =	simm.s32 $0x80;
	[sflag:s16] =	ssyncset.done $0x0  }
.LBB2_2:
0x57: {  	s0 =	sadd.s32 s31, s14  }
0x58: {  	[sflag:s16] =	ssyncadd.s32 $0xFFFFE000;
	s7 =	smov.u32 s1;
	s2 =	sadd.s32 $0x40, s1  }
0x59: {  	[tilespmem:s4], [sflag:$0x2] =	stream.linear.gather [hbm4b:s0+s4], $0x200, $0x38;
	[tilespmem:$0x14400] =	vst v63  }
0x5a: {  	p0 =	sne.s32 s1, $0x4C0;
	_ =	swait.ge [sflag:s16], $0x200  }
0x5b: {  	[sflag:s16] =	ssyncset.done $0x0  }
0x5c: {  	s0 =	sadd.s32 s31, s13;
	s31 =	smov.u32 s7;
	[sflag:s16] =	ssyncadd.s32 $0xFFFFFE00  }
0x5d: {  	[tilespmem:s17], [sflag:$0x2] =	stream.linear.gather [hbm4b:s0+s4], $0x200, $0x38;
	[tilespmem:$0x14400] =	vst v63  }
0x5e: {  	_ =	swait.ge [sflag:s16], $0x200  }
0x5f: {  	[sflag:s16] =	ssyncset.done $0x0  }
0x60: {  	[sflag:s16] =	ssyncadd.s32 $0xFFFFFE00  }
0x61: {  	[tilespmem:s19], [sflag:$0x1] =	stream.indirect.gather [hbm4b:s5+s18], $0x40, s4, s18, $0xb8;
	[tilespmem:$0x14400] =	vst v63  }
0x62: {  	_ = 	snop  }
0x63: {  	[tilespmem:s20], [sflag:$0x1] =	stream.indirect.gather [hbm4b:s5+s18], $0x40, s18, s18, $0xb8;
	[tilespmem:$0x14400] =	vst v63  }
0x64: {  	_ = 	snop  }
0x65: {  	[tilespmem:s22], [sflag:$0x1] =	stream.indirect.gather [hbm4b:s5+s18], $0x40, s21, s18, $0xb8;
	[tilespmem:$0x14400] =	vst v63  }
0x66: {  	_ = 	snop  }
0x67: {  	[tilespmem:s24], [sflag:$0x1] =	stream.indirect.gather [hbm4b:s5+s18], $0x40, s23, s18, $0xb8;
	[tilespmem:$0x14400] =	vst v63  }
0x68: {  	_ =	swait.ge [sflag:s25], $0x2000  }
0x69: {  	[sflag:s25] =	ssyncset.done $0x0  }
0x6a: {  	[sflag:s25] =	ssyncadd.s32 $0xFFFFE000  }
0x6b: {  	_ =	swait.ge [sflag:s25], $0x2000  }
0x6c: {  	[sflag:s25] =	ssyncset.done $0x0  }
0x6d: {  	[sflag:s25] =	ssyncadd.s32 $0xFFFFE000  }
0x6e: {  	_ =	swait.ge [sflag:s25], $0x2000  }
0x6f: {  	[sflag:s25] =	ssyncset.done $0x0  }
0x70: {  	[sflag:s25] =	ssyncadd.s32 $0xFFFFE000  }
0x71: {  	_ =	swait.ge [sflag:s25], $0x2000  }
0x72: {  	[sflag:s25] =	ssyncset.done $0x0  }
0x73: {  	[sflag:s25] =	ssyncadd.s32 $0xFFFFE000  }
0x74: {  	[spmem:s3] =	stream.indirect.scatter.add.f32 [tilespmem:s19], [sflag:$0x2], $0x40, s17, s18, $0xb8;
	[tilespmem:$0x14400] =	vst v63  }
0x75: {  	_ =	swait.ge [sflag:s16], $0x2000  }
0x76: {  	[sflag:s16] =	ssyncset.done $0x0  }
0x77: {  	[sflag:s16] =	ssyncadd.s32 $0xFFFFE000  }
0x78: {  	[spmem:s3] =	stream.indirect.scatter.add.f32 [tilespmem:s20], [sflag:$0x2], $0x40, s26, s18, $0xb8;
	[tilespmem:$0x14400] =	vst v63  }
0x79: {  	_ =	swait.ge [sflag:s16], $0x2000  }
0x7a: {  	[sflag:s16] =	ssyncset.done $0x0  }
0x7b: {  	[sflag:s16] =	ssyncadd.s32 $0xFFFFE000  }
0x7c: {  	[spmem:s3] =	stream.indirect.scatter.add.f32 [tilespmem:s22], [sflag:$0x2], $0x40, s28, s18, $0xb8;
	[tilespmem:$0x14400] =	vst v63  }
0x7d: {  	_ =	swait.ge [sflag:s16], $0x2000  }
.Ltmp0:
0x7e: {  	[sflag:s16] =	ssyncset.done $0x0;
	(pc) =	sbr.rel @p0 .LBB2_2-.Ltmp0, $4  }
0x7f: {  	[sflag:s16] =	ssyncadd.s32 $0xFFFFE000  }
0x80: {  	[spmem:s3] =	stream.indirect.scatter.add.f32 [tilespmem:s24], [sflag:$0x2], $0x40, s29, s18, $0xb8;
	[tilespmem:$0x14400] =	vst v63  }
0x81: {  	_ =	swait.ge [sflag:s16], $0x2000  }
0x82: {  	s1 =	smov.u32 s2;
	[sflag:s16] =	ssyncset.done $0x0  }
0x83: {  	s0 =	sadd.s32 s31, s14;
	[sflag:s16] =	ssyncadd.s32 $0xFFFFE000  }
0x84: {  	[tilespmem:s4], [sflag:$0x2] =	stream.linear.gather [hbm4b:s0+s4], $0x200, $0x38;
	[tilespmem:$0x14400] =	vst v63  }
0x85: {  	_ =	swait.ge [sflag:s16], $0x200  }
0x86: {  	[sflag:s16] =	ssyncset.done $0x0  }
0x87: {  	s7 =	sadd.s32 s31, s13;
	[sflag:s16] =	ssyncadd.s32 $0xFFFFFE00  }
0x88: {  	[tilespmem:s17], [sflag:$0x2] =	stream.linear.gather [hbm4b:s7+s4], $0x200, $0x38;
	[tilespmem:$0x14400] =	vst v63  }
0x89: {  	_ =	swait.ge [sflag:s16], $0x200  }
0x8a: {  	[sflag:s16] =	ssyncset.done $0x0  }
0x8b: {  	[sflag:s16] =	ssyncadd.s32 $0xFFFFFE00  }
0x8c: {  	[tilespmem:s19], [sflag:$0x1] =	stream.indirect.gather [hbm4b:s5+s18], $0x40, s4, s18, $0xb8;
	[tilespmem:$0x14400] =	vst v63  }
0x8d: {  	_ = 	snop  }
0x8e: {  	[tilespmem:s20], [sflag:$0x1] =	stream.indirect.gather [hbm4b:s5+s18], $0x40, s18, s18, $0xb8;
	[tilespmem:$0x14400] =	vst v63  }
0x8f: {  	_ = 	snop  }
0x90: {  	[tilespmem:s22], [sflag:$0x1] =	stream.indirect.gather [hbm4b:s5+s18], $0x40, s21, s18, $0xb8;
	[tilespmem:$0x14400] =	vst v63  }
0x91: {  	_ = 	snop  }
0x92: {  	[tilespmem:s24], [sflag:$0x1] =	stream.indirect.gather [hbm4b:s5+s18], $0x40, s23, s18, $0xb8;
	[tilespmem:$0x14400] =	vst v63  }
0x93: {  	_ =	swait.ge [sflag:s25], $0x2000  }
0x94: {  	[sflag:s25] =	ssyncset.done $0x0  }
0x95: {  	[sflag:s25] =	ssyncadd.s32 $0xFFFFE000  }
0x96: {  	_ =	swait.ge [sflag:s25], $0x2000  }
0x97: {  	[sflag:s25] =	ssyncset.done $0x0  }
0x98: {  	[sflag:s25] =	ssyncadd.s32 $0xFFFFE000  }
0x99: {  	_ =	swait.ge [sflag:s25], $0x2000  }
0x9a: {  	[sflag:s25] =	ssyncset.done $0x0  }
0x9b: {  	[sflag:s25] =	ssyncadd.s32 $0xFFFFE000  }
0x9c: {  	_ =	swait.ge [sflag:s25], $0x2000  }
0x9d: {  	[sflag:s25] =	ssyncset.done $0x0  }
0x9e: {  	[sflag:s25] =	ssyncadd.s32 $0xFFFFE000  }
0x9f: {  	[spmem:s3] =	stream.indirect.scatter.add.f32 [tilespmem:s19], [sflag:$0x2], $0x40, s17, s18, $0xb8;
	[tilespmem:$0x14400] =	vst v63  }
0xa0: {  	_ =	swait.ge [sflag:s16], $0x2000  }
0xa1: {  	[sflag:s16] =	ssyncset.done $0x0  }
0xa2: {  	[sflag:s16] =	ssyncadd.s32 $0xFFFFE000  }
0xa3: {  	[spmem:s3] =	stream.indirect.scatter.add.f32 [tilespmem:s20], [sflag:$0x2], $0x40, s26, s18, $0xb8;
	[tilespmem:$0x14400] =	vst v63  }
0xa4: {  	_ =	swait.ge [sflag:s16], $0x2000  }
0xa5: {  	[sflag:s16] =	ssyncset.done $0x0  }
0xa6: {  	[sflag:s16] =	ssyncadd.s32 $0xFFFFE000  }
0xa7: {  	[spmem:s3] =	stream.indirect.scatter.add.f32 [tilespmem:s22], [sflag:$0x2], $0x40, s28, s18, $0xb8;
	[tilespmem:$0x14400] =	vst v63  }
0xa8: {  	_ =	swait.ge [sflag:s16], $0x2000  }
0xa9: {  	[sflag:s16] =	ssyncset.done $0x0  }
0xaa: {  	[sflag:s16] =	ssyncadd.s32 $0xFFFFE000  }
0xab: {  	[spmem:s3] =	stream.indirect.scatter.add.f32 [tilespmem:s24], [sflag:$0x2], $0x40, s29, s18, $0xb8;
	[tilespmem:$0x14400] =	vst v63  }
0xac: {  	s31 =	stileid.u32;
	_ =	swait.ge [sflag:s16], $0x2000  }
0xad: {  	s1 =	sshrl.u32 s6, $0x3;
	s30 =	sadd.s32 $0x1, s30;
	[sflag:s16] =	ssyncset.done $0x0  }
0xae: {  	s0 =	sshll.u32 s31, $0x6;
	p0 =	sne.s32 s30, s11;
	[sflag:s16] =	ssyncadd.s32 $0xFFFFE000  }
.Ltmp1:
0xaf: {  	s0 =	sor.u32 $0x1C02, s0;
	[bflag:$0x0] =	sbarrier.arrive $0xFFFF;
	(pc) =	sbr.rel @p0 .LBB2_1-.Ltmp1, $4  }
0xb0: {  	[hbm:s12], [sflag:s0] =	dma.local [spmem:s1], $0x1400  }
0xb1: {  	_ =	swait.ge [sflag:s16], $0x1400  }
0xb2: {  	[sflag:s16] =	ssyncset.done $0x0  }
0xb3: {  	[sflag:s16] =	ssyncadd.s32 $0xFFFFEC00  }
0xb4: {  	_ =	sfence.sel $0x180000  }
0xb5: {  	[bflag:$0x0] =	sbarrier.arrive $0xFFFF  }
0xb6: {  	_ =	strace $0x90000050  }
0xb7: {  	s0 =	stileid.u32;
	[bflag:$0x2] =	sbarrier.arrive $0xFFFF  }
0xb8: {  	p0 =	sne.s32 s0, $0x0;
	s0 =	rddreg [dreg:$0x3]  }
0xb9: {  	s0 =	sadd.s32 @!p0 $0x100000, s0  }
0xba: {  	[sflag:s0] =	ssyncadd.tile.s32 @!p0 $0x1;
	_ =	shalt  }
.Lfunc_end2:
_tile_overlayer_lowered:
.L_overlay_start_2:
0xbb: {  	(tag) =	ssettag $0x2  }
0xbc: {  	s0 =	rddreg [dreg:$0x0];
	s2 =	stileid.u32  }
0xbd: {  	s1 =	rddreg [dreg:$0x1];
	p0 =	sne.s32 s2, $0x0  }
0xbe: {  	s3 =	rddreg [dreg:$0x2];
	[bflag:$0x3] =	sbarrier.arrive $0xFFFF;
	s2 =	simm.s32 @!p0 $0x1C02  }
0xbf: {  	[timem:s3], [sflag:s2] =	dma.local @!p0 [hbm:s0], s1  }
0xc0: {  	s0 =	simm.s32 @!p0 $0x2  }
0xc1: {  	_ =	swait.ge @!p0 [sflag:s0], s1  }
0xc2: {  	s1 =	ssub.s32 @!p0 $0x0, s1;
	[sflag:s0] =	ssyncset.done @!p0 $0x0  }
0xc3: {  	[sflag:s0] =	ssyncadd.s32 @!p0 s1  }
0xc4: {  	[bflag:$0x3] =	sbarrier.arrive $0xFFFF  }
0xc5: {  	_ =	shalt  }

// kernel: kernel.24.cloned.1.call-start
scs
__scs_entry_jumppad:
0x0: {  	(pc) =	sbr.rel $0x88, $3  }
0x1: {  	(tag) =	ssettag $0x0;
	lr =	simm.s32 $0x1  }
0x2: {  	[smem:$0x3F91] =	sst lr;
	_ =	strace $0xD0000000  }
0x3: {  	_ = 	snop  }
0x4: {  	_ = 	snop  }
0x5: {  	_ = 	snop  }
0x6: {  	_ = 	snop  }
0x7: {  	_ = 	snop  }
__scs_overlays_trampoline_lowered:
0x8: {  	[smem:$0x3FA0] =	sst s0  }
0x9: {  	[smem:$0x3FA1] =	sst s1  }
0xa: {  	[smem:$0x3FA2] =	sst s2  }
0xb: {  	[smem:$0x3FA3] =	sst s3  }
0xc: {  	[smem:$0x3FA4] =	sst s4  }
0xd: {  	[smem:$0x3FA5] =	sst s5  }
0xe: {  	[smem:$0x3FA6] =	sst s6  }
0xf: {  	[smem:$0x3FA7] =	sst s7  }
0x10: {  	[smem:$0x3FA8] =	sst s8  }
0x11: {  	[smem:$0x3FA9] =	sst s9;
	s0 =	simm.s32 @!p0 $0x0  }
0x12: {  	s1 =	sld [smem:$0x3F8F];
	s0 =	simm.s32 @p0 $0x1  }
0x13: {  	[smem:$0x3FAA] =	sst s0;
	s0 =	simm.s32 @!p1 $0x0  }
0x14: {  	s2 =	sld [smem:$0x3F8E];
	s0 =	simm.s32 @p1 $0x1  }
0x15: {  	[smem:$0x3FAB] =	sst s0;
	s0 =	simm.s32 @!p2 $0x0  }
0x16: {  	s3 =	sld [smem:$0x3FDB];
	s0 =	simm.s32 @p2 $0x1  }
0x17: {  	s4 =	simm.s32 $0x1BF5;
	[smem:$0x3FAD] =	sst s0  }
0x18: {  	s0 =	sld [smem:$0x3F90];
	_ =	swait.ge [sflag:s4], $0x0  }
0x19: {  	s7 =	sld [smem:$0x3F91]  }
0x1a: {  	s8 =	sadd.s32 $0xFFFFE003, lr  }
0x1b: {  	s9 =	sadd.s32 $0xFFFFFEF7, lr;
	s5 =	simm.s32 $0xFFFFFFFF;
	p2 =	slt.u32 s8, $0xFFFFF086  }
0x1c: {  	p1 =	slt.u32 s9, $0xF7A;
	s5 =	simm.s32 @!p2 $0x0  }
0x1d: {  	s5 =	simm.s32 @p1 $0x1;
	p0 =	seq.s32 s7, s2  }
0x1e: {  	s7 =	smul.u32 @!p0 $0xF7A, s2;
	p2 =	seq.s32 @!p0 s5, $0x0  }
0x1f: {  	s9 =	smul.u32 $0xF7A, s1;
	s8 =	simm.s32 @!p0 $0x1BF5;
	p2 =	por !p2, p0  }
0x20: {  	[sflag:s8] =	ssyncset.s32 @!p0 $0xFFFFF086;
	s6 =	sadd.s32 @!p0 s3, s7;
	s7 =	simm.s32 @!p0 $0x108  }
0x21: {  	s3 =	sadd.s32 s3, s9;
	s6 =	sadd.s32 @!p0 $0x88, s6;
	s7 =	simm.s32 @p2 $0x1082  }
0x22: {  	[simem:s7], [sflag:s8] =	dma.local @!p0 [hbm:s6], $0xF7A  }
0x23: {  	s9 =	sor.u32 $0xD0000000, s2;
	s6 =	simm.s32 $0x108;
	_ =	swait.ge @!p0 [sflag:s8], $0x0  }
0x24: {  	s3 =	sadd.s32 $0x88, s3;
	s6 =	simm.s32 @!p1 $0x1082;
	[sflag:s4] =	ssyncset.s32 $0xFFFFF086  }
0x25: {  	[simem:s6], [sflag:s4] =	dma.local [hbm:s3], $0xF7A  }
0x26: {  	[smem:$0x3F91] =	sst s1;
	(tag) =	ssettag s2;
	_ =	strace s9  }
0x27: {  	s1 =	sld [smem:$0x3FA1]  }
0x28: {  	s2 =	sld [smem:$0x3FA2]  }
0x29: {  	s4 =	sld [smem:$0x3FA4]  }
0x2a: {  	p0 =	seq.s32 s5, $0x0;
	s5 =	sld [smem:$0x3FA5]  }
0x2b: {  	s6 =	sld [smem:$0x3FA6]  }
0x2c: {  	s7 =	sld [smem:$0x3FA7]  }
0x2d: {  	s3 =	simm.s32 $0x108;
	s8 =	sld [smem:$0x3FA8]  }
0x2e: {  	s3 =	simm.s32 @!p0 $0x1082;
	s9 =	sld [smem:$0x3FA9]  }
0x2f: {  	lr =	sadd.s32 s0, s3;
	s0 =	sld [smem:$0x3FA0]  }
0x30: {  	s3 =	sld [smem:$0x3FA3]  }
0x31: {  	[smem:$0x3FAC] =	sst s10  }
0x32: {  	s10 =	sld [smem:$0x3FAA];
	_ =	sdelay $0x3  }
0x33: {  	p0 =	seq.s32 s10, $0x1;
	s10 =	sld [smem:$0x3FAC];
	_ =	sdelay $0x3  }
0x34: {  	[smem:$0x3FAC] =	sst s10  }
0x35: {  	s10 =	sld [smem:$0x3FAB];
	_ =	sdelay $0x3  }
0x36: {  	p1 =	seq.s32 s10, $0x1;
	s10 =	sld [smem:$0x3FAC];
	_ =	sdelay $0x3  }
0x37: {  	[smem:$0x3FAC] =	sst s10  }
0x38: {  	s10 =	sld [smem:$0x3FAD]  }
0x39: {  	_ = 	snop;
	(pc) =	sbr.ind lr, $3  }
0x3a: {  	_ = 	snop  }
0x3b: {  	_ = 	snop  }
0x3c: {  	p2 =	seq.s32 s10, $0x1;
	s10 =	sld [smem:$0x3FAC]  }
0x3d: {  	_ =	shalt  }
0x3e: {  	_ =	shalt  }
0x3f: {  	_ =	shalt  }
0x40: {  	_ =	shalt  }
0x41: {  	_ =	shalt  }
0x42: {  	_ =	shalt  }
0x43: {  	_ =	shalt  }
0x44: {  	_ =	shalt  }
0x45: {  	_ =	shalt  }
0x46: {  	_ =	shalt  }
0x47: {  	_ =	shalt  }
0x48: {  	_ =	shalt  }
0x49: {  	_ =	shalt  }
0x4a: {  	_ =	shalt  }
0x4b: {  	_ =	shalt  }
0x4c: {  	_ =	shalt  }
0x4d: {  	_ =	shalt  }
0x4e: {  	_ =	shalt  }
0x4f: {  	_ =	shalt  }
0x50: {  	_ =	shalt  }
0x51: {  	_ =	shalt  }
0x52: {  	_ =	shalt  }
0x53: {  	_ =	shalt  }
0x54: {  	_ =	shalt  }
0x55: {  	_ =	shalt  }
0x56: {  	_ =	shalt  }
0x57: {  	_ =	shalt  }
0x58: {  	_ =	shalt  }
0x59: {  	_ =	shalt  }
0x5a: {  	_ =	shalt  }
0x5b: {  	_ =	shalt  }
0x5c: {  	_ =	shalt  }
0x5d: {  	_ =	shalt  }
0x5e: {  	_ =	shalt  }
0x5f: {  	_ =	shalt  }
0x60: {  	_ =	shalt  }
0x61: {  	_ =	shalt  }
0x62: {  	_ =	shalt  }
0x63: {  	_ =	shalt  }
0x64: {  	_ =	shalt  }
0x65: {  	_ =	shalt  }
0x66: {  	_ =	shalt  }
0x67: {  	_ =	shalt  }
0x68: {  	_ =	shalt  }
0x69: {  	_ =	shalt  }
0x6a: {  	_ =	shalt  }
0x6b: {  	_ =	shalt  }
0x6c: {  	_ =	shalt  }
0x6d: {  	_ =	shalt  }
0x6e: {  	_ =	shalt  }
0x6f: {  	_ =	shalt  }
0x70: {  	_ =	shalt  }
0x71: {  	_ =	shalt  }
0x72: {  	_ =	shalt  }
0x73: {  	_ =	shalt  }
0x74: {  	_ =	shalt  }
0x75: {  	_ =	shalt  }
0x76: {  	_ =	shalt  }
0x77: {  	_ =	shalt  }
0x78: {  	_ =	shalt  }
0x79: {  	_ =	shalt  }
0x7a: {  	_ =	shalt  }
0x7b: {  	_ =	shalt  }
0x7c: {  	_ =	shalt  }
0x7d: {  	_ =	shalt  }
0x7e: {  	_ =	shalt  }
0x7f: {  	_ =	shalt  }
0x80: {  	_ =	shalt  }
0x81: {  	_ =	shalt  }
0x82: {  	_ =	shalt  }
0x83: {  	_ =	shalt  }
0x84: {  	_ =	shalt  }
0x85: {  	_ =	shalt  }
0x86: {  	_ =	shalt  }
0x87: {  	_ =	shalt  }
.Lfunc_end0:
.L_simem_size_0:
called_computation.4_lowered:
.L_overlay_start_0:
0x88: {  	s2 =	sld [smem:$0x3FD9]  }
0x89: {  	s3 =	sld [smem:$0x3FFE];
	_ =	sdelay $0x1  }
0x8a: {  	s1 =	srdreg.scid  }
0x8b: {  	s0 =	sand.u32 $0x1, s1  }
0x8c: {  	s16 =	sshll.u32 s0, $0xA;
	s2 =	sadd.s32 s3, s2  }
0x8d: {  	s2 =	sadd.s32 s2, s16  }
0x8e: {  	[smem:$0x3FB8] =	sst s2  }
0x8f: {  	_ = 	snop  }
0x90: {  	(tm) =	ssettm $0x1  }
0x91: {  	s17 =	sld [smem:$0x3FFB];
	_ =	sdelay $0x3  }
0x92: {  	_ =	strace s17  }
0x93: {  	s2 =	sld [smem:$0x3FFC];
	_ =	sdelay $0x3  }
0x94: {  	_ =	strace s2  }
0x95: {  	s2 =	sld [smem:$0x3FFD];
	_ =	sdelay $0x3  }
0x96: {  	_ =	strace s2  }
0x97: {  	_ =	strace $0x8FFFFFFF  }
0x98: {  	s18 =	sld [smem:$0x3FDB];
	_ =	sdelay $0x1  }
0x99: {  	s19 =	simm.s32 $_scs_section_size  }
0x9a: {  	s4 =	simm.s32 $_size__tile_overlayer_lowered;
	s5 =	simm.s32 $_tile_overlayer_lowered  }
0x9b: {  	s22 =	simm.s32 $0x1BFF;
	s21 =	sshll.u32 s5, $0x1;
	s2 =	sadd.s32 s19, s18  }
0x9c: {  	s6 =	simm.s32 $0x0;
	s20 =	sshll.u32 s4, $0x1;
	s4 =	sadd.s32 s21, s2  }
0x9d: {  	[timem:s6], [sflag:s22] =	dma.local [hbm:s4], s20  }
0x9e: {  	_ =	swait.ge [sflag:s22], s20  }
0x9f: {  	s3 =	ssub.s32 $0x0, s20;
	[sflag:s22] =	ssyncset.done $0x0  }
0xa0: {  	[sflag:s22] =	ssyncadd.s32 s3;
	_ =	sdelay $0x1  }
0xa1: {  	s23 =	simm.s32 $0x1B8B  }
0xa2: {  	_ =	swait.ge [sflag:s23], $0x1  }
0xa3: {  	[sflag:s23] =	ssyncset.done $0x0  }
0xa4: {  	s25 =	simm.s32 $0x1B8E;
	s24 =	sld [smem:$0x3FFE];
	[sflag:s23] =	ssyncadd.s32 $0xFFFFFFFF  }
0xa5: {  	s26 =	simm.s32 $execute0_lowered;
	[smem:$0x3FD2] =	sst s25  }
0xa6: {  	s4 =	sshll.u32 s26, $0x1;
	_ =	strace $0x80000052;
	[dreg:$0x1] =	wrdreg $0xFFFFFFFF  }
0xa7: {  	s28 =	simm.s32 $_size_execute0_lowered;
	s2 =	sadd.s32 s2, s4;
	[dreg:$0x0] =	wrdreg $0x0  }
0xa8: {  	s4 =	sshll.u32 s28, $0x1;
	[dreg:$0x2] =	wrdreg s2  }
0xa9: {  	[dreg:$0x3] =	wrdreg s4  }
0xaa: {  	[dreg:$0x4] =	wrdreg $0xC0  }
0xab: {  	_ =	task [dreg:s6], $0x5FFFF  }
0xac: {  	[dreg:$0x1] =	wrdreg $0xFFFFFFFF  }
0xad: {  	[dreg:$0x0] =	wrdreg $0x60  }
0xae: {  	[dreg:$0x2] =	wrdreg s24  }
0xaf: {  	[dreg:$0x3] =	wrdreg $0x18000  }
0xb0: {  	[dreg:$0x4] =	wrdreg $0x9  }
0xb1: {  	_ =	task.clear_ibuf [dreg:s6], $0x5FFFF;
	_ =	strace $0x90000052  }
0xb2: {  	s29 =	simm.s32 $0x9;
	_ =	strace $0x80000054  }
0xb3: {  	_ =	swait.ge [sflag:s29], $0x1  }
0xb4: {  	[sflag:s29] =	ssyncadd.s32 $0xFFFFFFFF  }
0xb5: {  	_ =	strace $0x90000054  }
0xb6: {  	_ =	sfence  }
0xb7: {  	s30 =	sld [smem:$0x0];
	_ =	sdelay $0x2  }
0xb8: {  	s31 =	sshll.u32 s1, $0xD;
	s1 =	sshrl.u32 s1, $0x2  }
0xb9: {  	s3 =	sand.u32 $0x4000, s31;
	s1 =	sadd.s32 s1, s30  }
0xba: {  	s0 =	sor.u32 s3, s0;
	s1 =	sshll.u32 s1, $0x11  }
0xbb: {  	s0 =	sor.u32 s1, s0  }
0xbc: {  	s0 =	sadd.s32 $0x8F2B, s0  }
0xbd: {  	[sflag:s0] =	ssyncadd.remote.s32 $0x1  }
0xbe: {  	_ =	sfence.sel $0xFFFF  }
0xbf: {  	[dreg:$0x0] =	wrdreg $0xFFFFFFFF;
	(pc) =	sbr.abs _section_cstart, $3  }
0xc0: {  	[dreg:$0x1] =	wrdreg $0xFFFFFFFF  }
0xc1: {  	_ =	task.clear_ibuf [dreg:s6], $0x2FFFF;
	_ =	strace $0x9FFFFFFF  }
0xc2: {  	(tm) =	ssettm $0x7FFFFFFF  }
0xc3: {  	_ =	shalt  }
tec
execute0_lowered:
.L_overlay_start_1:
0x0: {  	(tag) =	ssettag $0x1  }
0x1: {  	s0 =	srdreg.scid;
	s12 =	rddreg [dreg:$0x0]  }
0x2: {  	s7 =	stileid.u32;
	s2 =	rddreg [dreg:$0x1];
	s3 =	simm.s32 $0x0  }
0x3: {  	s15 =	simm.s32 $0x1400;
	s16 =	simm.s32 $0x2;
	s17 =	simm.s32 $0x200  }
0x4: {  	s18 =	simm.s32 $0x80;
	s19 =	simm.s32 $0x400;
	s20 =	simm.s32 $0x800  }
0x5: {  	s21 =	simm.s32 $0x100;
	s22 =	simm.s32 $0xC00;
	s23 =	simm.s32 $0x180  }
0x6: {  	s24 =	simm.s32 $0x1000;
	s28 =	simm.s32 $0x300;
	s4 =	smul.u32 $0x2800, s7  }
0x7: {  	s29 =	simm.s32 $0x380;
	s30 =	simm.s32 $0x0;
	s5 =	smul.u32 $0x5000, s7  }
0x8: {  	s0 =	sand.u32 $0x1, s0;
	[smem:$0x7FF] =	sst s3;
	s11 =	smul.u32 $0x1400, s7  }
0x9: {  	s26 =	sadd.s32 $0xEA00, s12;
	s1 =	smul.u32 $0x28000, s0;
	_ =	strace $0x80000053  }
0xa: {  	s6 =	ssub.s32 $0x2, s0;
	[dreg:$0x3] =	wrdreg s26;
	p0 =	seq.s32 s0, $0x1  }
0xb: {  	s0 =	simm.s32 $0x39400;
	s26 =	simm.s32 $0x280;
	s25 =	sshrl.u32 s5, $0x2  }
0xc: {  	s8 =	sshrl.u32 s6, $0x1;
	s0 =	simm.s32 @!p0 $0x45C00;
	s14 =	sshrl.u32 s11, $0x3  }
0xd: {  	s1 =	sadd.s32 s4, s1;
	s4 =	sadd.s32 $0x36C00, s12;
	s10 =	sadd.s32 s25, s2  }
0xe: {  	s13 =	ssub.s32 s6, s8;
	s6 =	sadd.s32 s11, s2;
	s0 =	sadd.s32 s0, s12  }
0xf: {  	s25 =	simm.s32 $0x1;
	s1 =	sshrl.u32 s1, $0x3;
	s31 =	sadd.s32 $0x400, s10  }
0x10: {  	s8 =	sadd.s32 $0x800, s10;
	s9 =	sadd.s32 $0xC00, s10;
	s10 =	sadd.s32 $0x1000, s10  }
0x11: {  	s11 =	smax.u32 s13, $0x1;
	s1 =	sadd.s32 s1, s12;
	[dreg:$0x4] =	wrdreg s31  }
0x12: {  	s12 =	sadd.s32 s0, s14;
	s13 =	sadd.s32 $0x4A00, s1;
	s14 =	sadd.s32 $0x3BC00, s1  }
.LBB2_1:
0x13: {  	s0 =	rddreg [dreg:$0x3]  }
0x14: {  	[tilespmem:s15], [sflag:$0x2] =	stream.linear.gather [hbm4b:s0+s3], $0x400, $0x38;
	[tilespmem:$0x2C00] =	vst v63  }
0x15: {  	_ =	swait.ge [sflag:s16], $0x400  }
0x16: {  	[sflag:s16] =	ssyncset.done $0x0  }
0x17: {  	[sflag:s16] =	ssyncadd.s32 $0xFFFFFC00  }
0x18: {  	[spmem:s6] =	stream.linear.scatter [tilespmem:s15], [sflag:$0x2], $0x400, $0x38;
	[tilespmem:$0x2C00] =	vst v63  }
0x19: {  	_ =	swait.ge [sflag:s16], $0x400  }
0x1a: {  	[sflag:s16] =	ssyncset.done $0x0  }
0x1b: {  	s1 =	rddreg [dreg:$0x4];
	[sflag:s16] =	ssyncadd.s32 $0xFFFFFC00  }
0x1c: {  	[spmem:s1] =	stream.linear.scatter [tilespmem:s15], [sflag:$0x2], $0x400, $0x38;
	[tilespmem:$0x2C00] =	vst v63  }
0x1d: {  	_ =	swait.ge [sflag:s16], $0x400  }
0x1e: {  	[sflag:s16] =	ssyncset.done $0x0  }
0x1f: {  	[sflag:s16] =	ssyncadd.s32 $0xFFFFFC00  }
0x20: {  	[spmem:s8] =	stream.linear.scatter [tilespmem:s15], [sflag:$0x2], $0x400, $0x38;
	[tilespmem:$0x2C00] =	vst v63  }
0x21: {  	_ =	swait.ge [sflag:s16], $0x400  }
0x22: {  	[sflag:s16] =	ssyncset.done $0x0  }
0x23: {  	[sflag:s16] =	ssyncadd.s32 $0xFFFFFC00  }
0x24: {  	[spmem:s9] =	stream.linear.scatter [tilespmem:s15], [sflag:$0x2], $0x400, $0x38;
	[tilespmem:$0x2C00] =	vst v63  }
0x25: {  	_ =	swait.ge [sflag:s16], $0x400  }
0x26: {  	[sflag:s16] =	ssyncset.done $0x0  }
0x27: {  	[sflag:s16] =	ssyncadd.s32 $0xFFFFFC00  }
0x28: {  	[spmem:s10] =	stream.linear.scatter [tilespmem:s15], [sflag:$0x2], $0x400, $0x38;
	[tilespmem:$0x2C00] =	vst v63  }
0x29: {  	_ =	swait.ge [sflag:s16], $0x400  }
0x2a: {  	[sflag:s16] =	ssyncset.done $0x0  }
0x2b: {  	[sflag:s16] =	ssyncadd.s32 $0xFFFFFC00  }
0x2c: {  	s5 =	sadd.s32 $0x0, s14;
	[bflag:$0x0] =	sbarrier.arrive $0xFFFF  }
0x2d: {  	[tilespmem:s3], [sflag:$0x2] =	stream.linear.gather [hbm4b:s5+s3], $0x200, $0x38;
	[tilespmem:$0x2C00] =	vst v63  }
0x2e: {  	_ =	swait.ge [sflag:s16], $0x200  }
0x2f: {  	[sflag:s16] =	ssyncset.done $0x0  }
0x30: {  	s7 =	sadd.s32 $0x0, s13;
	[sflag:s16] =	ssyncadd.s32 $0xFFFFFE00  }
0x31: {  	[tilespmem:s17], [sflag:$0x2] =	stream.linear.gather [hbm4b:s7+s3], $0x200, $0x38;
	[tilespmem:$0x2C00] =	vst v63  }
0x32: {  	_ =	swait.ge [sflag:s16], $0x200  }
0x33: {  	[sflag:s16] =	ssyncset.done $0x0  }
0x34: {  	[sflag:s16] =	ssyncadd.s32 $0xFFFFFE00  }
0x35: {  	[tilespmem:s19], [sflag:$0x1] =	stream.indirect.gather [hbm4b:s4+s18], $0x8, s3, s18, $0xb8;
	[tilespmem:$0x2C00] =	vst v63  }
0x36: {  	_ = 	snop  }
0x37: {  	[tilespmem:s20], [sflag:$0x1] =	stream.indirect.gather [hbm4b:s4+s18], $0x8, s18, s18, $0xb8;
	[tilespmem:$0x2C00] =	vst v63  }
0x38: {  	_ = 	snop  }
0x39: {  	[tilespmem:s22], [sflag:$0x1] =	stream.indirect.gather [hbm4b:s4+s18], $0x8, s21, s18, $0xb8;
	[tilespmem:$0x2C00] =	vst v63  }
0x3a: {  	_ = 	snop  }
0x3b: {  	[tilespmem:s24], [sflag:$0x1] =	stream.indirect.gather [hbm4b:s4+s18], $0x8, s23, s18, $0xb8;
	[tilespmem:$0x2C00] =	vst v63  }
0x3c: {  	_ =	swait.ge [sflag:s25], $0x400  }
0x3d: {  	[sflag:s25] =	ssyncset.done $0x0  }
0x3e: {  	[sflag:s25] =	ssyncadd.s32 $0xFFFFFC00  }
0x3f: {  	_ =	swait.ge [sflag:s25], $0x400  }
0x40: {  	[sflag:s25] =	ssyncset.done $0x0  }
0x41: {  	[sflag:s25] =	ssyncadd.s32 $0xFFFFFC00  }
0x42: {  	_ =	swait.ge [sflag:s25], $0x400  }
0x43: {  	[sflag:s25] =	ssyncset.done $0x0  }
0x44: {  	[sflag:s25] =	ssyncadd.s32 $0xFFFFFC00  }
0x45: {  	_ =	swait.ge [sflag:s25], $0x400  }
0x46: {  	[sflag:s25] =	ssyncset.done $0x0  }
0x47: {  	[sflag:s25] =	ssyncadd.s32 $0xFFFFFC00  }
0x48: {  	[spmem:s2] =	stream.indirect.scatter.add.f32 [tilespmem:s19], [sflag:$0x2], $0x8, s17, s18, $0xb8;
	[tilespmem:$0x2C00] =	vst v63  }
0x49: {  	_ =	swait.ge [sflag:s16], $0x400  }
0x4a: {  	[sflag:s16] =	ssyncset.done $0x0  }
0x4b: {  	[sflag:s16] =	ssyncadd.s32 $0xFFFFFC00  }
0x4c: {  	[spmem:s2] =	stream.indirect.scatter.add.f32 [tilespmem:s20], [sflag:$0x2], $0x8, s26, s18, $0xb8;
	[tilespmem:$0x2C00] =	vst v63  }
0x4d: {  	_ =	swait.ge [sflag:s16], $0x400  }
0x4e: {  	[sflag:s16] =	ssyncset.done $0x0  }
0x4f: {  	[sflag:s16] =	ssyncadd.s32 $0xFFFFFC00  }
0x50: {  	[spmem:s2] =	stream.indirect.scatter.add.f32 [tilespmem:s22], [sflag:$0x2], $0x8, s28, s18, $0xb8;
	[tilespmem:$0x2C00] =	vst v63  }
0x51: {  	_ =	swait.ge [sflag:s16], $0x400  }
0x52: {  	[sflag:s16] =	ssyncset.done $0x0  }
0x53: {  	[sflag:s16] =	ssyncadd.s32 $0xFFFFFC00  }
0x54: {  	[spmem:s2] =	stream.indirect.scatter.add.f32 [tilespmem:s24], [sflag:$0x2], $0x8, s29, s18, $0xb8;
	[tilespmem:$0x2C00] =	vst v63  }
0x55: {  	_ =	swait.ge [sflag:s16], $0x400  }
0x56: {  	s31 =	simm.s32 $0x40;
	s1 =	simm.s32 $0x80;
	[sflag:s16] =	ssyncset.done $0x0  }
.LBB2_2:
0x57: {  	s5 =	sadd.s32 s31, s14  }
0x58: {  	[sflag:s16] =	ssyncadd.s32 $0xFFFFFC00;
	s7 =	smov.u32 s1;
	s0 =	sadd.s32 $0x40, s1  }
0x59: {  	[tilespmem:s3], [sflag:$0x2] =	stream.linear.gather [hbm4b:s5+s3], $0x200, $0x38;
	[tilespmem:$0x2C00] =	vst v63  }
0x5a: {  	p0 =	sne.s32 s1, $0x4C0;
	_ =	swait.ge [sflag:s16], $0x200  }
0x5b: {  	[sflag:s16] =	ssyncset.done $0x0  }
0x5c: {  	s1 =	sadd.s32 s31, s13;
	s31 =	smov.u32 s7;
	[sflag:s16] =	ssyncadd.s32 $0xFFFFFE00  }
0x5d: {  	[tilespmem:s17], [sflag:$0x2] =	stream.linear.gather [hbm4b:s1+s3], $0x200, $0x38;
	[tilespmem:$0x2C00] =	vst v63  }
0x5e: {  	_ =	swait.ge [sflag:s16], $0x200  }
0x5f: {  	[sflag:s16] =	ssyncset.done $0x0  }
0x60: {  	[sflag:s16] =	ssyncadd.s32 $0xFFFFFE00  }
0x61: {  	[tilespmem:s19], [sflag:$0x1] =	stream.indirect.gather [hbm4b:s4+s18], $0x8, s3, s18, $0xb8;
	[tilespmem:$0x2C00] =	vst v63  }
0x62: {  	_ = 	snop  }
0x63: {  	[tilespmem:s20], [sflag:$0x1] =	stream.indirect.gather [hbm4b:s4+s18], $0x8, s18, s18, $0xb8;
	[tilespmem:$0x2C00] =	vst v63  }
0x64: {  	_ = 	snop  }
0x65: {  	[tilespmem:s22], [sflag:$0x1] =	stream.indirect.gather [hbm4b:s4+s18], $0x8, s21, s18, $0xb8;
	[tilespmem:$0x2C00] =	vst v63  }
0x66: {  	_ = 	snop  }
0x67: {  	[tilespmem:s24], [sflag:$0x1] =	stream.indirect.gather [hbm4b:s4+s18], $0x8, s23, s18, $0xb8;
	[tilespmem:$0x2C00] =	vst v63  }
0x68: {  	_ =	swait.ge [sflag:s25], $0x400  }
0x69: {  	[sflag:s25] =	ssyncset.done $0x0  }
0x6a: {  	[sflag:s25] =	ssyncadd.s32 $0xFFFFFC00  }
0x6b: {  	_ =	swait.ge [sflag:s25], $0x400  }
0x6c: {  	[sflag:s25] =	ssyncset.done $0x0  }
0x6d: {  	[sflag:s25] =	ssyncadd.s32 $0xFFFFFC00  }
0x6e: {  	_ =	swait.ge [sflag:s25], $0x400  }
0x6f: {  	[sflag:s25] =	ssyncset.done $0x0  }
0x70: {  	[sflag:s25] =	ssyncadd.s32 $0xFFFFFC00  }
0x71: {  	_ =	swait.ge [sflag:s25], $0x400  }
0x72: {  	[sflag:s25] =	ssyncset.done $0x0  }
0x73: {  	[sflag:s25] =	ssyncadd.s32 $0xFFFFFC00  }
0x74: {  	[spmem:s2] =	stream.indirect.scatter.add.f32 [tilespmem:s19], [sflag:$0x2], $0x8, s17, s18, $0xb8;
	[tilespmem:$0x2C00] =	vst v63  }
0x75: {  	_ =	swait.ge [sflag:s16], $0x400  }
0x76: {  	[sflag:s16] =	ssyncset.done $0x0  }
0x77: {  	[sflag:s16] =	ssyncadd.s32 $0xFFFFFC00  }
0x78: {  	[spmem:s2] =	stream.indirect.scatter.add.f32 [tilespmem:s20], [sflag:$0x2], $0x8, s26, s18, $0xb8;
	[tilespmem:$0x2C00] =	vst v63  }
0x79: {  	_ =	swait.ge [sflag:s16], $0x400  }
0x7a: {  	[sflag:s16] =	ssyncset.done $0x0  }
0x7b: {  	[sflag:s16] =	ssyncadd.s32 $0xFFFFFC00  }
0x7c: {  	[spmem:s2] =	stream.indirect.scatter.add.f32 [tilespmem:s22], [sflag:$0x2], $0x8, s28, s18, $0xb8;
	[tilespmem:$0x2C00] =	vst v63  }
0x7d: {  	_ =	swait.ge [sflag:s16], $0x400  }
.Ltmp0:
0x7e: {  	[sflag:s16] =	ssyncset.done $0x0;
	(pc) =	sbr.rel @p0 .LBB2_2-.Ltmp0, $4  }
0x7f: {  	[sflag:s16] =	ssyncadd.s32 $0xFFFFFC00  }
0x80: {  	[spmem:s2] =	stream.indirect.scatter.add.f32 [tilespmem:s24], [sflag:$0x2], $0x8, s29, s18, $0xb8;
	[tilespmem:$0x2C00] =	vst v63  }
0x81: {  	_ =	swait.ge [sflag:s16], $0x400  }
0x82: {  	s1 =	smov.u32 s0;
	[sflag:s16] =	ssyncset.done $0x0  }
0x83: {  	s0 =	sadd.s32 s31, s14;
	[sflag:s16] =	ssyncadd.s32 $0xFFFFFC00  }
0x84: {  	[tilespmem:s3], [sflag:$0x2] =	stream.linear.gather [hbm4b:s0+s3], $0x200, $0x38;
	[tilespmem:$0x2C00] =	vst v63  }
0x85: {  	_ =	swait.ge [sflag:s16], $0x200  }
0x86: {  	[sflag:s16] =	ssyncset.done $0x0  }
0x87: {  	s7 =	sadd.s32 s31, s13;
	[sflag:s16] =	ssyncadd.s32 $0xFFFFFE00  }
0x88: {  	[tilespmem:s17], [sflag:$0x2] =	stream.linear.gather [hbm4b:s7+s3], $0x200, $0x38;
	[tilespmem:$0x2C00] =	vst v63  }
0x89: {  	_ =	swait.ge [sflag:s16], $0x200  }
0x8a: {  	[sflag:s16] =	ssyncset.done $0x0  }
0x8b: {  	[sflag:s16] =	ssyncadd.s32 $0xFFFFFE00  }
0x8c: {  	[tilespmem:s19], [sflag:$0x1] =	stream.indirect.gather [hbm4b:s4+s18], $0x8, s3, s18, $0xb8;
	[tilespmem:$0x2C00] =	vst v63  }
0x8d: {  	_ = 	snop  }
0x8e: {  	[tilespmem:s20], [sflag:$0x1] =	stream.indirect.gather [hbm4b:s4+s18], $0x8, s18, s18, $0xb8;
	[tilespmem:$0x2C00] =	vst v63  }
0x8f: {  	_ = 	snop  }
0x90: {  	[tilespmem:s22], [sflag:$0x1] =	stream.indirect.gather [hbm4b:s4+s18], $0x8, s21, s18, $0xb8;
	[tilespmem:$0x2C00] =	vst v63  }
0x91: {  	_ = 	snop  }
0x92: {  	[tilespmem:s24], [sflag:$0x1] =	stream.indirect.gather [hbm4b:s4+s18], $0x8, s23, s18, $0xb8;
	[tilespmem:$0x2C00] =	vst v63  }
0x93: {  	_ =	swait.ge [sflag:s25], $0x400  }
0x94: {  	[sflag:s25] =	ssyncset.done $0x0  }
0x95: {  	[sflag:s25] =	ssyncadd.s32 $0xFFFFFC00  }
0x96: {  	_ =	swait.ge [sflag:s25], $0x400  }
0x97: {  	[sflag:s25] =	ssyncset.done $0x0  }
0x98: {  	[sflag:s25] =	ssyncadd.s32 $0xFFFFFC00  }
0x99: {  	_ =	swait.ge [sflag:s25], $0x400  }
0x9a: {  	[sflag:s25] =	ssyncset.done $0x0  }
0x9b: {  	[sflag:s25] =	ssyncadd.s32 $0xFFFFFC00  }
0x9c: {  	_ =	swait.ge [sflag:s25], $0x400  }
0x9d: {  	[sflag:s25] =	ssyncset.done $0x0  }
0x9e: {  	[sflag:s25] =	ssyncadd.s32 $0xFFFFFC00  }
0x9f: {  	[spmem:s2] =	stream.indirect.scatter.add.f32 [tilespmem:s19], [sflag:$0x2], $0x8, s17, s18, $0xb8;
	[tilespmem:$0x2C00] =	vst v63  }
0xa0: {  	_ =	swait.ge [sflag:s16], $0x400  }
0xa1: {  	[sflag:s16] =	ssyncset.done $0x0  }
0xa2: {  	[sflag:s16] =	ssyncadd.s32 $0xFFFFFC00  }
0xa3: {  	[spmem:s2] =	stream.indirect.scatter.add.f32 [tilespmem:s20], [sflag:$0x2], $0x8, s26, s18, $0xb8;
	[tilespmem:$0x2C00] =	vst v63  }
0xa4: {  	_ =	swait.ge [sflag:s16], $0x400  }
0xa5: {  	[sflag:s16] =	ssyncset.done $0x0  }
0xa6: {  	[sflag:s16] =	ssyncadd.s32 $0xFFFFFC00  }
0xa7: {  	[spmem:s2] =	stream.indirect.scatter.add.f32 [tilespmem:s22], [sflag:$0x2], $0x8, s28, s18, $0xb8;
	[tilespmem:$0x2C00] =	vst v63  }
0xa8: {  	_ =	swait.ge [sflag:s16], $0x400  }
0xa9: {  	[sflag:s16] =	ssyncset.done $0x0  }
0xaa: {  	[sflag:s16] =	ssyncadd.s32 $0xFFFFFC00  }
0xab: {  	[spmem:s2] =	stream.indirect.scatter.add.f32 [tilespmem:s24], [sflag:$0x2], $0x8, s29, s18, $0xb8;
	[tilespmem:$0x2C00] =	vst v63  }
0xac: {  	s31 =	stileid.u32;
	_ =	swait.ge [sflag:s16], $0x400  }
0xad: {  	s1 =	sshrl.u32 s6, $0x3;
	s30 =	sadd.s32 $0x1, s30;
	[sflag:s16] =	ssyncset.done $0x0  }
0xae: {  	s0 =	sshll.u32 s31, $0x6;
	p0 =	sne.s32 s30, s11;
	[sflag:s16] =	ssyncadd.s32 $0xFFFFFC00  }
.Ltmp1:
0xaf: {  	s0 =	sor.u32 $0x1C02, s0;
	[bflag:$0x0] =	sbarrier.arrive $0xFFFF;
	(pc) =	sbr.rel @p0 .LBB2_1-.Ltmp1, $4  }
0xb0: {  	[hbm:s12], [sflag:s0] =	dma.local [spmem:s1], $0x280  }
0xb1: {  	_ =	swait.ge [sflag:s16], $0x280  }
0xb2: {  	[sflag:s16] =	ssyncset.done $0x0  }
0xb3: {  	[sflag:s16] =	ssyncadd.s32 $0xFFFFFD80  }
0xb4: {  	_ =	sfence.sel $0x180000  }
0xb5: {  	[bflag:$0x0] =	sbarrier.arrive $0xFFFF  }
0xb6: {  	_ =	strace $0x90000053  }
0xb7: {  	s0 =	stileid.u32;
	[bflag:$0x2] =	sbarrier.arrive $0xFFFF  }
0xb8: {  	p0 =	sne.s32 s0, $0x0;
	s0 =	rddreg [dreg:$0x2]  }
0xb9: {  	s0 =	sadd.s32 @!p0 $0x100000, s0  }
0xba: {  	[sflag:s0] =	ssyncadd.tile.s32 @!p0 $0x1;
	_ =	shalt  }
.Lfunc_end2:
_tile_overlayer_lowered:
.L_overlay_start_2:
0xbb: {  	(tag) =	ssettag $0x2  }
0xbc: {  	s0 =	rddreg [dreg:$0x0];
	s2 =	stileid.u32  }
0xbd: {  	s1 =	rddreg [dreg:$0x1];
	p0 =	sne.s32 s2, $0x0  }
0xbe: {  	s3 =	rddreg [dreg:$0x2];
	[bflag:$0x3] =	sbarrier.arrive $0xFFFF;
	s2 =	simm.s32 @!p0 $0x1C02  }
0xbf: {  	[timem:s3], [sflag:s2] =	dma.local @!p0 [hbm:s0], s1  }
0xc0: {  	s0 =	simm.s32 @!p0 $0x2  }
0xc1: {  	_ =	swait.ge @!p0 [sflag:s0], s1  }
0xc2: {  	s1 =	ssub.s32 @!p0 $0x0, s1;
	[sflag:s0] =	ssyncset.done @!p0 $0x0  }
0xc3: {  	[sflag:s0] =	ssyncadd.s32 @!p0 s1  }
0xc4: {  	[bflag:$0x3] =	sbarrier.arrive $0xFFFF  }
0xc5: {  	_ =	shalt  }

</sc_bundles>
